<compile_context>
chip_gen: v7x
topology: tpu7x:2x2x1
jax: 0.10.2.dev20260603
libtpu: 0.0.44.dev20260713+nightly
codegen_flags: <defaults>
</compile_context>

<pallas_src>
import functools

import jax
import jax.numpy as jnp
from jax import lax
from jax.experimental import pallas as pl
from jax.experimental.pallas import tpu as pltpu
from jax.experimental.pallas import tpu_sc as plsc

_HB = 8


@functools.cache
def _gather_fn(V, D, B, H):
  info = plsc.get_sparse_core_info()
  NC, NS, L = info.num_cores, info.num_subcores, info.num_lanes
  NW = NC * NS
  BLK = B // NW
  G = H // _HB
  D8 = D // 8
  assert BLK == 128 and H % _HB == 0 and G >= 4 and G % 2 == 1
  assert D == 2 * L and L == 16
  mesh = plsc.VectorSubcoreMesh(core_axis_name="c", subcore_axis_name="s")

  @functools.partial(
      pl.kernel, mesh=mesh,
      out_type=jax.ShapeDtypeStruct((H, D8, NW, 8, 128), jnp.float32),
      compiler_params=pltpu.CompilerParams(
          use_tc_tiling_on_sc=False, needs_layout_passes=False),
      scratch_types=[
          pltpu.VMEM((2, _HB, BLK), jnp.int32),
          pltpu.VMEM((2, _HB, BLK, D), jnp.float32),
          pltpu.VMEM((_HB, D8, 8, 129), jnp.float32),
          pltpu.SemaphoreType.DMA,
          pltpu.SemaphoreType.DMA,
          pltpu.SemaphoreType.DMA,
          pltpu.SemaphoreType.DMA,
          pltpu.SemaphoreType.DMA,
      ],
  )
  def k(xt_hbm, table_hbm, out_hbm, idx_v, rows_v, tiles_v,
        isem0, isem1, gsem0, gsem1, wsem):
    isems, gsems = (isem0, isem1), (gsem0, gsem1)
    wid = lax.axis_index("s") * NC + lax.axis_index("c")
    lanes = lax.iota(jnp.int32, L)

    def idx_start(h, b):
      g = jnp.where(h < G, h, 0)
      pltpu.async_copy(xt_hbm.at[g, wid], idx_v.at[b], isems[b])

    def idx_wait(b):
      pltpu.make_async_copy(xt_hbm.at[0, wid], idx_v.at[b], isems[b]).wait()

    def fire(b):
      for h in range(_HB):
        pltpu.async_copy(
            table_hbm.at[idx_v.at[b, h]], rows_v.at[b, h], gsems[b])

    def drain(b):
      for h in range(_HB):
        pltpu.make_async_copy(
            table_hbm.at[idx_v.at[b, h]], rows_v.at[b, h], gsems[b]).wait()

    _U = 8

    def transpose(b):
      zeros = jnp.zeros((L,), jnp.int32)
      d8lo, drlo = lanes // 8, lanes % 8
      d8hi = d8lo + (L // 8)

      @pl.loop(0, _HB * (BLK // _U))
      def _(q):
        h, r0 = q // (BLK // _U), (q % (BLK // _U)) * _U
        hvec = zeros + h
        vs = []
        for u in range(_U):
          vs.append((rows_v[b, h, r0 + u, pl.ds(0, L)],
                     rows_v[b, h, r0 + u, pl.ds(L, L)]))
        for u, (v0, v1) in enumerate(vs):
          cvec = zeros + (r0 + u)
          plsc.store_scatter(tiles_v, [hvec, d8lo, drlo, cvec], v0)
          plsc.store_scatter(tiles_v, [hvec, d8hi, drlo, cvec], v1)

    def wb_start(g):
      pltpu.async_copy(
          tiles_v.at[:, :, :, pl.ds(0, 128)],
          out_hbm.at[pl.ds(g * _HB, _HB), :, wid], wsem)

    def wb_wait():
      pltpu.make_async_copy(
          tiles_v.at[:, :, :, pl.ds(0, 128)],
          out_hbm.at[pl.ds(0, _HB), :, wid], wsem).wait()

    idx_start(0, 0)
    idx_wait(0)
    fire(0)
    idx_start(1, 1)
    drain(0)
    idx_start(2, 0)
    idx_wait(1)
    fire(1)
    transpose(0)
    wb_start(0)

    @pl.loop(0, (G - 3) // 2)
    def _(i):
      for g_off, b in ((0, 1), (1, 0)):
        g = 1 + 2 * i + g_off
        ob = 1 - b
        idx_wait(ob)
        fire(ob)
        drain(b)
        idx_start(g + 2, b)
        wb_wait()
        transpose(b)
        wb_start(g)

    idx_wait(0)
    fire(0)
    drain(1)
    idx_start(G, 1)
    wb_wait()
    transpose(1)
    wb_start(G - 2)

    drain(0)
    idx_wait(1)
    wb_wait()
    transpose(0)
    wb_start(G - 1)
    wb_wait()

  return k


def kernel(x, table):
  B, H = x.shape
  V, D = table.shape
  xt = x.T.reshape(H // 8, 8, B // 128, 128).transpose(0, 2, 1, 3)
  p = _gather_fn(V, D, B, H)(xt, table)
  return p.transpose(2, 4, 0, 1, 3).reshape(B, H, D)

# --- scband reference (transcript-rebuilt; emitter-appended) ---
"""Pipeline reference for scband-token-and-embedding-27419071217749 (READ-ONLY COPY).

The authoritative reference and input builder live on the scoring server;
editing this copy changes nothing except your own understanding.
"""

import jax, jax.numpy as jnp
import numpy as np

VOCAB_SIZE = 100000
EMBED_DIM = 32
BATCH = 4096
HIST_LEN = 200

def setup_inputs(seed: int = 0) -> dict:
    key = jax.random.key(seed)
    k1, k2 = jax.random.split(key)
    x = jax.random.randint(k1, (BATCH, HIST_LEN), 0, VOCAB_SIZE + 1, dtype=jnp.int64 if jax.config.jax_enable_x64 else jnp.int32).astype(jnp.int32)
    # Embedding table of shape (vocab_size + 1, embed_dim); in the original module this is
    # initialized from a pretrained GloVe-style file, here we use random values of the same shape.
    table = jax.random.normal(k2, (VOCAB_SIZE + 1, EMBED_DIM), dtype=jnp.float32)
    return {"x": x, "table": table}

def reference(x, table):
    # Faithful translation of keras.layers.Embedding(input_dim=vocab_size+1, output_dim=embed_dim)(x)
    return jnp.take(table, x, axis=0)

if __name__ == "__main__":
    import jax
    _d = setup_inputs()
    print(jax.jit(kernel)(*tuple(_d.values())))

</pallas_src>

<mosaic_0001>
#map = affine_map<(d0, d1) -> (0, 0, 0, 0)>
#map1 = affine_map<(d0, d1) -> (0, 0)>
#map2 = affine_map<(d0, d1) -> (0, 0, 0, 0, 0)>
module attributes {stable_mosaic.version = 14 : i64} {
  func.func @k(%arg0: i32, %arg1: i32, %arg2: memref<25x32x8x128xi32, #tpu.memory_space<hbm>>, %arg3: memref<100001x32xf32, #tpu.memory_space<hbm>>, %arg4: memref<200x4x32x8x128xf32, #tpu.memory_space<hbm>>, %arg5: memref<2x8x128xi32, #tpu.memory_space<vmem>>, %arg6: memref<2x8x128x32xf32, #tpu.memory_space<vmem>>, %arg7: memref<8x4x8x129xf32, #tpu.memory_space<vmem>>, %arg8: memref<!tpu.dma_semaphore, #tpu.memory_space<semaphore_mem>>, %arg9: memref<!tpu.dma_semaphore, #tpu.memory_space<semaphore_mem>>, %arg10: memref<!tpu.dma_semaphore, #tpu.memory_space<semaphore_mem>>, %arg11: memref<!tpu.dma_semaphore, #tpu.memory_space<semaphore_mem>>, %arg12: memref<!tpu.dma_semaphore, #tpu.memory_space<semaphore_mem>>) attributes {dimension_semantics = [#tpu.dimension_semantics<core_parallel>, #tpu.dimension_semantics<subcore_parallel>], iteration_bounds = array<i64: 2, 16>, scalar_prefetch = 0 : i64, scratch_operands = 8 : i64, tpu.core_type = #tpu.core_type<sc_vector_subcore>, window_params = [{transform_indices = #map}, {transform_indices = #map1}, {transform_indices = #map2}]} {
    %mul3A = arith.constant 2 : i32
    %mul3A_0 = arith.muli %arg1, %mul3A : i32
    %add3A = arith.addi %mul3A_0, %arg0 : i32
    %iota3A = tpu.iota {dimensions = array<i32: 0>} : vector<16xi32>
    %jit3A = arith.constant true
    %jit3A_1 = arith.constant 0 : i32
    %jit3A_2 = arith.constant 0 : i32
    %select_n3A = arith.select %jit3A, %jit3A_1, %jit3A_2 : i32
    %dma_start3A = arith.constant 0 : i32
    %dma_start3A_3 = arith.constant 0 : i32
    %dma_start3A_4 = arith.constant 0 : i32
    %dma_start3A_5 = tpu.memref_slice %arg5[%dma_start3A, %dma_start3A_3, %dma_start3A_4] : memref<2x8x128xi32, #tpu.memory_space<vmem>> -> memref<1x8x128xi32, #tpu.memory_space<vmem>>
    %dma_start3A_6 = tpu.memref_squeeze %dma_start3A_5 : memref<1x8x128xi32, #tpu.memory_space<vmem>> -> memref<8x128xi32, #tpu.memory_space<vmem>>
    %dma_start3A_7 = arith.constant 0 : i32
    %dma_start3A_8 = arith.constant 0 : i32
    %dma_start3A_9 = tpu.memref_slice %arg2[%select_n3A, %add3A, %dma_start3A_7, %dma_start3A_8] : memref<25x32x8x128xi32, #tpu.memory_space<hbm>> -> memref<1x1x8x128xi32, #tpu.memory_space<hbm>>
    %dma_start3A_10 = tpu.memref_squeeze %dma_start3A_9 : memref<1x1x8x128xi32, #tpu.memory_space<hbm>> -> memref<8x128xi32, #tpu.memory_space<hbm>>
    %dma_start3A_11 = arith.constant 0 : i32
    %dma_start3A_12 = arith.constant 0 : i32
    %dma_start3A_13 = tpu.memref_slice %arg5[%dma_start3A, %dma_start3A_11, %dma_start3A_12] : memref<2x8x128xi32, #tpu.memory_space<vmem>> -> memref<1x8x128xi32, #tpu.memory_space<vmem>>
    %dma_start3A_14 = tpu.memref_squeeze %dma_start3A_13 : memref<1x8x128xi32, #tpu.memory_space<vmem>> -> memref<8x128xi32, #tpu.memory_space<vmem>>
    %dma_start3A_15 = arith.constant 0 : i32
    %dma_start3A_16 = arith.constant 0 : i32
    %dma_start3A_17 = tpu.memref_slice %arg2[%select_n3A, %add3A, %dma_start3A_15, %dma_start3A_16] : memref<25x32x8x128xi32, #tpu.memory_space<hbm>> -> memref<1x1x8x128xi32, #tpu.memory_space<hbm>>
    %dma_start3A_18 = tpu.memref_squeeze %dma_start3A_17 : memref<1x1x8x128xi32, #tpu.memory_space<hbm>> -> memref<8x128xi32, #tpu.memory_space<hbm>>
    tpu.enqueue_dma source(%dma_start3A_18 : memref<8x128xi32, #tpu.memory_space<hbm>>) target(%dma_start3A_14 : memref<8x128xi32, #tpu.memory_space<vmem>>) target_semaphore(%arg8 : memref<!tpu.dma_semaphore, #tpu.memory_space<semaphore_mem>>)
    %dma_wait3A = arith.constant 0 : i32
    %dma_wait3A_19 = arith.constant 0 : i32
    %dma_wait3A_20 = arith.constant 0 : i32
    %dma_wait3A_21 = arith.constant 0 : i32
    %dma_wait3A_22 = tpu.memref_slice %arg5[%dma_wait3A_19, %dma_wait3A_20, %dma_wait3A_21] : memref<2x8x128xi32, #tpu.memory_space<vmem>> -> memref<1x8x128xi32, #tpu.memory_space<vmem>>
    %dma_wait3A_23 = tpu.memref_squeeze %dma_wait3A_22 : memref<1x8x128xi32, #tpu.memory_space<vmem>> -> memref<8x128xi32, #tpu.memory_space<vmem>>
    %dma_wait3A_24 = arith.constant 0 : i32
    %dma_wait3A_25 = arith.constant 0 : i32
    %dma_wait3A_26 = tpu.memref_slice %arg2[%dma_wait3A, %add3A, %dma_wait3A_24, %dma_wait3A_25] : memref<25x32x8x128xi32, #tpu.memory_space<hbm>> -> memref<1x1x8x128xi32, #tpu.memory_space<hbm>>
    %dma_wait3A_27 = tpu.memref_squeeze %dma_wait3A_26 : memref<1x1x8x128xi32, #tpu.memory_space<hbm>> -> memref<8x128xi32, #tpu.memory_space<hbm>>
    %dma_wait3A_28 = arith.constant 0 : i32
    %dma_wait3A_29 = arith.constant 0 : i32
    %dma_wait3A_30 = tpu.memref_slice %arg5[%dma_wait3A_19, %dma_wait3A_28, %dma_wait3A_29] : memref<2x8x128xi32, #tpu.memory_space<vmem>> -> memref<1x8x128xi32, #tpu.memory_space<vmem>>
    %dma_wait3A_31 = tpu.memref_squeeze %dma_wait3A_30 : memref<1x8x128xi32, #tpu.memory_space<vmem>> -> memref<8x128xi32, #tpu.memory_space<vmem>>
    %dma_wait3A_32 = arith.constant 0 : i32
    %dma_wait3A_33 = arith.constant 0 : i32
    %dma_wait3A_34 = tpu.memref_slice %arg2[%dma_wait3A, %add3A, %dma_wait3A_32, %dma_wait3A_33] : memref<25x32x8x128xi32, #tpu.memory_space<hbm>> -> memref<1x1x8x128xi32, #tpu.memory_space<hbm>>
    %dma_wait3A_35 = tpu.memref_squeeze %dma_wait3A_34 : memref<1x1x8x128xi32, #tpu.memory_space<hbm>> -> memref<8x128xi32, #tpu.memory_space<hbm>>
    tpu.wait_dma2 semaphore(%arg8 : memref<!tpu.dma_semaphore, #tpu.memory_space<semaphore_mem>>) src(%dma_wait3A_35 : memref<8x128xi32, #tpu.memory_space<hbm>>) dst(%dma_wait3A_31 : memref<8x128xi32, #tpu.memory_space<vmem>>)
    %dma_start3A_36 = arith.constant 0 : i32
    %dma_start3A_37 = arith.constant 0 : i32
    %dma_start3A_38 = arith.constant 0 : i32
    %dma_start3A_39 = arith.constant 0 : i32
    %dma_start3A_40 = arith.constant 0 : i32
    %dma_start3A_41 = arith.constant 0 : i32
    %dma_start3A_42 = tpu.memref_slice %arg6[%dma_start3A_38, %dma_start3A_39, %dma_start3A_40, %dma_start3A_41] : memref<2x8x128x32xf32, #tpu.memory_space<vmem>> -> memref<1x1x128x32xf32, #tpu.memory_space<vmem>>
    %dma_start3A_43 = tpu.memref_squeeze %dma_start3A_42 : memref<1x1x128x32xf32, #tpu.memory_space<vmem>> -> memref<128x32xf32, #tpu.memory_space<vmem>>
    %dma_start3A_44 = arith.constant 0 : i32
    %dma_start3A_45 = tpu.memref_slice %arg5[%dma_start3A_36, %dma_start3A_37, %dma_start3A_44] : memref<2x8x128xi32, #tpu.memory_space<vmem>> -> memref<1x1x128xi32, #tpu.memory_space<vmem>>
    %dma_start3A_46 = tpu.memref_squeeze %dma_start3A_45 : memref<1x1x128xi32, #tpu.memory_space<vmem>> -> memref<128xi32, #tpu.memory_space<vmem>>
    %dma_start3A_47 = arith.constant 0 : i32
    %dma_start3A_48 = arith.constant 0 : i32
    %dma_start3A_49 = tpu.memref_slice %arg3[%dma_start3A_47, %dma_start3A_48] : memref<100001x32xf32, #tpu.memory_space<hbm>> -> memref<100001x32xf32, #tpu.memory_space<hbm>>
    tpu.enqueue_indirect_dma source(%dma_start3A_49 : memref<100001x32xf32, #tpu.memory_space<hbm>>) target(%dma_start3A_43 : memref<128x32xf32, #tpu.memory_space<vmem>>) offsets(%dma_start3A_46 : memref<128xi32, #tpu.memory_space<vmem>>) semaphore(%arg10 : memref<!tpu.dma_semaphore, #tpu.memory_space<semaphore_mem>>)
    %dma_start3A_50 = arith.constant 0 : i32
    %dma_start3A_51 = arith.constant 1 : i32
    %dma_start3A_52 = arith.constant 0 : i32
    %dma_start3A_53 = arith.constant 1 : i32
    %dma_start3A_54 = arith.constant 0 : i32
    %dma_start3A_55 = arith.constant 0 : i32
    %dma_start3A_56 = tpu.memref_slice %arg6[%dma_start3A_52, %dma_start3A_53, %dma_start3A_54, %dma_start3A_55] : memref<2x8x128x32xf32, #tpu.memory_space<vmem>> -> memref<1x1x128x32xf32, #tpu.memory_space<vmem>>
    %dma_start3A_57 = tpu.memref_squeeze %dma_start3A_56 : memref<1x1x128x32xf32, #tpu.memory_space<vmem>> -> memref<128x32xf32, #tpu.memory_space<vmem>>
    %dma_start3A_58 = arith.constant 0 : i32
    %dma_start3A_59 = tpu.memref_slice %arg5[%dma_start3A_50, %dma_start3A_51, %dma_start3A_58] : memref<2x8x128xi32, #tpu.memory_space<vmem>> -> memref<1x1x128xi32, #tpu.memory_space<vmem>>
    %dma_start3A_60 = tpu.memref_squeeze %dma_start3A_59 : memref<1x1x128xi32, #tpu.memory_space<vmem>> -> memref<128xi32, #tpu.memory_space<vmem>>
    %dma_start3A_61 = arith.constant 0 : i32
    %dma_start3A_62 = arith.constant 0 : i32
    %dma_start3A_63 = tpu.memref_slice %arg3[%dma_start3A_61, %dma_start3A_62] : memref<100001x32xf32, #tpu.memory_space<hbm>> -> memref<100001x32xf32, #tpu.memory_space<hbm>>
    tpu.enqueue_indirect_dma source(%dma_start3A_63 : memref<100001x32xf32, #tpu.memory_space<hbm>>) target(%dma_start3A_57 : memref<128x32xf32, #tpu.memory_space<vmem>>) offsets(%dma_start3A_60 : memref<128xi32, #tpu.memory_space<vmem>>) semaphore(%arg10 : memref<!tpu.dma_semaphore, #tpu.memory_space<semaphore_mem>>)
    %dma_start3A_64 = arith.constant 0 : i32
    %dma_start3A_65 = arith.constant 2 : i32
    %dma_start3A_66 = arith.constant 0 : i32
    %dma_start3A_67 = arith.constant 2 : i32
    %dma_start3A_68 = arith.constant 0 : i32
    %dma_start3A_69 = arith.constant 0 : i32
    %dma_start3A_70 = tpu.memref_slice %arg6[%dma_start3A_66, %dma_start3A_67, %dma_start3A_68, %dma_start3A_69] : memref<2x8x128x32xf32, #tpu.memory_space<vmem>> -> memref<1x1x128x32xf32, #tpu.memory_space<vmem>>
    %dma_start3A_71 = tpu.memref_squeeze %dma_start3A_70 : memref<1x1x128x32xf32, #tpu.memory_space<vmem>> -> memref<128x32xf32, #tpu.memory_space<vmem>>
    %dma_start3A_72 = arith.constant 0 : i32
    %dma_start3A_73 = tpu.memref_slice %arg5[%dma_start3A_64, %dma_start3A_65, %dma_start3A_72] : memref<2x8x128xi32, #tpu.memory_space<vmem>> -> memref<1x1x128xi32, #tpu.memory_space<vmem>>
    %dma_start3A_74 = tpu.memref_squeeze %dma_start3A_73 : memref<1x1x128xi32, #tpu.memory_space<vmem>> -> memref<128xi32, #tpu.memory_space<vmem>>
    %dma_start3A_75 = arith.constant 0 : i32
    %dma_start3A_76 = arith.constant 0 : i32
    %dma_start3A_77 = tpu.memref_slice %arg3[%dma_start3A_75, %dma_start3A_76] : memref<100001x32xf32, #tpu.memory_space<hbm>> -> memref<100001x32xf32, #tpu.memory_space<hbm>>
    tpu.enqueue_indirect_dma source(%dma_start3A_77 : memref<100001x32xf32, #tpu.memory_space<hbm>>) target(%dma_start3A_71 : memref<128x32xf32, #tpu.memory_space<vmem>>) offsets(%dma_start3A_74 : memref<128xi32, #tpu.memory_space<vmem>>) semaphore(%arg10 : memref<!tpu.dma_semaphore, #tpu.memory_space<semaphore_mem>>)
    %dma_start3A_78 = arith.constant 0 : i32
    %dma_start3A_79 = arith.constant 3 : i32
    %dma_start3A_80 = arith.constant 0 : i32
    %dma_start3A_81 = arith.constant 3 : i32
    %dma_start3A_82 = arith.constant 0 : i32
    %dma_start3A_83 = arith.constant 0 : i32
    %dma_start3A_84 = tpu.memref_slice %arg6[%dma_start3A_80, %dma_start3A_81, %dma_start3A_82, %dma_start3A_83] : memref<2x8x128x32xf32, #tpu.memory_space<vmem>> -> memref<1x1x128x32xf32, #tpu.memory_space<vmem>>
    %dma_start3A_85 = tpu.memref_squeeze %dma_start3A_84 : memref<1x1x128x32xf32, #tpu.memory_space<vmem>> -> memref<128x32xf32, #tpu.memory_space<vmem>>
    %dma_start3A_86 = arith.constant 0 : i32
    %dma_start3A_87 = tpu.memref_slice %arg5[%dma_start3A_78, %dma_start3A_79, %dma_start3A_86] : memref<2x8x128xi32, #tpu.memory_space<vmem>> -> memref<1x1x128xi32, #tpu.memory_space<vmem>>
    %dma_start3A_88 = tpu.memref_squeeze %dma_start3A_87 : memref<1x1x128xi32, #tpu.memory_space<vmem>> -> memref<128xi32, #tpu.memory_space<vmem>>
    %dma_start3A_89 = arith.constant 0 : i32
    %dma_start3A_90 = arith.constant 0 : i32
    %dma_start3A_91 = tpu.memref_slice %arg3[%dma_start3A_89, %dma_start3A_90] : memref<100001x32xf32, #tpu.memory_space<hbm>> -> memref<100001x32xf32, #tpu.memory_space<hbm>>
    tpu.enqueue_indirect_dma source(%dma_start3A_91 : memref<100001x32xf32, #tpu.memory_space<hbm>>) target(%dma_start3A_85 : memref<128x32xf32, #tpu.memory_space<vmem>>) offsets(%dma_start3A_88 : memref<128xi32, #tpu.memory_space<vmem>>) semaphore(%arg10 : memref<!tpu.dma_semaphore, #tpu.memory_space<semaphore_mem>>)
    %dma_start3A_92 = arith.constant 0 : i32
    %dma_start3A_93 = arith.constant 4 : i32
    %dma_start3A_94 = arith.constant 0 : i32
    %dma_start3A_95 = arith.constant 4 : i32
    %dma_start3A_96 = arith.constant 0 : i32
    %dma_start3A_97 = arith.constant 0 : i32
    %dma_start3A_98 = tpu.memref_slice %arg6[%dma_start3A_94, %dma_start3A_95, %dma_start3A_96, %dma_start3A_97] : memref<2x8x128x32xf32, #tpu.memory_space<vmem>> -> memref<1x1x128x32xf32, #tpu.memory_space<vmem>>
    %dma_start3A_99 = tpu.memref_squeeze %dma_start3A_98 : memref<1x1x128x32xf32, #tpu.memory_space<vmem>> -> memref<128x32xf32, #tpu.memory_space<vmem>>
    %dma_start3A_100 = arith.constant 0 : i32
    %dma_start3A_101 = tpu.memref_slice %arg5[%dma_start3A_92, %dma_start3A_93, %dma_start3A_100] : memref<2x8x128xi32, #tpu.memory_space<vmem>> -> memref<1x1x128xi32, #tpu.memory_space<vmem>>
    %dma_start3A_102 = tpu.memref_squeeze %dma_start3A_101 : memref<1x1x128xi32, #tpu.memory_space<vmem>> -> memref<128xi32, #tpu.memory_space<vmem>>
    %dma_start3A_103 = arith.constant 0 : i32
    %dma_start3A_104 = arith.constant 0 : i32
    %dma_start3A_105 = tpu.memref_slice %arg3[%dma_start3A_103, %dma_start3A_104] : memref<100001x32xf32, #tpu.memory_space<hbm>> -> memref<100001x32xf32, #tpu.memory_space<hbm>>
    tpu.enqueue_indirect_dma source(%dma_start3A_105 : memref<100001x32xf32, #tpu.memory_space<hbm>>) target(%dma_start3A_99 : memref<128x32xf32, #tpu.memory_space<vmem>>) offsets(%dma_start3A_102 : memref<128xi32, #tpu.memory_space<vmem>>) semaphore(%arg10 : memref<!tpu.dma_semaphore, #tpu.memory_space<semaphore_mem>>)
    %dma_start3A_106 = arith.constant 0 : i32
    %dma_start3A_107 = arith.constant 5 : i32
    %dma_start3A_108 = arith.constant 0 : i32
    %dma_start3A_109 = arith.constant 5 : i32
    %dma_start3A_110 = arith.constant 0 : i32
    %dma_start3A_111 = arith.constant 0 : i32
    %dma_start3A_112 = tpu.memref_slice %arg6[%dma_start3A_108, %dma_start3A_109, %dma_start3A_110, %dma_start3A_111] : memref<2x8x128x32xf32, #tpu.memory_space<vmem>> -> memref<1x1x128x32xf32, #tpu.memory_space<vmem>>
    %dma_start3A_113 = tpu.memref_squeeze %dma_start3A_112 : memref<1x1x128x32xf32, #tpu.memory_space<vmem>> -> memref<128x32xf32, #tpu.memory_space<vmem>>
    %dma_start3A_114 = arith.constant 0 : i32
    %dma_start3A_115 = tpu.memref_slice %arg5[%dma_start3A_106, %dma_start3A_107, %dma_start3A_114] : memref<2x8x128xi32, #tpu.memory_space<vmem>> -> memref<1x1x128xi32, #tpu.memory_space<vmem>>
    %dma_start3A_116 = tpu.memref_squeeze %dma_start3A_115 : memref<1x1x128xi32, #tpu.memory_space<vmem>> -> memref<128xi32, #tpu.memory_space<vmem>>
    %dma_start3A_117 = arith.constant 0 : i32
    %dma_start3A_118 = arith.constant 0 : i32
    %dma_start3A_119 = tpu.memref_slice %arg3[%dma_start3A_117, %dma_start3A_118] : memref<100001x32xf32, #tpu.memory_space<hbm>> -> memref<100001x32xf32, #tpu.memory_space<hbm>>
    tpu.enqueue_indirect_dma source(%dma_start3A_119 : memref<100001x32xf32, #tpu.memory_space<hbm>>) target(%dma_start3A_113 : memref<128x32xf32, #tpu.memory_space<vmem>>) offsets(%dma_start3A_116 : memref<128xi32, #tpu.memory_space<vmem>>) semaphore(%arg10 : memref<!tpu.dma_semaphore, #tpu.memory_space<semaphore_mem>>)
    %dma_start3A_120 = arith.constant 0 : i32
    %dma_start3A_121 = arith.constant 6 : i32
    %dma_start3A_122 = arith.constant 0 : i32
    %dma_start3A_123 = arith.constant 6 : i32
    %dma_start3A_124 = arith.constant 0 : i32
    %dma_start3A_125 = arith.constant 0 : i32
    %dma_start3A_126 = tpu.memref_slice %arg6[%dma_start3A_122, %dma_start3A_123, %dma_start3A_124, %dma_start3A_125] : memref<2x8x128x32xf32, #tpu.memory_space<vmem>> -> memref<1x1x128x32xf32, #tpu.memory_space<vmem>>
    %dma_start3A_127 = tpu.memref_squeeze %dma_start3A_126 : memref<1x1x128x32xf32, #tpu.memory_space<vmem>> -> memref<128x32xf32, #tpu.memory_space<vmem>>
    %dma_start3A_128 = arith.constant 0 : i32
    %dma_start3A_129 = tpu.memref_slice %arg5[%dma_start3A_120, %dma_start3A_121, %dma_start3A_128] : memref<2x8x128xi32, #tpu.memory_space<vmem>> -> memref<1x1x128xi32, #tpu.memory_space<vmem>>
    %dma_start3A_130 = tpu.memref_squeeze %dma_start3A_129 : memref<1x1x128xi32, #tpu.memory_space<vmem>> -> memref<128xi32, #tpu.memory_space<vmem>>
    %dma_start3A_131 = arith.constant 0 : i32
    %dma_start3A_132 = arith.constant 0 : i32
    %dma_start3A_133 = tpu.memref_slice %arg3[%dma_start3A_131, %dma_start3A_132] : memref<100001x32xf32, #tpu.memory_space<hbm>> -> memref<100001x32xf32, #tpu.memory_space<hbm>>
    tpu.enqueue_indirect_dma source(%dma_start3A_133 : memref<100001x32xf32, #tpu.memory_space<hbm>>) target(%dma_start3A_127 : memref<128x32xf32, #tpu.memory_space<vmem>>) offsets(%dma_start3A_130 : memref<128xi32, #tpu.memory_space<vmem>>) semaphore(%arg10 : memref<!tpu.dma_semaphore, #tpu.memory_space<semaphore_mem>>)
    %dma_start3A_134 = arith.constant 0 : i32
    %dma_start3A_135 = arith.constant 7 : i32
    %dma_start3A_136 = arith.constant 0 : i32
    %dma_start3A_137 = arith.constant 7 : i32
    %dma_start3A_138 = arith.constant 0 : i32
    %dma_start3A_139 = arith.constant 0 : i32
    %dma_start3A_140 = tpu.memref_slice %arg6[%dma_start3A_136, %dma_start3A_137, %dma_start3A_138, %dma_start3A_139] : memref<2x8x128x32xf32, #tpu.memory_space<vmem>> -> memref<1x1x128x32xf32, #tpu.memory_space<vmem>>
    %dma_start3A_141 = tpu.memref_squeeze %dma_start3A_140 : memref<1x1x128x32xf32, #tpu.memory_space<vmem>> -> memref<128x32xf32, #tpu.memory_space<vmem>>
    %dma_start3A_142 = arith.constant 0 : i32
    %dma_start3A_143 = tpu.memref_slice %arg5[%dma_start3A_134, %dma_start3A_135, %dma_start3A_142] : memref<2x8x128xi32, #tpu.memory_space<vmem>> -> memref<1x1x128xi32, #tpu.memory_space<vmem>>
    %dma_start3A_144 = tpu.memref_squeeze %dma_start3A_143 : memref<1x1x128xi32, #tpu.memory_space<vmem>> -> memref<128xi32, #tpu.memory_space<vmem>>
    %dma_start3A_145 = arith.constant 0 : i32
    %dma_start3A_146 = arith.constant 0 : i32
    %dma_start3A_147 = tpu.memref_slice %arg3[%dma_start3A_145, %dma_start3A_146] : memref<100001x32xf32, #tpu.memory_space<hbm>> -> memref<100001x32xf32, #tpu.memory_space<hbm>>
    tpu.enqueue_indirect_dma source(%dma_start3A_147 : memref<100001x32xf32, #tpu.memory_space<hbm>>) target(%dma_start3A_141 : memref<128x32xf32, #tpu.memory_space<vmem>>) offsets(%dma_start3A_144 : memref<128xi32, #tpu.memory_space<vmem>>) semaphore(%arg10 : memref<!tpu.dma_semaphore, #tpu.memory_space<semaphore_mem>>)
    %jit3A_148 = arith.constant true
    %jit3A_149 = arith.constant 1 : i32
    %jit3A_150 = arith.constant 0 : i32
    %select_n3A_151 = arith.select %jit3A_148, %jit3A_149, %jit3A_150 : i32
    %dma_start3A_152 = arith.constant 1 : i32
    %dma_start3A_153 = arith.constant 0 : i32
    %dma_start3A_154 = arith.constant 0 : i32
    %dma_start3A_155 = tpu.memref_slice %arg5[%dma_start3A_152, %dma_start3A_153, %dma_start3A_154] : memref<2x8x128xi32, #tpu.memory_space<vmem>> -> memref<1x8x128xi32, #tpu.memory_space<vmem>>
    %dma_start3A_156 = tpu.memref_squeeze %dma_start3A_155 : memref<1x8x128xi32, #tpu.memory_space<vmem>> -> memref<8x128xi32, #tpu.memory_space<vmem>>
    %dma_start3A_157 = arith.constant 0 : i32
    %dma_start3A_158 = arith.constant 0 : i32
    %dma_start3A_159 = tpu.memref_slice %arg2[%select_n3A_151, %add3A, %dma_start3A_157, %dma_start3A_158] : memref<25x32x8x128xi32, #tpu.memory_space<hbm>> -> memref<1x1x8x128xi32, #tpu.memory_space<hbm>>
    %dma_start3A_160 = tpu.memref_squeeze %dma_start3A_159 : memref<1x1x8x128xi32, #tpu.memory_space<hbm>> -> memref<8x128xi32, #tpu.memory_space<hbm>>
    %dma_start3A_161 = arith.constant 0 : i32
    %dma_start3A_162 = arith.constant 0 : i32
    %dma_start3A_163 = tpu.memref_slice %arg5[%dma_start3A_152, %dma_start3A_161, %dma_start3A_162] : memref<2x8x128xi32, #tpu.memory_space<vmem>> -> memref<1x8x128xi32, #tpu.memory_space<vmem>>
    %dma_start3A_164 = tpu.memref_squeeze %dma_start3A_163 : memref<1x8x128xi32, #tpu.memory_space<vmem>> -> memref<8x128xi32, #tpu.memory_space<vmem>>
    %dma_start3A_165 = arith.constant 0 : i32
    %dma_start3A_166 = arith.constant 0 : i32
    %dma_start3A_167 = tpu.memref_slice %arg2[%select_n3A_151, %add3A, %dma_start3A_165, %dma_start3A_166] : memref<25x32x8x128xi32, #tpu.memory_space<hbm>> -> memref<1x1x8x128xi32, #tpu.memory_space<hbm>>
    %dma_start3A_168 = tpu.memref_squeeze %dma_start3A_167 : memref<1x1x8x128xi32, #tpu.memory_space<hbm>> -> memref<8x128xi32, #tpu.memory_space<hbm>>
    tpu.enqueue_dma source(%dma_start3A_168 : memref<8x128xi32, #tpu.memory_space<hbm>>) target(%dma_start3A_164 : memref<8x128xi32, #tpu.memory_space<vmem>>) target_semaphore(%arg9 : memref<!tpu.dma_semaphore, #tpu.memory_space<semaphore_mem>>)
    %dma_wait3A_169 = arith.constant 0 : i32
    %dma_wait3A_170 = arith.constant 0 : i32
    %dma_wait3A_171 = arith.constant 0 : i32
    %dma_wait3A_172 = arith.constant 0 : i32
    %dma_wait3A_173 = arith.constant 0 : i32
    %dma_wait3A_174 = arith.constant 0 : i32
    %dma_wait3A_175 = tpu.memref_slice %arg6[%dma_wait3A_171, %dma_wait3A_172, %dma_wait3A_173, %dma_wait3A_174] : memref<2x8x128x32xf32, #tpu.memory_space<vmem>> -> memref<1x1x128x32xf32, #tpu.memory_space<vmem>>
    %dma_wait3A_176 = tpu.memref_squeeze %dma_wait3A_175 : memref<1x1x128x32xf32, #tpu.memory_space<vmem>> -> memref<128x32xf32, #tpu.memory_space<vmem>>
    %dma_wait3A_177 = arith.constant 0 : i32
    %dma_wait3A_178 = tpu.memref_slice %arg5[%dma_wait3A_169, %dma_wait3A_170, %dma_wait3A_177] : memref<2x8x128xi32, #tpu.memory_space<vmem>> -> memref<1x1x128xi32, #tpu.memory_space<vmem>>
    %dma_wait3A_179 = tpu.memref_squeeze %dma_wait3A_178 : memref<1x1x128xi32, #tpu.memory_space<vmem>> -> memref<128xi32, #tpu.memory_space<vmem>>
    %dma_wait3A_180 = arith.constant 0 : i32
    %dma_wait3A_181 = arith.constant 0 : i32
    %dma_wait3A_182 = tpu.memref_slice %arg3[%dma_wait3A_180, %dma_wait3A_181] : memref<100001x32xf32, #tpu.memory_space<hbm>> -> memref<100001x32xf32, #tpu.memory_space<hbm>>
    tpu.wait_indirect_dma semaphore(%arg10 : memref<!tpu.dma_semaphore, #tpu.memory_space<semaphore_mem>>) src(%dma_wait3A_182 : memref<100001x32xf32, #tpu.memory_space<hbm>>) dst(%dma_wait3A_176 : memref<128x32xf32, #tpu.memory_space<vmem>>)
    %dma_wait3A_183 = arith.constant 0 : i32
    %dma_wait3A_184 = arith.constant 1 : i32
    %dma_wait3A_185 = arith.constant 0 : i32
    %dma_wait3A_186 = arith.constant 1 : i32
    %dma_wait3A_187 = arith.constant 0 : i32
    %dma_wait3A_188 = arith.constant 0 : i32
    %dma_wait3A_189 = tpu.memref_slice %arg6[%dma_wait3A_185, %dma_wait3A_186, %dma_wait3A_187, %dma_wait3A_188] : memref<2x8x128x32xf32, #tpu.memory_space<vmem>> -> memref<1x1x128x32xf32, #tpu.memory_space<vmem>>
    %dma_wait3A_190 = tpu.memref_squeeze %dma_wait3A_189 : memref<1x1x128x32xf32, #tpu.memory_space<vmem>> -> memref<128x32xf32, #tpu.memory_space<vmem>>
    %dma_wait3A_191 = arith.constant 0 : i32
    %dma_wait3A_192 = tpu.memref_slice %arg5[%dma_wait3A_183, %dma_wait3A_184, %dma_wait3A_191] : memref<2x8x128xi32, #tpu.memory_space<vmem>> -> memref<1x1x128xi32, #tpu.memory_space<vmem>>
    %dma_wait3A_193 = tpu.memref_squeeze %dma_wait3A_192 : memref<1x1x128xi32, #tpu.memory_space<vmem>> -> memref<128xi32, #tpu.memory_space<vmem>>
    %dma_wait3A_194 = arith.constant 0 : i32
    %dma_wait3A_195 = arith.constant 0 : i32
    %dma_wait3A_196 = tpu.memref_slice %arg3[%dma_wait3A_194, %dma_wait3A_195] : memref<100001x32xf32, #tpu.memory_space<hbm>> -> memref<100001x32xf32, #tpu.memory_space<hbm>>
    tpu.wait_indirect_dma semaphore(%arg10 : memref<!tpu.dma_semaphore, #tpu.memory_space<semaphore_mem>>) src(%dma_wait3A_196 : memref<100001x32xf32, #tpu.memory_space<hbm>>) dst(%dma_wait3A_190 : memref<128x32xf32, #tpu.memory_space<vmem>>)
    %dma_wait3A_197 = arith.constant 0 : i32
    %dma_wait3A_198 = arith.constant 2 : i32
    %dma_wait3A_199 = arith.constant 0 : i32
    %dma_wait3A_200 = arith.constant 2 : i32
    %dma_wait3A_201 = arith.constant 0 : i32
    %dma_wait3A_202 = arith.constant 0 : i32
    %dma_wait3A_203 = tpu.memref_slice %arg6[%dma_wait3A_199, %dma_wait3A_200, %dma_wait3A_201, %dma_wait3A_202] : memref<2x8x128x32xf32, #tpu.memory_space<vmem>> -> memref<1x1x128x32xf32, #tpu.memory_space<vmem>>
    %dma_wait3A_204 = tpu.memref_squeeze %dma_wait3A_203 : memref<1x1x128x32xf32, #tpu.memory_space<vmem>> -> memref<128x32xf32, #tpu.memory_space<vmem>>
    %dma_wait3A_205 = arith.constant 0 : i32
    %dma_wait3A_206 = tpu.memref_slice %arg5[%dma_wait3A_197, %dma_wait3A_198, %dma_wait3A_205] : memref<2x8x128xi32, #tpu.memory_space<vmem>> -> memref<1x1x128xi32, #tpu.memory_space<vmem>>
    %dma_wait3A_207 = tpu.memref_squeeze %dma_wait3A_206 : memref<1x1x128xi32, #tpu.memory_space<vmem>> -> memref<128xi32, #tpu.memory_space<vmem>>
    %dma_wait3A_208 = arith.constant 0 : i32
    %dma_wait3A_209 = arith.constant 0 : i32
    %dma_wait3A_210 = tpu.memref_slice %arg3[%dma_wait3A_208, %dma_wait3A_209] : memref<100001x32xf32, #tpu.memory_space<hbm>> -> memref<100001x32xf32, #tpu.memory_space<hbm>>
    tpu.wait_indirect_dma semaphore(%arg10 : memref<!tpu.dma_semaphore, #tpu.memory_space<semaphore_mem>>) src(%dma_wait3A_210 : memref<100001x32xf32, #tpu.memory_space<hbm>>) dst(%dma_wait3A_204 : memref<128x32xf32, #tpu.memory_space<vmem>>)
    %dma_wait3A_211 = arith.constant 0 : i32
    %dma_wait3A_212 = arith.constant 3 : i32
    %dma_wait3A_213 = arith.constant 0 : i32
    %dma_wait3A_214 = arith.constant 3 : i32
    %dma_wait3A_215 = arith.constant 0 : i32
    %dma_wait3A_216 = arith.constant 0 : i32
    %dma_wait3A_217 = tpu.memref_slice %arg6[%dma_wait3A_213, %dma_wait3A_214, %dma_wait3A_215, %dma_wait3A_216] : memref<2x8x128x32xf32, #tpu.memory_space<vmem>> -> memref<1x1x128x32xf32, #tpu.memory_space<vmem>>
    %dma_wait3A_218 = tpu.memref_squeeze %dma_wait3A_217 : memref<1x1x128x32xf32, #tpu.memory_space<vmem>> -> memref<128x32xf32, #tpu.memory_space<vmem>>
    %dma_wait3A_219 = arith.constant 0 : i32
    %dma_wait3A_220 = tpu.memref_slice %arg5[%dma_wait3A_211, %dma_wait3A_212, %dma_wait3A_219] : memref<2x8x128xi32, #tpu.memory_space<vmem>> -> memref<1x1x128xi32, #tpu.memory_space<vmem>>
    %dma_wait3A_221 = tpu.memref_squeeze %dma_wait3A_220 : memref<1x1x128xi32, #tpu.memory_space<vmem>> -> memref<128xi32, #tpu.memory_space<vmem>>
    %dma_wait3A_222 = arith.constant 0 : i32
    %dma_wait3A_223 = arith.constant 0 : i32
    %dma_wait3A_224 = tpu.memref_slice %arg3[%dma_wait3A_222, %dma_wait3A_223] : memref<100001x32xf32, #tpu.memory_space<hbm>> -> memref<100001x32xf32, #tpu.memory_space<hbm>>
    tpu.wait_indirect_dma semaphore(%arg10 : memref<!tpu.dma_semaphore, #tpu.memory_space<semaphore_mem>>) src(%dma_wait3A_224 : memref<100001x32xf32, #tpu.memory_space<hbm>>) dst(%dma_wait3A_218 : memref<128x32xf32, #tpu.memory_space<vmem>>)
    %dma_wait3A_225 = arith.constant 0 : i32
    %dma_wait3A_226 = arith.constant 4 : i32
    %dma_wait3A_227 = arith.constant 0 : i32
    %dma_wait3A_228 = arith.constant 4 : i32
    %dma_wait3A_229 = arith.constant 0 : i32
    %dma_wait3A_230 = arith.constant 0 : i32
    %dma_wait3A_231 = tpu.memref_slice %arg6[%dma_wait3A_227, %dma_wait3A_228, %dma_wait3A_229, %dma_wait3A_230] : memref<2x8x128x32xf32, #tpu.memory_space<vmem>> -> memref<1x1x128x32xf32, #tpu.memory_space<vmem>>
    %dma_wait3A_232 = tpu.memref_squeeze %dma_wait3A_231 : memref<1x1x128x32xf32, #tpu.memory_space<vmem>> -> memref<128x32xf32, #tpu.memory_space<vmem>>
    %dma_wait3A_233 = arith.constant 0 : i32
    %dma_wait3A_234 = tpu.memref_slice %arg5[%dma_wait3A_225, %dma_wait3A_226, %dma_wait3A_233] : memref<2x8x128xi32, #tpu.memory_space<vmem>> -> memref<1x1x128xi32, #tpu.memory_space<vmem>>
    %dma_wait3A_235 = tpu.memref_squeeze %dma_wait3A_234 : memref<1x1x128xi32, #tpu.memory_space<vmem>> -> memref<128xi32, #tpu.memory_space<vmem>>
    %dma_wait3A_236 = arith.constant 0 : i32
    %dma_wait3A_237 = arith.constant 0 : i32
    %dma_wait3A_238 = tpu.memref_slice %arg3[%dma_wait3A_236, %dma_wait3A_237] : memref<100001x32xf32, #tpu.memory_space<hbm>> -> memref<100001x32xf32, #tpu.memory_space<hbm>>
    tpu.wait_indirect_dma semaphore(%arg10 : memref<!tpu.dma_semaphore, #tpu.memory_space<semaphore_mem>>) src(%dma_wait3A_238 : memref<100001x32xf32, #tpu.memory_space<hbm>>) dst(%dma_wait3A_232 : memref<128x32xf32, #tpu.memory_space<vmem>>)
    %dma_wait3A_239 = arith.constant 0 : i32
    %dma_wait3A_240 = arith.constant 5 : i32
    %dma_wait3A_241 = arith.constant 0 : i32
    %dma_wait3A_242 = arith.constant 5 : i32
    %dma_wait3A_243 = arith.constant 0 : i32
    %dma_wait3A_244 = arith.constant 0 : i32
    %dma_wait3A_245 = tpu.memref_slice %arg6[%dma_wait3A_241, %dma_wait3A_242, %dma_wait3A_243, %dma_wait3A_244] : memref<2x8x128x32xf32, #tpu.memory_space<vmem>> -> memref<1x1x128x32xf32, #tpu.memory_space<vmem>>
    %dma_wait3A_246 = tpu.memref_squeeze %dma_wait3A_245 : memref<1x1x128x32xf32, #tpu.memory_space<vmem>> -> memref<128x32xf32, #tpu.memory_space<vmem>>
    %dma_wait3A_247 = arith.constant 0 : i32
    %dma_wait3A_248 = tpu.memref_slice %arg5[%dma_wait3A_239, %dma_wait3A_240, %dma_wait3A_247] : memref<2x8x128xi32, #tpu.memory_space<vmem>> -> memref<1x1x128xi32, #tpu.memory_space<vmem>>
    %dma_wait3A_249 = tpu.memref_squeeze %dma_wait3A_248 : memref<1x1x128xi32, #tpu.memory_space<vmem>> -> memref<128xi32, #tpu.memory_space<vmem>>
    %dma_wait3A_250 = arith.constant 0 : i32
    %dma_wait3A_251 = arith.constant 0 : i32
    %dma_wait3A_252 = tpu.memref_slice %arg3[%dma_wait3A_250, %dma_wait3A_251] : memref<100001x32xf32, #tpu.memory_space<hbm>> -> memref<100001x32xf32, #tpu.memory_space<hbm>>
    tpu.wait_indirect_dma semaphore(%arg10 : memref<!tpu.dma_semaphore, #tpu.memory_space<semaphore_mem>>) src(%dma_wait3A_252 : memref<100001x32xf32, #tpu.memory_space<hbm>>) dst(%dma_wait3A_246 : memref<128x32xf32, #tpu.memory_space<vmem>>)
    %dma_wait3A_253 = arith.constant 0 : i32
    %dma_wait3A_254 = arith.constant 6 : i32
    %dma_wait3A_255 = arith.constant 0 : i32
    %dma_wait3A_256 = arith.constant 6 : i32
    %dma_wait3A_257 = arith.constant 0 : i32
    %dma_wait3A_258 = arith.constant 0 : i32
    %dma_wait3A_259 = tpu.memref_slice %arg6[%dma_wait3A_255, %dma_wait3A_256, %dma_wait3A_257, %dma_wait3A_258] : memref<2x8x128x32xf32, #tpu.memory_space<vmem>> -> memref<1x1x128x32xf32, #tpu.memory_space<vmem>>
    %dma_wait3A_260 = tpu.memref_squeeze %dma_wait3A_259 : memref<1x1x128x32xf32, #tpu.memory_space<vmem>> -> memref<128x32xf32, #tpu.memory_space<vmem>>
    %dma_wait3A_261 = arith.constant 0 : i32
    %dma_wait3A_262 = tpu.memref_slice %arg5[%dma_wait3A_253, %dma_wait3A_254, %dma_wait3A_261] : memref<2x8x128xi32, #tpu.memory_space<vmem>> -> memref<1x1x128xi32, #tpu.memory_space<vmem>>
    %dma_wait3A_263 = tpu.memref_squeeze %dma_wait3A_262 : memref<1x1x128xi32, #tpu.memory_space<vmem>> -> memref<128xi32, #tpu.memory_space<vmem>>
    %dma_wait3A_264 = arith.constant 0 : i32
    %dma_wait3A_265 = arith.constant 0 : i32
    %dma_wait3A_266 = tpu.memref_slice %arg3[%dma_wait3A_264, %dma_wait3A_265] : memref<100001x32xf32, #tpu.memory_space<hbm>> -> memref<100001x32xf32, #tpu.memory_space<hbm>>
    tpu.wait_indirect_dma semaphore(%arg10 : memref<!tpu.dma_semaphore, #tpu.memory_space<semaphore_mem>>) src(%dma_wait3A_266 : memref<100001x32xf32, #tpu.memory_space<hbm>>) dst(%dma_wait3A_260 : memref<128x32xf32, #tpu.memory_space<vmem>>)
    %dma_wait3A_267 = arith.constant 0 : i32
    %dma_wait3A_268 = arith.constant 7 : i32
    %dma_wait3A_269 = arith.constant 0 : i32
    %dma_wait3A_270 = arith.constant 7 : i32
    %dma_wait3A_271 = arith.constant 0 : i32
    %dma_wait3A_272 = arith.constant 0 : i32
    %dma_wait3A_273 = tpu.memref_slice %arg6[%dma_wait3A_269, %dma_wait3A_270, %dma_wait3A_271, %dma_wait3A_272] : memref<2x8x128x32xf32, #tpu.memory_space<vmem>> -> memref<1x1x128x32xf32, #tpu.memory_space<vmem>>
    %dma_wait3A_274 = tpu.memref_squeeze %dma_wait3A_273 : memref<1x1x128x32xf32, #tpu.memory_space<vmem>> -> memref<128x32xf32, #tpu.memory_space<vmem>>
    %dma_wait3A_275 = arith.constant 0 : i32
    %dma_wait3A_276 = tpu.memref_slice %arg5[%dma_wait3A_267, %dma_wait3A_268, %dma_wait3A_275] : memref<2x8x128xi32, #tpu.memory_space<vmem>> -> memref<1x1x128xi32, #tpu.memory_space<vmem>>
    %dma_wait3A_277 = tpu.memref_squeeze %dma_wait3A_276 : memref<1x1x128xi32, #tpu.memory_space<vmem>> -> memref<128xi32, #tpu.memory_space<vmem>>
    %dma_wait3A_278 = arith.constant 0 : i32
    %dma_wait3A_279 = arith.constant 0 : i32
    %dma_wait3A_280 = tpu.memref_slice %arg3[%dma_wait3A_278, %dma_wait3A_279] : memref<100001x32xf32, #tpu.memory_space<hbm>> -> memref<100001x32xf32, #tpu.memory_space<hbm>>
    tpu.wait_indirect_dma semaphore(%arg10 : memref<!tpu.dma_semaphore, #tpu.memory_space<semaphore_mem>>) src(%dma_wait3A_280 : memref<100001x32xf32, #tpu.memory_space<hbm>>) dst(%dma_wait3A_274 : memref<128x32xf32, #tpu.memory_space<vmem>>)
    %jit3A_281 = arith.constant true
    %jit3A_282 = arith.constant 2 : i32
    %jit3A_283 = arith.constant 0 : i32
    %select_n3A_284 = arith.select %jit3A_281, %jit3A_282, %jit3A_283 : i32
    %dma_start3A_285 = arith.constant 0 : i32
    %dma_start3A_286 = arith.constant 0 : i32
    %dma_start3A_287 = arith.constant 0 : i32
    %dma_start3A_288 = tpu.memref_slice %arg5[%dma_start3A_285, %dma_start3A_286, %dma_start3A_287] : memref<2x8x128xi32, #tpu.memory_space<vmem>> -> memref<1x8x128xi32, #tpu.memory_space<vmem>>
    %dma_start3A_289 = tpu.memref_squeeze %dma_start3A_288 : memref<1x8x128xi32, #tpu.memory_space<vmem>> -> memref<8x128xi32, #tpu.memory_space<vmem>>
    %dma_start3A_290 = arith.constant 0 : i32
    %dma_start3A_291 = arith.constant 0 : i32
    %dma_start3A_292 = tpu.memref_slice %arg2[%select_n3A_284, %add3A, %dma_start3A_290, %dma_start3A_291] : memref<25x32x8x128xi32, #tpu.memory_space<hbm>> -> memref<1x1x8x128xi32, #tpu.memory_space<hbm>>
    %dma_start3A_293 = tpu.memref_squeeze %dma_start3A_292 : memref<1x1x8x128xi32, #tpu.memory_space<hbm>> -> memref<8x128xi32, #tpu.memory_space<hbm>>
    %dma_start3A_294 = arith.constant 0 : i32
    %dma_start3A_295 = arith.constant 0 : i32
    %dma_start3A_296 = tpu.memref_slice %arg5[%dma_start3A_285, %dma_start3A_294, %dma_start3A_295] : memref<2x8x128xi32, #tpu.memory_space<vmem>> -> memref<1x8x128xi32, #tpu.memory_space<vmem>>
    %dma_start3A_297 = tpu.memref_squeeze %dma_start3A_296 : memref<1x8x128xi32, #tpu.memory_space<vmem>> -> memref<8x128xi32, #tpu.memory_space<vmem>>
    %dma_start3A_298 = arith.constant 0 : i32
    %dma_start3A_299 = arith.constant 0 : i32
    %dma_start3A_300 = tpu.memref_slice %arg2[%select_n3A_284, %add3A, %dma_start3A_298, %dma_start3A_299] : memref<25x32x8x128xi32, #tpu.memory_space<hbm>> -> memref<1x1x8x128xi32, #tpu.memory_space<hbm>>
    %dma_start3A_301 = tpu.memref_squeeze %dma_start3A_300 : memref<1x1x8x128xi32, #tpu.memory_space<hbm>> -> memref<8x128xi32, #tpu.memory_space<hbm>>
    tpu.enqueue_dma source(%dma_start3A_301 : memref<8x128xi32, #tpu.memory_space<hbm>>) target(%dma_start3A_297 : memref<8x128xi32, #tpu.memory_space<vmem>>) target_semaphore(%arg8 : memref<!tpu.dma_semaphore, #tpu.memory_space<semaphore_mem>>)
    %dma_wait3A_302 = arith.constant 0 : i32
    %dma_wait3A_303 = arith.constant 1 : i32
    %dma_wait3A_304 = arith.constant 0 : i32
    %dma_wait3A_305 = arith.constant 0 : i32
    %dma_wait3A_306 = tpu.memref_slice %arg5[%dma_wait3A_303, %dma_wait3A_304, %dma_wait3A_305] : memref<2x8x128xi32, #tpu.memory_space<vmem>> -> memref<1x8x128xi32, #tpu.memory_space<vmem>>
    %dma_wait3A_307 = tpu.memref_squeeze %dma_wait3A_306 : memref<1x8x128xi32, #tpu.memory_space<vmem>> -> memref<8x128xi32, #tpu.memory_space<vmem>>
    %dma_wait3A_308 = arith.constant 0 : i32
    %dma_wait3A_309 = arith.constant 0 : i32
    %dma_wait3A_310 = tpu.memref_slice %arg2[%dma_wait3A_302, %add3A, %dma_wait3A_308, %dma_wait3A_309] : memref<25x32x8x128xi32, #tpu.memory_space<hbm>> -> memref<1x1x8x128xi32, #tpu.memory_space<hbm>>
    %dma_wait3A_311 = tpu.memref_squeeze %dma_wait3A_310 : memref<1x1x8x128xi32, #tpu.memory_space<hbm>> -> memref<8x128xi32, #tpu.memory_space<hbm>>
    %dma_wait3A_312 = arith.constant 0 : i32
    %dma_wait3A_313 = arith.constant 0 : i32
    %dma_wait3A_314 = tpu.memref_slice %arg5[%dma_wait3A_303, %dma_wait3A_312, %dma_wait3A_313] : memref<2x8x128xi32, #tpu.memory_space<vmem>> -> memref<1x8x128xi32, #tpu.memory_space<vmem>>
    %dma_wait3A_315 = tpu.memref_squeeze %dma_wait3A_314 : memref<1x8x128xi32, #tpu.memory_space<vmem>> -> memref<8x128xi32, #tpu.memory_space<vmem>>
    %dma_wait3A_316 = arith.constant 0 : i32
    %dma_wait3A_317 = arith.constant 0 : i32
    %dma_wait3A_318 = tpu.memref_slice %arg2[%dma_wait3A_302, %add3A, %dma_wait3A_316, %dma_wait3A_317] : memref<25x32x8x128xi32, #tpu.memory_space<hbm>> -> memref<1x1x8x128xi32, #tpu.memory_space<hbm>>
    %dma_wait3A_319 = tpu.memref_squeeze %dma_wait3A_318 : memref<1x1x8x128xi32, #tpu.memory_space<hbm>> -> memref<8x128xi32, #tpu.memory_space<hbm>>
    tpu.wait_dma2 semaphore(%arg9 : memref<!tpu.dma_semaphore, #tpu.memory_space<semaphore_mem>>) src(%dma_wait3A_319 : memref<8x128xi32, #tpu.memory_space<hbm>>) dst(%dma_wait3A_315 : memref<8x128xi32, #tpu.memory_space<vmem>>)
    %dma_start3A_320 = arith.constant 1 : i32
    %dma_start3A_321 = arith.constant 0 : i32
    %dma_start3A_322 = arith.constant 1 : i32
    %dma_start3A_323 = arith.constant 0 : i32
    %dma_start3A_324 = arith.constant 0 : i32
    %dma_start3A_325 = arith.constant 0 : i32
    %dma_start3A_326 = tpu.memref_slice %arg6[%dma_start3A_322, %dma_start3A_323, %dma_start3A_324, %dma_start3A_325] : memref<2x8x128x32xf32, #tpu.memory_space<vmem>> -> memref<1x1x128x32xf32, #tpu.memory_space<vmem>>
    %dma_start3A_327 = tpu.memref_squeeze %dma_start3A_326 : memref<1x1x128x32xf32, #tpu.memory_space<vmem>> -> memref<128x32xf32, #tpu.memory_space<vmem>>
    %dma_start3A_328 = arith.constant 0 : i32
    %dma_start3A_329 = tpu.memref_slice %arg5[%dma_start3A_320, %dma_start3A_321, %dma_start3A_328] : memref<2x8x128xi32, #tpu.memory_space<vmem>> -> memref<1x1x128xi32, #tpu.memory_space<vmem>>
    %dma_start3A_330 = tpu.memref_squeeze %dma_start3A_329 : memref<1x1x128xi32, #tpu.memory_space<vmem>> -> memref<128xi32, #tpu.memory_space<vmem>>
    %dma_start3A_331 = arith.constant 0 : i32
    %dma_start3A_332 = arith.constant 0 : i32
    %dma_start3A_333 = tpu.memref_slice %arg3[%dma_start3A_331, %dma_start3A_332] : memref<100001x32xf32, #tpu.memory_space<hbm>> -> memref<100001x32xf32, #tpu.memory_space<hbm>>
    tpu.enqueue_indirect_dma source(%dma_start3A_333 : memref<100001x32xf32, #tpu.memory_space<hbm>>) target(%dma_start3A_327 : memref<128x32xf32, #tpu.memory_space<vmem>>) offsets(%dma_start3A_330 : memref<128xi32, #tpu.memory_space<vmem>>) semaphore(%arg11 : memref<!tpu.dma_semaphore, #tpu.memory_space<semaphore_mem>>)
    %dma_start3A_334 = arith.constant 1 : i32
    %dma_start3A_335 = arith.constant 1 : i32
    %dma_start3A_336 = arith.constant 1 : i32
    %dma_start3A_337 = arith.constant 1 : i32
    %dma_start3A_338 = arith.constant 0 : i32
    %dma_start3A_339 = arith.constant 0 : i32
    %dma_start3A_340 = tpu.memref_slice %arg6[%dma_start3A_336, %dma_start3A_337, %dma_start3A_338, %dma_start3A_339] : memref<2x8x128x32xf32, #tpu.memory_space<vmem>> -> memref<1x1x128x32xf32, #tpu.memory_space<vmem>>
    %dma_start3A_341 = tpu.memref_squeeze %dma_start3A_340 : memref<1x1x128x32xf32, #tpu.memory_space<vmem>> -> memref<128x32xf32, #tpu.memory_space<vmem>>
    %dma_start3A_342 = arith.constant 0 : i32
    %dma_start3A_343 = tpu.memref_slice %arg5[%dma_start3A_334, %dma_start3A_335, %dma_start3A_342] : memref<2x8x128xi32, #tpu.memory_space<vmem>> -> memref<1x1x128xi32, #tpu.memory_space<vmem>>
    %dma_start3A_344 = tpu.memref_squeeze %dma_start3A_343 : memref<1x1x128xi32, #tpu.memory_space<vmem>> -> memref<128xi32, #tpu.memory_space<vmem>>
    %dma_start3A_345 = arith.constant 0 : i32
    %dma_start3A_346 = arith.constant 0 : i32
    %dma_start3A_347 = tpu.memref_slice %arg3[%dma_start3A_345, %dma_start3A_346] : memref<100001x32xf32, #tpu.memory_space<hbm>> -> memref<100001x32xf32, #tpu.memory_space<hbm>>
    tpu.enqueue_indirect_dma source(%dma_start3A_347 : memref<100001x32xf32, #tpu.memory_space<hbm>>) target(%dma_start3A_341 : memref<128x32xf32, #tpu.memory_space<vmem>>) offsets(%dma_start3A_344 : memref<128xi32, #tpu.memory_space<vmem>>) semaphore(%arg11 : memref<!tpu.dma_semaphore, #tpu.memory_space<semaphore_mem>>)
    %dma_start3A_348 = arith.constant 1 : i32
    %dma_start3A_349 = arith.constant 2 : i32
    %dma_start3A_350 = arith.constant 1 : i32
    %dma_start3A_351 = arith.constant 2 : i32
    %dma_start3A_352 = arith.constant 0 : i32
    %dma_start3A_353 = arith.constant 0 : i32
    %dma_start3A_354 = tpu.memref_slice %arg6[%dma_start3A_350, %dma_start3A_351, %dma_start3A_352, %dma_start3A_353] : memref<2x8x128x32xf32, #tpu.memory_space<vmem>> -> memref<1x1x128x32xf32, #tpu.memory_space<vmem>>
    %dma_start3A_355 = tpu.memref_squeeze %dma_start3A_354 : memref<1x1x128x32xf32, #tpu.memory_space<vmem>> -> memref<128x32xf32, #tpu.memory_space<vmem>>
    %dma_start3A_356 = arith.constant 0 : i32
    %dma_start3A_357 = tpu.memref_slice %arg5[%dma_start3A_348, %dma_start3A_349, %dma_start3A_356] : memref<2x8x128xi32, #tpu.memory_space<vmem>> -> memref<1x1x128xi32, #tpu.memory_space<vmem>>
    %dma_start3A_358 = tpu.memref_squeeze %dma_start3A_357 : memref<1x1x128xi32, #tpu.memory_space<vmem>> -> memref<128xi32, #tpu.memory_space<vmem>>
    %dma_start3A_359 = arith.constant 0 : i32
    %dma_start3A_360 = arith.constant 0 : i32
    %dma_start3A_361 = tpu.memref_slice %arg3[%dma_start3A_359, %dma_start3A_360] : memref<100001x32xf32, #tpu.memory_space<hbm>> -> memref<100001x32xf32, #tpu.memory_space<hbm>>
    tpu.enqueue_indirect_dma source(%dma_start3A_361 : memref<100001x32xf32, #tpu.memory_space<hbm>>) target(%dma_start3A_355 : memref<128x32xf32, #tpu.memory_space<vmem>>) offsets(%dma_start3A_358 : memref<128xi32, #tpu.memory_space<vmem>>) semaphore(%arg11 : memref<!tpu.dma_semaphore, #tpu.memory_space<semaphore_mem>>)
    %dma_start3A_362 = arith.constant 1 : i32
    %dma_start3A_363 = arith.constant 3 : i32
    %dma_start3A_364 = arith.constant 1 : i32
    %dma_start3A_365 = arith.constant 3 : i32
    %dma_start3A_366 = arith.constant 0 : i32
    %dma_start3A_367 = arith.constant 0 : i32
    %dma_start3A_368 = tpu.memref_slice %arg6[%dma_start3A_364, %dma_start3A_365, %dma_start3A_366, %dma_start3A_367] : memref<2x8x128x32xf32, #tpu.memory_space<vmem>> -> memref<1x1x128x32xf32, #tpu.memory_space<vmem>>
    %dma_start3A_369 = tpu.memref_squeeze %dma_start3A_368 : memref<1x1x128x32xf32, #tpu.memory_space<vmem>> -> memref<128x32xf32, #tpu.memory_space<vmem>>
    %dma_start3A_370 = arith.constant 0 : i32
    %dma_start3A_371 = tpu.memref_slice %arg5[%dma_start3A_362, %dma_start3A_363, %dma_start3A_370] : memref<2x8x128xi32, #tpu.memory_space<vmem>> -> memref<1x1x128xi32, #tpu.memory_space<vmem>>
    %dma_start3A_372 = tpu.memref_squeeze %dma_start3A_371 : memref<1x1x128xi32, #tpu.memory_space<vmem>> -> memref<128xi32, #tpu.memory_space<vmem>>
    %dma_start3A_373 = arith.constant 0 : i32
    %dma_start3A_374 = arith.constant 0 : i32
    %dma_start3A_375 = tpu.memref_slice %arg3[%dma_start3A_373, %dma_start3A_374] : memref<100001x32xf32, #tpu.memory_space<hbm>> -> memref<100001x32xf32, #tpu.memory_space<hbm>>
    tpu.enqueue_indirect_dma source(%dma_start3A_375 : memref<100001x32xf32, #tpu.memory_space<hbm>>) target(%dma_start3A_369 : memref<128x32xf32, #tpu.memory_space<vmem>>) offsets(%dma_start3A_372 : memref<128xi32, #tpu.memory_space<vmem>>) semaphore(%arg11 : memref<!tpu.dma_semaphore, #tpu.memory_space<semaphore_mem>>)
    %dma_start3A_376 = arith.constant 1 : i32
    %dma_start3A_377 = arith.constant 4 : i32
    %dma_start3A_378 = arith.constant 1 : i32
    %dma_start3A_379 = arith.constant 4 : i32
    %dma_start3A_380 = arith.constant 0 : i32
    %dma_start3A_381 = arith.constant 0 : i32
    %dma_start3A_382 = tpu.memref_slice %arg6[%dma_start3A_378, %dma_start3A_379, %dma_start3A_380, %dma_start3A_381] : memref<2x8x128x32xf32, #tpu.memory_space<vmem>> -> memref<1x1x128x32xf32, #tpu.memory_space<vmem>>
    %dma_start3A_383 = tpu.memref_squeeze %dma_start3A_382 : memref<1x1x128x32xf32, #tpu.memory_space<vmem>> -> memref<128x32xf32, #tpu.memory_space<vmem>>
    %dma_start3A_384 = arith.constant 0 : i32
    %dma_start3A_385 = tpu.memref_slice %arg5[%dma_start3A_376, %dma_start3A_377, %dma_start3A_384] : memref<2x8x128xi32, #tpu.memory_space<vmem>> -> memref<1x1x128xi32, #tpu.memory_space<vmem>>
    %dma_start3A_386 = tpu.memref_squeeze %dma_start3A_385 : memref<1x1x128xi32, #tpu.memory_space<vmem>> -> memref<128xi32, #tpu.memory_space<vmem>>
    %dma_start3A_387 = arith.constant 0 : i32
    %dma_start3A_388 = arith.constant 0 : i32
    %dma_start3A_389 = tpu.memref_slice %arg3[%dma_start3A_387, %dma_start3A_388] : memref<100001x32xf32, #tpu.memory_space<hbm>> -> memref<100001x32xf32, #tpu.memory_space<hbm>>
    tpu.enqueue_indirect_dma source(%dma_start3A_389 : memref<100001x32xf32, #tpu.memory_space<hbm>>) target(%dma_start3A_383 : memref<128x32xf32, #tpu.memory_space<vmem>>) offsets(%dma_start3A_386 : memref<128xi32, #tpu.memory_space<vmem>>) semaphore(%arg11 : memref<!tpu.dma_semaphore, #tpu.memory_space<semaphore_mem>>)
    %dma_start3A_390 = arith.constant 1 : i32
    %dma_start3A_391 = arith.constant 5 : i32
    %dma_start3A_392 = arith.constant 1 : i32
    %dma_start3A_393 = arith.constant 5 : i32
    %dma_start3A_394 = arith.constant 0 : i32
    %dma_start3A_395 = arith.constant 0 : i32
    %dma_start3A_396 = tpu.memref_slice %arg6[%dma_start3A_392, %dma_start3A_393, %dma_start3A_394, %dma_start3A_395] : memref<2x8x128x32xf32, #tpu.memory_space<vmem>> -> memref<1x1x128x32xf32, #tpu.memory_space<vmem>>
    %dma_start3A_397 = tpu.memref_squeeze %dma_start3A_396 : memref<1x1x128x32xf32, #tpu.memory_space<vmem>> -> memref<128x32xf32, #tpu.memory_space<vmem>>
    %dma_start3A_398 = arith.constant 0 : i32
    %dma_start3A_399 = tpu.memref_slice %arg5[%dma_start3A_390, %dma_start3A_391, %dma_start3A_398] : memref<2x8x128xi32, #tpu.memory_space<vmem>> -> memref<1x1x128xi32, #tpu.memory_space<vmem>>
    %dma_start3A_400 = tpu.memref_squeeze %dma_start3A_399 : memref<1x1x128xi32, #tpu.memory_space<vmem>> -> memref<128xi32, #tpu.memory_space<vmem>>
    %dma_start3A_401 = arith.constant 0 : i32
    %dma_start3A_402 = arith.constant 0 : i32
    %dma_start3A_403 = tpu.memref_slice %arg3[%dma_start3A_401, %dma_start3A_402] : memref<100001x32xf32, #tpu.memory_space<hbm>> -> memref<100001x32xf32, #tpu.memory_space<hbm>>
    tpu.enqueue_indirect_dma source(%dma_start3A_403 : memref<100001x32xf32, #tpu.memory_space<hbm>>) target(%dma_start3A_397 : memref<128x32xf32, #tpu.memory_space<vmem>>) offsets(%dma_start3A_400 : memref<128xi32, #tpu.memory_space<vmem>>) semaphore(%arg11 : memref<!tpu.dma_semaphore, #tpu.memory_space<semaphore_mem>>)
    %dma_start3A_404 = arith.constant 1 : i32
    %dma_start3A_405 = arith.constant 6 : i32
    %dma_start3A_406 = arith.constant 1 : i32
    %dma_start3A_407 = arith.constant 6 : i32
    %dma_start3A_408 = arith.constant 0 : i32
    %dma_start3A_409 = arith.constant 0 : i32
    %dma_start3A_410 = tpu.memref_slice %arg6[%dma_start3A_406, %dma_start3A_407, %dma_start3A_408, %dma_start3A_409] : memref<2x8x128x32xf32, #tpu.memory_space<vmem>> -> memref<1x1x128x32xf32, #tpu.memory_space<vmem>>
    %dma_start3A_411 = tpu.memref_squeeze %dma_start3A_410 : memref<1x1x128x32xf32, #tpu.memory_space<vmem>> -> memref<128x32xf32, #tpu.memory_space<vmem>>
    %dma_start3A_412 = arith.constant 0 : i32
    %dma_start3A_413 = tpu.memref_slice %arg5[%dma_start3A_404, %dma_start3A_405, %dma_start3A_412] : memref<2x8x128xi32, #tpu.memory_space<vmem>> -> memref<1x1x128xi32, #tpu.memory_space<vmem>>
    %dma_start3A_414 = tpu.memref_squeeze %dma_start3A_413 : memref<1x1x128xi32, #tpu.memory_space<vmem>> -> memref<128xi32, #tpu.memory_space<vmem>>
    %dma_start3A_415 = arith.constant 0 : i32
    %dma_start3A_416 = arith.constant 0 : i32
    %dma_start3A_417 = tpu.memref_slice %arg3[%dma_start3A_415, %dma_start3A_416] : memref<100001x32xf32, #tpu.memory_space<hbm>> -> memref<100001x32xf32, #tpu.memory_space<hbm>>
    tpu.enqueue_indirect_dma source(%dma_start3A_417 : memref<100001x32xf32, #tpu.memory_space<hbm>>) target(%dma_start3A_411 : memref<128x32xf32, #tpu.memory_space<vmem>>) offsets(%dma_start3A_414 : memref<128xi32, #tpu.memory_space<vmem>>) semaphore(%arg11 : memref<!tpu.dma_semaphore, #tpu.memory_space<semaphore_mem>>)
    %dma_start3A_418 = arith.constant 1 : i32
    %dma_start3A_419 = arith.constant 7 : i32
    %dma_start3A_420 = arith.constant 1 : i32
    %dma_start3A_421 = arith.constant 7 : i32
    %dma_start3A_422 = arith.constant 0 : i32
    %dma_start3A_423 = arith.constant 0 : i32
    %dma_start3A_424 = tpu.memref_slice %arg6[%dma_start3A_420, %dma_start3A_421, %dma_start3A_422, %dma_start3A_423] : memref<2x8x128x32xf32, #tpu.memory_space<vmem>> -> memref<1x1x128x32xf32, #tpu.memory_space<vmem>>
    %dma_start3A_425 = tpu.memref_squeeze %dma_start3A_424 : memref<1x1x128x32xf32, #tpu.memory_space<vmem>> -> memref<128x32xf32, #tpu.memory_space<vmem>>
    %dma_start3A_426 = arith.constant 0 : i32
    %dma_start3A_427 = tpu.memref_slice %arg5[%dma_start3A_418, %dma_start3A_419, %dma_start3A_426] : memref<2x8x128xi32, #tpu.memory_space<vmem>> -> memref<1x1x128xi32, #tpu.memory_space<vmem>>
    %dma_start3A_428 = tpu.memref_squeeze %dma_start3A_427 : memref<1x1x128xi32, #tpu.memory_space<vmem>> -> memref<128xi32, #tpu.memory_space<vmem>>
    %dma_start3A_429 = arith.constant 0 : i32
    %dma_start3A_430 = arith.constant 0 : i32
    %dma_start3A_431 = tpu.memref_slice %arg3[%dma_start3A_429, %dma_start3A_430] : memref<100001x32xf32, #tpu.memory_space<hbm>> -> memref<100001x32xf32, #tpu.memory_space<hbm>>
    tpu.enqueue_indirect_dma source(%dma_start3A_431 : memref<100001x32xf32, #tpu.memory_space<hbm>>) target(%dma_start3A_425 : memref<128x32xf32, #tpu.memory_space<vmem>>) offsets(%dma_start3A_428 : memref<128xi32, #tpu.memory_space<vmem>>) semaphore(%arg11 : memref<!tpu.dma_semaphore, #tpu.memory_space<semaphore_mem>>)
    %broadcast_in_dim3A = arith.constant 0 : i32
    %broadcast_in_dim3A_432 = vector.broadcast %broadcast_in_dim3A : i32 to vector<16xi32>
    %jit3A_433 = arith.constant 8 : i32
    %div3A = vector.broadcast %jit3A_433 : i32 to vector<16xi32>
    %div3A_434 = arith.divsi %iota3A, %div3A : vector<16xi32>
    %sign3A = arith.constant 0 : i32
    %sign3A_435 = vector.broadcast %sign3A : i32 to vector<16xi32>
    %sign3A_436 = arith.cmpi sgt, %iota3A, %sign3A_435 : vector<16xi32>
    %sign3A_437 = arith.extui %sign3A_436 : vector<16xi1> to vector<16xi32>
    %sign3A_438 = arith.constant 0 : i32
    %sign3A_439 = vector.broadcast %sign3A_438 : i32 to vector<16xi32>
    %sign3A_440 = arith.cmpi slt, %iota3A, %sign3A_439 : vector<16xi32>
    %sign3A_441 = arith.extui %sign3A_440 : vector<16xi1> to vector<16xi32>
    %sign3A_442 = arith.subi %sign3A_437, %sign3A_441 : vector<16xi32>
    %sign3A_443 = arith.constant 0 : i32
    %sign3A_444 = arith.cmpi sgt, %jit3A_433, %sign3A_443 : i32
    %sign3A_445 = arith.extui %sign3A_444 : i1 to i32
    %sign3A_446 = arith.constant 0 : i32
    %sign3A_447 = arith.cmpi slt, %jit3A_433, %sign3A_446 : i32
    %sign3A_448 = arith.extui %sign3A_447 : i1 to i32
    %sign3A_449 = arith.subi %sign3A_445, %sign3A_448 : i32
    %ne3A = vector.broadcast %sign3A_449 : i32 to vector<16xi32>
    %ne3A_450 = arith.cmpi ne, %sign3A_442, %ne3A : vector<16xi32>
    %rem3A = vector.broadcast %jit3A_433 : i32 to vector<16xi32>
    %rem3A_451 = arith.remsi %iota3A, %rem3A : vector<16xi32>
    %ne3A_452 = arith.constant 0 : i32
    %ne3A_453 = vector.broadcast %ne3A_452 : i32 to vector<16xi32>
    %ne3A_454 = arith.cmpi ne, %rem3A_451, %ne3A_453 : vector<16xi32>
    %and3A = arith.andi %ne3A_450, %ne3A_454 : vector<16xi1>
    %sub3A = arith.constant 1 : i32
    %sub3A_455 = vector.broadcast %sub3A : i32 to vector<16xi32>
    %sub3A_456 = arith.subi %div3A_434, %sub3A_455 : vector<16xi32>
    %select_n3A_457 = arith.select %and3A, %sub3A_456, %div3A_434 : vector<16xi1>, vector<16xi32>
    %jit3A_458 = arith.constant 8 : i32
    %eq3A = arith.constant 0 : i32
    %eq3A_459 = arith.cmpi eq, %jit3A_458, %eq3A : i32
    %jit3A_460 = arith.constant 1 : i32
    %select_n3A_461 = arith.select %eq3A_459, %jit3A_460, %jit3A_458 : i32
    %rem3A_462 = vector.broadcast %select_n3A_461 : i32 to vector<16xi32>
    %rem3A_463 = arith.remsi %iota3A, %rem3A_462 : vector<16xi32>
    %ne3A_464 = arith.constant 0 : i32
    %ne3A_465 = vector.broadcast %ne3A_464 : i32 to vector<16xi32>
    %ne3A_466 = arith.cmpi ne, %rem3A_463, %ne3A_465 : vector<16xi32>
    %lt3A = arith.constant 0 : i32
    %lt3A_467 = vector.broadcast %lt3A : i32 to vector<16xi32>
    %lt3A_468 = arith.cmpi slt, %rem3A_463, %lt3A_467 : vector<16xi32>
    %lt3A_469 = arith.constant 0 : i32
    %lt3A_470 = arith.cmpi slt, %select_n3A_461, %lt3A_469 : i32
    %ne3A_471 = vector.broadcast %lt3A_470 : i1 to vector<16xi1>
    %ne3A_472 = vector.broadcast %ne3A_471 : vector<16xi1> to vector<16xi1>
    %ne3A_473 = arith.xori %lt3A_468, %ne3A_472 : vector<16xi1>
    %and3A_474 = arith.andi %ne3A_473, %ne3A_466 : vector<16xi1>
    %add3A_475 = vector.broadcast %select_n3A_461 : i32 to vector<16xi32>
    %add3A_476 = arith.addi %rem3A_463, %add3A_475 : vector<16xi32>
    %select_n3A_477 = arith.select %and3A_474, %add3A_476, %rem3A_463 : vector<16xi1>, vector<16xi32>
    %add3A_478 = arith.constant 2 : i32
    %add3A_479 = vector.broadcast %add3A_478 : i32 to vector<16xi32>
    %add3A_480 = arith.addi %select_n3A_457, %add3A_479 : vector<16xi32>
    %scan3A = arith.constant 0 : i32
    %scan3A_481 = arith.constant 128 : i32
    %scan3A_482 = arith.addi %scan3A, %scan3A_481 : i32
    %scan3A_483 = arith.constant 1 : i32
    scf.for %scan3A_1141 = %scan3A to %scan3A_482 step %scan3A_483  : i32 {
      %mul3A_1142 = arith.constant 1 : i32
      %mul3A_1143 = arith.muli %scan3A_1141, %mul3A_1142 : i32
      %add3A_1144 = arith.constant 0 : i32
      %add3A_1145 = arith.addi %add3A_1144, %mul3A_1143 : i32
      %jit3A_1146 = arith.constant 16 : i32
      %div3A_1147 = arith.divsi %add3A_1145, %jit3A_1146 : i32
      %sign3A_1148 = arith.constant 0 : i32
      %sign3A_1149 = arith.cmpi sgt, %add3A_1145, %sign3A_1148 : i32
      %sign3A_1150 = arith.extui %sign3A_1149 : i1 to i32
      %sign3A_1151 = arith.constant 0 : i32
      %sign3A_1152 = arith.cmpi slt, %add3A_1145, %sign3A_1151 : i32
      %sign3A_1153 = arith.extui %sign3A_1152 : i1 to i32
      %sign3A_1154 = arith.subi %sign3A_1150, %sign3A_1153 : i32
      %sign3A_1155 = arith.constant 0 : i32
      %sign3A_1156 = arith.cmpi sgt, %jit3A_1146, %sign3A_1155 : i32
      %sign3A_1157 = arith.extui %sign3A_1156 : i1 to i32
      %sign3A_1158 = arith.constant 0 : i32
      %sign3A_1159 = arith.cmpi slt, %jit3A_1146, %sign3A_1158 : i32
      %sign3A_1160 = arith.extui %sign3A_1159 : i1 to i32
      %sign3A_1161 = arith.subi %sign3A_1157, %sign3A_1160 : i32
      %ne3A_1162 = arith.cmpi ne, %sign3A_1154, %sign3A_1161 : i32
      %rem3A_1163 = arith.remsi %add3A_1145, %jit3A_1146 : i32
      %ne3A_1164 = arith.constant 0 : i32
      %ne3A_1165 = arith.cmpi ne, %rem3A_1163, %ne3A_1164 : i32
      %and3A_1166 = arith.andi %ne3A_1162, %ne3A_1165 : i1
      %sub3A_1167 = arith.constant 1 : i32
      %sub3A_1168 = arith.subi %div3A_1147, %sub3A_1167 : i32
      %select_n3A_1169 = arith.select %and3A_1166, %sub3A_1168, %div3A_1147 : i32
      %jit3A_1170 = arith.constant 16 : i32
      %eq3A_1171 = arith.constant 0 : i32
      %eq3A_1172 = arith.cmpi eq, %jit3A_1170, %eq3A_1171 : i32
      %jit3A_1173 = arith.constant 1 : i32
      %select_n3A_1174 = arith.select %eq3A_1172, %jit3A_1173, %jit3A_1170 : i32
      %rem3A_1175 = arith.remsi %add3A_1145, %select_n3A_1174 : i32
      %ne3A_1176 = arith.constant 0 : i32
      %ne3A_1177 = arith.cmpi ne, %rem3A_1175, %ne3A_1176 : i32
      %lt3A_1178 = arith.constant 0 : i32
      %lt3A_1179 = arith.cmpi slt, %rem3A_1175, %lt3A_1178 : i32
      %lt3A_1180 = arith.constant 0 : i32
      %lt3A_1181 = arith.cmpi slt, %select_n3A_1174, %lt3A_1180 : i32
      %ne3A_1182 = arith.xori %lt3A_1179, %lt3A_1181 : i1
      %and3A_1183 = arith.andi %ne3A_1182, %ne3A_1177 : i1
      %add3A_1184 = arith.addi %rem3A_1175, %select_n3A_1174 : i32
      %select_n3A_1185 = arith.select %and3A_1183, %add3A_1184, %rem3A_1175 : i32
      %mul3A_1186 = arith.constant 8 : i32
      %mul3A_1187 = arith.muli %select_n3A_1185, %mul3A_1186 : i32
      %add3A_1188 = vector.broadcast %select_n3A_1169 : i32 to vector<16xi32>
      %add3A_1189 = arith.addi %broadcast_in_dim3A_432, %add3A_1188 : vector<16xi32>
      %add3A_1190 = arith.constant 0 : i32
      %add3A_1191 = arith.addi %mul3A_1187, %add3A_1190 : i32
      %get3A = arith.constant 0 : i32
      %get3A_1192 = arith.index_cast %get3A : i32 to index
      %get3A_1193 = arith.index_cast %select_n3A_1169 : i32 to index
      %get3A_1194 = arith.index_cast %add3A_1191 : i32 to index
      %get3A_1195 = arith.constant 0 : index
      %get3A_1196 = tpu.vector_load %arg6[%get3A_1192, %get3A_1193, %get3A_1194, %get3A_1195] {strides = array<i32>} : memref<2x8x128x32xf32, #tpu.memory_space<vmem>>, vector<16xf32>,
      %add3A_1197 = arith.constant 0 : i32
      %add3A_1198 = arith.addi %mul3A_1187, %add3A_1197 : i32
      %get3A_1199 = arith.constant 0 : i32
      %get3A_1200 = arith.index_cast %get3A_1199 : i32 to index
      %get3A_1201 = arith.index_cast %select_n3A_1169 : i32 to index
      %get3A_1202 = arith.index_cast %add3A_1198 : i32 to index
      %get3A_1203 = arith.constant 16 : index
      %get3A_1204 = tpu.vector_load %arg6[%get3A_1200, %get3A_1201, %get3A_1202, %get3A_1203] {strides = array<i32>} : memref<2x8x128x32xf32, #tpu.memory_space<vmem>>, vector<16xf32>,
      %add3A_1205 = arith.constant 1 : i32
      %add3A_1206 = arith.addi %mul3A_1187, %add3A_1205 : i32
      %get3A_1207 = arith.constant 0 : i32
      %get3A_1208 = arith.index_cast %get3A_1207 : i32 to index
      %get3A_1209 = arith.index_cast %select_n3A_1169 : i32 to index
      %get3A_1210 = arith.index_cast %add3A_1206 : i32 to index
      %get3A_1211 = arith.constant 0 : index
      %get3A_1212 = tpu.vector_load %arg6[%get3A_1208, %get3A_1209, %get3A_1210, %get3A_1211] {strides = array<i32>} : memref<2x8x128x32xf32, #tpu.memory_space<vmem>>, vector<16xf32>,
      %add3A_1213 = arith.constant 1 : i32
      %add3A_1214 = arith.addi %mul3A_1187, %add3A_1213 : i32
      %get3A_1215 = arith.constant 0 : i32
      %get3A_1216 = arith.index_cast %get3A_1215 : i32 to index
      %get3A_1217 = arith.index_cast %select_n3A_1169 : i32 to index
      %get3A_1218 = arith.index_cast %add3A_1214 : i32 to index
      %get3A_1219 = arith.constant 16 : index
      %get3A_1220 = tpu.vector_load %arg6[%get3A_1216, %get3A_1217, %get3A_1218, %get3A_1219] {strides = array<i32>} : memref<2x8x128x32xf32, #tpu.memory_space<vmem>>, vector<16xf32>,
      %add3A_1221 = arith.constant 2 : i32
      %add3A_1222 = arith.addi %mul3A_1187, %add3A_1221 : i32
      %get3A_1223 = arith.constant 0 : i32
      %get3A_1224 = arith.index_cast %get3A_1223 : i32 to index
      %get3A_1225 = arith.index_cast %select_n3A_1169 : i32 to index
      %get3A_1226 = arith.index_cast %add3A_1222 : i32 to index
      %get3A_1227 = arith.constant 0 : index
      %get3A_1228 = tpu.vector_load %arg6[%get3A_1224, %get3A_1225, %get3A_1226, %get3A_1227] {strides = array<i32>} : memref<2x8x128x32xf32, #tpu.memory_space<vmem>>, vector<16xf32>,
      %add3A_1229 = arith.constant 2 : i32
      %add3A_1230 = arith.addi %mul3A_1187, %add3A_1229 : i32
      %get3A_1231 = arith.constant 0 : i32
      %get3A_1232 = arith.index_cast %get3A_1231 : i32 to index
      %get3A_1233 = arith.index_cast %select_n3A_1169 : i32 to index
      %get3A_1234 = arith.index_cast %add3A_1230 : i32 to index
      %get3A_1235 = arith.constant 16 : index
      %get3A_1236 = tpu.vector_load %arg6[%get3A_1232, %get3A_1233, %get3A_1234, %get3A_1235] {strides = array<i32>} : memref<2x8x128x32xf32, #tpu.memory_space<vmem>>, vector<16xf32>,
      %add3A_1237 = arith.constant 3 : i32
      %add3A_1238 = arith.addi %mul3A_1187, %add3A_1237 : i32
      %get3A_1239 = arith.constant 0 : i32
      %get3A_1240 = arith.index_cast %get3A_1239 : i32 to index
      %get3A_1241 = arith.index_cast %select_n3A_1169 : i32 to index
      %get3A_1242 = arith.index_cast %add3A_1238 : i32 to index
      %get3A_1243 = arith.constant 0 : index
      %get3A_1244 = tpu.vector_load %arg6[%get3A_1240, %get3A_1241, %get3A_1242, %get3A_1243] {strides = array<i32>} : memref<2x8x128x32xf32, #tpu.memory_space<vmem>>, vector<16xf32>,
      %add3A_1245 = arith.constant 3 : i32
      %add3A_1246 = arith.addi %mul3A_1187, %add3A_1245 : i32
      %get3A_1247 = arith.constant 0 : i32
      %get3A_1248 = arith.index_cast %get3A_1247 : i32 to index
      %get3A_1249 = arith.index_cast %select_n3A_1169 : i32 to index
      %get3A_1250 = arith.index_cast %add3A_1246 : i32 to index
      %get3A_1251 = arith.constant 16 : index
      %get3A_1252 = tpu.vector_load %arg6[%get3A_1248, %get3A_1249, %get3A_1250, %get3A_1251] {strides = array<i32>} : memref<2x8x128x32xf32, #tpu.memory_space<vmem>>, vector<16xf32>,
      %add3A_1253 = arith.constant 4 : i32
      %add3A_1254 = arith.addi %mul3A_1187, %add3A_1253 : i32
      %get3A_1255 = arith.constant 0 : i32
      %get3A_1256 = arith.index_cast %get3A_1255 : i32 to index
      %get3A_1257 = arith.index_cast %select_n3A_1169 : i32 to index
      %get3A_1258 = arith.index_cast %add3A_1254 : i32 to index
      %get3A_1259 = arith.constant 0 : index
      %get3A_1260 = tpu.vector_load %arg6[%get3A_1256, %get3A_1257, %get3A_1258, %get3A_1259] {strides = array<i32>} : memref<2x8x128x32xf32, #tpu.memory_space<vmem>>, vector<16xf32>,
      %add3A_1261 = arith.constant 4 : i32
      %add3A_1262 = arith.addi %mul3A_1187, %add3A_1261 : i32
      %get3A_1263 = arith.constant 0 : i32
      %get3A_1264 = arith.index_cast %get3A_1263 : i32 to index
      %get3A_1265 = arith.index_cast %select_n3A_1169 : i32 to index
      %get3A_1266 = arith.index_cast %add3A_1262 : i32 to index
      %get3A_1267 = arith.constant 16 : index
      %get3A_1268 = tpu.vector_load %arg6[%get3A_1264, %get3A_1265, %get3A_1266, %get3A_1267] {strides = array<i32>} : memref<2x8x128x32xf32, #tpu.memory_space<vmem>>, vector<16xf32>,
      %add3A_1269 = arith.constant 5 : i32
      %add3A_1270 = arith.addi %mul3A_1187, %add3A_1269 : i32
      %get3A_1271 = arith.constant 0 : i32
      %get3A_1272 = arith.index_cast %get3A_1271 : i32 to index
      %get3A_1273 = arith.index_cast %select_n3A_1169 : i32 to index
      %get3A_1274 = arith.index_cast %add3A_1270 : i32 to index
      %get3A_1275 = arith.constant 0 : index
      %get3A_1276 = tpu.vector_load %arg6[%get3A_1272, %get3A_1273, %get3A_1274, %get3A_1275] {strides = array<i32>} : memref<2x8x128x32xf32, #tpu.memory_space<vmem>>, vector<16xf32>,
      %add3A_1277 = arith.constant 5 : i32
      %add3A_1278 = arith.addi %mul3A_1187, %add3A_1277 : i32
      %get3A_1279 = arith.constant 0 : i32
      %get3A_1280 = arith.index_cast %get3A_1279 : i32 to index
      %get3A_1281 = arith.index_cast %select_n3A_1169 : i32 to index
      %get3A_1282 = arith.index_cast %add3A_1278 : i32 to index
      %get3A_1283 = arith.constant 16 : index
      %get3A_1284 = tpu.vector_load %arg6[%get3A_1280, %get3A_1281, %get3A_1282, %get3A_1283] {strides = array<i32>} : memref<2x8x128x32xf32, #tpu.memory_space<vmem>>, vector<16xf32>,
      %add3A_1285 = arith.constant 6 : i32
      %add3A_1286 = arith.addi %mul3A_1187, %add3A_1285 : i32
      %get3A_1287 = arith.constant 0 : i32
      %get3A_1288 = arith.index_cast %get3A_1287 : i32 to index
      %get3A_1289 = arith.index_cast %select_n3A_1169 : i32 to index
      %get3A_1290 = arith.index_cast %add3A_1286 : i32 to index
      %get3A_1291 = arith.constant 0 : index
      %get3A_1292 = tpu.vector_load %arg6[%get3A_1288, %get3A_1289, %get3A_1290, %get3A_1291] {strides = array<i32>} : memref<2x8x128x32xf32, #tpu.memory_space<vmem>>, vector<16xf32>,
      %add3A_1293 = arith.constant 6 : i32
      %add3A_1294 = arith.addi %mul3A_1187, %add3A_1293 : i32
      %get3A_1295 = arith.constant 0 : i32
      %get3A_1296 = arith.index_cast %get3A_1295 : i32 to index
      %get3A_1297 = arith.index_cast %select_n3A_1169 : i32 to index
      %get3A_1298 = arith.index_cast %add3A_1294 : i32 to index
      %get3A_1299 = arith.constant 16 : index
      %get3A_1300 = tpu.vector_load %arg6[%get3A_1296, %get3A_1297, %get3A_1298, %get3A_1299] {strides = array<i32>} : memref<2x8x128x32xf32, #tpu.memory_space<vmem>>, vector<16xf32>,
      %add3A_1301 = arith.constant 7 : i32
      %add3A_1302 = arith.addi %mul3A_1187, %add3A_1301 : i32
      %get3A_1303 = arith.constant 0 : i32
      %get3A_1304 = arith.index_cast %get3A_1303 : i32 to index
      %get3A_1305 = arith.index_cast %select_n3A_1169 : i32 to index
      %get3A_1306 = arith.index_cast %add3A_1302 : i32 to index
      %get3A_1307 = arith.constant 0 : index
      %get3A_1308 = tpu.vector_load %arg6[%get3A_1304, %get3A_1305, %get3A_1306, %get3A_1307] {strides = array<i32>} : memref<2x8x128x32xf32, #tpu.memory_space<vmem>>, vector<16xf32>,
      %add3A_1309 = arith.constant 7 : i32
      %add3A_1310 = arith.addi %mul3A_1187, %add3A_1309 : i32
      %get3A_1311 = arith.constant 0 : i32
      %get3A_1312 = arith.index_cast %get3A_1311 : i32 to index
      %get3A_1313 = arith.index_cast %select_n3A_1169 : i32 to index
      %get3A_1314 = arith.index_cast %add3A_1310 : i32 to index
      %get3A_1315 = arith.constant 16 : index
      %get3A_1316 = tpu.vector_load %arg6[%get3A_1312, %get3A_1313, %get3A_1314, %get3A_1315] {strides = array<i32>} : memref<2x8x128x32xf32, #tpu.memory_space<vmem>>, vector<16xf32>,
      %add3A_1317 = arith.constant 0 : i32
      %add3A_1318 = arith.addi %mul3A_1187, %add3A_1317 : i32
      %add3A_1319 = vector.broadcast %add3A_1318 : i32 to vector<16xi32>
      %add3A_1320 = arith.addi %broadcast_in_dim3A_432, %add3A_1319 : vector<16xi32>
      tpu.vector_store_idx %arg7[%add3A_1189, %select_n3A_457, %select_n3A_477, %add3A_1320], %get3A_1196 : memref<8x4x8x129xf32, #tpu.memory_space<vmem>>[vector<16xi32>, vector<16xi32>, vector<16xi32>, vector<16xi32>], vector<16xf32>,
      tpu.vector_store_idx %arg7[%add3A_1189, %add3A_480, %select_n3A_477, %add3A_1320], %get3A_1204 : memref<8x4x8x129xf32, #tpu.memory_space<vmem>>[vector<16xi32>, vector<16xi32>, vector<16xi32>, vector<16xi32>], vector<16xf32>,
      %add3A_1321 = arith.constant 1 : i32
      %add3A_1322 = arith.addi %mul3A_1187, %add3A_1321 : i32
      %add3A_1323 = vector.broadcast %add3A_1322 : i32 to vector<16xi32>
      %add3A_1324 = arith.addi %broadcast_in_dim3A_432, %add3A_1323 : vector<16xi32>
      tpu.vector_store_idx %arg7[%add3A_1189, %select_n3A_457, %select_n3A_477, %add3A_1324], %get3A_1212 : memref<8x4x8x129xf32, #tpu.memory_space<vmem>>[vector<16xi32>, vector<16xi32>, vector<16xi32>, vector<16xi32>], vector<16xf32>,
      tpu.vector_store_idx %arg7[%add3A_1189, %add3A_480, %select_n3A_477, %add3A_1324], %get3A_1220 : memref<8x4x8x129xf32, #tpu.memory_space<vmem>>[vector<16xi32>, vector<16xi32>, vector<16xi32>, vector<16xi32>], vector<16xf32>,
      %add3A_1325 = arith.constant 2 : i32
      %add3A_1326 = arith.addi %mul3A_1187, %add3A_1325 : i32
      %add3A_1327 = vector.broadcast %add3A_1326 : i32 to vector<16xi32>
      %add3A_1328 = arith.addi %broadcast_in_dim3A_432, %add3A_1327 : vector<16xi32>
      tpu.vector_store_idx %arg7[%add3A_1189, %select_n3A_457, %select_n3A_477, %add3A_1328], %get3A_1228 : memref<8x4x8x129xf32, #tpu.memory_space<vmem>>[vector<16xi32>, vector<16xi32>, vector<16xi32>, vector<16xi32>], vector<16xf32>,
      tpu.vector_store_idx %arg7[%add3A_1189, %add3A_480, %select_n3A_477, %add3A_1328], %get3A_1236 : memref<8x4x8x129xf32, #tpu.memory_space<vmem>>[vector<16xi32>, vector<16xi32>, vector<16xi32>, vector<16xi32>], vector<16xf32>,
      %add3A_1329 = arith.constant 3 : i32
      %add3A_1330 = arith.addi %mul3A_1187, %add3A_1329 : i32
      %add3A_1331 = vector.broadcast %add3A_1330 : i32 to vector<16xi32>
      %add3A_1332 = arith.addi %broadcast_in_dim3A_432, %add3A_1331 : vector<16xi32>
      tpu.vector_store_idx %arg7[%add3A_1189, %select_n3A_457, %select_n3A_477, %add3A_1332], %get3A_1244 : memref<8x4x8x129xf32, #tpu.memory_space<vmem>>[vector<16xi32>, vector<16xi32>, vector<16xi32>, vector<16xi32>], vector<16xf32>,
      tpu.vector_store_idx %arg7[%add3A_1189, %add3A_480, %select_n3A_477, %add3A_1332], %get3A_1252 : memref<8x4x8x129xf32, #tpu.memory_space<vmem>>[vector<16xi32>, vector<16xi32>, vector<16xi32>, vector<16xi32>], vector<16xf32>,
      %add3A_1333 = arith.constant 4 : i32
      %add3A_1334 = arith.addi %mul3A_1187, %add3A_1333 : i32
      %add3A_1335 = vector.broadcast %add3A_1334 : i32 to vector<16xi32>
      %add3A_1336 = arith.addi %broadcast_in_dim3A_432, %add3A_1335 : vector<16xi32>
      tpu.vector_store_idx %arg7[%add3A_1189, %select_n3A_457, %select_n3A_477, %add3A_1336], %get3A_1260 : memref<8x4x8x129xf32, #tpu.memory_space<vmem>>[vector<16xi32>, vector<16xi32>, vector<16xi32>, vector<16xi32>], vector<16xf32>,
      tpu.vector_store_idx %arg7[%add3A_1189, %add3A_480, %select_n3A_477, %add3A_1336], %get3A_1268 : memref<8x4x8x129xf32, #tpu.memory_space<vmem>>[vector<16xi32>, vector<16xi32>, vector<16xi32>, vector<16xi32>], vector<16xf32>,
      %add3A_1337 = arith.constant 5 : i32
      %add3A_1338 = arith.addi %mul3A_1187, %add3A_1337 : i32
      %add3A_1339 = vector.broadcast %add3A_1338 : i32 to vector<16xi32>
      %add3A_1340 = arith.addi %broadcast_in_dim3A_432, %add3A_1339 : vector<16xi32>
      tpu.vector_store_idx %arg7[%add3A_1189, %select_n3A_457, %select_n3A_477, %add3A_1340], %get3A_1276 : memref<8x4x8x129xf32, #tpu.memory_space<vmem>>[vector<16xi32>, vector<16xi32>, vector<16xi32>, vector<16xi32>], vector<16xf32>,
      tpu.vector_store_idx %arg7[%add3A_1189, %add3A_480, %select_n3A_477, %add3A_1340], %get3A_1284 : memref<8x4x8x129xf32, #tpu.memory_space<vmem>>[vector<16xi32>, vector<16xi32>, vector<16xi32>, vector<16xi32>], vector<16xf32>,
      %add3A_1341 = arith.constant 6 : i32
      %add3A_1342 = arith.addi %mul3A_1187, %add3A_1341 : i32
      %add3A_1343 = vector.broadcast %add3A_1342 : i32 to vector<16xi32>
      %add3A_1344 = arith.addi %broadcast_in_dim3A_432, %add3A_1343 : vector<16xi32>
      tpu.vector_store_idx %arg7[%add3A_1189, %select_n3A_457, %select_n3A_477, %add3A_1344], %get3A_1292 : memref<8x4x8x129xf32, #tpu.memory_space<vmem>>[vector<16xi32>, vector<16xi32>, vector<16xi32>, vector<16xi32>], vector<16xf32>,
      tpu.vector_store_idx %arg7[%add3A_1189, %add3A_480, %select_n3A_477, %add3A_1344], %get3A_1300 : memref<8x4x8x129xf32, #tpu.memory_space<vmem>>[vector<16xi32>, vector<16xi32>, vector<16xi32>, vector<16xi32>], vector<16xf32>,
      %add3A_1345 = arith.constant 7 : i32
      %add3A_1346 = arith.addi %mul3A_1187, %add3A_1345 : i32
      %add3A_1347 = vector.broadcast %add3A_1346 : i32 to vector<16xi32>
      %add3A_1348 = arith.addi %broadcast_in_dim3A_432, %add3A_1347 : vector<16xi32>
      tpu.vector_store_idx %arg7[%add3A_1189, %select_n3A_457, %select_n3A_477, %add3A_1348], %get3A_1308 : memref<8x4x8x129xf32, #tpu.memory_space<vmem>>[vector<16xi32>, vector<16xi32>, vector<16xi32>, vector<16xi32>], vector<16xf32>,
      tpu.vector_store_idx %arg7[%add3A_1189, %add3A_480, %select_n3A_477, %add3A_1348], %get3A_1316 : memref<8x4x8x129xf32, #tpu.memory_space<vmem>>[vector<16xi32>, vector<16xi32>, vector<16xi32>, vector<16xi32>], vector<16xf32>,
    }
    %scan3A_484 = arith.constant 128 : i32
    %dma_start3A_485 = arith.constant 0 : i32
    %dma_start3A_486 = arith.constant 0 : i32
    %dma_start3A_487 = arith.constant 0 : i32
    %dma_start3A_488 = arith.constant 0 : i32
    %dma_start3A_489 = tpu.memref_slice %arg7[%dma_start3A_485, %dma_start3A_486, %dma_start3A_487, %dma_start3A_488] : memref<8x4x8x129xf32, #tpu.memory_space<vmem>> -> memref<8x4x8x128xf32, #tpu.memory_space<vmem>>
    %dma_start3A_490 = arith.constant 0 : i32
    %dma_start3A_491 = arith.constant 0 : i32
    %dma_start3A_492 = arith.constant 0 : i32
    %dma_start3A_493 = arith.constant 0 : i32
    %dma_start3A_494 = tpu.memref_slice %arg4[%dma_start3A_490, %dma_start3A_491, %add3A, %dma_start3A_492, %dma_start3A_493] : memref<200x4x32x8x128xf32, #tpu.memory_space<hbm>> -> memref<8x4x1x8x128xf32, #tpu.memory_space<hbm>>
    %dma_start3A_495 = tpu.memref_squeeze %dma_start3A_494 : memref<8x4x1x8x128xf32, #tpu.memory_space<hbm>> -> memref<8x4x8x128xf32, #tpu.memory_space<hbm>>
    %dma_start3A_496 = arith.constant 0 : i32
    %dma_start3A_497 = arith.constant 0 : i32
    %dma_start3A_498 = arith.constant 0 : i32
    %dma_start3A_499 = arith.constant 0 : i32
    %dma_start3A_500 = tpu.memref_slice %arg4[%dma_start3A_496, %dma_start3A_497, %add3A, %dma_start3A_498, %dma_start3A_499] : memref<200x4x32x8x128xf32, #tpu.memory_space<hbm>> -> memref<8x4x1x8x128xf32, #tpu.memory_space<hbm>>
    %dma_start3A_501 = tpu.memref_squeeze %dma_start3A_500 : memref<8x4x1x8x128xf32, #tpu.memory_space<hbm>> -> memref<8x4x8x128xf32, #tpu.memory_space<hbm>>
    %dma_start3A_502 = arith.constant 0 : i32
    %dma_start3A_503 = arith.constant 0 : i32
    %dma_start3A_504 = arith.constant 0 : i32
    %dma_start3A_505 = arith.constant 0 : i32
    %dma_start3A_506 = tpu.memref_slice %arg7[%dma_start3A_502, %dma_start3A_503, %dma_start3A_504, %dma_start3A_505] : memref<8x4x8x129xf32, #tpu.memory_space<vmem>> -> memref<8x4x8x128xf32, #tpu.memory_space<vmem>>
    tpu.enqueue_dma source(%dma_start3A_506 : memref<8x4x8x128xf32, #tpu.memory_space<vmem>>) target(%dma_start3A_501 : memref<8x4x8x128xf32, #tpu.memory_space<hbm>>) target_semaphore(%arg12 : memref<!tpu.dma_semaphore, #tpu.memory_space<semaphore_mem>>)
    %scan3A_507 = arith.constant 0 : i32
    %scan3A_508 = arith.constant 11 : i32
    %scan3A_509 = arith.addi %scan3A_507, %scan3A_508 : i32
    %scan3A_510 = arith.constant 1 : i32
    scf.for %scan3A_1141 = %scan3A_507 to %scan3A_509 step %scan3A_510  : i32 {
      %mul3A_1142 = arith.constant 1 : i32
      %mul3A_1143 = arith.muli %scan3A_1141, %mul3A_1142 : i32
      %add3A_1144 = arith.constant 0 : i32
      %add3A_1145 = arith.addi %add3A_1144, %mul3A_1143 : i32
      %mul3A_1146 = arith.constant 2 : i32
      %mul3A_1147 = arith.muli %mul3A_1146, %add3A_1145 : i32
      %add3A_1148 = arith.constant 1 : i32
      %add3A_1149 = arith.addi %add3A_1148, %mul3A_1147 : i32
      %add3A_1150 = arith.constant 0 : i32
      %add3A_1151 = arith.addi %add3A_1149, %add3A_1150 : i32
      %dma_wait3A_1152 = arith.constant 0 : i32
      %dma_wait3A_1153 = arith.constant 0 : i32
      %dma_wait3A_1154 = arith.constant 0 : i32
      %dma_wait3A_1155 = arith.constant 0 : i32
      %dma_wait3A_1156 = tpu.memref_slice %arg5[%dma_wait3A_1153, %dma_wait3A_1154, %dma_wait3A_1155] : memref<2x8x128xi32, #tpu.memory_space<vmem>> -> memref<1x8x128xi32, #tpu.memory_space<vmem>>
      %dma_wait3A_1157 = tpu.memref_squeeze %dma_wait3A_1156 : memref<1x8x128xi32, #tpu.memory_space<vmem>> -> memref<8x128xi32, #tpu.memory_space<vmem>>
      %dma_wait3A_1158 = arith.constant 0 : i32
      %dma_wait3A_1159 = arith.constant 0 : i32
      %dma_wait3A_1160 = tpu.memref_slice %arg2[%dma_wait3A_1152, %add3A, %dma_wait3A_1158, %dma_wait3A_1159] : memref<25x32x8x128xi32, #tpu.memory_space<hbm>> -> memref<1x1x8x128xi32, #tpu.memory_space<hbm>>
      %dma_wait3A_1161 = tpu.memref_squeeze %dma_wait3A_1160 : memref<1x1x8x128xi32, #tpu.memory_space<hbm>> -> memref<8x128xi32, #tpu.memory_space<hbm>>
      %dma_wait3A_1162 = arith.constant 0 : i32
      %dma_wait3A_1163 = arith.constant 0 : i32
      %dma_wait3A_1164 = tpu.memref_slice %arg5[%dma_wait3A_1153, %dma_wait3A_1162, %dma_wait3A_1163] : memref<2x8x128xi32, #tpu.memory_space<vmem>> -> memref<1x8x128xi32, #tpu.memory_space<vmem>>
      %dma_wait3A_1165 = tpu.memref_squeeze %dma_wait3A_1164 : memref<1x8x128xi32, #tpu.memory_space<vmem>> -> memref<8x128xi32, #tpu.memory_space<vmem>>
      %dma_wait3A_1166 = arith.constant 0 : i32
      %dma_wait3A_1167 = arith.constant 0 : i32
      %dma_wait3A_1168 = tpu.memref_slice %arg2[%dma_wait3A_1152, %add3A, %dma_wait3A_1166, %dma_wait3A_1167] : memref<25x32x8x128xi32, #tpu.memory_space<hbm>> -> memref<1x1x8x128xi32, #tpu.memory_space<hbm>>
      %dma_wait3A_1169 = tpu.memref_squeeze %dma_wait3A_1168 : memref<1x1x8x128xi32, #tpu.memory_space<hbm>> -> memref<8x128xi32, #tpu.memory_space<hbm>>
      tpu.wait_dma2 semaphore(%arg8 : memref<!tpu.dma_semaphore, #tpu.memory_space<semaphore_mem>>) src(%dma_wait3A_1169 : memref<8x128xi32, #tpu.memory_space<hbm>>) dst(%dma_wait3A_1165 : memref<8x128xi32, #tpu.memory_space<vmem>>)
      %dma_start3A_1170 = arith.constant 0 : i32
      %dma_start3A_1171 = arith.constant 0 : i32
      %dma_start3A_1172 = arith.constant 0 : i32
      %dma_start3A_1173 = arith.constant 0 : i32
      %dma_start3A_1174 = arith.constant 0 : i32
      %dma_start3A_1175 = arith.constant 0 : i32
      %dma_start3A_1176 = tpu.memref_slice %arg6[%dma_start3A_1172, %dma_start3A_1173, %dma_start3A_1174, %dma_start3A_1175] : memref<2x8x128x32xf32, #tpu.memory_space<vmem>> -> memref<1x1x128x32xf32, #tpu.memory_space<vmem>>
      %dma_start3A_1177 = tpu.memref_squeeze %dma_start3A_1176 : memref<1x1x128x32xf32, #tpu.memory_space<vmem>> -> memref<128x32xf32, #tpu.memory_space<vmem>>
      %dma_start3A_1178 = arith.constant 0 : i32
      %dma_start3A_1179 = tpu.memref_slice %arg5[%dma_start3A_1170, %dma_start3A_1171, %dma_start3A_1178] : memref<2x8x128xi32, #tpu.memory_space<vmem>> -> memref<1x1x128xi32, #tpu.memory_space<vmem>>
      %dma_start3A_1180 = tpu.memref_squeeze %dma_start3A_1179 : memref<1x1x128xi32, #tpu.memory_space<vmem>> -> memref<128xi32, #tpu.memory_space<vmem>>
      %dma_start3A_1181 = arith.constant 0 : i32
      %dma_start3A_1182 = arith.constant 0 : i32
      %dma_start3A_1183 = tpu.memref_slice %arg3[%dma_start3A_1181, %dma_start3A_1182] : memref<100001x32xf32, #tpu.memory_space<hbm>> -> memref<100001x32xf32, #tpu.memory_space<hbm>>
      tpu.enqueue_indirect_dma source(%dma_start3A_1183 : memref<100001x32xf32, #tpu.memory_space<hbm>>) target(%dma_start3A_1177 : memref<128x32xf32, #tpu.memory_space<vmem>>) offsets(%dma_start3A_1180 : memref<128xi32, #tpu.memory_space<vmem>>) semaphore(%arg10 : memref<!tpu.dma_semaphore, #tpu.memory_space<semaphore_mem>>)
      %dma_start3A_1184 = arith.constant 0 : i32
      %dma_start3A_1185 = arith.constant 1 : i32
      %dma_start3A_1186 = arith.constant 0 : i32
      %dma_start3A_1187 = arith.constant 1 : i32
      %dma_start3A_1188 = arith.constant 0 : i32
      %dma_start3A_1189 = arith.constant 0 : i32
      %dma_start3A_1190 = tpu.memref_slice %arg6[%dma_start3A_1186, %dma_start3A_1187, %dma_start3A_1188, %dma_start3A_1189] : memref<2x8x128x32xf32, #tpu.memory_space<vmem>> -> memref<1x1x128x32xf32, #tpu.memory_space<vmem>>
      %dma_start3A_1191 = tpu.memref_squeeze %dma_start3A_1190 : memref<1x1x128x32xf32, #tpu.memory_space<vmem>> -> memref<128x32xf32, #tpu.memory_space<vmem>>
      %dma_start3A_1192 = arith.constant 0 : i32
      %dma_start3A_1193 = tpu.memref_slice %arg5[%dma_start3A_1184, %dma_start3A_1185, %dma_start3A_1192] : memref<2x8x128xi32, #tpu.memory_space<vmem>> -> memref<1x1x128xi32, #tpu.memory_space<vmem>>
      %dma_start3A_1194 = tpu.memref_squeeze %dma_start3A_1193 : memref<1x1x128xi32, #tpu.memory_space<vmem>> -> memref<128xi32, #tpu.memory_space<vmem>>
      %dma_start3A_1195 = arith.constant 0 : i32
      %dma_start3A_1196 = arith.constant 0 : i32
      %dma_start3A_1197 = tpu.memref_slice %arg3[%dma_start3A_1195, %dma_start3A_1196] : memref<100001x32xf32, #tpu.memory_space<hbm>> -> memref<100001x32xf32, #tpu.memory_space<hbm>>
      tpu.enqueue_indirect_dma source(%dma_start3A_1197 : memref<100001x32xf32, #tpu.memory_space<hbm>>) target(%dma_start3A_1191 : memref<128x32xf32, #tpu.memory_space<vmem>>) offsets(%dma_start3A_1194 : memref<128xi32, #tpu.memory_space<vmem>>) semaphore(%arg10 : memref<!tpu.dma_semaphore, #tpu.memory_space<semaphore_mem>>)
      %dma_start3A_1198 = arith.constant 0 : i32
      %dma_start3A_1199 = arith.constant 2 : i32
      %dma_start3A_1200 = arith.constant 0 : i32
      %dma_start3A_1201 = arith.constant 2 : i32
      %dma_start3A_1202 = arith.constant 0 : i32
      %dma_start3A_1203 = arith.constant 0 : i32
      %dma_start3A_1204 = tpu.memref_slice %arg6[%dma_start3A_1200, %dma_start3A_1201, %dma_start3A_1202, %dma_start3A_1203] : memref<2x8x128x32xf32, #tpu.memory_space<vmem>> -> memref<1x1x128x32xf32, #tpu.memory_space<vmem>>
      %dma_start3A_1205 = tpu.memref_squeeze %dma_start3A_1204 : memref<1x1x128x32xf32, #tpu.memory_space<vmem>> -> memref<128x32xf32, #tpu.memory_space<vmem>>
      %dma_start3A_1206 = arith.constant 0 : i32
      %dma_start3A_1207 = tpu.memref_slice %arg5[%dma_start3A_1198, %dma_start3A_1199, %dma_start3A_1206] : memref<2x8x128xi32, #tpu.memory_space<vmem>> -> memref<1x1x128xi32, #tpu.memory_space<vmem>>
      %dma_start3A_1208 = tpu.memref_squeeze %dma_start3A_1207 : memref<1x1x128xi32, #tpu.memory_space<vmem>> -> memref<128xi32, #tpu.memory_space<vmem>>
      %dma_start3A_1209 = arith.constant 0 : i32
      %dma_start3A_1210 = arith.constant 0 : i32
      %dma_start3A_1211 = tpu.memref_slice %arg3[%dma_start3A_1209, %dma_start3A_1210] : memref<100001x32xf32, #tpu.memory_space<hbm>> -> memref<100001x32xf32, #tpu.memory_space<hbm>>
      tpu.enqueue_indirect_dma source(%dma_start3A_1211 : memref<100001x32xf32, #tpu.memory_space<hbm>>) target(%dma_start3A_1205 : memref<128x32xf32, #tpu.memory_space<vmem>>) offsets(%dma_start3A_1208 : memref<128xi32, #tpu.memory_space<vmem>>) semaphore(%arg10 : memref<!tpu.dma_semaphore, #tpu.memory_space<semaphore_mem>>)
      %dma_start3A_1212 = arith.constant 0 : i32
      %dma_start3A_1213 = arith.constant 3 : i32
      %dma_start3A_1214 = arith.constant 0 : i32
      %dma_start3A_1215 = arith.constant 3 : i32
      %dma_start3A_1216 = arith.constant 0 : i32
      %dma_start3A_1217 = arith.constant 0 : i32
      %dma_start3A_1218 = tpu.memref_slice %arg6[%dma_start3A_1214, %dma_start3A_1215, %dma_start3A_1216, %dma_start3A_1217] : memref<2x8x128x32xf32, #tpu.memory_space<vmem>> -> memref<1x1x128x32xf32, #tpu.memory_space<vmem>>
      %dma_start3A_1219 = tpu.memref_squeeze %dma_start3A_1218 : memref<1x1x128x32xf32, #tpu.memory_space<vmem>> -> memref<128x32xf32, #tpu.memory_space<vmem>>
      %dma_start3A_1220 = arith.constant 0 : i32
      %dma_start3A_1221 = tpu.memref_slice %arg5[%dma_start3A_1212, %dma_start3A_1213, %dma_start3A_1220] : memref<2x8x128xi32, #tpu.memory_space<vmem>> -> memref<1x1x128xi32, #tpu.memory_space<vmem>>
      %dma_start3A_1222 = tpu.memref_squeeze %dma_start3A_1221 : memref<1x1x128xi32, #tpu.memory_space<vmem>> -> memref<128xi32, #tpu.memory_space<vmem>>
      %dma_start3A_1223 = arith.constant 0 : i32
      %dma_start3A_1224 = arith.constant 0 : i32
      %dma_start3A_1225 = tpu.memref_slice %arg3[%dma_start3A_1223, %dma_start3A_1224] : memref<100001x32xf32, #tpu.memory_space<hbm>> -> memref<100001x32xf32, #tpu.memory_space<hbm>>
      tpu.enqueue_indirect_dma source(%dma_start3A_1225 : memref<100001x32xf32, #tpu.memory_space<hbm>>) target(%dma_start3A_1219 : memref<128x32xf32, #tpu.memory_space<vmem>>) offsets(%dma_start3A_1222 : memref<128xi32, #tpu.memory_space<vmem>>) semaphore(%arg10 : memref<!tpu.dma_semaphore, #tpu.memory_space<semaphore_mem>>)
      %dma_start3A_1226 = arith.constant 0 : i32
      %dma_start3A_1227 = arith.constant 4 : i32
      %dma_start3A_1228 = arith.constant 0 : i32
      %dma_start3A_1229 = arith.constant 4 : i32
      %dma_start3A_1230 = arith.constant 0 : i32
      %dma_start3A_1231 = arith.constant 0 : i32
      %dma_start3A_1232 = tpu.memref_slice %arg6[%dma_start3A_1228, %dma_start3A_1229, %dma_start3A_1230, %dma_start3A_1231] : memref<2x8x128x32xf32, #tpu.memory_space<vmem>> -> memref<1x1x128x32xf32, #tpu.memory_space<vmem>>
      %dma_start3A_1233 = tpu.memref_squeeze %dma_start3A_1232 : memref<1x1x128x32xf32, #tpu.memory_space<vmem>> -> memref<128x32xf32, #tpu.memory_space<vmem>>
      %dma_start3A_1234 = arith.constant 0 : i32
      %dma_start3A_1235 = tpu.memref_slice %arg5[%dma_start3A_1226, %dma_start3A_1227, %dma_start3A_1234] : memref<2x8x128xi32, #tpu.memory_space<vmem>> -> memref<1x1x128xi32, #tpu.memory_space<vmem>>
      %dma_start3A_1236 = tpu.memref_squeeze %dma_start3A_1235 : memref<1x1x128xi32, #tpu.memory_space<vmem>> -> memref<128xi32, #tpu.memory_space<vmem>>
      %dma_start3A_1237 = arith.constant 0 : i32
      %dma_start3A_1238 = arith.constant 0 : i32
      %dma_start3A_1239 = tpu.memref_slice %arg3[%dma_start3A_1237, %dma_start3A_1238] : memref<100001x32xf32, #tpu.memory_space<hbm>> -> memref<100001x32xf32, #tpu.memory_space<hbm>>
      tpu.enqueue_indirect_dma source(%dma_start3A_1239 : memref<100001x32xf32, #tpu.memory_space<hbm>>) target(%dma_start3A_1233 : memref<128x32xf32, #tpu.memory_space<vmem>>) offsets(%dma_start3A_1236 : memref<128xi32, #tpu.memory_space<vmem>>) semaphore(%arg10 : memref<!tpu.dma_semaphore, #tpu.memory_space<semaphore_mem>>)
      %dma_start3A_1240 = arith.constant 0 : i32
      %dma_start3A_1241 = arith.constant 5 : i32
      %dma_start3A_1242 = arith.constant 0 : i32
      %dma_start3A_1243 = arith.constant 5 : i32
      %dma_start3A_1244 = arith.constant 0 : i32
      %dma_start3A_1245 = arith.constant 0 : i32
      %dma_start3A_1246 = tpu.memref_slice %arg6[%dma_start3A_1242, %dma_start3A_1243, %dma_start3A_1244, %dma_start3A_1245] : memref<2x8x128x32xf32, #tpu.memory_space<vmem>> -> memref<1x1x128x32xf32, #tpu.memory_space<vmem>>
      %dma_start3A_1247 = tpu.memref_squeeze %dma_start3A_1246 : memref<1x1x128x32xf32, #tpu.memory_space<vmem>> -> memref<128x32xf32, #tpu.memory_space<vmem>>
      %dma_start3A_1248 = arith.constant 0 : i32
      %dma_start3A_1249 = tpu.memref_slice %arg5[%dma_start3A_1240, %dma_start3A_1241, %dma_start3A_1248] : memref<2x8x128xi32, #tpu.memory_space<vmem>> -> memref<1x1x128xi32, #tpu.memory_space<vmem>>
      %dma_start3A_1250 = tpu.memref_squeeze %dma_start3A_1249 : memref<1x1x128xi32, #tpu.memory_space<vmem>> -> memref<128xi32, #tpu.memory_space<vmem>>
      %dma_start3A_1251 = arith.constant 0 : i32
      %dma_start3A_1252 = arith.constant 0 : i32
      %dma_start3A_1253 = tpu.memref_slice %arg3[%dma_start3A_1251, %dma_start3A_1252] : memref<100001x32xf32, #tpu.memory_space<hbm>> -> memref<100001x32xf32, #tpu.memory_space<hbm>>
      tpu.enqueue_indirect_dma source(%dma_start3A_1253 : memref<100001x32xf32, #tpu.memory_space<hbm>>) target(%dma_start3A_1247 : memref<128x32xf32, #tpu.memory_space<vmem>>) offsets(%dma_start3A_1250 : memref<128xi32, #tpu.memory_space<vmem>>) semaphore(%arg10 : memref<!tpu.dma_semaphore, #tpu.memory_space<semaphore_mem>>)
      %dma_start3A_1254 = arith.constant 0 : i32
      %dma_start3A_1255 = arith.constant 6 : i32
      %dma_start3A_1256 = arith.constant 0 : i32
      %dma_start3A_1257 = arith.constant 6 : i32
      %dma_start3A_1258 = arith.constant 0 : i32
      %dma_start3A_1259 = arith.constant 0 : i32
      %dma_start3A_1260 = tpu.memref_slice %arg6[%dma_start3A_1256, %dma_start3A_1257, %dma_start3A_1258, %dma_start3A_1259] : memref<2x8x128x32xf32, #tpu.memory_space<vmem>> -> memref<1x1x128x32xf32, #tpu.memory_space<vmem>>
      %dma_start3A_1261 = tpu.memref_squeeze %dma_start3A_1260 : memref<1x1x128x32xf32, #tpu.memory_space<vmem>> -> memref<128x32xf32, #tpu.memory_space<vmem>>
      %dma_start3A_1262 = arith.constant 0 : i32
      %dma_start3A_1263 = tpu.memref_slice %arg5[%dma_start3A_1254, %dma_start3A_1255, %dma_start3A_1262] : memref<2x8x128xi32, #tpu.memory_space<vmem>> -> memref<1x1x128xi32, #tpu.memory_space<vmem>>
      %dma_start3A_1264 = tpu.memref_squeeze %dma_start3A_1263 : memref<1x1x128xi32, #tpu.memory_space<vmem>> -> memref<128xi32, #tpu.memory_space<vmem>>
      %dma_start3A_1265 = arith.constant 0 : i32
      %dma_start3A_1266 = arith.constant 0 : i32
      %dma_start3A_1267 = tpu.memref_slice %arg3[%dma_start3A_1265, %dma_start3A_1266] : memref<100001x32xf32, #tpu.memory_space<hbm>> -> memref<100001x32xf32, #tpu.memory_space<hbm>>
      tpu.enqueue_indirect_dma source(%dma_start3A_1267 : memref<100001x32xf32, #tpu.memory_space<hbm>>) target(%dma_start3A_1261 : memref<128x32xf32, #tpu.memory_space<vmem>>) offsets(%dma_start3A_1264 : memref<128xi32, #tpu.memory_space<vmem>>) semaphore(%arg10 : memref<!tpu.dma_semaphore, #tpu.memory_space<semaphore_mem>>)
      %dma_start3A_1268 = arith.constant 0 : i32
      %dma_start3A_1269 = arith.constant 7 : i32
      %dma_start3A_1270 = arith.constant 0 : i32
      %dma_start3A_1271 = arith.constant 7 : i32
      %dma_start3A_1272 = arith.constant 0 : i32
      %dma_start3A_1273 = arith.constant 0 : i32
      %dma_start3A_1274 = tpu.memref_slice %arg6[%dma_start3A_1270, %dma_start3A_1271, %dma_start3A_1272, %dma_start3A_1273] : memref<2x8x128x32xf32, #tpu.memory_space<vmem>> -> memref<1x1x128x32xf32, #tpu.memory_space<vmem>>
      %dma_start3A_1275 = tpu.memref_squeeze %dma_start3A_1274 : memref<1x1x128x32xf32, #tpu.memory_space<vmem>> -> memref<128x32xf32, #tpu.memory_space<vmem>>
      %dma_start3A_1276 = arith.constant 0 : i32
      %dma_start3A_1277 = tpu.memref_slice %arg5[%dma_start3A_1268, %dma_start3A_1269, %dma_start3A_1276] : memref<2x8x128xi32, #tpu.memory_space<vmem>> -> memref<1x1x128xi32, #tpu.memory_space<vmem>>
      %dma_start3A_1278 = tpu.memref_squeeze %dma_start3A_1277 : memref<1x1x128xi32, #tpu.memory_space<vmem>> -> memref<128xi32, #tpu.memory_space<vmem>>
      %dma_start3A_1279 = arith.constant 0 : i32
      %dma_start3A_1280 = arith.constant 0 : i32
      %dma_start3A_1281 = tpu.memref_slice %arg3[%dma_start3A_1279, %dma_start3A_1280] : memref<100001x32xf32, #tpu.memory_space<hbm>> -> memref<100001x32xf32, #tpu.memory_space<hbm>>
      tpu.enqueue_indirect_dma source(%dma_start3A_1281 : memref<100001x32xf32, #tpu.memory_space<hbm>>) target(%dma_start3A_1275 : memref<128x32xf32, #tpu.memory_space<vmem>>) offsets(%dma_start3A_1278 : memref<128xi32, #tpu.memory_space<vmem>>) semaphore(%arg10 : memref<!tpu.dma_semaphore, #tpu.memory_space<semaphore_mem>>)
      %dma_wait3A_1282 = arith.constant 1 : i32
      %dma_wait3A_1283 = arith.constant 0 : i32
      %dma_wait3A_1284 = arith.constant 1 : i32
      %dma_wait3A_1285 = arith.constant 0 : i32
      %dma_wait3A_1286 = arith.constant 0 : i32
      %dma_wait3A_1287 = arith.constant 0 : i32
      %dma_wait3A_1288 = tpu.memref_slice %arg6[%dma_wait3A_1284, %dma_wait3A_1285, %dma_wait3A_1286, %dma_wait3A_1287] : memref<2x8x128x32xf32, #tpu.memory_space<vmem>> -> memref<1x1x128x32xf32, #tpu.memory_space<vmem>>
      %dma_wait3A_1289 = tpu.memref_squeeze %dma_wait3A_1288 : memref<1x1x128x32xf32, #tpu.memory_space<vmem>> -> memref<128x32xf32, #tpu.memory_space<vmem>>
      %dma_wait3A_1290 = arith.constant 0 : i32
      %dma_wait3A_1291 = tpu.memref_slice %arg5[%dma_wait3A_1282, %dma_wait3A_1283, %dma_wait3A_1290] : memref<2x8x128xi32, #tpu.memory_space<vmem>> -> memref<1x1x128xi32, #tpu.memory_space<vmem>>
      %dma_wait3A_1292 = tpu.memref_squeeze %dma_wait3A_1291 : memref<1x1x128xi32, #tpu.memory_space<vmem>> -> memref<128xi32, #tpu.memory_space<vmem>>
      %dma_wait3A_1293 = arith.constant 0 : i32
      %dma_wait3A_1294 = arith.constant 0 : i32
      %dma_wait3A_1295 = tpu.memref_slice %arg3[%dma_wait3A_1293, %dma_wait3A_1294] : memref<100001x32xf32, #tpu.memory_space<hbm>> -> memref<100001x32xf32, #tpu.memory_space<hbm>>
      tpu.wait_indirect_dma semaphore(%arg11 : memref<!tpu.dma_semaphore, #tpu.memory_space<semaphore_mem>>) src(%dma_wait3A_1295 : memref<100001x32xf32, #tpu.memory_space<hbm>>) dst(%dma_wait3A_1289 : memref<128x32xf32, #tpu.memory_space<vmem>>)
      %dma_wait3A_1296 = arith.constant 1 : i32
      %dma_wait3A_1297 = arith.constant 1 : i32
      %dma_wait3A_1298 = arith.constant 1 : i32
      %dma_wait3A_1299 = arith.constant 1 : i32
      %dma_wait3A_1300 = arith.constant 0 : i32
      %dma_wait3A_1301 = arith.constant 0 : i32
      %dma_wait3A_1302 = tpu.memref_slice %arg6[%dma_wait3A_1298, %dma_wait3A_1299, %dma_wait3A_1300, %dma_wait3A_1301] : memref<2x8x128x32xf32, #tpu.memory_space<vmem>> -> memref<1x1x128x32xf32, #tpu.memory_space<vmem>>
      %dma_wait3A_1303 = tpu.memref_squeeze %dma_wait3A_1302 : memref<1x1x128x32xf32, #tpu.memory_space<vmem>> -> memref<128x32xf32, #tpu.memory_space<vmem>>
      %dma_wait3A_1304 = arith.constant 0 : i32
      %dma_wait3A_1305 = tpu.memref_slice %arg5[%dma_wait3A_1296, %dma_wait3A_1297, %dma_wait3A_1304] : memref<2x8x128xi32, #tpu.memory_space<vmem>> -> memref<1x1x128xi32, #tpu.memory_space<vmem>>
      %dma_wait3A_1306 = tpu.memref_squeeze %dma_wait3A_1305 : memref<1x1x128xi32, #tpu.memory_space<vmem>> -> memref<128xi32, #tpu.memory_space<vmem>>
      %dma_wait3A_1307 = arith.constant 0 : i32
      %dma_wait3A_1308 = arith.constant 0 : i32
      %dma_wait3A_1309 = tpu.memref_slice %arg3[%dma_wait3A_1307, %dma_wait3A_1308] : memref<100001x32xf32, #tpu.memory_space<hbm>> -> memref<100001x32xf32, #tpu.memory_space<hbm>>
      tpu.wait_indirect_dma semaphore(%arg11 : memref<!tpu.dma_semaphore, #tpu.memory_space<semaphore_mem>>) src(%dma_wait3A_1309 : memref<100001x32xf32, #tpu.memory_space<hbm>>) dst(%dma_wait3A_1303 : memref<128x32xf32, #tpu.memory_space<vmem>>)
      %dma_wait3A_1310 = arith.constant 1 : i32
      %dma_wait3A_1311 = arith.constant 2 : i32
      %dma_wait3A_1312 = arith.constant 1 : i32
      %dma_wait3A_1313 = arith.constant 2 : i32
      %dma_wait3A_1314 = arith.constant 0 : i32
      %dma_wait3A_1315 = arith.constant 0 : i32
      %dma_wait3A_1316 = tpu.memref_slice %arg6[%dma_wait3A_1312, %dma_wait3A_1313, %dma_wait3A_1314, %dma_wait3A_1315] : memref<2x8x128x32xf32, #tpu.memory_space<vmem>> -> memref<1x1x128x32xf32, #tpu.memory_space<vmem>>
      %dma_wait3A_1317 = tpu.memref_squeeze %dma_wait3A_1316 : memref<1x1x128x32xf32, #tpu.memory_space<vmem>> -> memref<128x32xf32, #tpu.memory_space<vmem>>
      %dma_wait3A_1318 = arith.constant 0 : i32
      %dma_wait3A_1319 = tpu.memref_slice %arg5[%dma_wait3A_1310, %dma_wait3A_1311, %dma_wait3A_1318] : memref<2x8x128xi32, #tpu.memory_space<vmem>> -> memref<1x1x128xi32, #tpu.memory_space<vmem>>
      %dma_wait3A_1320 = tpu.memref_squeeze %dma_wait3A_1319 : memref<1x1x128xi32, #tpu.memory_space<vmem>> -> memref<128xi32, #tpu.memory_space<vmem>>
      %dma_wait3A_1321 = arith.constant 0 : i32
      %dma_wait3A_1322 = arith.constant 0 : i32
      %dma_wait3A_1323 = tpu.memref_slice %arg3[%dma_wait3A_1321, %dma_wait3A_1322] : memref<100001x32xf32, #tpu.memory_space<hbm>> -> memref<100001x32xf32, #tpu.memory_space<hbm>>
      tpu.wait_indirect_dma semaphore(%arg11 : memref<!tpu.dma_semaphore, #tpu.memory_space<semaphore_mem>>) src(%dma_wait3A_1323 : memref<100001x32xf32, #tpu.memory_space<hbm>>) dst(%dma_wait3A_1317 : memref<128x32xf32, #tpu.memory_space<vmem>>)
      %dma_wait3A_1324 = arith.constant 1 : i32
      %dma_wait3A_1325 = arith.constant 3 : i32
      %dma_wait3A_1326 = arith.constant 1 : i32
      %dma_wait3A_1327 = arith.constant 3 : i32
      %dma_wait3A_1328 = arith.constant 0 : i32
      %dma_wait3A_1329 = arith.constant 0 : i32
      %dma_wait3A_1330 = tpu.memref_slice %arg6[%dma_wait3A_1326, %dma_wait3A_1327, %dma_wait3A_1328, %dma_wait3A_1329] : memref<2x8x128x32xf32, #tpu.memory_space<vmem>> -> memref<1x1x128x32xf32, #tpu.memory_space<vmem>>
      %dma_wait3A_1331 = tpu.memref_squeeze %dma_wait3A_1330 : memref<1x1x128x32xf32, #tpu.memory_space<vmem>> -> memref<128x32xf32, #tpu.memory_space<vmem>>
      %dma_wait3A_1332 = arith.constant 0 : i32
      %dma_wait3A_1333 = tpu.memref_slice %arg5[%dma_wait3A_1324, %dma_wait3A_1325, %dma_wait3A_1332] : memref<2x8x128xi32, #tpu.memory_space<vmem>> -> memref<1x1x128xi32, #tpu.memory_space<vmem>>
      %dma_wait3A_1334 = tpu.memref_squeeze %dma_wait3A_1333 : memref<1x1x128xi32, #tpu.memory_space<vmem>> -> memref<128xi32, #tpu.memory_space<vmem>>
      %dma_wait3A_1335 = arith.constant 0 : i32
      %dma_wait3A_1336 = arith.constant 0 : i32
      %dma_wait3A_1337 = tpu.memref_slice %arg3[%dma_wait3A_1335, %dma_wait3A_1336] : memref<100001x32xf32, #tpu.memory_space<hbm>> -> memref<100001x32xf32, #tpu.memory_space<hbm>>
      tpu.wait_indirect_dma semaphore(%arg11 : memref<!tpu.dma_semaphore, #tpu.memory_space<semaphore_mem>>) src(%dma_wait3A_1337 : memref<100001x32xf32, #tpu.memory_space<hbm>>) dst(%dma_wait3A_1331 : memref<128x32xf32, #tpu.memory_space<vmem>>)
      %dma_wait3A_1338 = arith.constant 1 : i32
      %dma_wait3A_1339 = arith.constant 4 : i32
      %dma_wait3A_1340 = arith.constant 1 : i32
      %dma_wait3A_1341 = arith.constant 4 : i32
      %dma_wait3A_1342 = arith.constant 0 : i32
      %dma_wait3A_1343 = arith.constant 0 : i32
      %dma_wait3A_1344 = tpu.memref_slice %arg6[%dma_wait3A_1340, %dma_wait3A_1341, %dma_wait3A_1342, %dma_wait3A_1343] : memref<2x8x128x32xf32, #tpu.memory_space<vmem>> -> memref<1x1x128x32xf32, #tpu.memory_space<vmem>>
      %dma_wait3A_1345 = tpu.memref_squeeze %dma_wait3A_1344 : memref<1x1x128x32xf32, #tpu.memory_space<vmem>> -> memref<128x32xf32, #tpu.memory_space<vmem>>
      %dma_wait3A_1346 = arith.constant 0 : i32
      %dma_wait3A_1347 = tpu.memref_slice %arg5[%dma_wait3A_1338, %dma_wait3A_1339, %dma_wait3A_1346] : memref<2x8x128xi32, #tpu.memory_space<vmem>> -> memref<1x1x128xi32, #tpu.memory_space<vmem>>
      %dma_wait3A_1348 = tpu.memref_squeeze %dma_wait3A_1347 : memref<1x1x128xi32, #tpu.memory_space<vmem>> -> memref<128xi32, #tpu.memory_space<vmem>>
      %dma_wait3A_1349 = arith.constant 0 : i32
      %dma_wait3A_1350 = arith.constant 0 : i32
      %dma_wait3A_1351 = tpu.memref_slice %arg3[%dma_wait3A_1349, %dma_wait3A_1350] : memref<100001x32xf32, #tpu.memory_space<hbm>> -> memref<100001x32xf32, #tpu.memory_space<hbm>>
      tpu.wait_indirect_dma semaphore(%arg11 : memref<!tpu.dma_semaphore, #tpu.memory_space<semaphore_mem>>) src(%dma_wait3A_1351 : memref<100001x32xf32, #tpu.memory_space<hbm>>) dst(%dma_wait3A_1345 : memref<128x32xf32, #tpu.memory_space<vmem>>)
      %dma_wait3A_1352 = arith.constant 1 : i32
      %dma_wait3A_1353 = arith.constant 5 : i32
      %dma_wait3A_1354 = arith.constant 1 : i32
      %dma_wait3A_1355 = arith.constant 5 : i32
      %dma_wait3A_1356 = arith.constant 0 : i32
      %dma_wait3A_1357 = arith.constant 0 : i32
      %dma_wait3A_1358 = tpu.memref_slice %arg6[%dma_wait3A_1354, %dma_wait3A_1355, %dma_wait3A_1356, %dma_wait3A_1357] : memref<2x8x128x32xf32, #tpu.memory_space<vmem>> -> memref<1x1x128x32xf32, #tpu.memory_space<vmem>>
      %dma_wait3A_1359 = tpu.memref_squeeze %dma_wait3A_1358 : memref<1x1x128x32xf32, #tpu.memory_space<vmem>> -> memref<128x32xf32, #tpu.memory_space<vmem>>
      %dma_wait3A_1360 = arith.constant 0 : i32
      %dma_wait3A_1361 = tpu.memref_slice %arg5[%dma_wait3A_1352, %dma_wait3A_1353, %dma_wait3A_1360] : memref<2x8x128xi32, #tpu.memory_space<vmem>> -> memref<1x1x128xi32, #tpu.memory_space<vmem>>
      %dma_wait3A_1362 = tpu.memref_squeeze %dma_wait3A_1361 : memref<1x1x128xi32, #tpu.memory_space<vmem>> -> memref<128xi32, #tpu.memory_space<vmem>>
      %dma_wait3A_1363 = arith.constant 0 : i32
      %dma_wait3A_1364 = arith.constant 0 : i32
      %dma_wait3A_1365 = tpu.memref_slice %arg3[%dma_wait3A_1363, %dma_wait3A_1364] : memref<100001x32xf32, #tpu.memory_space<hbm>> -> memref<100001x32xf32, #tpu.memory_space<hbm>>
      tpu.wait_indirect_dma semaphore(%arg11 : memref<!tpu.dma_semaphore, #tpu.memory_space<semaphore_mem>>) src(%dma_wait3A_1365 : memref<100001x32xf32, #tpu.memory_space<hbm>>) dst(%dma_wait3A_1359 : memref<128x32xf32, #tpu.memory_space<vmem>>)
      %dma_wait3A_1366 = arith.constant 1 : i32
      %dma_wait3A_1367 = arith.constant 6 : i32
      %dma_wait3A_1368 = arith.constant 1 : i32
      %dma_wait3A_1369 = arith.constant 6 : i32
      %dma_wait3A_1370 = arith.constant 0 : i32
      %dma_wait3A_1371 = arith.constant 0 : i32
      %dma_wait3A_1372 = tpu.memref_slice %arg6[%dma_wait3A_1368, %dma_wait3A_1369, %dma_wait3A_1370, %dma_wait3A_1371] : memref<2x8x128x32xf32, #tpu.memory_space<vmem>> -> memref<1x1x128x32xf32, #tpu.memory_space<vmem>>
      %dma_wait3A_1373 = tpu.memref_squeeze %dma_wait3A_1372 : memref<1x1x128x32xf32, #tpu.memory_space<vmem>> -> memref<128x32xf32, #tpu.memory_space<vmem>>
      %dma_wait3A_1374 = arith.constant 0 : i32
      %dma_wait3A_1375 = tpu.memref_slice %arg5[%dma_wait3A_1366, %dma_wait3A_1367, %dma_wait3A_1374] : memref<2x8x128xi32, #tpu.memory_space<vmem>> -> memref<1x1x128xi32, #tpu.memory_space<vmem>>
      %dma_wait3A_1376 = tpu.memref_squeeze %dma_wait3A_1375 : memref<1x1x128xi32, #tpu.memory_space<vmem>> -> memref<128xi32, #tpu.memory_space<vmem>>
      %dma_wait3A_1377 = arith.constant 0 : i32
      %dma_wait3A_1378 = arith.constant 0 : i32
      %dma_wait3A_1379 = tpu.memref_slice %arg3[%dma_wait3A_1377, %dma_wait3A_1378] : memref<100001x32xf32, #tpu.memory_space<hbm>> -> memref<100001x32xf32, #tpu.memory_space<hbm>>
      tpu.wait_indirect_dma semaphore(%arg11 : memref<!tpu.dma_semaphore, #tpu.memory_space<semaphore_mem>>) src(%dma_wait3A_1379 : memref<100001x32xf32, #tpu.memory_space<hbm>>) dst(%dma_wait3A_1373 : memref<128x32xf32, #tpu.memory_space<vmem>>)
      %dma_wait3A_1380 = arith.constant 1 : i32
      %dma_wait3A_1381 = arith.constant 7 : i32
      %dma_wait3A_1382 = arith.constant 1 : i32
      %dma_wait3A_1383 = arith.constant 7 : i32
      %dma_wait3A_1384 = arith.constant 0 : i32
      %dma_wait3A_1385 = arith.constant 0 : i32
      %dma_wait3A_1386 = tpu.memref_slice %arg6[%dma_wait3A_1382, %dma_wait3A_1383, %dma_wait3A_1384, %dma_wait3A_1385] : memref<2x8x128x32xf32, #tpu.memory_space<vmem>> -> memref<1x1x128x32xf32, #tpu.memory_space<vmem>>
      %dma_wait3A_1387 = tpu.memref_squeeze %dma_wait3A_1386 : memref<1x1x128x32xf32, #tpu.memory_space<vmem>> -> memref<128x32xf32, #tpu.memory_space<vmem>>
      %dma_wait3A_1388 = arith.constant 0 : i32
      %dma_wait3A_1389 = tpu.memref_slice %arg5[%dma_wait3A_1380, %dma_wait3A_1381, %dma_wait3A_1388] : memref<2x8x128xi32, #tpu.memory_space<vmem>> -> memref<1x1x128xi32, #tpu.memory_space<vmem>>
      %dma_wait3A_1390 = tpu.memref_squeeze %dma_wait3A_1389 : memref<1x1x128xi32, #tpu.memory_space<vmem>> -> memref<128xi32, #tpu.memory_space<vmem>>
      %dma_wait3A_1391 = arith.constant 0 : i32
      %dma_wait3A_1392 = arith.constant 0 : i32
      %dma_wait3A_1393 = tpu.memref_slice %arg3[%dma_wait3A_1391, %dma_wait3A_1392] : memref<100001x32xf32, #tpu.memory_space<hbm>> -> memref<100001x32xf32, #tpu.memory_space<hbm>>
      tpu.wait_indirect_dma semaphore(%arg11 : memref<!tpu.dma_semaphore, #tpu.memory_space<semaphore_mem>>) src(%dma_wait3A_1393 : memref<100001x32xf32, #tpu.memory_space<hbm>>) dst(%dma_wait3A_1387 : memref<128x32xf32, #tpu.memory_space<vmem>>)
      %add3A_1394 = arith.constant 2 : i32
      %add3A_1395 = arith.addi %add3A_1151, %add3A_1394 : i32
      %lt3A_1396 = arith.constant 25 : i32
      %lt3A_1397 = arith.cmpi slt, %add3A_1395, %lt3A_1396 : i32
      %jit3A_1398 = arith.constant 0 : i32
      %select_n3A_1399 = arith.select %lt3A_1397, %add3A_1395, %jit3A_1398 : i32
      %dma_start3A_1400 = arith.constant 1 : i32
      %dma_start3A_1401 = arith.constant 0 : i32
      %dma_start3A_1402 = arith.constant 0 : i32
      %dma_start3A_1403 = tpu.memref_slice %arg5[%dma_start3A_1400, %dma_start3A_1401, %dma_start3A_1402] : memref<2x8x128xi32, #tpu.memory_space<vmem>> -> memref<1x8x128xi32, #tpu.memory_space<vmem>>
      %dma_start3A_1404 = tpu.memref_squeeze %dma_start3A_1403 : memref<1x8x128xi32, #tpu.memory_space<vmem>> -> memref<8x128xi32, #tpu.memory_space<vmem>>
      %dma_start3A_1405 = arith.constant 0 : i32
      %dma_start3A_1406 = arith.constant 0 : i32
      %dma_start3A_1407 = tpu.memref_slice %arg2[%select_n3A_1399, %add3A, %dma_start3A_1405, %dma_start3A_1406] : memref<25x32x8x128xi32, #tpu.memory_space<hbm>> -> memref<1x1x8x128xi32, #tpu.memory_space<hbm>>
      %dma_start3A_1408 = tpu.memref_squeeze %dma_start3A_1407 : memref<1x1x8x128xi32, #tpu.memory_space<hbm>> -> memref<8x128xi32, #tpu.memory_space<hbm>>
      %dma_start3A_1409 = arith.constant 0 : i32
      %dma_start3A_1410 = arith.constant 0 : i32
      %dma_start3A_1411 = tpu.memref_slice %arg5[%dma_start3A_1400, %dma_start3A_1409, %dma_start3A_1410] : memref<2x8x128xi32, #tpu.memory_space<vmem>> -> memref<1x8x128xi32, #tpu.memory_space<vmem>>
      %dma_start3A_1412 = tpu.memref_squeeze %dma_start3A_1411 : memref<1x8x128xi32, #tpu.memory_space<vmem>> -> memref<8x128xi32, #tpu.memory_space<vmem>>
      %dma_start3A_1413 = arith.constant 0 : i32
      %dma_start3A_1414 = arith.constant 0 : i32
      %dma_start3A_1415 = tpu.memref_slice %arg2[%select_n3A_1399, %add3A, %dma_start3A_1413, %dma_start3A_1414] : memref<25x32x8x128xi32, #tpu.memory_space<hbm>> -> memref<1x1x8x128xi32, #tpu.memory_space<hbm>>
      %dma_start3A_1416 = tpu.memref_squeeze %dma_start3A_1415 : memref<1x1x8x128xi32, #tpu.memory_space<hbm>> -> memref<8x128xi32, #tpu.memory_space<hbm>>
      tpu.enqueue_dma source(%dma_start3A_1416 : memref<8x128xi32, #tpu.memory_space<hbm>>) target(%dma_start3A_1412 : memref<8x128xi32, #tpu.memory_space<vmem>>) target_semaphore(%arg9 : memref<!tpu.dma_semaphore, #tpu.memory_space<semaphore_mem>>)
      %dma_wait3A_1417 = arith.constant 0 : i32
      %dma_wait3A_1418 = arith.constant 0 : i32
      %dma_wait3A_1419 = arith.constant 0 : i32
      %dma_wait3A_1420 = arith.constant 0 : i32
      %dma_wait3A_1421 = tpu.memref_slice %arg7[%dma_wait3A_1417, %dma_wait3A_1418, %dma_wait3A_1419, %dma_wait3A_1420] : memref<8x4x8x129xf32, #tpu.memory_space<vmem>> -> memref<8x4x8x128xf32, #tpu.memory_space<vmem>>
      %dma_wait3A_1422 = arith.constant 0 : i32
      %dma_wait3A_1423 = arith.constant 0 : i32
      %dma_wait3A_1424 = arith.constant 0 : i32
      %dma_wait3A_1425 = arith.constant 0 : i32
      %dma_wait3A_1426 = tpu.memref_slice %arg4[%dma_wait3A_1422, %dma_wait3A_1423, %add3A, %dma_wait3A_1424, %dma_wait3A_1425] : memref<200x4x32x8x128xf32, #tpu.memory_space<hbm>> -> memref<8x4x1x8x128xf32, #tpu.memory_space<hbm>>
      %dma_wait3A_1427 = tpu.memref_squeeze %dma_wait3A_1426 : memref<8x4x1x8x128xf32, #tpu.memory_space<hbm>> -> memref<8x4x8x128xf32, #tpu.memory_space<hbm>>
      %dma_wait3A_1428 = arith.constant 0 : i32
      %dma_wait3A_1429 = arith.constant 0 : i32
      %dma_wait3A_1430 = arith.constant 0 : i32
      %dma_wait3A_1431 = arith.constant 0 : i32
      %dma_wait3A_1432 = tpu.memref_slice %arg4[%dma_wait3A_1428, %dma_wait3A_1429, %add3A, %dma_wait3A_1430, %dma_wait3A_1431] : memref<200x4x32x8x128xf32, #tpu.memory_space<hbm>> -> memref<8x4x1x8x128xf32, #tpu.memory_space<hbm>>
      %dma_wait3A_1433 = tpu.memref_squeeze %dma_wait3A_1432 : memref<8x4x1x8x128xf32, #tpu.memory_space<hbm>> -> memref<8x4x8x128xf32, #tpu.memory_space<hbm>>
      %dma_wait3A_1434 = arith.constant 0 : i32
      %dma_wait3A_1435 = arith.constant 0 : i32
      %dma_wait3A_1436 = arith.constant 0 : i32
      %dma_wait3A_1437 = arith.constant 0 : i32
      %dma_wait3A_1438 = tpu.memref_slice %arg7[%dma_wait3A_1434, %dma_wait3A_1435, %dma_wait3A_1436, %dma_wait3A_1437] : memref<8x4x8x129xf32, #tpu.memory_space<vmem>> -> memref<8x4x8x128xf32, #tpu.memory_space<vmem>>
      tpu.wait_dma2 semaphore(%arg12 : memref<!tpu.dma_semaphore, #tpu.memory_space<semaphore_mem>>) src(%dma_wait3A_1438 : memref<8x4x8x128xf32, #tpu.memory_space<vmem>>) dst(%dma_wait3A_1433 : memref<8x4x8x128xf32, #tpu.memory_space<hbm>>)
      %broadcast_in_dim3A_1439 = arith.constant 0 : i32
      %broadcast_in_dim3A_1440 = vector.broadcast %broadcast_in_dim3A_1439 : i32 to vector<16xi32>
      %jit3A_1441 = arith.constant 8 : i32
      %div3A_1442 = vector.broadcast %jit3A_1441 : i32 to vector<16xi32>
      %div3A_1443 = arith.divsi %iota3A, %div3A_1442 : vector<16xi32>
      %sign3A_1444 = arith.constant 0 : i32
      %sign3A_1445 = vector.broadcast %sign3A_1444 : i32 to vector<16xi32>
      %sign3A_1446 = arith.cmpi sgt, %iota3A, %sign3A_1445 : vector<16xi32>
      %sign3A_1447 = arith.extui %sign3A_1446 : vector<16xi1> to vector<16xi32>
      %sign3A_1448 = arith.constant 0 : i32
      %sign3A_1449 = vector.broadcast %sign3A_1448 : i32 to vector<16xi32>
      %sign3A_1450 = arith.cmpi slt, %iota3A, %sign3A_1449 : vector<16xi32>
      %sign3A_1451 = arith.extui %sign3A_1450 : vector<16xi1> to vector<16xi32>
      %sign3A_1452 = arith.subi %sign3A_1447, %sign3A_1451 : vector<16xi32>
      %sign3A_1453 = arith.constant 0 : i32
      %sign3A_1454 = arith.cmpi sgt, %jit3A_1441, %sign3A_1453 : i32
      %sign3A_1455 = arith.extui %sign3A_1454 : i1 to i32
      %sign3A_1456 = arith.constant 0 : i32
      %sign3A_1457 = arith.cmpi slt, %jit3A_1441, %sign3A_1456 : i32
      %sign3A_1458 = arith.extui %sign3A_1457 : i1 to i32
      %sign3A_1459 = arith.subi %sign3A_1455, %sign3A_1458 : i32
      %ne3A_1460 = vector.broadcast %sign3A_1459 : i32 to vector<16xi32>
      %ne3A_1461 = arith.cmpi ne, %sign3A_1452, %ne3A_1460 : vector<16xi32>
      %rem3A_1462 = vector.broadcast %jit3A_1441 : i32 to vector<16xi32>
      %rem3A_1463 = arith.remsi %iota3A, %rem3A_1462 : vector<16xi32>
      %ne3A_1464 = arith.constant 0 : i32
      %ne3A_1465 = vector.broadcast %ne3A_1464 : i32 to vector<16xi32>
      %ne3A_1466 = arith.cmpi ne, %rem3A_1463, %ne3A_1465 : vector<16xi32>
      %and3A_1467 = arith.andi %ne3A_1461, %ne3A_1466 : vector<16xi1>
      %sub3A_1468 = arith.constant 1 : i32
      %sub3A_1469 = vector.broadcast %sub3A_1468 : i32 to vector<16xi32>
      %sub3A_1470 = arith.subi %div3A_1443, %sub3A_1469 : vector<16xi32>
      %select_n3A_1471 = arith.select %and3A_1467, %sub3A_1470, %div3A_1443 : vector<16xi1>, vector<16xi32>
      %jit3A_1472 = arith.constant 8 : i32
      %eq3A_1473 = arith.constant 0 : i32
      %eq3A_1474 = arith.cmpi eq, %jit3A_1472, %eq3A_1473 : i32
      %jit3A_1475 = arith.constant 1 : i32
      %select_n3A_1476 = arith.select %eq3A_1474, %jit3A_1475, %jit3A_1472 : i32
      %rem3A_1477 = vector.broadcast %select_n3A_1476 : i32 to vector<16xi32>
      %rem3A_1478 = arith.remsi %iota3A, %rem3A_1477 : vector<16xi32>
      %ne3A_1479 = arith.constant 0 : i32
      %ne3A_1480 = vector.broadcast %ne3A_1479 : i32 to vector<16xi32>
      %ne3A_1481 = arith.cmpi ne, %rem3A_1478, %ne3A_1480 : vector<16xi32>
      %lt3A_1482 = arith.constant 0 : i32
      %lt3A_1483 = vector.broadcast %lt3A_1482 : i32 to vector<16xi32>
      %lt3A_1484 = arith.cmpi slt, %rem3A_1478, %lt3A_1483 : vector<16xi32>
      %lt3A_1485 = arith.constant 0 : i32
      %lt3A_1486 = arith.cmpi slt, %select_n3A_1476, %lt3A_1485 : i32
      %ne3A_1487 = vector.broadcast %lt3A_1486 : i1 to vector<16xi1>
      %ne3A_1488 = vector.broadcast %ne3A_1487 : vector<16xi1> to vector<16xi1>
      %ne3A_1489 = arith.xori %lt3A_1484, %ne3A_1488 : vector<16xi1>
      %and3A_1490 = arith.andi %ne3A_1489, %ne3A_1481 : vector<16xi1>
      %add3A_1491 = vector.broadcast %select_n3A_1476 : i32 to vector<16xi32>
      %add3A_1492 = arith.addi %rem3A_1478, %add3A_1491 : vector<16xi32>
      %select_n3A_1493 = arith.select %and3A_1490, %add3A_1492, %rem3A_1478 : vector<16xi1>, vector<16xi32>
      %add3A_1494 = arith.constant 2 : i32
      %add3A_1495 = vector.broadcast %add3A_1494 : i32 to vector<16xi32>
      %add3A_1496 = arith.addi %select_n3A_1471, %add3A_1495 : vector<16xi32>
      %scan3A_1497 = arith.constant 0 : i32
      %scan3A_1498 = arith.constant 128 : i32
      %scan3A_1499 = arith.addi %scan3A_1497, %scan3A_1498 : i32
      %scan3A_1500 = arith.constant 1 : i32
      scf.for %scan3A_1902 = %scan3A_1497 to %scan3A_1499 step %scan3A_1500  : i32 {
        %mul3A_1903 = arith.constant 1 : i32
        %mul3A_1904 = arith.muli %scan3A_1902, %mul3A_1903 : i32
        %add3A_1905 = arith.constant 0 : i32
        %add3A_1906 = arith.addi %add3A_1905, %mul3A_1904 : i32
        %jit3A_1907 = arith.constant 16 : i32
        %div3A_1908 = arith.divsi %add3A_1906, %jit3A_1907 : i32
        %sign3A_1909 = arith.constant 0 : i32
        %sign3A_1910 = arith.cmpi sgt, %add3A_1906, %sign3A_1909 : i32
        %sign3A_1911 = arith.extui %sign3A_1910 : i1 to i32
        %sign3A_1912 = arith.constant 0 : i32
        %sign3A_1913 = arith.cmpi slt, %add3A_1906, %sign3A_1912 : i32
        %sign3A_1914 = arith.extui %sign3A_1913 : i1 to i32
        %sign3A_1915 = arith.subi %sign3A_1911, %sign3A_1914 : i32
        %sign3A_1916 = arith.constant 0 : i32
        %sign3A_1917 = arith.cmpi sgt, %jit3A_1907, %sign3A_1916 : i32
        %sign3A_1918 = arith.extui %sign3A_1917 : i1 to i32
        %sign3A_1919 = arith.constant 0 : i32
        %sign3A_1920 = arith.cmpi slt, %jit3A_1907, %sign3A_1919 : i32
        %sign3A_1921 = arith.extui %sign3A_1920 : i1 to i32
        %sign3A_1922 = arith.subi %sign3A_1918, %sign3A_1921 : i32
        %ne3A_1923 = arith.cmpi ne, %sign3A_1915, %sign3A_1922 : i32
        %rem3A_1924 = arith.remsi %add3A_1906, %jit3A_1907 : i32
        %ne3A_1925 = arith.constant 0 : i32
        %ne3A_1926 = arith.cmpi ne, %rem3A_1924, %ne3A_1925 : i32
        %and3A_1927 = arith.andi %ne3A_1923, %ne3A_1926 : i1
        %sub3A_1928 = arith.constant 1 : i32
        %sub3A_1929 = arith.subi %div3A_1908, %sub3A_1928 : i32
        %select_n3A_1930 = arith.select %and3A_1927, %sub3A_1929, %div3A_1908 : i32
        %jit3A_1931 = arith.constant 16 : i32
        %eq3A_1932 = arith.constant 0 : i32
        %eq3A_1933 = arith.cmpi eq, %jit3A_1931, %eq3A_1932 : i32
        %jit3A_1934 = arith.constant 1 : i32
        %select_n3A_1935 = arith.select %eq3A_1933, %jit3A_1934, %jit3A_1931 : i32
        %rem3A_1936 = arith.remsi %add3A_1906, %select_n3A_1935 : i32
        %ne3A_1937 = arith.constant 0 : i32
        %ne3A_1938 = arith.cmpi ne, %rem3A_1936, %ne3A_1937 : i32
        %lt3A_1939 = arith.constant 0 : i32
        %lt3A_1940 = arith.cmpi slt, %rem3A_1936, %lt3A_1939 : i32
        %lt3A_1941 = arith.constant 0 : i32
        %lt3A_1942 = arith.cmpi slt, %select_n3A_1935, %lt3A_1941 : i32
        %ne3A_1943 = arith.xori %lt3A_1940, %lt3A_1942 : i1
        %and3A_1944 = arith.andi %ne3A_1943, %ne3A_1938 : i1
        %add3A_1945 = arith.addi %rem3A_1936, %select_n3A_1935 : i32
        %select_n3A_1946 = arith.select %and3A_1944, %add3A_1945, %rem3A_1936 : i32
        %mul3A_1947 = arith.constant 8 : i32
        %mul3A_1948 = arith.muli %select_n3A_1946, %mul3A_1947 : i32
        %add3A_1949 = vector.broadcast %select_n3A_1930 : i32 to vector<16xi32>
        %add3A_1950 = arith.addi %broadcast_in_dim3A_1440, %add3A_1949 : vector<16xi32>
        %add3A_1951 = arith.constant 0 : i32
        %add3A_1952 = arith.addi %mul3A_1948, %add3A_1951 : i32
        %get3A = arith.constant 1 : i32
        %get3A_1953 = arith.index_cast %get3A : i32 to index
        %get3A_1954 = arith.index_cast %select_n3A_1930 : i32 to index
        %get3A_1955 = arith.index_cast %add3A_1952 : i32 to index
        %get3A_1956 = arith.constant 0 : index
        %get3A_1957 = tpu.vector_load %arg6[%get3A_1953, %get3A_1954, %get3A_1955, %get3A_1956] {strides = array<i32>} : memref<2x8x128x32xf32, #tpu.memory_space<vmem>>, vector<16xf32>,
        %add3A_1958 = arith.constant 0 : i32
        %add3A_1959 = arith.addi %mul3A_1948, %add3A_1958 : i32
        %get3A_1960 = arith.constant 1 : i32
        %get3A_1961 = arith.index_cast %get3A_1960 : i32 to index
        %get3A_1962 = arith.index_cast %select_n3A_1930 : i32 to index
        %get3A_1963 = arith.index_cast %add3A_1959 : i32 to index
        %get3A_1964 = arith.constant 16 : index
        %get3A_1965 = tpu.vector_load %arg6[%get3A_1961, %get3A_1962, %get3A_1963, %get3A_1964] {strides = array<i32>} : memref<2x8x128x32xf32, #tpu.memory_space<vmem>>, vector<16xf32>,
        %add3A_1966 = arith.constant 1 : i32
        %add3A_1967 = arith.addi %mul3A_1948, %add3A_1966 : i32
        %get3A_1968 = arith.constant 1 : i32
        %get3A_1969 = arith.index_cast %get3A_1968 : i32 to index
        %get3A_1970 = arith.index_cast %select_n3A_1930 : i32 to index
        %get3A_1971 = arith.index_cast %add3A_1967 : i32 to index
        %get3A_1972 = arith.constant 0 : index
        %get3A_1973 = tpu.vector_load %arg6[%get3A_1969, %get3A_1970, %get3A_1971, %get3A_1972] {strides = array<i32>} : memref<2x8x128x32xf32, #tpu.memory_space<vmem>>, vector<16xf32>,
        %add3A_1974 = arith.constant 1 : i32
        %add3A_1975 = arith.addi %mul3A_1948, %add3A_1974 : i32
        %get3A_1976 = arith.constant 1 : i32
        %get3A_1977 = arith.index_cast %get3A_1976 : i32 to index
        %get3A_1978 = arith.index_cast %select_n3A_1930 : i32 to index
        %get3A_1979 = arith.index_cast %add3A_1975 : i32 to index
        %get3A_1980 = arith.constant 16 : index
        %get3A_1981 = tpu.vector_load %arg6[%get3A_1977, %get3A_1978, %get3A_1979, %get3A_1980] {strides = array<i32>} : memref<2x8x128x32xf32, #tpu.memory_space<vmem>>, vector<16xf32>,
        %add3A_1982 = arith.constant 2 : i32
        %add3A_1983 = arith.addi %mul3A_1948, %add3A_1982 : i32
        %get3A_1984 = arith.constant 1 : i32
        %get3A_1985 = arith.index_cast %get3A_1984 : i32 to index
        %get3A_1986 = arith.index_cast %select_n3A_1930 : i32 to index
        %get3A_1987 = arith.index_cast %add3A_1983 : i32 to index
        %get3A_1988 = arith.constant 0 : index
        %get3A_1989 = tpu.vector_load %arg6[%get3A_1985, %get3A_1986, %get3A_1987, %get3A_1988] {strides = array<i32>} : memref<2x8x128x32xf32, #tpu.memory_space<vmem>>, vector<16xf32>,
        %add3A_1990 = arith.constant 2 : i32
        %add3A_1991 = arith.addi %mul3A_1948, %add3A_1990 : i32
        %get3A_1992 = arith.constant 1 : i32
        %get3A_1993 = arith.index_cast %get3A_1992 : i32 to index
        %get3A_1994 = arith.index_cast %select_n3A_1930 : i32 to index
        %get3A_1995 = arith.index_cast %add3A_1991 : i32 to index
        %get3A_1996 = arith.constant 16 : index
        %get3A_1997 = tpu.vector_load %arg6[%get3A_1993, %get3A_1994, %get3A_1995, %get3A_1996] {strides = array<i32>} : memref<2x8x128x32xf32, #tpu.memory_space<vmem>>, vector<16xf32>,
        %add3A_1998 = arith.constant 3 : i32
        %add3A_1999 = arith.addi %mul3A_1948, %add3A_1998 : i32
        %get3A_2000 = arith.constant 1 : i32
        %get3A_2001 = arith.index_cast %get3A_2000 : i32 to index
        %get3A_2002 = arith.index_cast %select_n3A_1930 : i32 to index
        %get3A_2003 = arith.index_cast %add3A_1999 : i32 to index
        %get3A_2004 = arith.constant 0 : index
        %get3A_2005 = tpu.vector_load %arg6[%get3A_2001, %get3A_2002, %get3A_2003, %get3A_2004] {strides = array<i32>} : memref<2x8x128x32xf32, #tpu.memory_space<vmem>>, vector<16xf32>,
        %add3A_2006 = arith.constant 3 : i32
        %add3A_2007 = arith.addi %mul3A_1948, %add3A_2006 : i32
        %get3A_2008 = arith.constant 1 : i32
        %get3A_2009 = arith.index_cast %get3A_2008 : i32 to index
        %get3A_2010 = arith.index_cast %select_n3A_1930 : i32 to index
        %get3A_2011 = arith.index_cast %add3A_2007 : i32 to index
        %get3A_2012 = arith.constant 16 : index
        %get3A_2013 = tpu.vector_load %arg6[%get3A_2009, %get3A_2010, %get3A_2011, %get3A_2012] {strides = array<i32>} : memref<2x8x128x32xf32, #tpu.memory_space<vmem>>, vector<16xf32>,
        %add3A_2014 = arith.constant 4 : i32
        %add3A_2015 = arith.addi %mul3A_1948, %add3A_2014 : i32
        %get3A_2016 = arith.constant 1 : i32
        %get3A_2017 = arith.index_cast %get3A_2016 : i32 to index
        %get3A_2018 = arith.index_cast %select_n3A_1930 : i32 to index
        %get3A_2019 = arith.index_cast %add3A_2015 : i32 to index
        %get3A_2020 = arith.constant 0 : index
        %get3A_2021 = tpu.vector_load %arg6[%get3A_2017, %get3A_2018, %get3A_2019, %get3A_2020] {strides = array<i32>} : memref<2x8x128x32xf32, #tpu.memory_space<vmem>>, vector<16xf32>,
        %add3A_2022 = arith.constant 4 : i32
        %add3A_2023 = arith.addi %mul3A_1948, %add3A_2022 : i32
        %get3A_2024 = arith.constant 1 : i32
        %get3A_2025 = arith.index_cast %get3A_2024 : i32 to index
        %get3A_2026 = arith.index_cast %select_n3A_1930 : i32 to index
        %get3A_2027 = arith.index_cast %add3A_2023 : i32 to index
        %get3A_2028 = arith.constant 16 : index
        %get3A_2029 = tpu.vector_load %arg6[%get3A_2025, %get3A_2026, %get3A_2027, %get3A_2028] {strides = array<i32>} : memref<2x8x128x32xf32, #tpu.memory_space<vmem>>, vector<16xf32>,
        %add3A_2030 = arith.constant 5 : i32
        %add3A_2031 = arith.addi %mul3A_1948, %add3A_2030 : i32
        %get3A_2032 = arith.constant 1 : i32
        %get3A_2033 = arith.index_cast %get3A_2032 : i32 to index
        %get3A_2034 = arith.index_cast %select_n3A_1930 : i32 to index
        %get3A_2035 = arith.index_cast %add3A_2031 : i32 to index
        %get3A_2036 = arith.constant 0 : index
        %get3A_2037 = tpu.vector_load %arg6[%get3A_2033, %get3A_2034, %get3A_2035, %get3A_2036] {strides = array<i32>} : memref<2x8x128x32xf32, #tpu.memory_space<vmem>>, vector<16xf32>,
        %add3A_2038 = arith.constant 5 : i32
        %add3A_2039 = arith.addi %mul3A_1948, %add3A_2038 : i32
        %get3A_2040 = arith.constant 1 : i32
        %get3A_2041 = arith.index_cast %get3A_2040 : i32 to index
        %get3A_2042 = arith.index_cast %select_n3A_1930 : i32 to index
        %get3A_2043 = arith.index_cast %add3A_2039 : i32 to index
        %get3A_2044 = arith.constant 16 : index
        %get3A_2045 = tpu.vector_load %arg6[%get3A_2041, %get3A_2042, %get3A_2043, %get3A_2044] {strides = array<i32>} : memref<2x8x128x32xf32, #tpu.memory_space<vmem>>, vector<16xf32>,
        %add3A_2046 = arith.constant 6 : i32
        %add3A_2047 = arith.addi %mul3A_1948, %add3A_2046 : i32
        %get3A_2048 = arith.constant 1 : i32
        %get3A_2049 = arith.index_cast %get3A_2048 : i32 to index
        %get3A_2050 = arith.index_cast %select_n3A_1930 : i32 to index
        %get3A_2051 = arith.index_cast %add3A_2047 : i32 to index
        %get3A_2052 = arith.constant 0 : index
        %get3A_2053 = tpu.vector_load %arg6[%get3A_2049, %get3A_2050, %get3A_2051, %get3A_2052] {strides = array<i32>} : memref<2x8x128x32xf32, #tpu.memory_space<vmem>>, vector<16xf32>,
        %add3A_2054 = arith.constant 6 : i32
        %add3A_2055 = arith.addi %mul3A_1948, %add3A_2054 : i32
        %get3A_2056 = arith.constant 1 : i32
        %get3A_2057 = arith.index_cast %get3A_2056 : i32 to index
        %get3A_2058 = arith.index_cast %select_n3A_1930 : i32 to index
        %get3A_2059 = arith.index_cast %add3A_2055 : i32 to index
        %get3A_2060 = arith.constant 16 : index
        %get3A_2061 = tpu.vector_load %arg6[%get3A_2057, %get3A_2058, %get3A_2059, %get3A_2060] {strides = array<i32>} : memref<2x8x128x32xf32, #tpu.memory_space<vmem>>, vector<16xf32>,
        %add3A_2062 = arith.constant 7 : i32
        %add3A_2063 = arith.addi %mul3A_1948, %add3A_2062 : i32
        %get3A_2064 = arith.constant 1 : i32
        %get3A_2065 = arith.index_cast %get3A_2064 : i32 to index
        %get3A_2066 = arith.index_cast %select_n3A_1930 : i32 to index
        %get3A_2067 = arith.index_cast %add3A_2063 : i32 to index
        %get3A_2068 = arith.constant 0 : index
        %get3A_2069 = tpu.vector_load %arg6[%get3A_2065, %get3A_2066, %get3A_2067, %get3A_2068] {strides = array<i32>} : memref<2x8x128x32xf32, #tpu.memory_space<vmem>>, vector<16xf32>,
        %add3A_2070 = arith.constant 7 : i32
        %add3A_2071 = arith.addi %mul3A_1948, %add3A_2070 : i32
        %get3A_2072 = arith.constant 1 : i32
        %get3A_2073 = arith.index_cast %get3A_2072 : i32 to index
        %get3A_2074 = arith.index_cast %select_n3A_1930 : i32 to index
        %get3A_2075 = arith.index_cast %add3A_2071 : i32 to index
        %get3A_2076 = arith.constant 16 : index
        %get3A_2077 = tpu.vector_load %arg6[%get3A_2073, %get3A_2074, %get3A_2075, %get3A_2076] {strides = array<i32>} : memref<2x8x128x32xf32, #tpu.memory_space<vmem>>, vector<16xf32>,
        %add3A_2078 = arith.constant 0 : i32
        %add3A_2079 = arith.addi %mul3A_1948, %add3A_2078 : i32
        %add3A_2080 = vector.broadcast %add3A_2079 : i32 to vector<16xi32>
        %add3A_2081 = arith.addi %broadcast_in_dim3A_1440, %add3A_2080 : vector<16xi32>
        tpu.vector_store_idx %arg7[%add3A_1950, %select_n3A_1471, %select_n3A_1493, %add3A_2081], %get3A_1957 : memref<8x4x8x129xf32, #tpu.memory_space<vmem>>[vector<16xi32>, vector<16xi32>, vector<16xi32>, vector<16xi32>], vector<16xf32>,
        tpu.vector_store_idx %arg7[%add3A_1950, %add3A_1496, %select_n3A_1493, %add3A_2081], %get3A_1965 : memref<8x4x8x129xf32, #tpu.memory_space<vmem>>[vector<16xi32>, vector<16xi32>, vector<16xi32>, vector<16xi32>], vector<16xf32>,
        %add3A_2082 = arith.constant 1 : i32
        %add3A_2083 = arith.addi %mul3A_1948, %add3A_2082 : i32
        %add3A_2084 = vector.broadcast %add3A_2083 : i32 to vector<16xi32>
        %add3A_2085 = arith.addi %broadcast_in_dim3A_1440, %add3A_2084 : vector<16xi32>
        tpu.vector_store_idx %arg7[%add3A_1950, %select_n3A_1471, %select_n3A_1493, %add3A_2085], %get3A_1973 : memref<8x4x8x129xf32, #tpu.memory_space<vmem>>[vector<16xi32>, vector<16xi32>, vector<16xi32>, vector<16xi32>], vector<16xf32>,
        tpu.vector_store_idx %arg7[%add3A_1950, %add3A_1496, %select_n3A_1493, %add3A_2085], %get3A_1981 : memref<8x4x8x129xf32, #tpu.memory_space<vmem>>[vector<16xi32>, vector<16xi32>, vector<16xi32>, vector<16xi32>], vector<16xf32>,
        %add3A_2086 = arith.constant 2 : i32
        %add3A_2087 = arith.addi %mul3A_1948, %add3A_2086 : i32
        %add3A_2088 = vector.broadcast %add3A_2087 : i32 to vector<16xi32>
        %add3A_2089 = arith.addi %broadcast_in_dim3A_1440, %add3A_2088 : vector<16xi32>
        tpu.vector_store_idx %arg7[%add3A_1950, %select_n3A_1471, %select_n3A_1493, %add3A_2089], %get3A_1989 : memref<8x4x8x129xf32, #tpu.memory_space<vmem>>[vector<16xi32>, vector<16xi32>, vector<16xi32>, vector<16xi32>], vector<16xf32>,
        tpu.vector_store_idx %arg7[%add3A_1950, %add3A_1496, %select_n3A_1493, %add3A_2089], %get3A_1997 : memref<8x4x8x129xf32, #tpu.memory_space<vmem>>[vector<16xi32>, vector<16xi32>, vector<16xi32>, vector<16xi32>], vector<16xf32>,
        %add3A_2090 = arith.constant 3 : i32
        %add3A_2091 = arith.addi %mul3A_1948, %add3A_2090 : i32
        %add3A_2092 = vector.broadcast %add3A_2091 : i32 to vector<16xi32>
        %add3A_2093 = arith.addi %broadcast_in_dim3A_1440, %add3A_2092 : vector<16xi32>
        tpu.vector_store_idx %arg7[%add3A_1950, %select_n3A_1471, %select_n3A_1493, %add3A_2093], %get3A_2005 : memref<8x4x8x129xf32, #tpu.memory_space<vmem>>[vector<16xi32>, vector<16xi32>, vector<16xi32>, vector<16xi32>], vector<16xf32>,
        tpu.vector_store_idx %arg7[%add3A_1950, %add3A_1496, %select_n3A_1493, %add3A_2093], %get3A_2013 : memref<8x4x8x129xf32, #tpu.memory_space<vmem>>[vector<16xi32>, vector<16xi32>, vector<16xi32>, vector<16xi32>], vector<16xf32>,
        %add3A_2094 = arith.constant 4 : i32
        %add3A_2095 = arith.addi %mul3A_1948, %add3A_2094 : i32
        %add3A_2096 = vector.broadcast %add3A_2095 : i32 to vector<16xi32>
        %add3A_2097 = arith.addi %broadcast_in_dim3A_1440, %add3A_2096 : vector<16xi32>
        tpu.vector_store_idx %arg7[%add3A_1950, %select_n3A_1471, %select_n3A_1493, %add3A_2097], %get3A_2021 : memref<8x4x8x129xf32, #tpu.memory_space<vmem>>[vector<16xi32>, vector<16xi32>, vector<16xi32>, vector<16xi32>], vector<16xf32>,
        tpu.vector_store_idx %arg7[%add3A_1950, %add3A_1496, %select_n3A_1493, %add3A_2097], %get3A_2029 : memref<8x4x8x129xf32, #tpu.memory_space<vmem>>[vector<16xi32>, vector<16xi32>, vector<16xi32>, vector<16xi32>], vector<16xf32>,
        %add3A_2098 = arith.constant 5 : i32
        %add3A_2099 = arith.addi %mul3A_1948, %add3A_2098 : i32
        %add3A_2100 = vector.broadcast %add3A_2099 : i32 to vector<16xi32>
        %add3A_2101 = arith.addi %broadcast_in_dim3A_1440, %add3A_2100 : vector<16xi32>
        tpu.vector_store_idx %arg7[%add3A_1950, %select_n3A_1471, %select_n3A_1493, %add3A_2101], %get3A_2037 : memref<8x4x8x129xf32, #tpu.memory_space<vmem>>[vector<16xi32>, vector<16xi32>, vector<16xi32>, vector<16xi32>], vector<16xf32>,
        tpu.vector_store_idx %arg7[%add3A_1950, %add3A_1496, %select_n3A_1493, %add3A_2101], %get3A_2045 : memref<8x4x8x129xf32, #tpu.memory_space<vmem>>[vector<16xi32>, vector<16xi32>, vector<16xi32>, vector<16xi32>], vector<16xf32>,
        %add3A_2102 = arith.constant 6 : i32
        %add3A_2103 = arith.addi %mul3A_1948, %add3A_2102 : i32
        %add3A_2104 = vector.broadcast %add3A_2103 : i32 to vector<16xi32>
        %add3A_2105 = arith.addi %broadcast_in_dim3A_1440, %add3A_2104 : vector<16xi32>
        tpu.vector_store_idx %arg7[%add3A_1950, %select_n3A_1471, %select_n3A_1493, %add3A_2105], %get3A_2053 : memref<8x4x8x129xf32, #tpu.memory_space<vmem>>[vector<16xi32>, vector<16xi32>, vector<16xi32>, vector<16xi32>], vector<16xf32>,
        tpu.vector_store_idx %arg7[%add3A_1950, %add3A_1496, %select_n3A_1493, %add3A_2105], %get3A_2061 : memref<8x4x8x129xf32, #tpu.memory_space<vmem>>[vector<16xi32>, vector<16xi32>, vector<16xi32>, vector<16xi32>], vector<16xf32>,
        %add3A_2106 = arith.constant 7 : i32
        %add3A_2107 = arith.addi %mul3A_1948, %add3A_2106 : i32
        %add3A_2108 = vector.broadcast %add3A_2107 : i32 to vector<16xi32>
        %add3A_2109 = arith.addi %broadcast_in_dim3A_1440, %add3A_2108 : vector<16xi32>
        tpu.vector_store_idx %arg7[%add3A_1950, %select_n3A_1471, %select_n3A_1493, %add3A_2109], %get3A_2069 : memref<8x4x8x129xf32, #tpu.memory_space<vmem>>[vector<16xi32>, vector<16xi32>, vector<16xi32>, vector<16xi32>], vector<16xf32>,
        tpu.vector_store_idx %arg7[%add3A_1950, %add3A_1496, %select_n3A_1493, %add3A_2109], %get3A_2077 : memref<8x4x8x129xf32, #tpu.memory_space<vmem>>[vector<16xi32>, vector<16xi32>, vector<16xi32>, vector<16xi32>], vector<16xf32>,
      }
      %scan3A_1501 = arith.constant 128 : i32
      %mul3A_1502 = arith.constant 8 : i32
      %mul3A_1503 = arith.muli %add3A_1151, %mul3A_1502 : i32
      %dma_start3A_1504 = arith.constant 0 : i32
      %dma_start3A_1505 = arith.constant 0 : i32
      %dma_start3A_1506 = arith.constant 0 : i32
      %dma_start3A_1507 = arith.constant 0 : i32
      %dma_start3A_1508 = tpu.memref_slice %arg7[%dma_start3A_1504, %dma_start3A_1505, %dma_start3A_1506, %dma_start3A_1507] : memref<8x4x8x129xf32, #tpu.memory_space<vmem>> -> memref<8x4x8x128xf32, #tpu.memory_space<vmem>>
      %dma_start3A_1509 = arith.constant 0 : i32
      %dma_start3A_1510 = arith.constant 0 : i32
      %dma_start3A_1511 = arith.constant 0 : i32
      %dma_start3A_1512 = tpu.memref_slice %arg4[%mul3A_1503, %dma_start3A_1509, %add3A, %dma_start3A_1510, %dma_start3A_1511] : memref<200x4x32x8x128xf32, #tpu.memory_space<hbm>> -> memref<8x4x1x8x128xf32, #tpu.memory_space<hbm>>
      %dma_start3A_1513 = tpu.memref_squeeze %dma_start3A_1512 : memref<8x4x1x8x128xf32, #tpu.memory_space<hbm>> -> memref<8x4x8x128xf32, #tpu.memory_space<hbm>>
      %dma_start3A_1514 = arith.constant 0 : i32
      %dma_start3A_1515 = arith.constant 0 : i32
      %dma_start3A_1516 = arith.constant 0 : i32
      %dma_start3A_1517 = tpu.memref_slice %arg4[%mul3A_1503, %dma_start3A_1514, %add3A, %dma_start3A_1515, %dma_start3A_1516] : memref<200x4x32x8x128xf32, #tpu.memory_space<hbm>> -> memref<8x4x1x8x128xf32, #tpu.memory_space<hbm>>
      %dma_start3A_1518 = tpu.memref_squeeze %dma_start3A_1517 : memref<8x4x1x8x128xf32, #tpu.memory_space<hbm>> -> memref<8x4x8x128xf32, #tpu.memory_space<hbm>>
      %dma_start3A_1519 = arith.constant 0 : i32
      %dma_start3A_1520 = arith.constant 0 : i32
      %dma_start3A_1521 = arith.constant 0 : i32
      %dma_start3A_1522 = arith.constant 0 : i32
      %dma_start3A_1523 = tpu.memref_slice %arg7[%dma_start3A_1519, %dma_start3A_1520, %dma_start3A_1521, %dma_start3A_1522] : memref<8x4x8x129xf32, #tpu.memory_space<vmem>> -> memref<8x4x8x128xf32, #tpu.memory_space<vmem>>
      tpu.enqueue_dma source(%dma_start3A_1523 : memref<8x4x8x128xf32, #tpu.memory_space<vmem>>) target(%dma_start3A_1518 : memref<8x4x8x128xf32, #tpu.memory_space<hbm>>) target_semaphore(%arg12 : memref<!tpu.dma_semaphore, #tpu.memory_space<semaphore_mem>>)
      %mul3A_1524 = arith.constant 2 : i32
      %mul3A_1525 = arith.muli %mul3A_1524, %add3A_1145 : i32
      %add3A_1526 = arith.constant 1 : i32
      %add3A_1527 = arith.addi %add3A_1526, %mul3A_1525 : i32
      %add3A_1528 = arith.constant 1 : i32
      %add3A_1529 = arith.addi %add3A_1527, %add3A_1528 : i32
      %dma_wait3A_1530 = arith.constant 0 : i32
      %dma_wait3A_1531 = arith.constant 1 : i32
      %dma_wait3A_1532 = arith.constant 0 : i32
      %dma_wait3A_1533 = arith.constant 0 : i32
      %dma_wait3A_1534 = tpu.memref_slice %arg5[%dma_wait3A_1531, %dma_wait3A_1532, %dma_wait3A_1533] : memref<2x8x128xi32, #tpu.memory_space<vmem>> -> memref<1x8x128xi32, #tpu.memory_space<vmem>>
      %dma_wait3A_1535 = tpu.memref_squeeze %dma_wait3A_1534 : memref<1x8x128xi32, #tpu.memory_space<vmem>> -> memref<8x128xi32, #tpu.memory_space<vmem>>
      %dma_wait3A_1536 = arith.constant 0 : i32
      %dma_wait3A_1537 = arith.constant 0 : i32
      %dma_wait3A_1538 = tpu.memref_slice %arg2[%dma_wait3A_1530, %add3A, %dma_wait3A_1536, %dma_wait3A_1537] : memref<25x32x8x128xi32, #tpu.memory_space<hbm>> -> memref<1x1x8x128xi32, #tpu.memory_space<hbm>>
      %dma_wait3A_1539 = tpu.memref_squeeze %dma_wait3A_1538 : memref<1x1x8x128xi32, #tpu.memory_space<hbm>> -> memref<8x128xi32, #tpu.memory_space<hbm>>
      %dma_wait3A_1540 = arith.constant 0 : i32
      %dma_wait3A_1541 = arith.constant 0 : i32
      %dma_wait3A_1542 = tpu.memref_slice %arg5[%dma_wait3A_1531, %dma_wait3A_1540, %dma_wait3A_1541] : memref<2x8x128xi32, #tpu.memory_space<vmem>> -> memref<1x8x128xi32, #tpu.memory_space<vmem>>
      %dma_wait3A_1543 = tpu.memref_squeeze %dma_wait3A_1542 : memref<1x8x128xi32, #tpu.memory_space<vmem>> -> memref<8x128xi32, #tpu.memory_space<vmem>>
      %dma_wait3A_1544 = arith.constant 0 : i32
      %dma_wait3A_1545 = arith.constant 0 : i32
      %dma_wait3A_1546 = tpu.memref_slice %arg2[%dma_wait3A_1530, %add3A, %dma_wait3A_1544, %dma_wait3A_1545] : memref<25x32x8x128xi32, #tpu.memory_space<hbm>> -> memref<1x1x8x128xi32, #tpu.memory_space<hbm>>
      %dma_wait3A_1547 = tpu.memref_squeeze %dma_wait3A_1546 : memref<1x1x8x128xi32, #tpu.memory_space<hbm>> -> memref<8x128xi32, #tpu.memory_space<hbm>>
      tpu.wait_dma2 semaphore(%arg9 : memref<!tpu.dma_semaphore, #tpu.memory_space<semaphore_mem>>) src(%dma_wait3A_1547 : memref<8x128xi32, #tpu.memory_space<hbm>>) dst(%dma_wait3A_1543 : memref<8x128xi32, #tpu.memory_space<vmem>>)
      %dma_start3A_1548 = arith.constant 1 : i32
      %dma_start3A_1549 = arith.constant 0 : i32
      %dma_start3A_1550 = arith.constant 1 : i32
      %dma_start3A_1551 = arith.constant 0 : i32
      %dma_start3A_1552 = arith.constant 0 : i32
      %dma_start3A_1553 = arith.constant 0 : i32
      %dma_start3A_1554 = tpu.memref_slice %arg6[%dma_start3A_1550, %dma_start3A_1551, %dma_start3A_1552, %dma_start3A_1553] : memref<2x8x128x32xf32, #tpu.memory_space<vmem>> -> memref<1x1x128x32xf32, #tpu.memory_space<vmem>>
      %dma_start3A_1555 = tpu.memref_squeeze %dma_start3A_1554 : memref<1x1x128x32xf32, #tpu.memory_space<vmem>> -> memref<128x32xf32, #tpu.memory_space<vmem>>
      %dma_start3A_1556 = arith.constant 0 : i32
      %dma_start3A_1557 = tpu.memref_slice %arg5[%dma_start3A_1548, %dma_start3A_1549, %dma_start3A_1556] : memref<2x8x128xi32, #tpu.memory_space<vmem>> -> memref<1x1x128xi32, #tpu.memory_space<vmem>>
      %dma_start3A_1558 = tpu.memref_squeeze %dma_start3A_1557 : memref<1x1x128xi32, #tpu.memory_space<vmem>> -> memref<128xi32, #tpu.memory_space<vmem>>
      %dma_start3A_1559 = arith.constant 0 : i32
      %dma_start3A_1560 = arith.constant 0 : i32
      %dma_start3A_1561 = tpu.memref_slice %arg3[%dma_start3A_1559, %dma_start3A_1560] : memref<100001x32xf32, #tpu.memory_space<hbm>> -> memref<100001x32xf32, #tpu.memory_space<hbm>>
      tpu.enqueue_indirect_dma source(%dma_start3A_1561 : memref<100001x32xf32, #tpu.memory_space<hbm>>) target(%dma_start3A_1555 : memref<128x32xf32, #tpu.memory_space<vmem>>) offsets(%dma_start3A_1558 : memref<128xi32, #tpu.memory_space<vmem>>) semaphore(%arg11 : memref<!tpu.dma_semaphore, #tpu.memory_space<semaphore_mem>>)
      %dma_start3A_1562 = arith.constant 1 : i32
      %dma_start3A_1563 = arith.constant 1 : i32
      %dma_start3A_1564 = arith.constant 1 : i32
      %dma_start3A_1565 = arith.constant 1 : i32
      %dma_start3A_1566 = arith.constant 0 : i32
      %dma_start3A_1567 = arith.constant 0 : i32
      %dma_start3A_1568 = tpu.memref_slice %arg6[%dma_start3A_1564, %dma_start3A_1565, %dma_start3A_1566, %dma_start3A_1567] : memref<2x8x128x32xf32, #tpu.memory_space<vmem>> -> memref<1x1x128x32xf32, #tpu.memory_space<vmem>>
      %dma_start3A_1569 = tpu.memref_squeeze %dma_start3A_1568 : memref<1x1x128x32xf32, #tpu.memory_space<vmem>> -> memref<128x32xf32, #tpu.memory_space<vmem>>
      %dma_start3A_1570 = arith.constant 0 : i32
      %dma_start3A_1571 = tpu.memref_slice %arg5[%dma_start3A_1562, %dma_start3A_1563, %dma_start3A_1570] : memref<2x8x128xi32, #tpu.memory_space<vmem>> -> memref<1x1x128xi32, #tpu.memory_space<vmem>>
      %dma_start3A_1572 = tpu.memref_squeeze %dma_start3A_1571 : memref<1x1x128xi32, #tpu.memory_space<vmem>> -> memref<128xi32, #tpu.memory_space<vmem>>
      %dma_start3A_1573 = arith.constant 0 : i32
      %dma_start3A_1574 = arith.constant 0 : i32
      %dma_start3A_1575 = tpu.memref_slice %arg3[%dma_start3A_1573, %dma_start3A_1574] : memref<100001x32xf32, #tpu.memory_space<hbm>> -> memref<100001x32xf32, #tpu.memory_space<hbm>>
      tpu.enqueue_indirect_dma source(%dma_start3A_1575 : memref<100001x32xf32, #tpu.memory_space<hbm>>) target(%dma_start3A_1569 : memref<128x32xf32, #tpu.memory_space<vmem>>) offsets(%dma_start3A_1572 : memref<128xi32, #tpu.memory_space<vmem>>) semaphore(%arg11 : memref<!tpu.dma_semaphore, #tpu.memory_space<semaphore_mem>>)
      %dma_start3A_1576 = arith.constant 1 : i32
      %dma_start3A_1577 = arith.constant 2 : i32
      %dma_start3A_1578 = arith.constant 1 : i32
      %dma_start3A_1579 = arith.constant 2 : i32
      %dma_start3A_1580 = arith.constant 0 : i32
      %dma_start3A_1581 = arith.constant 0 : i32
      %dma_start3A_1582 = tpu.memref_slice %arg6[%dma_start3A_1578, %dma_start3A_1579, %dma_start3A_1580, %dma_start3A_1581] : memref<2x8x128x32xf32, #tpu.memory_space<vmem>> -> memref<1x1x128x32xf32, #tpu.memory_space<vmem>>
      %dma_start3A_1583 = tpu.memref_squeeze %dma_start3A_1582 : memref<1x1x128x32xf32, #tpu.memory_space<vmem>> -> memref<128x32xf32, #tpu.memory_space<vmem>>
      %dma_start3A_1584 = arith.constant 0 : i32
      %dma_start3A_1585 = tpu.memref_slice %arg5[%dma_start3A_1576, %dma_start3A_1577, %dma_start3A_1584] : memref<2x8x128xi32, #tpu.memory_space<vmem>> -> memref<1x1x128xi32, #tpu.memory_space<vmem>>
      %dma_start3A_1586 = tpu.memref_squeeze %dma_start3A_1585 : memref<1x1x128xi32, #tpu.memory_space<vmem>> -> memref<128xi32, #tpu.memory_space<vmem>>
      %dma_start3A_1587 = arith.constant 0 : i32
      %dma_start3A_1588 = arith.constant 0 : i32
      %dma_start3A_1589 = tpu.memref_slice %arg3[%dma_start3A_1587, %dma_start3A_1588] : memref<100001x32xf32, #tpu.memory_space<hbm>> -> memref<100001x32xf32, #tpu.memory_space<hbm>>
      tpu.enqueue_indirect_dma source(%dma_start3A_1589 : memref<100001x32xf32, #tpu.memory_space<hbm>>) target(%dma_start3A_1583 : memref<128x32xf32, #tpu.memory_space<vmem>>) offsets(%dma_start3A_1586 : memref<128xi32, #tpu.memory_space<vmem>>) semaphore(%arg11 : memref<!tpu.dma_semaphore, #tpu.memory_space<semaphore_mem>>)
      %dma_start3A_1590 = arith.constant 1 : i32
      %dma_start3A_1591 = arith.constant 3 : i32
      %dma_start3A_1592 = arith.constant 1 : i32
      %dma_start3A_1593 = arith.constant 3 : i32
      %dma_start3A_1594 = arith.constant 0 : i32
      %dma_start3A_1595 = arith.constant 0 : i32
      %dma_start3A_1596 = tpu.memref_slice %arg6[%dma_start3A_1592, %dma_start3A_1593, %dma_start3A_1594, %dma_start3A_1595] : memref<2x8x128x32xf32, #tpu.memory_space<vmem>> -> memref<1x1x128x32xf32, #tpu.memory_space<vmem>>
      %dma_start3A_1597 = tpu.memref_squeeze %dma_start3A_1596 : memref<1x1x128x32xf32, #tpu.memory_space<vmem>> -> memref<128x32xf32, #tpu.memory_space<vmem>>
      %dma_start3A_1598 = arith.constant 0 : i32
      %dma_start3A_1599 = tpu.memref_slice %arg5[%dma_start3A_1590, %dma_start3A_1591, %dma_start3A_1598] : memref<2x8x128xi32, #tpu.memory_space<vmem>> -> memref<1x1x128xi32, #tpu.memory_space<vmem>>
      %dma_start3A_1600 = tpu.memref_squeeze %dma_start3A_1599 : memref<1x1x128xi32, #tpu.memory_space<vmem>> -> memref<128xi32, #tpu.memory_space<vmem>>
      %dma_start3A_1601 = arith.constant 0 : i32
      %dma_start3A_1602 = arith.constant 0 : i32
      %dma_start3A_1603 = tpu.memref_slice %arg3[%dma_start3A_1601, %dma_start3A_1602] : memref<100001x32xf32, #tpu.memory_space<hbm>> -> memref<100001x32xf32, #tpu.memory_space<hbm>>
      tpu.enqueue_indirect_dma source(%dma_start3A_1603 : memref<100001x32xf32, #tpu.memory_space<hbm>>) target(%dma_start3A_1597 : memref<128x32xf32, #tpu.memory_space<vmem>>) offsets(%dma_start3A_1600 : memref<128xi32, #tpu.memory_space<vmem>>) semaphore(%arg11 : memref<!tpu.dma_semaphore, #tpu.memory_space<semaphore_mem>>)
      %dma_start3A_1604 = arith.constant 1 : i32
      %dma_start3A_1605 = arith.constant 4 : i32
      %dma_start3A_1606 = arith.constant 1 : i32
      %dma_start3A_1607 = arith.constant 4 : i32
      %dma_start3A_1608 = arith.constant 0 : i32
      %dma_start3A_1609 = arith.constant 0 : i32
      %dma_start3A_1610 = tpu.memref_slice %arg6[%dma_start3A_1606, %dma_start3A_1607, %dma_start3A_1608, %dma_start3A_1609] : memref<2x8x128x32xf32, #tpu.memory_space<vmem>> -> memref<1x1x128x32xf32, #tpu.memory_space<vmem>>
      %dma_start3A_1611 = tpu.memref_squeeze %dma_start3A_1610 : memref<1x1x128x32xf32, #tpu.memory_space<vmem>> -> memref<128x32xf32, #tpu.memory_space<vmem>>
      %dma_start3A_1612 = arith.constant 0 : i32
      %dma_start3A_1613 = tpu.memref_slice %arg5[%dma_start3A_1604, %dma_start3A_1605, %dma_start3A_1612] : memref<2x8x128xi32, #tpu.memory_space<vmem>> -> memref<1x1x128xi32, #tpu.memory_space<vmem>>
      %dma_start3A_1614 = tpu.memref_squeeze %dma_start3A_1613 : memref<1x1x128xi32, #tpu.memory_space<vmem>> -> memref<128xi32, #tpu.memory_space<vmem>>
      %dma_start3A_1615 = arith.constant 0 : i32
      %dma_start3A_1616 = arith.constant 0 : i32
      %dma_start3A_1617 = tpu.memref_slice %arg3[%dma_start3A_1615, %dma_start3A_1616] : memref<100001x32xf32, #tpu.memory_space<hbm>> -> memref<100001x32xf32, #tpu.memory_space<hbm>>
      tpu.enqueue_indirect_dma source(%dma_start3A_1617 : memref<100001x32xf32, #tpu.memory_space<hbm>>) target(%dma_start3A_1611 : memref<128x32xf32, #tpu.memory_space<vmem>>) offsets(%dma_start3A_1614 : memref<128xi32, #tpu.memory_space<vmem>>) semaphore(%arg11 : memref<!tpu.dma_semaphore, #tpu.memory_space<semaphore_mem>>)
      %dma_start3A_1618 = arith.constant 1 : i32
      %dma_start3A_1619 = arith.constant 5 : i32
      %dma_start3A_1620 = arith.constant 1 : i32
      %dma_start3A_1621 = arith.constant 5 : i32
      %dma_start3A_1622 = arith.constant 0 : i32
      %dma_start3A_1623 = arith.constant 0 : i32
      %dma_start3A_1624 = tpu.memref_slice %arg6[%dma_start3A_1620, %dma_start3A_1621, %dma_start3A_1622, %dma_start3A_1623] : memref<2x8x128x32xf32, #tpu.memory_space<vmem>> -> memref<1x1x128x32xf32, #tpu.memory_space<vmem>>
      %dma_start3A_1625 = tpu.memref_squeeze %dma_start3A_1624 : memref<1x1x128x32xf32, #tpu.memory_space<vmem>> -> memref<128x32xf32, #tpu.memory_space<vmem>>
      %dma_start3A_1626 = arith.constant 0 : i32
      %dma_start3A_1627 = tpu.memref_slice %arg5[%dma_start3A_1618, %dma_start3A_1619, %dma_start3A_1626] : memref<2x8x128xi32, #tpu.memory_space<vmem>> -> memref<1x1x128xi32, #tpu.memory_space<vmem>>
      %dma_start3A_1628 = tpu.memref_squeeze %dma_start3A_1627 : memref<1x1x128xi32, #tpu.memory_space<vmem>> -> memref<128xi32, #tpu.memory_space<vmem>>
      %dma_start3A_1629 = arith.constant 0 : i32
      %dma_start3A_1630 = arith.constant 0 : i32
      %dma_start3A_1631 = tpu.memref_slice %arg3[%dma_start3A_1629, %dma_start3A_1630] : memref<100001x32xf32, #tpu.memory_space<hbm>> -> memref<100001x32xf32, #tpu.memory_space<hbm>>
      tpu.enqueue_indirect_dma source(%dma_start3A_1631 : memref<100001x32xf32, #tpu.memory_space<hbm>>) target(%dma_start3A_1625 : memref<128x32xf32, #tpu.memory_space<vmem>>) offsets(%dma_start3A_1628 : memref<128xi32, #tpu.memory_space<vmem>>) semaphore(%arg11 : memref<!tpu.dma_semaphore, #tpu.memory_space<semaphore_mem>>)
      %dma_start3A_1632 = arith.constant 1 : i32
      %dma_start3A_1633 = arith.constant 6 : i32
      %dma_start3A_1634 = arith.constant 1 : i32
      %dma_start3A_1635 = arith.constant 6 : i32
      %dma_start3A_1636 = arith.constant 0 : i32
      %dma_start3A_1637 = arith.constant 0 : i32
      %dma_start3A_1638 = tpu.memref_slice %arg6[%dma_start3A_1634, %dma_start3A_1635, %dma_start3A_1636, %dma_start3A_1637] : memref<2x8x128x32xf32, #tpu.memory_space<vmem>> -> memref<1x1x128x32xf32, #tpu.memory_space<vmem>>
      %dma_start3A_1639 = tpu.memref_squeeze %dma_start3A_1638 : memref<1x1x128x32xf32, #tpu.memory_space<vmem>> -> memref<128x32xf32, #tpu.memory_space<vmem>>
      %dma_start3A_1640 = arith.constant 0 : i32
      %dma_start3A_1641 = tpu.memref_slice %arg5[%dma_start3A_1632, %dma_start3A_1633, %dma_start3A_1640] : memref<2x8x128xi32, #tpu.memory_space<vmem>> -> memref<1x1x128xi32, #tpu.memory_space<vmem>>
      %dma_start3A_1642 = tpu.memref_squeeze %dma_start3A_1641 : memref<1x1x128xi32, #tpu.memory_space<vmem>> -> memref<128xi32, #tpu.memory_space<vmem>>
      %dma_start3A_1643 = arith.constant 0 : i32
      %dma_start3A_1644 = arith.constant 0 : i32
      %dma_start3A_1645 = tpu.memref_slice %arg3[%dma_start3A_1643, %dma_start3A_1644] : memref<100001x32xf32, #tpu.memory_space<hbm>> -> memref<100001x32xf32, #tpu.memory_space<hbm>>
      tpu.enqueue_indirect_dma source(%dma_start3A_1645 : memref<100001x32xf32, #tpu.memory_space<hbm>>) target(%dma_start3A_1639 : memref<128x32xf32, #tpu.memory_space<vmem>>) offsets(%dma_start3A_1642 : memref<128xi32, #tpu.memory_space<vmem>>) semaphore(%arg11 : memref<!tpu.dma_semaphore, #tpu.memory_space<semaphore_mem>>)
      %dma_start3A_1646 = arith.constant 1 : i32
      %dma_start3A_1647 = arith.constant 7 : i32
      %dma_start3A_1648 = arith.constant 1 : i32
      %dma_start3A_1649 = arith.constant 7 : i32
      %dma_start3A_1650 = arith.constant 0 : i32
      %dma_start3A_1651 = arith.constant 0 : i32
      %dma_start3A_1652 = tpu.memref_slice %arg6[%dma_start3A_1648, %dma_start3A_1649, %dma_start3A_1650, %dma_start3A_1651] : memref<2x8x128x32xf32, #tpu.memory_space<vmem>> -> memref<1x1x128x32xf32, #tpu.memory_space<vmem>>
      %dma_start3A_1653 = tpu.memref_squeeze %dma_start3A_1652 : memref<1x1x128x32xf32, #tpu.memory_space<vmem>> -> memref<128x32xf32, #tpu.memory_space<vmem>>
      %dma_start3A_1654 = arith.constant 0 : i32
      %dma_start3A_1655 = tpu.memref_slice %arg5[%dma_start3A_1646, %dma_start3A_1647, %dma_start3A_1654] : memref<2x8x128xi32, #tpu.memory_space<vmem>> -> memref<1x1x128xi32, #tpu.memory_space<vmem>>
      %dma_start3A_1656 = tpu.memref_squeeze %dma_start3A_1655 : memref<1x1x128xi32, #tpu.memory_space<vmem>> -> memref<128xi32, #tpu.memory_space<vmem>>
      %dma_start3A_1657 = arith.constant 0 : i32
      %dma_start3A_1658 = arith.constant 0 : i32
      %dma_start3A_1659 = tpu.memref_slice %arg3[%dma_start3A_1657, %dma_start3A_1658] : memref<100001x32xf32, #tpu.memory_space<hbm>> -> memref<100001x32xf32, #tpu.memory_space<hbm>>
      tpu.enqueue_indirect_dma source(%dma_start3A_1659 : memref<100001x32xf32, #tpu.memory_space<hbm>>) target(%dma_start3A_1653 : memref<128x32xf32, #tpu.memory_space<vmem>>) offsets(%dma_start3A_1656 : memref<128xi32, #tpu.memory_space<vmem>>) semaphore(%arg11 : memref<!tpu.dma_semaphore, #tpu.memory_space<semaphore_mem>>)
      %dma_wait3A_1660 = arith.constant 0 : i32
      %dma_wait3A_1661 = arith.constant 0 : i32
      %dma_wait3A_1662 = arith.constant 0 : i32
      %dma_wait3A_1663 = arith.constant 0 : i32
      %dma_wait3A_1664 = arith.constant 0 : i32
      %dma_wait3A_1665 = arith.constant 0 : i32
      %dma_wait3A_1666 = tpu.memref_slice %arg6[%dma_wait3A_1662, %dma_wait3A_1663, %dma_wait3A_1664, %dma_wait3A_1665] : memref<2x8x128x32xf32, #tpu.memory_space<vmem>> -> memref<1x1x128x32xf32, #tpu.memory_space<vmem>>
      %dma_wait3A_1667 = tpu.memref_squeeze %dma_wait3A_1666 : memref<1x1x128x32xf32, #tpu.memory_space<vmem>> -> memref<128x32xf32, #tpu.memory_space<vmem>>
      %dma_wait3A_1668 = arith.constant 0 : i32
      %dma_wait3A_1669 = tpu.memref_slice %arg5[%dma_wait3A_1660, %dma_wait3A_1661, %dma_wait3A_1668] : memref<2x8x128xi32, #tpu.memory_space<vmem>> -> memref<1x1x128xi32, #tpu.memory_space<vmem>>
      %dma_wait3A_1670 = tpu.memref_squeeze %dma_wait3A_1669 : memref<1x1x128xi32, #tpu.memory_space<vmem>> -> memref<128xi32, #tpu.memory_space<vmem>>
      %dma_wait3A_1671 = arith.constant 0 : i32
      %dma_wait3A_1672 = arith.constant 0 : i32
      %dma_wait3A_1673 = tpu.memref_slice %arg3[%dma_wait3A_1671, %dma_wait3A_1672] : memref<100001x32xf32, #tpu.memory_space<hbm>> -> memref<100001x32xf32, #tpu.memory_space<hbm>>
      tpu.wait_indirect_dma semaphore(%arg10 : memref<!tpu.dma_semaphore, #tpu.memory_space<semaphore_mem>>) src(%dma_wait3A_1673 : memref<100001x32xf32, #tpu.memory_space<hbm>>) dst(%dma_wait3A_1667 : memref<128x32xf32, #tpu.memory_space<vmem>>)
      %dma_wait3A_1674 = arith.constant 0 : i32
      %dma_wait3A_1675 = arith.constant 1 : i32
      %dma_wait3A_1676 = arith.constant 0 : i32
      %dma_wait3A_1677 = arith.constant 1 : i32
      %dma_wait3A_1678 = arith.constant 0 : i32
      %dma_wait3A_1679 = arith.constant 0 : i32
      %dma_wait3A_1680 = tpu.memref_slice %arg6[%dma_wait3A_1676, %dma_wait3A_1677, %dma_wait3A_1678, %dma_wait3A_1679] : memref<2x8x128x32xf32, #tpu.memory_space<vmem>> -> memref<1x1x128x32xf32, #tpu.memory_space<vmem>>
      %dma_wait3A_1681 = tpu.memref_squeeze %dma_wait3A_1680 : memref<1x1x128x32xf32, #tpu.memory_space<vmem>> -> memref<128x32xf32, #tpu.memory_space<vmem>>
      %dma_wait3A_1682 = arith.constant 0 : i32
      %dma_wait3A_1683 = tpu.memref_slice %arg5[%dma_wait3A_1674, %dma_wait3A_1675, %dma_wait3A_1682] : memref<2x8x128xi32, #tpu.memory_space<vmem>> -> memref<1x1x128xi32, #tpu.memory_space<vmem>>
      %dma_wait3A_1684 = tpu.memref_squeeze %dma_wait3A_1683 : memref<1x1x128xi32, #tpu.memory_space<vmem>> -> memref<128xi32, #tpu.memory_space<vmem>>
      %dma_wait3A_1685 = arith.constant 0 : i32
      %dma_wait3A_1686 = arith.constant 0 : i32
      %dma_wait3A_1687 = tpu.memref_slice %arg3[%dma_wait3A_1685, %dma_wait3A_1686] : memref<100001x32xf32, #tpu.memory_space<hbm>> -> memref<100001x32xf32, #tpu.memory_space<hbm>>
      tpu.wait_indirect_dma semaphore(%arg10 : memref<!tpu.dma_semaphore, #tpu.memory_space<semaphore_mem>>) src(%dma_wait3A_1687 : memref<100001x32xf32, #tpu.memory_space<hbm>>) dst(%dma_wait3A_1681 : memref<128x32xf32, #tpu.memory_space<vmem>>)
      %dma_wait3A_1688 = arith.constant 0 : i32
      %dma_wait3A_1689 = arith.constant 2 : i32
      %dma_wait3A_1690 = arith.constant 0 : i32
      %dma_wait3A_1691 = arith.constant 2 : i32
      %dma_wait3A_1692 = arith.constant 0 : i32
      %dma_wait3A_1693 = arith.constant 0 : i32
      %dma_wait3A_1694 = tpu.memref_slice %arg6[%dma_wait3A_1690, %dma_wait3A_1691, %dma_wait3A_1692, %dma_wait3A_1693] : memref<2x8x128x32xf32, #tpu.memory_space<vmem>> -> memref<1x1x128x32xf32, #tpu.memory_space<vmem>>
      %dma_wait3A_1695 = tpu.memref_squeeze %dma_wait3A_1694 : memref<1x1x128x32xf32, #tpu.memory_space<vmem>> -> memref<128x32xf32, #tpu.memory_space<vmem>>
      %dma_wait3A_1696 = arith.constant 0 : i32
      %dma_wait3A_1697 = tpu.memref_slice %arg5[%dma_wait3A_1688, %dma_wait3A_1689, %dma_wait3A_1696] : memref<2x8x128xi32, #tpu.memory_space<vmem>> -> memref<1x1x128xi32, #tpu.memory_space<vmem>>
      %dma_wait3A_1698 = tpu.memref_squeeze %dma_wait3A_1697 : memref<1x1x128xi32, #tpu.memory_space<vmem>> -> memref<128xi32, #tpu.memory_space<vmem>>
      %dma_wait3A_1699 = arith.constant 0 : i32
      %dma_wait3A_1700 = arith.constant 0 : i32
      %dma_wait3A_1701 = tpu.memref_slice %arg3[%dma_wait3A_1699, %dma_wait3A_1700] : memref<100001x32xf32, #tpu.memory_space<hbm>> -> memref<100001x32xf32, #tpu.memory_space<hbm>>
      tpu.wait_indirect_dma semaphore(%arg10 : memref<!tpu.dma_semaphore, #tpu.memory_space<semaphore_mem>>) src(%dma_wait3A_1701 : memref<100001x32xf32, #tpu.memory_space<hbm>>) dst(%dma_wait3A_1695 : memref<128x32xf32, #tpu.memory_space<vmem>>)
      %dma_wait3A_1702 = arith.constant 0 : i32
      %dma_wait3A_1703 = arith.constant 3 : i32
      %dma_wait3A_1704 = arith.constant 0 : i32
      %dma_wait3A_1705 = arith.constant 3 : i32
      %dma_wait3A_1706 = arith.constant 0 : i32
      %dma_wait3A_1707 = arith.constant 0 : i32
      %dma_wait3A_1708 = tpu.memref_slice %arg6[%dma_wait3A_1704, %dma_wait3A_1705, %dma_wait3A_1706, %dma_wait3A_1707] : memref<2x8x128x32xf32, #tpu.memory_space<vmem>> -> memref<1x1x128x32xf32, #tpu.memory_space<vmem>>
      %dma_wait3A_1709 = tpu.memref_squeeze %dma_wait3A_1708 : memref<1x1x128x32xf32, #tpu.memory_space<vmem>> -> memref<128x32xf32, #tpu.memory_space<vmem>>
      %dma_wait3A_1710 = arith.constant 0 : i32
      %dma_wait3A_1711 = tpu.memref_slice %arg5[%dma_wait3A_1702, %dma_wait3A_1703, %dma_wait3A_1710] : memref<2x8x128xi32, #tpu.memory_space<vmem>> -> memref<1x1x128xi32, #tpu.memory_space<vmem>>
      %dma_wait3A_1712 = tpu.memref_squeeze %dma_wait3A_1711 : memref<1x1x128xi32, #tpu.memory_space<vmem>> -> memref<128xi32, #tpu.memory_space<vmem>>
      %dma_wait3A_1713 = arith.constant 0 : i32
      %dma_wait3A_1714 = arith.constant 0 : i32
      %dma_wait3A_1715 = tpu.memref_slice %arg3[%dma_wait3A_1713, %dma_wait3A_1714] : memref<100001x32xf32, #tpu.memory_space<hbm>> -> memref<100001x32xf32, #tpu.memory_space<hbm>>
      tpu.wait_indirect_dma semaphore(%arg10 : memref<!tpu.dma_semaphore, #tpu.memory_space<semaphore_mem>>) src(%dma_wait3A_1715 : memref<100001x32xf32, #tpu.memory_space<hbm>>) dst(%dma_wait3A_1709 : memref<128x32xf32, #tpu.memory_space<vmem>>)
      %dma_wait3A_1716 = arith.constant 0 : i32
      %dma_wait3A_1717 = arith.constant 4 : i32
      %dma_wait3A_1718 = arith.constant 0 : i32
      %dma_wait3A_1719 = arith.constant 4 : i32
      %dma_wait3A_1720 = arith.constant 0 : i32
      %dma_wait3A_1721 = arith.constant 0 : i32
      %dma_wait3A_1722 = tpu.memref_slice %arg6[%dma_wait3A_1718, %dma_wait3A_1719, %dma_wait3A_1720, %dma_wait3A_1721] : memref<2x8x128x32xf32, #tpu.memory_space<vmem>> -> memref<1x1x128x32xf32, #tpu.memory_space<vmem>>
      %dma_wait3A_1723 = tpu.memref_squeeze %dma_wait3A_1722 : memref<1x1x128x32xf32, #tpu.memory_space<vmem>> -> memref<128x32xf32, #tpu.memory_space<vmem>>
      %dma_wait3A_1724 = arith.constant 0 : i32
      %dma_wait3A_1725 = tpu.memref_slice %arg5[%dma_wait3A_1716, %dma_wait3A_1717, %dma_wait3A_1724] : memref<2x8x128xi32, #tpu.memory_space<vmem>> -> memref<1x1x128xi32, #tpu.memory_space<vmem>>
      %dma_wait3A_1726 = tpu.memref_squeeze %dma_wait3A_1725 : memref<1x1x128xi32, #tpu.memory_space<vmem>> -> memref<128xi32, #tpu.memory_space<vmem>>
      %dma_wait3A_1727 = arith.constant 0 : i32
      %dma_wait3A_1728 = arith.constant 0 : i32
      %dma_wait3A_1729 = tpu.memref_slice %arg3[%dma_wait3A_1727, %dma_wait3A_1728] : memref<100001x32xf32, #tpu.memory_space<hbm>> -> memref<100001x32xf32, #tpu.memory_space<hbm>>
      tpu.wait_indirect_dma semaphore(%arg10 : memref<!tpu.dma_semaphore, #tpu.memory_space<semaphore_mem>>) src(%dma_wait3A_1729 : memref<100001x32xf32, #tpu.memory_space<hbm>>) dst(%dma_wait3A_1723 : memref<128x32xf32, #tpu.memory_space<vmem>>)
      %dma_wait3A_1730 = arith.constant 0 : i32
      %dma_wait3A_1731 = arith.constant 5 : i32
      %dma_wait3A_1732 = arith.constant 0 : i32
      %dma_wait3A_1733 = arith.constant 5 : i32
      %dma_wait3A_1734 = arith.constant 0 : i32
      %dma_wait3A_1735 = arith.constant 0 : i32
      %dma_wait3A_1736 = tpu.memref_slice %arg6[%dma_wait3A_1732, %dma_wait3A_1733, %dma_wait3A_1734, %dma_wait3A_1735] : memref<2x8x128x32xf32, #tpu.memory_space<vmem>> -> memref<1x1x128x32xf32, #tpu.memory_space<vmem>>
      %dma_wait3A_1737 = tpu.memref_squeeze %dma_wait3A_1736 : memref<1x1x128x32xf32, #tpu.memory_space<vmem>> -> memref<128x32xf32, #tpu.memory_space<vmem>>
      %dma_wait3A_1738 = arith.constant 0 : i32
      %dma_wait3A_1739 = tpu.memref_slice %arg5[%dma_wait3A_1730, %dma_wait3A_1731, %dma_wait3A_1738] : memref<2x8x128xi32, #tpu.memory_space<vmem>> -> memref<1x1x128xi32, #tpu.memory_space<vmem>>
      %dma_wait3A_1740 = tpu.memref_squeeze %dma_wait3A_1739 : memref<1x1x128xi32, #tpu.memory_space<vmem>> -> memref<128xi32, #tpu.memory_space<vmem>>
      %dma_wait3A_1741 = arith.constant 0 : i32
      %dma_wait3A_1742 = arith.constant 0 : i32
      %dma_wait3A_1743 = tpu.memref_slice %arg3[%dma_wait3A_1741, %dma_wait3A_1742] : memref<100001x32xf32, #tpu.memory_space<hbm>> -> memref<100001x32xf32, #tpu.memory_space<hbm>>
      tpu.wait_indirect_dma semaphore(%arg10 : memref<!tpu.dma_semaphore, #tpu.memory_space<semaphore_mem>>) src(%dma_wait3A_1743 : memref<100001x32xf32, #tpu.memory_space<hbm>>) dst(%dma_wait3A_1737 : memref<128x32xf32, #tpu.memory_space<vmem>>)
      %dma_wait3A_1744 = arith.constant 0 : i32
      %dma_wait3A_1745 = arith.constant 6 : i32
      %dma_wait3A_1746 = arith.constant 0 : i32
      %dma_wait3A_1747 = arith.constant 6 : i32
      %dma_wait3A_1748 = arith.constant 0 : i32
      %dma_wait3A_1749 = arith.constant 0 : i32
      %dma_wait3A_1750 = tpu.memref_slice %arg6[%dma_wait3A_1746, %dma_wait3A_1747, %dma_wait3A_1748, %dma_wait3A_1749] : memref<2x8x128x32xf32, #tpu.memory_space<vmem>> -> memref<1x1x128x32xf32, #tpu.memory_space<vmem>>
      %dma_wait3A_1751 = tpu.memref_squeeze %dma_wait3A_1750 : memref<1x1x128x32xf32, #tpu.memory_space<vmem>> -> memref<128x32xf32, #tpu.memory_space<vmem>>
      %dma_wait3A_1752 = arith.constant 0 : i32
      %dma_wait3A_1753 = tpu.memref_slice %arg5[%dma_wait3A_1744, %dma_wait3A_1745, %dma_wait3A_1752] : memref<2x8x128xi32, #tpu.memory_space<vmem>> -> memref<1x1x128xi32, #tpu.memory_space<vmem>>
      %dma_wait3A_1754 = tpu.memref_squeeze %dma_wait3A_1753 : memref<1x1x128xi32, #tpu.memory_space<vmem>> -> memref<128xi32, #tpu.memory_space<vmem>>
      %dma_wait3A_1755 = arith.constant 0 : i32
      %dma_wait3A_1756 = arith.constant 0 : i32
      %dma_wait3A_1757 = tpu.memref_slice %arg3[%dma_wait3A_1755, %dma_wait3A_1756] : memref<100001x32xf32, #tpu.memory_space<hbm>> -> memref<100001x32xf32, #tpu.memory_space<hbm>>
      tpu.wait_indirect_dma semaphore(%arg10 : memref<!tpu.dma_semaphore, #tpu.memory_space<semaphore_mem>>) src(%dma_wait3A_1757 : memref<100001x32xf32, #tpu.memory_space<hbm>>) dst(%dma_wait3A_1751 : memref<128x32xf32, #tpu.memory_space<vmem>>)
      %dma_wait3A_1758 = arith.constant 0 : i32
      %dma_wait3A_1759 = arith.constant 7 : i32
      %dma_wait3A_1760 = arith.constant 0 : i32
      %dma_wait3A_1761 = arith.constant 7 : i32
      %dma_wait3A_1762 = arith.constant 0 : i32
      %dma_wait3A_1763 = arith.constant 0 : i32
      %dma_wait3A_1764 = tpu.memref_slice %arg6[%dma_wait3A_1760, %dma_wait3A_1761, %dma_wait3A_1762, %dma_wait3A_1763] : memref<2x8x128x32xf32, #tpu.memory_space<vmem>> -> memref<1x1x128x32xf32, #tpu.memory_space<vmem>>
      %dma_wait3A_1765 = tpu.memref_squeeze %dma_wait3A_1764 : memref<1x1x128x32xf32, #tpu.memory_space<vmem>> -> memref<128x32xf32, #tpu.memory_space<vmem>>
      %dma_wait3A_1766 = arith.constant 0 : i32
      %dma_wait3A_1767 = tpu.memref_slice %arg5[%dma_wait3A_1758, %dma_wait3A_1759, %dma_wait3A_1766] : memref<2x8x128xi32, #tpu.memory_space<vmem>> -> memref<1x1x128xi32, #tpu.memory_space<vmem>>
      %dma_wait3A_1768 = tpu.memref_squeeze %dma_wait3A_1767 : memref<1x1x128xi32, #tpu.memory_space<vmem>> -> memref<128xi32, #tpu.memory_space<vmem>>
      %dma_wait3A_1769 = arith.constant 0 : i32
      %dma_wait3A_1770 = arith.constant 0 : i32
      %dma_wait3A_1771 = tpu.memref_slice %arg3[%dma_wait3A_1769, %dma_wait3A_1770] : memref<100001x32xf32, #tpu.memory_space<hbm>> -> memref<100001x32xf32, #tpu.memory_space<hbm>>
      tpu.wait_indirect_dma semaphore(%arg10 : memref<!tpu.dma_semaphore, #tpu.memory_space<semaphore_mem>>) src(%dma_wait3A_1771 : memref<100001x32xf32, #tpu.memory_space<hbm>>) dst(%dma_wait3A_1765 : memref<128x32xf32, #tpu.memory_space<vmem>>)
      %add3A_1772 = arith.constant 2 : i32
      %add3A_1773 = arith.addi %add3A_1529, %add3A_1772 : i32
      %lt3A_1774 = arith.constant 25 : i32
      %lt3A_1775 = arith.cmpi slt, %add3A_1773, %lt3A_1774 : i32
      %jit3A_1776 = arith.constant 0 : i32
      %select_n3A_1777 = arith.select %lt3A_1775, %add3A_1773, %jit3A_1776 : i32
      %dma_start3A_1778 = arith.constant 0 : i32
      %dma_start3A_1779 = arith.constant 0 : i32
      %dma_start3A_1780 = arith.constant 0 : i32
      %dma_start3A_1781 = tpu.memref_slice %arg5[%dma_start3A_1778, %dma_start3A_1779, %dma_start3A_1780] : memref<2x8x128xi32, #tpu.memory_space<vmem>> -> memref<1x8x128xi32, #tpu.memory_space<vmem>>
      %dma_start3A_1782 = tpu.memref_squeeze %dma_start3A_1781 : memref<1x8x128xi32, #tpu.memory_space<vmem>> -> memref<8x128xi32, #tpu.memory_space<vmem>>
      %dma_start3A_1783 = arith.constant 0 : i32
      %dma_start3A_1784 = arith.constant 0 : i32
      %dma_start3A_1785 = tpu.memref_slice %arg2[%select_n3A_1777, %add3A, %dma_start3A_1783, %dma_start3A_1784] : memref<25x32x8x128xi32, #tpu.memory_space<hbm>> -> memref<1x1x8x128xi32, #tpu.memory_space<hbm>>
      %dma_start3A_1786 = tpu.memref_squeeze %dma_start3A_1785 : memref<1x1x8x128xi32, #tpu.memory_space<hbm>> -> memref<8x128xi32, #tpu.memory_space<hbm>>
      %dma_start3A_1787 = arith.constant 0 : i32
      %dma_start3A_1788 = arith.constant 0 : i32
      %dma_start3A_1789 = tpu.memref_slice %arg5[%dma_start3A_1778, %dma_start3A_1787, %dma_start3A_1788] : memref<2x8x128xi32, #tpu.memory_space<vmem>> -> memref<1x8x128xi32, #tpu.memory_space<vmem>>
      %dma_start3A_1790 = tpu.memref_squeeze %dma_start3A_1789 : memref<1x8x128xi32, #tpu.memory_space<vmem>> -> memref<8x128xi32, #tpu.memory_space<vmem>>
      %dma_start3A_1791 = arith.constant 0 : i32
      %dma_start3A_1792 = arith.constant 0 : i32
      %dma_start3A_1793 = tpu.memref_slice %arg2[%select_n3A_1777, %add3A, %dma_start3A_1791, %dma_start3A_1792] : memref<25x32x8x128xi32, #tpu.memory_space<hbm>> -> memref<1x1x8x128xi32, #tpu.memory_space<hbm>>
      %dma_start3A_1794 = tpu.memref_squeeze %dma_start3A_1793 : memref<1x1x8x128xi32, #tpu.memory_space<hbm>> -> memref<8x128xi32, #tpu.memory_space<hbm>>
      tpu.enqueue_dma source(%dma_start3A_1794 : memref<8x128xi32, #tpu.memory_space<hbm>>) target(%dma_start3A_1790 : memref<8x128xi32, #tpu.memory_space<vmem>>) target_semaphore(%arg8 : memref<!tpu.dma_semaphore, #tpu.memory_space<semaphore_mem>>)
      %dma_wait3A_1795 = arith.constant 0 : i32
      %dma_wait3A_1796 = arith.constant 0 : i32
      %dma_wait3A_1797 = arith.constant 0 : i32
      %dma_wait3A_1798 = arith.constant 0 : i32
      %dma_wait3A_1799 = tpu.memref_slice %arg7[%dma_wait3A_1795, %dma_wait3A_1796, %dma_wait3A_1797, %dma_wait3A_1798] : memref<8x4x8x129xf32, #tpu.memory_space<vmem>> -> memref<8x4x8x128xf32, #tpu.memory_space<vmem>>
      %dma_wait3A_1800 = arith.constant 0 : i32
      %dma_wait3A_1801 = arith.constant 0 : i32
      %dma_wait3A_1802 = arith.constant 0 : i32
      %dma_wait3A_1803 = arith.constant 0 : i32
      %dma_wait3A_1804 = tpu.memref_slice %arg4[%dma_wait3A_1800, %dma_wait3A_1801, %add3A, %dma_wait3A_1802, %dma_wait3A_1803] : memref<200x4x32x8x128xf32, #tpu.memory_space<hbm>> -> memref<8x4x1x8x128xf32, #tpu.memory_space<hbm>>
      %dma_wait3A_1805 = tpu.memref_squeeze %dma_wait3A_1804 : memref<8x4x1x8x128xf32, #tpu.memory_space<hbm>> -> memref<8x4x8x128xf32, #tpu.memory_space<hbm>>
      %dma_wait3A_1806 = arith.constant 0 : i32
      %dma_wait3A_1807 = arith.constant 0 : i32
      %dma_wait3A_1808 = arith.constant 0 : i32
      %dma_wait3A_1809 = arith.constant 0 : i32
      %dma_wait3A_1810 = tpu.memref_slice %arg4[%dma_wait3A_1806, %dma_wait3A_1807, %add3A, %dma_wait3A_1808, %dma_wait3A_1809] : memref<200x4x32x8x128xf32, #tpu.memory_space<hbm>> -> memref<8x4x1x8x128xf32, #tpu.memory_space<hbm>>
      %dma_wait3A_1811 = tpu.memref_squeeze %dma_wait3A_1810 : memref<8x4x1x8x128xf32, #tpu.memory_space<hbm>> -> memref<8x4x8x128xf32, #tpu.memory_space<hbm>>
      %dma_wait3A_1812 = arith.constant 0 : i32
      %dma_wait3A_1813 = arith.constant 0 : i32
      %dma_wait3A_1814 = arith.constant 0 : i32
      %dma_wait3A_1815 = arith.constant 0 : i32
      %dma_wait3A_1816 = tpu.memref_slice %arg7[%dma_wait3A_1812, %dma_wait3A_1813, %dma_wait3A_1814, %dma_wait3A_1815] : memref<8x4x8x129xf32, #tpu.memory_space<vmem>> -> memref<8x4x8x128xf32, #tpu.memory_space<vmem>>
      tpu.wait_dma2 semaphore(%arg12 : memref<!tpu.dma_semaphore, #tpu.memory_space<semaphore_mem>>) src(%dma_wait3A_1816 : memref<8x4x8x128xf32, #tpu.memory_space<vmem>>) dst(%dma_wait3A_1811 : memref<8x4x8x128xf32, #tpu.memory_space<hbm>>)
      %broadcast_in_dim3A_1817 = arith.constant 0 : i32
      %broadcast_in_dim3A_1818 = vector.broadcast %broadcast_in_dim3A_1817 : i32 to vector<16xi32>
      %jit3A_1819 = arith.constant 8 : i32
      %div3A_1820 = vector.broadcast %jit3A_1819 : i32 to vector<16xi32>
      %div3A_1821 = arith.divsi %iota3A, %div3A_1820 : vector<16xi32>
      %sign3A_1822 = arith.constant 0 : i32
      %sign3A_1823 = vector.broadcast %sign3A_1822 : i32 to vector<16xi32>
      %sign3A_1824 = arith.cmpi sgt, %iota3A, %sign3A_1823 : vector<16xi32>
      %sign3A_1825 = arith.extui %sign3A_1824 : vector<16xi1> to vector<16xi32>
      %sign3A_1826 = arith.constant 0 : i32
      %sign3A_1827 = vector.broadcast %sign3A_1826 : i32 to vector<16xi32>
      %sign3A_1828 = arith.cmpi slt, %iota3A, %sign3A_1827 : vector<16xi32>
      %sign3A_1829 = arith.extui %sign3A_1828 : vector<16xi1> to vector<16xi32>
      %sign3A_1830 = arith.subi %sign3A_1825, %sign3A_1829 : vector<16xi32>
      %sign3A_1831 = arith.constant 0 : i32
      %sign3A_1832 = arith.cmpi sgt, %jit3A_1819, %sign3A_1831 : i32
      %sign3A_1833 = arith.extui %sign3A_1832 : i1 to i32
      %sign3A_1834 = arith.constant 0 : i32
      %sign3A_1835 = arith.cmpi slt, %jit3A_1819, %sign3A_1834 : i32
      %sign3A_1836 = arith.extui %sign3A_1835 : i1 to i32
      %sign3A_1837 = arith.subi %sign3A_1833, %sign3A_1836 : i32
      %ne3A_1838 = vector.broadcast %sign3A_1837 : i32 to vector<16xi32>
      %ne3A_1839 = arith.cmpi ne, %sign3A_1830, %ne3A_1838 : vector<16xi32>
      %rem3A_1840 = vector.broadcast %jit3A_1819 : i32 to vector<16xi32>
      %rem3A_1841 = arith.remsi %iota3A, %rem3A_1840 : vector<16xi32>
      %ne3A_1842 = arith.constant 0 : i32
      %ne3A_1843 = vector.broadcast %ne3A_1842 : i32 to vector<16xi32>
      %ne3A_1844 = arith.cmpi ne, %rem3A_1841, %ne3A_1843 : vector<16xi32>
      %and3A_1845 = arith.andi %ne3A_1839, %ne3A_1844 : vector<16xi1>
      %sub3A_1846 = arith.constant 1 : i32
      %sub3A_1847 = vector.broadcast %sub3A_1846 : i32 to vector<16xi32>
      %sub3A_1848 = arith.subi %div3A_1821, %sub3A_1847 : vector<16xi32>
      %select_n3A_1849 = arith.select %and3A_1845, %sub3A_1848, %div3A_1821 : vector<16xi1>, vector<16xi32>
      %jit3A_1850 = arith.constant 8 : i32
      %eq3A_1851 = arith.constant 0 : i32
      %eq3A_1852 = arith.cmpi eq, %jit3A_1850, %eq3A_1851 : i32
      %jit3A_1853 = arith.constant 1 : i32
      %select_n3A_1854 = arith.select %eq3A_1852, %jit3A_1853, %jit3A_1850 : i32
      %rem3A_1855 = vector.broadcast %select_n3A_1854 : i32 to vector<16xi32>
      %rem3A_1856 = arith.remsi %iota3A, %rem3A_1855 : vector<16xi32>
      %ne3A_1857 = arith.constant 0 : i32
      %ne3A_1858 = vector.broadcast %ne3A_1857 : i32 to vector<16xi32>
      %ne3A_1859 = arith.cmpi ne, %rem3A_1856, %ne3A_1858 : vector<16xi32>
      %lt3A_1860 = arith.constant 0 : i32
      %lt3A_1861 = vector.broadcast %lt3A_1860 : i32 to vector<16xi32>
      %lt3A_1862 = arith.cmpi slt, %rem3A_1856, %lt3A_1861 : vector<16xi32>
      %lt3A_1863 = arith.constant 0 : i32
      %lt3A_1864 = arith.cmpi slt, %select_n3A_1854, %lt3A_1863 : i32
      %ne3A_1865 = vector.broadcast %lt3A_1864 : i1 to vector<16xi1>
      %ne3A_1866 = vector.broadcast %ne3A_1865 : vector<16xi1> to vector<16xi1>
      %ne3A_1867 = arith.xori %lt3A_1862, %ne3A_1866 : vector<16xi1>
      %and3A_1868 = arith.andi %ne3A_1867, %ne3A_1859 : vector<16xi1>
      %add3A_1869 = vector.broadcast %select_n3A_1854 : i32 to vector<16xi32>
      %add3A_1870 = arith.addi %rem3A_1856, %add3A_1869 : vector<16xi32>
      %select_n3A_1871 = arith.select %and3A_1868, %add3A_1870, %rem3A_1856 : vector<16xi1>, vector<16xi32>
      %add3A_1872 = arith.constant 2 : i32
      %add3A_1873 = vector.broadcast %add3A_1872 : i32 to vector<16xi32>
      %add3A_1874 = arith.addi %select_n3A_1849, %add3A_1873 : vector<16xi32>
      %scan3A_1875 = arith.constant 0 : i32
      %scan3A_1876 = arith.constant 128 : i32
      %scan3A_1877 = arith.addi %scan3A_1875, %scan3A_1876 : i32
      %scan3A_1878 = arith.constant 1 : i32
      scf.for %scan3A_1902 = %scan3A_1875 to %scan3A_1877 step %scan3A_1878  : i32 {
        %mul3A_1903 = arith.constant 1 : i32
        %mul3A_1904 = arith.muli %scan3A_1902, %mul3A_1903 : i32
        %add3A_1905 = arith.constant 0 : i32
        %add3A_1906 = arith.addi %add3A_1905, %mul3A_1904 : i32
        %jit3A_1907 = arith.constant 16 : i32
        %div3A_1908 = arith.divsi %add3A_1906, %jit3A_1907 : i32
        %sign3A_1909 = arith.constant 0 : i32
        %sign3A_1910 = arith.cmpi sgt, %add3A_1906, %sign3A_1909 : i32
        %sign3A_1911 = arith.extui %sign3A_1910 : i1 to i32
        %sign3A_1912 = arith.constant 0 : i32
        %sign3A_1913 = arith.cmpi slt, %add3A_1906, %sign3A_1912 : i32
        %sign3A_1914 = arith.extui %sign3A_1913 : i1 to i32
        %sign3A_1915 = arith.subi %sign3A_1911, %sign3A_1914 : i32
        %sign3A_1916 = arith.constant 0 : i32
        %sign3A_1917 = arith.cmpi sgt, %jit3A_1907, %sign3A_1916 : i32
        %sign3A_1918 = arith.extui %sign3A_1917 : i1 to i32
        %sign3A_1919 = arith.constant 0 : i32
        %sign3A_1920 = arith.cmpi slt, %jit3A_1907, %sign3A_1919 : i32
        %sign3A_1921 = arith.extui %sign3A_1920 : i1 to i32
        %sign3A_1922 = arith.subi %sign3A_1918, %sign3A_1921 : i32
        %ne3A_1923 = arith.cmpi ne, %sign3A_1915, %sign3A_1922 : i32
        %rem3A_1924 = arith.remsi %add3A_1906, %jit3A_1907 : i32
        %ne3A_1925 = arith.constant 0 : i32
        %ne3A_1926 = arith.cmpi ne, %rem3A_1924, %ne3A_1925 : i32
        %and3A_1927 = arith.andi %ne3A_1923, %ne3A_1926 : i1
        %sub3A_1928 = arith.constant 1 : i32
        %sub3A_1929 = arith.subi %div3A_1908, %sub3A_1928 : i32
        %select_n3A_1930 = arith.select %and3A_1927, %sub3A_1929, %div3A_1908 : i32
        %jit3A_1931 = arith.constant 16 : i32
        %eq3A_1932 = arith.constant 0 : i32
        %eq3A_1933 = arith.cmpi eq, %jit3A_1931, %eq3A_1932 : i32
        %jit3A_1934 = arith.constant 1 : i32
        %select_n3A_1935 = arith.select %eq3A_1933, %jit3A_1934, %jit3A_1931 : i32
        %rem3A_1936 = arith.remsi %add3A_1906, %select_n3A_1935 : i32
        %ne3A_1937 = arith.constant 0 : i32
        %ne3A_1938 = arith.cmpi ne, %rem3A_1936, %ne3A_1937 : i32
        %lt3A_1939 = arith.constant 0 : i32
        %lt3A_1940 = arith.cmpi slt, %rem3A_1936, %lt3A_1939 : i32
        %lt3A_1941 = arith.constant 0 : i32
        %lt3A_1942 = arith.cmpi slt, %select_n3A_1935, %lt3A_1941 : i32
        %ne3A_1943 = arith.xori %lt3A_1940, %lt3A_1942 : i1
        %and3A_1944 = arith.andi %ne3A_1943, %ne3A_1938 : i1
        %add3A_1945 = arith.addi %rem3A_1936, %select_n3A_1935 : i32
        %select_n3A_1946 = arith.select %and3A_1944, %add3A_1945, %rem3A_1936 : i32
        %mul3A_1947 = arith.constant 8 : i32
        %mul3A_1948 = arith.muli %select_n3A_1946, %mul3A_1947 : i32
        %add3A_1949 = vector.broadcast %select_n3A_1930 : i32 to vector<16xi32>
        %add3A_1950 = arith.addi %broadcast_in_dim3A_1818, %add3A_1949 : vector<16xi32>
        %add3A_1951 = arith.constant 0 : i32
        %add3A_1952 = arith.addi %mul3A_1948, %add3A_1951 : i32
        %get3A = arith.constant 0 : i32
        %get3A_1953 = arith.index_cast %get3A : i32 to index
        %get3A_1954 = arith.index_cast %select_n3A_1930 : i32 to index
        %get3A_1955 = arith.index_cast %add3A_1952 : i32 to index
        %get3A_1956 = arith.constant 0 : index
        %get3A_1957 = tpu.vector_load %arg6[%get3A_1953, %get3A_1954, %get3A_1955, %get3A_1956] {strides = array<i32>} : memref<2x8x128x32xf32, #tpu.memory_space<vmem>>, vector<16xf32>,
        %add3A_1958 = arith.constant 0 : i32
        %add3A_1959 = arith.addi %mul3A_1948, %add3A_1958 : i32
        %get3A_1960 = arith.constant 0 : i32
        %get3A_1961 = arith.index_cast %get3A_1960 : i32 to index
        %get3A_1962 = arith.index_cast %select_n3A_1930 : i32 to index
        %get3A_1963 = arith.index_cast %add3A_1959 : i32 to index
        %get3A_1964 = arith.constant 16 : index
        %get3A_1965 = tpu.vector_load %arg6[%get3A_1961, %get3A_1962, %get3A_1963, %get3A_1964] {strides = array<i32>} : memref<2x8x128x32xf32, #tpu.memory_space<vmem>>, vector<16xf32>,
        %add3A_1966 = arith.constant 1 : i32
        %add3A_1967 = arith.addi %mul3A_1948, %add3A_1966 : i32
        %get3A_1968 = arith.constant 0 : i32
        %get3A_1969 = arith.index_cast %get3A_1968 : i32 to index
        %get3A_1970 = arith.index_cast %select_n3A_1930 : i32 to index
        %get3A_1971 = arith.index_cast %add3A_1967 : i32 to index
        %get3A_1972 = arith.constant 0 : index
        %get3A_1973 = tpu.vector_load %arg6[%get3A_1969, %get3A_1970, %get3A_1971, %get3A_1972] {strides = array<i32>} : memref<2x8x128x32xf32, #tpu.memory_space<vmem>>, vector<16xf32>,
        %add3A_1974 = arith.constant 1 : i32
        %add3A_1975 = arith.addi %mul3A_1948, %add3A_1974 : i32
        %get3A_1976 = arith.constant 0 : i32
        %get3A_1977 = arith.index_cast %get3A_1976 : i32 to index
        %get3A_1978 = arith.index_cast %select_n3A_1930 : i32 to index
        %get3A_1979 = arith.index_cast %add3A_1975 : i32 to index
        %get3A_1980 = arith.constant 16 : index
        %get3A_1981 = tpu.vector_load %arg6[%get3A_1977, %get3A_1978, %get3A_1979, %get3A_1980] {strides = array<i32>} : memref<2x8x128x32xf32, #tpu.memory_space<vmem>>, vector<16xf32>,
        %add3A_1982 = arith.constant 2 : i32
        %add3A_1983 = arith.addi %mul3A_1948, %add3A_1982 : i32
        %get3A_1984 = arith.constant 0 : i32
        %get3A_1985 = arith.index_cast %get3A_1984 : i32 to index
        %get3A_1986 = arith.index_cast %select_n3A_1930 : i32 to index
        %get3A_1987 = arith.index_cast %add3A_1983 : i32 to index
        %get3A_1988 = arith.constant 0 : index
        %get3A_1989 = tpu.vector_load %arg6[%get3A_1985, %get3A_1986, %get3A_1987, %get3A_1988] {strides = array<i32>} : memref<2x8x128x32xf32, #tpu.memory_space<vmem>>, vector<16xf32>,
        %add3A_1990 = arith.constant 2 : i32
        %add3A_1991 = arith.addi %mul3A_1948, %add3A_1990 : i32
        %get3A_1992 = arith.constant 0 : i32
        %get3A_1993 = arith.index_cast %get3A_1992 : i32 to index
        %get3A_1994 = arith.index_cast %select_n3A_1930 : i32 to index
        %get3A_1995 = arith.index_cast %add3A_1991 : i32 to index
        %get3A_1996 = arith.constant 16 : index
        %get3A_1997 = tpu.vector_load %arg6[%get3A_1993, %get3A_1994, %get3A_1995, %get3A_1996] {strides = array<i32>} : memref<2x8x128x32xf32, #tpu.memory_space<vmem>>, vector<16xf32>,
        %add3A_1998 = arith.constant 3 : i32
        %add3A_1999 = arith.addi %mul3A_1948, %add3A_1998 : i32
        %get3A_2000 = arith.constant 0 : i32
        %get3A_2001 = arith.index_cast %get3A_2000 : i32 to index
        %get3A_2002 = arith.index_cast %select_n3A_1930 : i32 to index
        %get3A_2003 = arith.index_cast %add3A_1999 : i32 to index
        %get3A_2004 = arith.constant 0 : index
        %get3A_2005 = tpu.vector_load %arg6[%get3A_2001, %get3A_2002, %get3A_2003, %get3A_2004] {strides = array<i32>} : memref<2x8x128x32xf32, #tpu.memory_space<vmem>>, vector<16xf32>,
        %add3A_2006 = arith.constant 3 : i32
        %add3A_2007 = arith.addi %mul3A_1948, %add3A_2006 : i32
        %get3A_2008 = arith.constant 0 : i32
        %get3A_2009 = arith.index_cast %get3A_2008 : i32 to index
        %get3A_2010 = arith.index_cast %select_n3A_1930 : i32 to index
        %get3A_2011 = arith.index_cast %add3A_2007 : i32 to index
        %get3A_2012 = arith.constant 16 : index
        %get3A_2013 = tpu.vector_load %arg6[%get3A_2009, %get3A_2010, %get3A_2011, %get3A_2012] {strides = array<i32>} : memref<2x8x128x32xf32, #tpu.memory_space<vmem>>, vector<16xf32>,
        %add3A_2014 = arith.constant 4 : i32
        %add3A_2015 = arith.addi %mul3A_1948, %add3A_2014 : i32
        %get3A_2016 = arith.constant 0 : i32
        %get3A_2017 = arith.index_cast %get3A_2016 : i32 to index
        %get3A_2018 = arith.index_cast %select_n3A_1930 : i32 to index
        %get3A_2019 = arith.index_cast %add3A_2015 : i32 to index
        %get3A_2020 = arith.constant 0 : index
        %get3A_2021 = tpu.vector_load %arg6[%get3A_2017, %get3A_2018, %get3A_2019, %get3A_2020] {strides = array<i32>} : memref<2x8x128x32xf32, #tpu.memory_space<vmem>>, vector<16xf32>,
        %add3A_2022 = arith.constant 4 : i32
        %add3A_2023 = arith.addi %mul3A_1948, %add3A_2022 : i32
        %get3A_2024 = arith.constant 0 : i32
        %get3A_2025 = arith.index_cast %get3A_2024 : i32 to index
        %get3A_2026 = arith.index_cast %select_n3A_1930 : i32 to index
        %get3A_2027 = arith.index_cast %add3A_2023 : i32 to index
        %get3A_2028 = arith.constant 16 : index
        %get3A_2029 = tpu.vector_load %arg6[%get3A_2025, %get3A_2026, %get3A_2027, %get3A_2028] {strides = array<i32>} : memref<2x8x128x32xf32, #tpu.memory_space<vmem>>, vector<16xf32>,
        %add3A_2030 = arith.constant 5 : i32
        %add3A_2031 = arith.addi %mul3A_1948, %add3A_2030 : i32
        %get3A_2032 = arith.constant 0 : i32
        %get3A_2033 = arith.index_cast %get3A_2032 : i32 to index
        %get3A_2034 = arith.index_cast %select_n3A_1930 : i32 to index
        %get3A_2035 = arith.index_cast %add3A_2031 : i32 to index
        %get3A_2036 = arith.constant 0 : index
        %get3A_2037 = tpu.vector_load %arg6[%get3A_2033, %get3A_2034, %get3A_2035, %get3A_2036] {strides = array<i32>} : memref<2x8x128x32xf32, #tpu.memory_space<vmem>>, vector<16xf32>,
        %add3A_2038 = arith.constant 5 : i32
        %add3A_2039 = arith.addi %mul3A_1948, %add3A_2038 : i32
        %get3A_2040 = arith.constant 0 : i32
        %get3A_2041 = arith.index_cast %get3A_2040 : i32 to index
        %get3A_2042 = arith.index_cast %select_n3A_1930 : i32 to index
        %get3A_2043 = arith.index_cast %add3A_2039 : i32 to index
        %get3A_2044 = arith.constant 16 : index
        %get3A_2045 = tpu.vector_load %arg6[%get3A_2041, %get3A_2042, %get3A_2043, %get3A_2044] {strides = array<i32>} : memref<2x8x128x32xf32, #tpu.memory_space<vmem>>, vector<16xf32>,
        %add3A_2046 = arith.constant 6 : i32
        %add3A_2047 = arith.addi %mul3A_1948, %add3A_2046 : i32
        %get3A_2048 = arith.constant 0 : i32
        %get3A_2049 = arith.index_cast %get3A_2048 : i32 to index
        %get3A_2050 = arith.index_cast %select_n3A_1930 : i32 to index
        %get3A_2051 = arith.index_cast %add3A_2047 : i32 to index
        %get3A_2052 = arith.constant 0 : index
        %get3A_2053 = tpu.vector_load %arg6[%get3A_2049, %get3A_2050, %get3A_2051, %get3A_2052] {strides = array<i32>} : memref<2x8x128x32xf32, #tpu.memory_space<vmem>>, vector<16xf32>,
        %add3A_2054 = arith.constant 6 : i32
        %add3A_2055 = arith.addi %mul3A_1948, %add3A_2054 : i32
        %get3A_2056 = arith.constant 0 : i32
        %get3A_2057 = arith.index_cast %get3A_2056 : i32 to index
        %get3A_2058 = arith.index_cast %select_n3A_1930 : i32 to index
        %get3A_2059 = arith.index_cast %add3A_2055 : i32 to index
        %get3A_2060 = arith.constant 16 : index
        %get3A_2061 = tpu.vector_load %arg6[%get3A_2057, %get3A_2058, %get3A_2059, %get3A_2060] {strides = array<i32>} : memref<2x8x128x32xf32, #tpu.memory_space<vmem>>, vector<16xf32>,
        %add3A_2062 = arith.constant 7 : i32
        %add3A_2063 = arith.addi %mul3A_1948, %add3A_2062 : i32
        %get3A_2064 = arith.constant 0 : i32
        %get3A_2065 = arith.index_cast %get3A_2064 : i32 to index
        %get3A_2066 = arith.index_cast %select_n3A_1930 : i32 to index
        %get3A_2067 = arith.index_cast %add3A_2063 : i32 to index
        %get3A_2068 = arith.constant 0 : index
        %get3A_2069 = tpu.vector_load %arg6[%get3A_2065, %get3A_2066, %get3A_2067, %get3A_2068] {strides = array<i32>} : memref<2x8x128x32xf32, #tpu.memory_space<vmem>>, vector<16xf32>,
        %add3A_2070 = arith.constant 7 : i32
        %add3A_2071 = arith.addi %mul3A_1948, %add3A_2070 : i32
        %get3A_2072 = arith.constant 0 : i32
        %get3A_2073 = arith.index_cast %get3A_2072 : i32 to index
        %get3A_2074 = arith.index_cast %select_n3A_1930 : i32 to index
        %get3A_2075 = arith.index_cast %add3A_2071 : i32 to index
        %get3A_2076 = arith.constant 16 : index
        %get3A_2077 = tpu.vector_load %arg6[%get3A_2073, %get3A_2074, %get3A_2075, %get3A_2076] {strides = array<i32>} : memref<2x8x128x32xf32, #tpu.memory_space<vmem>>, vector<16xf32>,
        %add3A_2078 = arith.constant 0 : i32
        %add3A_2079 = arith.addi %mul3A_1948, %add3A_2078 : i32
        %add3A_2080 = vector.broadcast %add3A_2079 : i32 to vector<16xi32>
        %add3A_2081 = arith.addi %broadcast_in_dim3A_1818, %add3A_2080 : vector<16xi32>
        tpu.vector_store_idx %arg7[%add3A_1950, %select_n3A_1849, %select_n3A_1871, %add3A_2081], %get3A_1957 : memref<8x4x8x129xf32, #tpu.memory_space<vmem>>[vector<16xi32>, vector<16xi32>, vector<16xi32>, vector<16xi32>], vector<16xf32>,
        tpu.vector_store_idx %arg7[%add3A_1950, %add3A_1874, %select_n3A_1871, %add3A_2081], %get3A_1965 : memref<8x4x8x129xf32, #tpu.memory_space<vmem>>[vector<16xi32>, vector<16xi32>, vector<16xi32>, vector<16xi32>], vector<16xf32>,
        %add3A_2082 = arith.constant 1 : i32
        %add3A_2083 = arith.addi %mul3A_1948, %add3A_2082 : i32
        %add3A_2084 = vector.broadcast %add3A_2083 : i32 to vector<16xi32>
        %add3A_2085 = arith.addi %broadcast_in_dim3A_1818, %add3A_2084 : vector<16xi32>
        tpu.vector_store_idx %arg7[%add3A_1950, %select_n3A_1849, %select_n3A_1871, %add3A_2085], %get3A_1973 : memref<8x4x8x129xf32, #tpu.memory_space<vmem>>[vector<16xi32>, vector<16xi32>, vector<16xi32>, vector<16xi32>], vector<16xf32>,
        tpu.vector_store_idx %arg7[%add3A_1950, %add3A_1874, %select_n3A_1871, %add3A_2085], %get3A_1981 : memref<8x4x8x129xf32, #tpu.memory_space<vmem>>[vector<16xi32>, vector<16xi32>, vector<16xi32>, vector<16xi32>], vector<16xf32>,
        %add3A_2086 = arith.constant 2 : i32
        %add3A_2087 = arith.addi %mul3A_1948, %add3A_2086 : i32
        %add3A_2088 = vector.broadcast %add3A_2087 : i32 to vector<16xi32>
        %add3A_2089 = arith.addi %broadcast_in_dim3A_1818, %add3A_2088 : vector<16xi32>
        tpu.vector_store_idx %arg7[%add3A_1950, %select_n3A_1849, %select_n3A_1871, %add3A_2089], %get3A_1989 : memref<8x4x8x129xf32, #tpu.memory_space<vmem>>[vector<16xi32>, vector<16xi32>, vector<16xi32>, vector<16xi32>], vector<16xf32>,
        tpu.vector_store_idx %arg7[%add3A_1950, %add3A_1874, %select_n3A_1871, %add3A_2089], %get3A_1997 : memref<8x4x8x129xf32, #tpu.memory_space<vmem>>[vector<16xi32>, vector<16xi32>, vector<16xi32>, vector<16xi32>], vector<16xf32>,
        %add3A_2090 = arith.constant 3 : i32
        %add3A_2091 = arith.addi %mul3A_1948, %add3A_2090 : i32
        %add3A_2092 = vector.broadcast %add3A_2091 : i32 to vector<16xi32>
        %add3A_2093 = arith.addi %broadcast_in_dim3A_1818, %add3A_2092 : vector<16xi32>
        tpu.vector_store_idx %arg7[%add3A_1950, %select_n3A_1849, %select_n3A_1871, %add3A_2093], %get3A_2005 : memref<8x4x8x129xf32, #tpu.memory_space<vmem>>[vector<16xi32>, vector<16xi32>, vector<16xi32>, vector<16xi32>], vector<16xf32>,
        tpu.vector_store_idx %arg7[%add3A_1950, %add3A_1874, %select_n3A_1871, %add3A_2093], %get3A_2013 : memref<8x4x8x129xf32, #tpu.memory_space<vmem>>[vector<16xi32>, vector<16xi32>, vector<16xi32>, vector<16xi32>], vector<16xf32>,
        %add3A_2094 = arith.constant 4 : i32
        %add3A_2095 = arith.addi %mul3A_1948, %add3A_2094 : i32
        %add3A_2096 = vector.broadcast %add3A_2095 : i32 to vector<16xi32>
        %add3A_2097 = arith.addi %broadcast_in_dim3A_1818, %add3A_2096 : vector<16xi32>
        tpu.vector_store_idx %arg7[%add3A_1950, %select_n3A_1849, %select_n3A_1871, %add3A_2097], %get3A_2021 : memref<8x4x8x129xf32, #tpu.memory_space<vmem>>[vector<16xi32>, vector<16xi32>, vector<16xi32>, vector<16xi32>], vector<16xf32>,
        tpu.vector_store_idx %arg7[%add3A_1950, %add3A_1874, %select_n3A_1871, %add3A_2097], %get3A_2029 : memref<8x4x8x129xf32, #tpu.memory_space<vmem>>[vector<16xi32>, vector<16xi32>, vector<16xi32>, vector<16xi32>], vector<16xf32>,
        %add3A_2098 = arith.constant 5 : i32
        %add3A_2099 = arith.addi %mul3A_1948, %add3A_2098 : i32
        %add3A_2100 = vector.broadcast %add3A_2099 : i32 to vector<16xi32>
        %add3A_2101 = arith.addi %broadcast_in_dim3A_1818, %add3A_2100 : vector<16xi32>
        tpu.vector_store_idx %arg7[%add3A_1950, %select_n3A_1849, %select_n3A_1871, %add3A_2101], %get3A_2037 : memref<8x4x8x129xf32, #tpu.memory_space<vmem>>[vector<16xi32>, vector<16xi32>, vector<16xi32>, vector<16xi32>], vector<16xf32>,
        tpu.vector_store_idx %arg7[%add3A_1950, %add3A_1874, %select_n3A_1871, %add3A_2101], %get3A_2045 : memref<8x4x8x129xf32, #tpu.memory_space<vmem>>[vector<16xi32>, vector<16xi32>, vector<16xi32>, vector<16xi32>], vector<16xf32>,
        %add3A_2102 = arith.constant 6 : i32
        %add3A_2103 = arith.addi %mul3A_1948, %add3A_2102 : i32
        %add3A_2104 = vector.broadcast %add3A_2103 : i32 to vector<16xi32>
        %add3A_2105 = arith.addi %broadcast_in_dim3A_1818, %add3A_2104 : vector<16xi32>
        tpu.vector_store_idx %arg7[%add3A_1950, %select_n3A_1849, %select_n3A_1871, %add3A_2105], %get3A_2053 : memref<8x4x8x129xf32, #tpu.memory_space<vmem>>[vector<16xi32>, vector<16xi32>, vector<16xi32>, vector<16xi32>], vector<16xf32>,
        tpu.vector_store_idx %arg7[%add3A_1950, %add3A_1874, %select_n3A_1871, %add3A_2105], %get3A_2061 : memref<8x4x8x129xf32, #tpu.memory_space<vmem>>[vector<16xi32>, vector<16xi32>, vector<16xi32>, vector<16xi32>], vector<16xf32>,
        %add3A_2106 = arith.constant 7 : i32
        %add3A_2107 = arith.addi %mul3A_1948, %add3A_2106 : i32
        %add3A_2108 = vector.broadcast %add3A_2107 : i32 to vector<16xi32>
        %add3A_2109 = arith.addi %broadcast_in_dim3A_1818, %add3A_2108 : vector<16xi32>
        tpu.vector_store_idx %arg7[%add3A_1950, %select_n3A_1849, %select_n3A_1871, %add3A_2109], %get3A_2069 : memref<8x4x8x129xf32, #tpu.memory_space<vmem>>[vector<16xi32>, vector<16xi32>, vector<16xi32>, vector<16xi32>], vector<16xf32>,
        tpu.vector_store_idx %arg7[%add3A_1950, %add3A_1874, %select_n3A_1871, %add3A_2109], %get3A_2077 : memref<8x4x8x129xf32, #tpu.memory_space<vmem>>[vector<16xi32>, vector<16xi32>, vector<16xi32>, vector<16xi32>], vector<16xf32>,
      }
      %scan3A_1879 = arith.constant 128 : i32
      %mul3A_1880 = arith.constant 8 : i32
      %mul3A_1881 = arith.muli %add3A_1529, %mul3A_1880 : i32
      %dma_start3A_1882 = arith.constant 0 : i32
      %dma_start3A_1883 = arith.constant 0 : i32
      %dma_start3A_1884 = arith.constant 0 : i32
      %dma_start3A_1885 = arith.constant 0 : i32
      %dma_start3A_1886 = tpu.memref_slice %arg7[%dma_start3A_1882, %dma_start3A_1883, %dma_start3A_1884, %dma_start3A_1885] : memref<8x4x8x129xf32, #tpu.memory_space<vmem>> -> memref<8x4x8x128xf32, #tpu.memory_space<vmem>>
      %dma_start3A_1887 = arith.constant 0 : i32
      %dma_start3A_1888 = arith.constant 0 : i32
      %dma_start3A_1889 = arith.constant 0 : i32
      %dma_start3A_1890 = tpu.memref_slice %arg4[%mul3A_1881, %dma_start3A_1887, %add3A, %dma_start3A_1888, %dma_start3A_1889] : memref<200x4x32x8x128xf32, #tpu.memory_space<hbm>> -> memref<8x4x1x8x128xf32, #tpu.memory_space<hbm>>
      %dma_start3A_1891 = tpu.memref_squeeze %dma_start3A_1890 : memref<8x4x1x8x128xf32, #tpu.memory_space<hbm>> -> memref<8x4x8x128xf32, #tpu.memory_space<hbm>>
      %dma_start3A_1892 = arith.constant 0 : i32
      %dma_start3A_1893 = arith.constant 0 : i32
      %dma_start3A_1894 = arith.constant 0 : i32
      %dma_start3A_1895 = tpu.memref_slice %arg4[%mul3A_1881, %dma_start3A_1892, %add3A, %dma_start3A_1893, %dma_start3A_1894] : memref<200x4x32x8x128xf32, #tpu.memory_space<hbm>> -> memref<8x4x1x8x128xf32, #tpu.memory_space<hbm>>
      %dma_start3A_1896 = tpu.memref_squeeze %dma_start3A_1895 : memref<8x4x1x8x128xf32, #tpu.memory_space<hbm>> -> memref<8x4x8x128xf32, #tpu.memory_space<hbm>>
      %dma_start3A_1897 = arith.constant 0 : i32
      %dma_start3A_1898 = arith.constant 0 : i32
      %dma_start3A_1899 = arith.constant 0 : i32
      %dma_start3A_1900 = arith.constant 0 : i32
      %dma_start3A_1901 = tpu.memref_slice %arg7[%dma_start3A_1897, %dma_start3A_1898, %dma_start3A_1899, %dma_start3A_1900] : memref<8x4x8x129xf32, #tpu.memory_space<vmem>> -> memref<8x4x8x128xf32, #tpu.memory_space<vmem>>
      tpu.enqueue_dma source(%dma_start3A_1901 : memref<8x4x8x128xf32, #tpu.memory_space<vmem>>) target(%dma_start3A_1896 : memref<8x4x8x128xf32, #tpu.memory_space<hbm>>) target_semaphore(%arg12 : memref<!tpu.dma_semaphore, #tpu.memory_space<semaphore_mem>>)
    }
    %scan3A_511 = arith.constant 11 : i32
    %dma_wait3A_512 = arith.constant 0 : i32
    %dma_wait3A_513 = arith.constant 0 : i32
    %dma_wait3A_514 = arith.constant 0 : i32
    %dma_wait3A_515 = arith.constant 0 : i32
    %dma_wait3A_516 = tpu.memref_slice %arg5[%dma_wait3A_513, %dma_wait3A_514, %dma_wait3A_515] : memref<2x8x128xi32, #tpu.memory_space<vmem>> -> memref<1x8x128xi32, #tpu.memory_space<vmem>>
    %dma_wait3A_517 = tpu.memref_squeeze %dma_wait3A_516 : memref<1x8x128xi32, #tpu.memory_space<vmem>> -> memref<8x128xi32, #tpu.memory_space<vmem>>
    %dma_wait3A_518 = arith.constant 0 : i32
    %dma_wait3A_519 = arith.constant 0 : i32
    %dma_wait3A_520 = tpu.memref_slice %arg2[%dma_wait3A_512, %add3A, %dma_wait3A_518, %dma_wait3A_519] : memref<25x32x8x128xi32, #tpu.memory_space<hbm>> -> memref<1x1x8x128xi32, #tpu.memory_space<hbm>>
    %dma_wait3A_521 = tpu.memref_squeeze %dma_wait3A_520 : memref<1x1x8x128xi32, #tpu.memory_space<hbm>> -> memref<8x128xi32, #tpu.memory_space<hbm>>
    %dma_wait3A_522 = arith.constant 0 : i32
    %dma_wait3A_523 = arith.constant 0 : i32
    %dma_wait3A_524 = tpu.memref_slice %arg5[%dma_wait3A_513, %dma_wait3A_522, %dma_wait3A_523] : memref<2x8x128xi32, #tpu.memory_space<vmem>> -> memref<1x8x128xi32, #tpu.memory_space<vmem>>
    %dma_wait3A_525 = tpu.memref_squeeze %dma_wait3A_524 : memref<1x8x128xi32, #tpu.memory_space<vmem>> -> memref<8x128xi32, #tpu.memory_space<vmem>>
    %dma_wait3A_526 = arith.constant 0 : i32
    %dma_wait3A_527 = arith.constant 0 : i32
    %dma_wait3A_528 = tpu.memref_slice %arg2[%dma_wait3A_512, %add3A, %dma_wait3A_526, %dma_wait3A_527] : memref<25x32x8x128xi32, #tpu.memory_space<hbm>> -> memref<1x1x8x128xi32, #tpu.memory_space<hbm>>
    %dma_wait3A_529 = tpu.memref_squeeze %dma_wait3A_528 : memref<1x1x8x128xi32, #tpu.memory_space<hbm>> -> memref<8x128xi32, #tpu.memory_space<hbm>>
    tpu.wait_dma2 semaphore(%arg8 : memref<!tpu.dma_semaphore, #tpu.memory_space<semaphore_mem>>) src(%dma_wait3A_529 : memref<8x128xi32, #tpu.memory_space<hbm>>) dst(%dma_wait3A_525 : memref<8x128xi32, #tpu.memory_space<vmem>>)
    %dma_start3A_530 = arith.constant 0 : i32
    %dma_start3A_531 = arith.constant 0 : i32
    %dma_start3A_532 = arith.constant 0 : i32
    %dma_start3A_533 = arith.constant 0 : i32
    %dma_start3A_534 = arith.constant 0 : i32
    %dma_start3A_535 = arith.constant 0 : i32
    %dma_start3A_536 = tpu.memref_slice %arg6[%dma_start3A_532, %dma_start3A_533, %dma_start3A_534, %dma_start3A_535] : memref<2x8x128x32xf32, #tpu.memory_space<vmem>> -> memref<1x1x128x32xf32, #tpu.memory_space<vmem>>
    %dma_start3A_537 = tpu.memref_squeeze %dma_start3A_536 : memref<1x1x128x32xf32, #tpu.memory_space<vmem>> -> memref<128x32xf32, #tpu.memory_space<vmem>>
    %dma_start3A_538 = arith.constant 0 : i32
    %dma_start3A_539 = tpu.memref_slice %arg5[%dma_start3A_530, %dma_start3A_531, %dma_start3A_538] : memref<2x8x128xi32, #tpu.memory_space<vmem>> -> memref<1x1x128xi32, #tpu.memory_space<vmem>>
    %dma_start3A_540 = tpu.memref_squeeze %dma_start3A_539 : memref<1x1x128xi32, #tpu.memory_space<vmem>> -> memref<128xi32, #tpu.memory_space<vmem>>
    %dma_start3A_541 = arith.constant 0 : i32
    %dma_start3A_542 = arith.constant 0 : i32
    %dma_start3A_543 = tpu.memref_slice %arg3[%dma_start3A_541, %dma_start3A_542] : memref<100001x32xf32, #tpu.memory_space<hbm>> -> memref<100001x32xf32, #tpu.memory_space<hbm>>
    tpu.enqueue_indirect_dma source(%dma_start3A_543 : memref<100001x32xf32, #tpu.memory_space<hbm>>) target(%dma_start3A_537 : memref<128x32xf32, #tpu.memory_space<vmem>>) offsets(%dma_start3A_540 : memref<128xi32, #tpu.memory_space<vmem>>) semaphore(%arg10 : memref<!tpu.dma_semaphore, #tpu.memory_space<semaphore_mem>>)
    %dma_start3A_544 = arith.constant 0 : i32
    %dma_start3A_545 = arith.constant 1 : i32
    %dma_start3A_546 = arith.constant 0 : i32
    %dma_start3A_547 = arith.constant 1 : i32
    %dma_start3A_548 = arith.constant 0 : i32
    %dma_start3A_549 = arith.constant 0 : i32
    %dma_start3A_550 = tpu.memref_slice %arg6[%dma_start3A_546, %dma_start3A_547, %dma_start3A_548, %dma_start3A_549] : memref<2x8x128x32xf32, #tpu.memory_space<vmem>> -> memref<1x1x128x32xf32, #tpu.memory_space<vmem>>
    %dma_start3A_551 = tpu.memref_squeeze %dma_start3A_550 : memref<1x1x128x32xf32, #tpu.memory_space<vmem>> -> memref<128x32xf32, #tpu.memory_space<vmem>>
    %dma_start3A_552 = arith.constant 0 : i32
    %dma_start3A_553 = tpu.memref_slice %arg5[%dma_start3A_544, %dma_start3A_545, %dma_start3A_552] : memref<2x8x128xi32, #tpu.memory_space<vmem>> -> memref<1x1x128xi32, #tpu.memory_space<vmem>>
    %dma_start3A_554 = tpu.memref_squeeze %dma_start3A_553 : memref<1x1x128xi32, #tpu.memory_space<vmem>> -> memref<128xi32, #tpu.memory_space<vmem>>
    %dma_start3A_555 = arith.constant 0 : i32
    %dma_start3A_556 = arith.constant 0 : i32
    %dma_start3A_557 = tpu.memref_slice %arg3[%dma_start3A_555, %dma_start3A_556] : memref<100001x32xf32, #tpu.memory_space<hbm>> -> memref<100001x32xf32, #tpu.memory_space<hbm>>
    tpu.enqueue_indirect_dma source(%dma_start3A_557 : memref<100001x32xf32, #tpu.memory_space<hbm>>) target(%dma_start3A_551 : memref<128x32xf32, #tpu.memory_space<vmem>>) offsets(%dma_start3A_554 : memref<128xi32, #tpu.memory_space<vmem>>) semaphore(%arg10 : memref<!tpu.dma_semaphore, #tpu.memory_space<semaphore_mem>>)
    %dma_start3A_558 = arith.constant 0 : i32
    %dma_start3A_559 = arith.constant 2 : i32
    %dma_start3A_560 = arith.constant 0 : i32
    %dma_start3A_561 = arith.constant 2 : i32
    %dma_start3A_562 = arith.constant 0 : i32
    %dma_start3A_563 = arith.constant 0 : i32
    %dma_start3A_564 = tpu.memref_slice %arg6[%dma_start3A_560, %dma_start3A_561, %dma_start3A_562, %dma_start3A_563] : memref<2x8x128x32xf32, #tpu.memory_space<vmem>> -> memref<1x1x128x32xf32, #tpu.memory_space<vmem>>
    %dma_start3A_565 = tpu.memref_squeeze %dma_start3A_564 : memref<1x1x128x32xf32, #tpu.memory_space<vmem>> -> memref<128x32xf32, #tpu.memory_space<vmem>>
    %dma_start3A_566 = arith.constant 0 : i32
    %dma_start3A_567 = tpu.memref_slice %arg5[%dma_start3A_558, %dma_start3A_559, %dma_start3A_566] : memref<2x8x128xi32, #tpu.memory_space<vmem>> -> memref<1x1x128xi32, #tpu.memory_space<vmem>>
    %dma_start3A_568 = tpu.memref_squeeze %dma_start3A_567 : memref<1x1x128xi32, #tpu.memory_space<vmem>> -> memref<128xi32, #tpu.memory_space<vmem>>
    %dma_start3A_569 = arith.constant 0 : i32
    %dma_start3A_570 = arith.constant 0 : i32
    %dma_start3A_571 = tpu.memref_slice %arg3[%dma_start3A_569, %dma_start3A_570] : memref<100001x32xf32, #tpu.memory_space<hbm>> -> memref<100001x32xf32, #tpu.memory_space<hbm>>
    tpu.enqueue_indirect_dma source(%dma_start3A_571 : memref<100001x32xf32, #tpu.memory_space<hbm>>) target(%dma_start3A_565 : memref<128x32xf32, #tpu.memory_space<vmem>>) offsets(%dma_start3A_568 : memref<128xi32, #tpu.memory_space<vmem>>) semaphore(%arg10 : memref<!tpu.dma_semaphore, #tpu.memory_space<semaphore_mem>>)
    %dma_start3A_572 = arith.constant 0 : i32
    %dma_start3A_573 = arith.constant 3 : i32
    %dma_start3A_574 = arith.constant 0 : i32
    %dma_start3A_575 = arith.constant 3 : i32
    %dma_start3A_576 = arith.constant 0 : i32
    %dma_start3A_577 = arith.constant 0 : i32
    %dma_start3A_578 = tpu.memref_slice %arg6[%dma_start3A_574, %dma_start3A_575, %dma_start3A_576, %dma_start3A_577] : memref<2x8x128x32xf32, #tpu.memory_space<vmem>> -> memref<1x1x128x32xf32, #tpu.memory_space<vmem>>
    %dma_start3A_579 = tpu.memref_squeeze %dma_start3A_578 : memref<1x1x128x32xf32, #tpu.memory_space<vmem>> -> memref<128x32xf32, #tpu.memory_space<vmem>>
    %dma_start3A_580 = arith.constant 0 : i32
    %dma_start3A_581 = tpu.memref_slice %arg5[%dma_start3A_572, %dma_start3A_573, %dma_start3A_580] : memref<2x8x128xi32, #tpu.memory_space<vmem>> -> memref<1x1x128xi32, #tpu.memory_space<vmem>>
    %dma_start3A_582 = tpu.memref_squeeze %dma_start3A_581 : memref<1x1x128xi32, #tpu.memory_space<vmem>> -> memref<128xi32, #tpu.memory_space<vmem>>
    %dma_start3A_583 = arith.constant 0 : i32
    %dma_start3A_584 = arith.constant 0 : i32
    %dma_start3A_585 = tpu.memref_slice %arg3[%dma_start3A_583, %dma_start3A_584] : memref<100001x32xf32, #tpu.memory_space<hbm>> -> memref<100001x32xf32, #tpu.memory_space<hbm>>
    tpu.enqueue_indirect_dma source(%dma_start3A_585 : memref<100001x32xf32, #tpu.memory_space<hbm>>) target(%dma_start3A_579 : memref<128x32xf32, #tpu.memory_space<vmem>>) offsets(%dma_start3A_582 : memref<128xi32, #tpu.memory_space<vmem>>) semaphore(%arg10 : memref<!tpu.dma_semaphore, #tpu.memory_space<semaphore_mem>>)
    %dma_start3A_586 = arith.constant 0 : i32
    %dma_start3A_587 = arith.constant 4 : i32
    %dma_start3A_588 = arith.constant 0 : i32
    %dma_start3A_589 = arith.constant 4 : i32
    %dma_start3A_590 = arith.constant 0 : i32
    %dma_start3A_591 = arith.constant 0 : i32
    %dma_start3A_592 = tpu.memref_slice %arg6[%dma_start3A_588, %dma_start3A_589, %dma_start3A_590, %dma_start3A_591] : memref<2x8x128x32xf32, #tpu.memory_space<vmem>> -> memref<1x1x128x32xf32, #tpu.memory_space<vmem>>
    %dma_start3A_593 = tpu.memref_squeeze %dma_start3A_592 : memref<1x1x128x32xf32, #tpu.memory_space<vmem>> -> memref<128x32xf32, #tpu.memory_space<vmem>>
    %dma_start3A_594 = arith.constant 0 : i32
    %dma_start3A_595 = tpu.memref_slice %arg5[%dma_start3A_586, %dma_start3A_587, %dma_start3A_594] : memref<2x8x128xi32, #tpu.memory_space<vmem>> -> memref<1x1x128xi32, #tpu.memory_space<vmem>>
    %dma_start3A_596 = tpu.memref_squeeze %dma_start3A_595 : memref<1x1x128xi32, #tpu.memory_space<vmem>> -> memref<128xi32, #tpu.memory_space<vmem>>
    %dma_start3A_597 = arith.constant 0 : i32
    %dma_start3A_598 = arith.constant 0 : i32
    %dma_start3A_599 = tpu.memref_slice %arg3[%dma_start3A_597, %dma_start3A_598] : memref<100001x32xf32, #tpu.memory_space<hbm>> -> memref<100001x32xf32, #tpu.memory_space<hbm>>
    tpu.enqueue_indirect_dma source(%dma_start3A_599 : memref<100001x32xf32, #tpu.memory_space<hbm>>) target(%dma_start3A_593 : memref<128x32xf32, #tpu.memory_space<vmem>>) offsets(%dma_start3A_596 : memref<128xi32, #tpu.memory_space<vmem>>) semaphore(%arg10 : memref<!tpu.dma_semaphore, #tpu.memory_space<semaphore_mem>>)
    %dma_start3A_600 = arith.constant 0 : i32
    %dma_start3A_601 = arith.constant 5 : i32
    %dma_start3A_602 = arith.constant 0 : i32
    %dma_start3A_603 = arith.constant 5 : i32
    %dma_start3A_604 = arith.constant 0 : i32
    %dma_start3A_605 = arith.constant 0 : i32
    %dma_start3A_606 = tpu.memref_slice %arg6[%dma_start3A_602, %dma_start3A_603, %dma_start3A_604, %dma_start3A_605] : memref<2x8x128x32xf32, #tpu.memory_space<vmem>> -> memref<1x1x128x32xf32, #tpu.memory_space<vmem>>
    %dma_start3A_607 = tpu.memref_squeeze %dma_start3A_606 : memref<1x1x128x32xf32, #tpu.memory_space<vmem>> -> memref<128x32xf32, #tpu.memory_space<vmem>>
    %dma_start3A_608 = arith.constant 0 : i32
    %dma_start3A_609 = tpu.memref_slice %arg5[%dma_start3A_600, %dma_start3A_601, %dma_start3A_608] : memref<2x8x128xi32, #tpu.memory_space<vmem>> -> memref<1x1x128xi32, #tpu.memory_space<vmem>>
    %dma_start3A_610 = tpu.memref_squeeze %dma_start3A_609 : memref<1x1x128xi32, #tpu.memory_space<vmem>> -> memref<128xi32, #tpu.memory_space<vmem>>
    %dma_start3A_611 = arith.constant 0 : i32
    %dma_start3A_612 = arith.constant 0 : i32
    %dma_start3A_613 = tpu.memref_slice %arg3[%dma_start3A_611, %dma_start3A_612] : memref<100001x32xf32, #tpu.memory_space<hbm>> -> memref<100001x32xf32, #tpu.memory_space<hbm>>
    tpu.enqueue_indirect_dma source(%dma_start3A_613 : memref<100001x32xf32, #tpu.memory_space<hbm>>) target(%dma_start3A_607 : memref<128x32xf32, #tpu.memory_space<vmem>>) offsets(%dma_start3A_610 : memref<128xi32, #tpu.memory_space<vmem>>) semaphore(%arg10 : memref<!tpu.dma_semaphore, #tpu.memory_space<semaphore_mem>>)
    %dma_start3A_614 = arith.constant 0 : i32
    %dma_start3A_615 = arith.constant 6 : i32
    %dma_start3A_616 = arith.constant 0 : i32
    %dma_start3A_617 = arith.constant 6 : i32
    %dma_start3A_618 = arith.constant 0 : i32
    %dma_start3A_619 = arith.constant 0 : i32
    %dma_start3A_620 = tpu.memref_slice %arg6[%dma_start3A_616, %dma_start3A_617, %dma_start3A_618, %dma_start3A_619] : memref<2x8x128x32xf32, #tpu.memory_space<vmem>> -> memref<1x1x128x32xf32, #tpu.memory_space<vmem>>
    %dma_start3A_621 = tpu.memref_squeeze %dma_start3A_620 : memref<1x1x128x32xf32, #tpu.memory_space<vmem>> -> memref<128x32xf32, #tpu.memory_space<vmem>>
    %dma_start3A_622 = arith.constant 0 : i32
    %dma_start3A_623 = tpu.memref_slice %arg5[%dma_start3A_614, %dma_start3A_615, %dma_start3A_622] : memref<2x8x128xi32, #tpu.memory_space<vmem>> -> memref<1x1x128xi32, #tpu.memory_space<vmem>>
    %dma_start3A_624 = tpu.memref_squeeze %dma_start3A_623 : memref<1x1x128xi32, #tpu.memory_space<vmem>> -> memref<128xi32, #tpu.memory_space<vmem>>
    %dma_start3A_625 = arith.constant 0 : i32
    %dma_start3A_626 = arith.constant 0 : i32
    %dma_start3A_627 = tpu.memref_slice %arg3[%dma_start3A_625, %dma_start3A_626] : memref<100001x32xf32, #tpu.memory_space<hbm>> -> memref<100001x32xf32, #tpu.memory_space<hbm>>
    tpu.enqueue_indirect_dma source(%dma_start3A_627 : memref<100001x32xf32, #tpu.memory_space<hbm>>) target(%dma_start3A_621 : memref<128x32xf32, #tpu.memory_space<vmem>>) offsets(%dma_start3A_624 : memref<128xi32, #tpu.memory_space<vmem>>) semaphore(%arg10 : memref<!tpu.dma_semaphore, #tpu.memory_space<semaphore_mem>>)
    %dma_start3A_628 = arith.constant 0 : i32
    %dma_start3A_629 = arith.constant 7 : i32
    %dma_start3A_630 = arith.constant 0 : i32
    %dma_start3A_631 = arith.constant 7 : i32
    %dma_start3A_632 = arith.constant 0 : i32
    %dma_start3A_633 = arith.constant 0 : i32
    %dma_start3A_634 = tpu.memref_slice %arg6[%dma_start3A_630, %dma_start3A_631, %dma_start3A_632, %dma_start3A_633] : memref<2x8x128x32xf32, #tpu.memory_space<vmem>> -> memref<1x1x128x32xf32, #tpu.memory_space<vmem>>
    %dma_start3A_635 = tpu.memref_squeeze %dma_start3A_634 : memref<1x1x128x32xf32, #tpu.memory_space<vmem>> -> memref<128x32xf32, #tpu.memory_space<vmem>>
    %dma_start3A_636 = arith.constant 0 : i32
    %dma_start3A_637 = tpu.memref_slice %arg5[%dma_start3A_628, %dma_start3A_629, %dma_start3A_636] : memref<2x8x128xi32, #tpu.memory_space<vmem>> -> memref<1x1x128xi32, #tpu.memory_space<vmem>>
    %dma_start3A_638 = tpu.memref_squeeze %dma_start3A_637 : memref<1x1x128xi32, #tpu.memory_space<vmem>> -> memref<128xi32, #tpu.memory_space<vmem>>
    %dma_start3A_639 = arith.constant 0 : i32
    %dma_start3A_640 = arith.constant 0 : i32
    %dma_start3A_641 = tpu.memref_slice %arg3[%dma_start3A_639, %dma_start3A_640] : memref<100001x32xf32, #tpu.memory_space<hbm>> -> memref<100001x32xf32, #tpu.memory_space<hbm>>
    tpu.enqueue_indirect_dma source(%dma_start3A_641 : memref<100001x32xf32, #tpu.memory_space<hbm>>) target(%dma_start3A_635 : memref<128x32xf32, #tpu.memory_space<vmem>>) offsets(%dma_start3A_638 : memref<128xi32, #tpu.memory_space<vmem>>) semaphore(%arg10 : memref<!tpu.dma_semaphore, #tpu.memory_space<semaphore_mem>>)
    %dma_wait3A_642 = arith.constant 1 : i32
    %dma_wait3A_643 = arith.constant 0 : i32
    %dma_wait3A_644 = arith.constant 1 : i32
    %dma_wait3A_645 = arith.constant 0 : i32
    %dma_wait3A_646 = arith.constant 0 : i32
    %dma_wait3A_647 = arith.constant 0 : i32
    %dma_wait3A_648 = tpu.memref_slice %arg6[%dma_wait3A_644, %dma_wait3A_645, %dma_wait3A_646, %dma_wait3A_647] : memref<2x8x128x32xf32, #tpu.memory_space<vmem>> -> memref<1x1x128x32xf32, #tpu.memory_space<vmem>>
    %dma_wait3A_649 = tpu.memref_squeeze %dma_wait3A_648 : memref<1x1x128x32xf32, #tpu.memory_space<vmem>> -> memref<128x32xf32, #tpu.memory_space<vmem>>
    %dma_wait3A_650 = arith.constant 0 : i32
    %dma_wait3A_651 = tpu.memref_slice %arg5[%dma_wait3A_642, %dma_wait3A_643, %dma_wait3A_650] : memref<2x8x128xi32, #tpu.memory_space<vmem>> -> memref<1x1x128xi32, #tpu.memory_space<vmem>>
    %dma_wait3A_652 = tpu.memref_squeeze %dma_wait3A_651 : memref<1x1x128xi32, #tpu.memory_space<vmem>> -> memref<128xi32, #tpu.memory_space<vmem>>
    %dma_wait3A_653 = arith.constant 0 : i32
    %dma_wait3A_654 = arith.constant 0 : i32
    %dma_wait3A_655 = tpu.memref_slice %arg3[%dma_wait3A_653, %dma_wait3A_654] : memref<100001x32xf32, #tpu.memory_space<hbm>> -> memref<100001x32xf32, #tpu.memory_space<hbm>>
    tpu.wait_indirect_dma semaphore(%arg11 : memref<!tpu.dma_semaphore, #tpu.memory_space<semaphore_mem>>) src(%dma_wait3A_655 : memref<100001x32xf32, #tpu.memory_space<hbm>>) dst(%dma_wait3A_649 : memref<128x32xf32, #tpu.memory_space<vmem>>)
    %dma_wait3A_656 = arith.constant 1 : i32
    %dma_wait3A_657 = arith.constant 1 : i32
    %dma_wait3A_658 = arith.constant 1 : i32
    %dma_wait3A_659 = arith.constant 1 : i32
    %dma_wait3A_660 = arith.constant 0 : i32
    %dma_wait3A_661 = arith.constant 0 : i32
    %dma_wait3A_662 = tpu.memref_slice %arg6[%dma_wait3A_658, %dma_wait3A_659, %dma_wait3A_660, %dma_wait3A_661] : memref<2x8x128x32xf32, #tpu.memory_space<vmem>> -> memref<1x1x128x32xf32, #tpu.memory_space<vmem>>
    %dma_wait3A_663 = tpu.memref_squeeze %dma_wait3A_662 : memref<1x1x128x32xf32, #tpu.memory_space<vmem>> -> memref<128x32xf32, #tpu.memory_space<vmem>>
    %dma_wait3A_664 = arith.constant 0 : i32
    %dma_wait3A_665 = tpu.memref_slice %arg5[%dma_wait3A_656, %dma_wait3A_657, %dma_wait3A_664] : memref<2x8x128xi32, #tpu.memory_space<vmem>> -> memref<1x1x128xi32, #tpu.memory_space<vmem>>
    %dma_wait3A_666 = tpu.memref_squeeze %dma_wait3A_665 : memref<1x1x128xi32, #tpu.memory_space<vmem>> -> memref<128xi32, #tpu.memory_space<vmem>>
    %dma_wait3A_667 = arith.constant 0 : i32
    %dma_wait3A_668 = arith.constant 0 : i32
    %dma_wait3A_669 = tpu.memref_slice %arg3[%dma_wait3A_667, %dma_wait3A_668] : memref<100001x32xf32, #tpu.memory_space<hbm>> -> memref<100001x32xf32, #tpu.memory_space<hbm>>
    tpu.wait_indirect_dma semaphore(%arg11 : memref<!tpu.dma_semaphore, #tpu.memory_space<semaphore_mem>>) src(%dma_wait3A_669 : memref<100001x32xf32, #tpu.memory_space<hbm>>) dst(%dma_wait3A_663 : memref<128x32xf32, #tpu.memory_space<vmem>>)
    %dma_wait3A_670 = arith.constant 1 : i32
    %dma_wait3A_671 = arith.constant 2 : i32
    %dma_wait3A_672 = arith.constant 1 : i32
    %dma_wait3A_673 = arith.constant 2 : i32
    %dma_wait3A_674 = arith.constant 0 : i32
    %dma_wait3A_675 = arith.constant 0 : i32
    %dma_wait3A_676 = tpu.memref_slice %arg6[%dma_wait3A_672, %dma_wait3A_673, %dma_wait3A_674, %dma_wait3A_675] : memref<2x8x128x32xf32, #tpu.memory_space<vmem>> -> memref<1x1x128x32xf32, #tpu.memory_space<vmem>>
    %dma_wait3A_677 = tpu.memref_squeeze %dma_wait3A_676 : memref<1x1x128x32xf32, #tpu.memory_space<vmem>> -> memref<128x32xf32, #tpu.memory_space<vmem>>
    %dma_wait3A_678 = arith.constant 0 : i32
    %dma_wait3A_679 = tpu.memref_slice %arg5[%dma_wait3A_670, %dma_wait3A_671, %dma_wait3A_678] : memref<2x8x128xi32, #tpu.memory_space<vmem>> -> memref<1x1x128xi32, #tpu.memory_space<vmem>>
    %dma_wait3A_680 = tpu.memref_squeeze %dma_wait3A_679 : memref<1x1x128xi32, #tpu.memory_space<vmem>> -> memref<128xi32, #tpu.memory_space<vmem>>
    %dma_wait3A_681 = arith.constant 0 : i32
    %dma_wait3A_682 = arith.constant 0 : i32
    %dma_wait3A_683 = tpu.memref_slice %arg3[%dma_wait3A_681, %dma_wait3A_682] : memref<100001x32xf32, #tpu.memory_space<hbm>> -> memref<100001x32xf32, #tpu.memory_space<hbm>>
    tpu.wait_indirect_dma semaphore(%arg11 : memref<!tpu.dma_semaphore, #tpu.memory_space<semaphore_mem>>) src(%dma_wait3A_683 : memref<100001x32xf32, #tpu.memory_space<hbm>>) dst(%dma_wait3A_677 : memref<128x32xf32, #tpu.memory_space<vmem>>)
    %dma_wait3A_684 = arith.constant 1 : i32
    %dma_wait3A_685 = arith.constant 3 : i32
    %dma_wait3A_686 = arith.constant 1 : i32
    %dma_wait3A_687 = arith.constant 3 : i32
    %dma_wait3A_688 = arith.constant 0 : i32
    %dma_wait3A_689 = arith.constant 0 : i32
    %dma_wait3A_690 = tpu.memref_slice %arg6[%dma_wait3A_686, %dma_wait3A_687, %dma_wait3A_688, %dma_wait3A_689] : memref<2x8x128x32xf32, #tpu.memory_space<vmem>> -> memref<1x1x128x32xf32, #tpu.memory_space<vmem>>
    %dma_wait3A_691 = tpu.memref_squeeze %dma_wait3A_690 : memref<1x1x128x32xf32, #tpu.memory_space<vmem>> -> memref<128x32xf32, #tpu.memory_space<vmem>>
    %dma_wait3A_692 = arith.constant 0 : i32
    %dma_wait3A_693 = tpu.memref_slice %arg5[%dma_wait3A_684, %dma_wait3A_685, %dma_wait3A_692] : memref<2x8x128xi32, #tpu.memory_space<vmem>> -> memref<1x1x128xi32, #tpu.memory_space<vmem>>
    %dma_wait3A_694 = tpu.memref_squeeze %dma_wait3A_693 : memref<1x1x128xi32, #tpu.memory_space<vmem>> -> memref<128xi32, #tpu.memory_space<vmem>>
    %dma_wait3A_695 = arith.constant 0 : i32
    %dma_wait3A_696 = arith.constant 0 : i32
    %dma_wait3A_697 = tpu.memref_slice %arg3[%dma_wait3A_695, %dma_wait3A_696] : memref<100001x32xf32, #tpu.memory_space<hbm>> -> memref<100001x32xf32, #tpu.memory_space<hbm>>
    tpu.wait_indirect_dma semaphore(%arg11 : memref<!tpu.dma_semaphore, #tpu.memory_space<semaphore_mem>>) src(%dma_wait3A_697 : memref<100001x32xf32, #tpu.memory_space<hbm>>) dst(%dma_wait3A_691 : memref<128x32xf32, #tpu.memory_space<vmem>>)
    %dma_wait3A_698 = arith.constant 1 : i32
    %dma_wait3A_699 = arith.constant 4 : i32
    %dma_wait3A_700 = arith.constant 1 : i32
    %dma_wait3A_701 = arith.constant 4 : i32
    %dma_wait3A_702 = arith.constant 0 : i32
    %dma_wait3A_703 = arith.constant 0 : i32
    %dma_wait3A_704 = tpu.memref_slice %arg6[%dma_wait3A_700, %dma_wait3A_701, %dma_wait3A_702, %dma_wait3A_703] : memref<2x8x128x32xf32, #tpu.memory_space<vmem>> -> memref<1x1x128x32xf32, #tpu.memory_space<vmem>>
    %dma_wait3A_705 = tpu.memref_squeeze %dma_wait3A_704 : memref<1x1x128x32xf32, #tpu.memory_space<vmem>> -> memref<128x32xf32, #tpu.memory_space<vmem>>
    %dma_wait3A_706 = arith.constant 0 : i32
    %dma_wait3A_707 = tpu.memref_slice %arg5[%dma_wait3A_698, %dma_wait3A_699, %dma_wait3A_706] : memref<2x8x128xi32, #tpu.memory_space<vmem>> -> memref<1x1x128xi32, #tpu.memory_space<vmem>>
    %dma_wait3A_708 = tpu.memref_squeeze %dma_wait3A_707 : memref<1x1x128xi32, #tpu.memory_space<vmem>> -> memref<128xi32, #tpu.memory_space<vmem>>
    %dma_wait3A_709 = arith.constant 0 : i32
    %dma_wait3A_710 = arith.constant 0 : i32
    %dma_wait3A_711 = tpu.memref_slice %arg3[%dma_wait3A_709, %dma_wait3A_710] : memref<100001x32xf32, #tpu.memory_space<hbm>> -> memref<100001x32xf32, #tpu.memory_space<hbm>>
    tpu.wait_indirect_dma semaphore(%arg11 : memref<!tpu.dma_semaphore, #tpu.memory_space<semaphore_mem>>) src(%dma_wait3A_711 : memref<100001x32xf32, #tpu.memory_space<hbm>>) dst(%dma_wait3A_705 : memref<128x32xf32, #tpu.memory_space<vmem>>)
    %dma_wait3A_712 = arith.constant 1 : i32
    %dma_wait3A_713 = arith.constant 5 : i32
    %dma_wait3A_714 = arith.constant 1 : i32
    %dma_wait3A_715 = arith.constant 5 : i32
    %dma_wait3A_716 = arith.constant 0 : i32
    %dma_wait3A_717 = arith.constant 0 : i32
    %dma_wait3A_718 = tpu.memref_slice %arg6[%dma_wait3A_714, %dma_wait3A_715, %dma_wait3A_716, %dma_wait3A_717] : memref<2x8x128x32xf32, #tpu.memory_space<vmem>> -> memref<1x1x128x32xf32, #tpu.memory_space<vmem>>
    %dma_wait3A_719 = tpu.memref_squeeze %dma_wait3A_718 : memref<1x1x128x32xf32, #tpu.memory_space<vmem>> -> memref<128x32xf32, #tpu.memory_space<vmem>>
    %dma_wait3A_720 = arith.constant 0 : i32
    %dma_wait3A_721 = tpu.memref_slice %arg5[%dma_wait3A_712, %dma_wait3A_713, %dma_wait3A_720] : memref<2x8x128xi32, #tpu.memory_space<vmem>> -> memref<1x1x128xi32, #tpu.memory_space<vmem>>
    %dma_wait3A_722 = tpu.memref_squeeze %dma_wait3A_721 : memref<1x1x128xi32, #tpu.memory_space<vmem>> -> memref<128xi32, #tpu.memory_space<vmem>>
    %dma_wait3A_723 = arith.constant 0 : i32
    %dma_wait3A_724 = arith.constant 0 : i32
    %dma_wait3A_725 = tpu.memref_slice %arg3[%dma_wait3A_723, %dma_wait3A_724] : memref<100001x32xf32, #tpu.memory_space<hbm>> -> memref<100001x32xf32, #tpu.memory_space<hbm>>
    tpu.wait_indirect_dma semaphore(%arg11 : memref<!tpu.dma_semaphore, #tpu.memory_space<semaphore_mem>>) src(%dma_wait3A_725 : memref<100001x32xf32, #tpu.memory_space<hbm>>) dst(%dma_wait3A_719 : memref<128x32xf32, #tpu.memory_space<vmem>>)
    %dma_wait3A_726 = arith.constant 1 : i32
    %dma_wait3A_727 = arith.constant 6 : i32
    %dma_wait3A_728 = arith.constant 1 : i32
    %dma_wait3A_729 = arith.constant 6 : i32
    %dma_wait3A_730 = arith.constant 0 : i32
    %dma_wait3A_731 = arith.constant 0 : i32
    %dma_wait3A_732 = tpu.memref_slice %arg6[%dma_wait3A_728, %dma_wait3A_729, %dma_wait3A_730, %dma_wait3A_731] : memref<2x8x128x32xf32, #tpu.memory_space<vmem>> -> memref<1x1x128x32xf32, #tpu.memory_space<vmem>>
    %dma_wait3A_733 = tpu.memref_squeeze %dma_wait3A_732 : memref<1x1x128x32xf32, #tpu.memory_space<vmem>> -> memref<128x32xf32, #tpu.memory_space<vmem>>
    %dma_wait3A_734 = arith.constant 0 : i32
    %dma_wait3A_735 = tpu.memref_slice %arg5[%dma_wait3A_726, %dma_wait3A_727, %dma_wait3A_734] : memref<2x8x128xi32, #tpu.memory_space<vmem>> -> memref<1x1x128xi32, #tpu.memory_space<vmem>>
    %dma_wait3A_736 = tpu.memref_squeeze %dma_wait3A_735 : memref<1x1x128xi32, #tpu.memory_space<vmem>> -> memref<128xi32, #tpu.memory_space<vmem>>
    %dma_wait3A_737 = arith.constant 0 : i32
    %dma_wait3A_738 = arith.constant 0 : i32
    %dma_wait3A_739 = tpu.memref_slice %arg3[%dma_wait3A_737, %dma_wait3A_738] : memref<100001x32xf32, #tpu.memory_space<hbm>> -> memref<100001x32xf32, #tpu.memory_space<hbm>>
    tpu.wait_indirect_dma semaphore(%arg11 : memref<!tpu.dma_semaphore, #tpu.memory_space<semaphore_mem>>) src(%dma_wait3A_739 : memref<100001x32xf32, #tpu.memory_space<hbm>>) dst(%dma_wait3A_733 : memref<128x32xf32, #tpu.memory_space<vmem>>)
    %dma_wait3A_740 = arith.constant 1 : i32
    %dma_wait3A_741 = arith.constant 7 : i32
    %dma_wait3A_742 = arith.constant 1 : i32
    %dma_wait3A_743 = arith.constant 7 : i32
    %dma_wait3A_744 = arith.constant 0 : i32
    %dma_wait3A_745 = arith.constant 0 : i32
    %dma_wait3A_746 = tpu.memref_slice %arg6[%dma_wait3A_742, %dma_wait3A_743, %dma_wait3A_744, %dma_wait3A_745] : memref<2x8x128x32xf32, #tpu.memory_space<vmem>> -> memref<1x1x128x32xf32, #tpu.memory_space<vmem>>
    %dma_wait3A_747 = tpu.memref_squeeze %dma_wait3A_746 : memref<1x1x128x32xf32, #tpu.memory_space<vmem>> -> memref<128x32xf32, #tpu.memory_space<vmem>>
    %dma_wait3A_748 = arith.constant 0 : i32
    %dma_wait3A_749 = tpu.memref_slice %arg5[%dma_wait3A_740, %dma_wait3A_741, %dma_wait3A_748] : memref<2x8x128xi32, #tpu.memory_space<vmem>> -> memref<1x1x128xi32, #tpu.memory_space<vmem>>
    %dma_wait3A_750 = tpu.memref_squeeze %dma_wait3A_749 : memref<1x1x128xi32, #tpu.memory_space<vmem>> -> memref<128xi32, #tpu.memory_space<vmem>>
    %dma_wait3A_751 = arith.constant 0 : i32
    %dma_wait3A_752 = arith.constant 0 : i32
    %dma_wait3A_753 = tpu.memref_slice %arg3[%dma_wait3A_751, %dma_wait3A_752] : memref<100001x32xf32, #tpu.memory_space<hbm>> -> memref<100001x32xf32, #tpu.memory_space<hbm>>
    tpu.wait_indirect_dma semaphore(%arg11 : memref<!tpu.dma_semaphore, #tpu.memory_space<semaphore_mem>>) src(%dma_wait3A_753 : memref<100001x32xf32, #tpu.memory_space<hbm>>) dst(%dma_wait3A_747 : memref<128x32xf32, #tpu.memory_space<vmem>>)
    %jit3A_754 = arith.constant false
    %jit3A_755 = arith.constant 25 : i32
    %jit3A_756 = arith.constant 0 : i32
    %select_n3A_757 = arith.select %jit3A_754, %jit3A_755, %jit3A_756 : i32
    %dma_start3A_758 = arith.constant 1 : i32
    %dma_start3A_759 = arith.constant 0 : i32
    %dma_start3A_760 = arith.constant 0 : i32
    %dma_start3A_761 = tpu.memref_slice %arg5[%dma_start3A_758, %dma_start3A_759, %dma_start3A_760] : memref<2x8x128xi32, #tpu.memory_space<vmem>> -> memref<1x8x128xi32, #tpu.memory_space<vmem>>
    %dma_start3A_762 = tpu.memref_squeeze %dma_start3A_761 : memref<1x8x128xi32, #tpu.memory_space<vmem>> -> memref<8x128xi32, #tpu.memory_space<vmem>>
    %dma_start3A_763 = arith.constant 0 : i32
    %dma_start3A_764 = arith.constant 0 : i32
    %dma_start3A_765 = tpu.memref_slice %arg2[%select_n3A_757, %add3A, %dma_start3A_763, %dma_start3A_764] : memref<25x32x8x128xi32, #tpu.memory_space<hbm>> -> memref<1x1x8x128xi32, #tpu.memory_space<hbm>>
    %dma_start3A_766 = tpu.memref_squeeze %dma_start3A_765 : memref<1x1x8x128xi32, #tpu.memory_space<hbm>> -> memref<8x128xi32, #tpu.memory_space<hbm>>
    %dma_start3A_767 = arith.constant 0 : i32
    %dma_start3A_768 = arith.constant 0 : i32
    %dma_start3A_769 = tpu.memref_slice %arg5[%dma_start3A_758, %dma_start3A_767, %dma_start3A_768] : memref<2x8x128xi32, #tpu.memory_space<vmem>> -> memref<1x8x128xi32, #tpu.memory_space<vmem>>
    %dma_start3A_770 = tpu.memref_squeeze %dma_start3A_769 : memref<1x8x128xi32, #tpu.memory_space<vmem>> -> memref<8x128xi32, #tpu.memory_space<vmem>>
    %dma_start3A_771 = arith.constant 0 : i32
    %dma_start3A_772 = arith.constant 0 : i32
    %dma_start3A_773 = tpu.memref_slice %arg2[%select_n3A_757, %add3A, %dma_start3A_771, %dma_start3A_772] : memref<25x32x8x128xi32, #tpu.memory_space<hbm>> -> memref<1x1x8x128xi32, #tpu.memory_space<hbm>>
    %dma_start3A_774 = tpu.memref_squeeze %dma_start3A_773 : memref<1x1x8x128xi32, #tpu.memory_space<hbm>> -> memref<8x128xi32, #tpu.memory_space<hbm>>
    tpu.enqueue_dma source(%dma_start3A_774 : memref<8x128xi32, #tpu.memory_space<hbm>>) target(%dma_start3A_770 : memref<8x128xi32, #tpu.memory_space<vmem>>) target_semaphore(%arg9 : memref<!tpu.dma_semaphore, #tpu.memory_space<semaphore_mem>>)
    %dma_wait3A_775 = arith.constant 0 : i32
    %dma_wait3A_776 = arith.constant 0 : i32
    %dma_wait3A_777 = arith.constant 0 : i32
    %dma_wait3A_778 = arith.constant 0 : i32
    %dma_wait3A_779 = tpu.memref_slice %arg7[%dma_wait3A_775, %dma_wait3A_776, %dma_wait3A_777, %dma_wait3A_778] : memref<8x4x8x129xf32, #tpu.memory_space<vmem>> -> memref<8x4x8x128xf32, #tpu.memory_space<vmem>>
    %dma_wait3A_780 = arith.constant 0 : i32
    %dma_wait3A_781 = arith.constant 0 : i32
    %dma_wait3A_782 = arith.constant 0 : i32
    %dma_wait3A_783 = arith.constant 0 : i32
    %dma_wait3A_784 = tpu.memref_slice %arg4[%dma_wait3A_780, %dma_wait3A_781, %add3A, %dma_wait3A_782, %dma_wait3A_783] : memref<200x4x32x8x128xf32, #tpu.memory_space<hbm>> -> memref<8x4x1x8x128xf32, #tpu.memory_space<hbm>>
    %dma_wait3A_785 = tpu.memref_squeeze %dma_wait3A_784 : memref<8x4x1x8x128xf32, #tpu.memory_space<hbm>> -> memref<8x4x8x128xf32, #tpu.memory_space<hbm>>
    %dma_wait3A_786 = arith.constant 0 : i32
    %dma_wait3A_787 = arith.constant 0 : i32
    %dma_wait3A_788 = arith.constant 0 : i32
    %dma_wait3A_789 = arith.constant 0 : i32
    %dma_wait3A_790 = tpu.memref_slice %arg4[%dma_wait3A_786, %dma_wait3A_787, %add3A, %dma_wait3A_788, %dma_wait3A_789] : memref<200x4x32x8x128xf32, #tpu.memory_space<hbm>> -> memref<8x4x1x8x128xf32, #tpu.memory_space<hbm>>
    %dma_wait3A_791 = tpu.memref_squeeze %dma_wait3A_790 : memref<8x4x1x8x128xf32, #tpu.memory_space<hbm>> -> memref<8x4x8x128xf32, #tpu.memory_space<hbm>>
    %dma_wait3A_792 = arith.constant 0 : i32
    %dma_wait3A_793 = arith.constant 0 : i32
    %dma_wait3A_794 = arith.constant 0 : i32
    %dma_wait3A_795 = arith.constant 0 : i32
    %dma_wait3A_796 = tpu.memref_slice %arg7[%dma_wait3A_792, %dma_wait3A_793, %dma_wait3A_794, %dma_wait3A_795] : memref<8x4x8x129xf32, #tpu.memory_space<vmem>> -> memref<8x4x8x128xf32, #tpu.memory_space<vmem>>
    tpu.wait_dma2 semaphore(%arg12 : memref<!tpu.dma_semaphore, #tpu.memory_space<semaphore_mem>>) src(%dma_wait3A_796 : memref<8x4x8x128xf32, #tpu.memory_space<vmem>>) dst(%dma_wait3A_791 : memref<8x4x8x128xf32, #tpu.memory_space<hbm>>)
    %broadcast_in_dim3A_797 = arith.constant 0 : i32
    %broadcast_in_dim3A_798 = vector.broadcast %broadcast_in_dim3A_797 : i32 to vector<16xi32>
    %jit3A_799 = arith.constant 8 : i32
    %div3A_800 = vector.broadcast %jit3A_799 : i32 to vector<16xi32>
    %div3A_801 = arith.divsi %iota3A, %div3A_800 : vector<16xi32>
    %sign3A_802 = arith.constant 0 : i32
    %sign3A_803 = vector.broadcast %sign3A_802 : i32 to vector<16xi32>
    %sign3A_804 = arith.cmpi sgt, %iota3A, %sign3A_803 : vector<16xi32>
    %sign3A_805 = arith.extui %sign3A_804 : vector<16xi1> to vector<16xi32>
    %sign3A_806 = arith.constant 0 : i32
    %sign3A_807 = vector.broadcast %sign3A_806 : i32 to vector<16xi32>
    %sign3A_808 = arith.cmpi slt, %iota3A, %sign3A_807 : vector<16xi32>
    %sign3A_809 = arith.extui %sign3A_808 : vector<16xi1> to vector<16xi32>
    %sign3A_810 = arith.subi %sign3A_805, %sign3A_809 : vector<16xi32>
    %sign3A_811 = arith.constant 0 : i32
    %sign3A_812 = arith.cmpi sgt, %jit3A_799, %sign3A_811 : i32
    %sign3A_813 = arith.extui %sign3A_812 : i1 to i32
    %sign3A_814 = arith.constant 0 : i32
    %sign3A_815 = arith.cmpi slt, %jit3A_799, %sign3A_814 : i32
    %sign3A_816 = arith.extui %sign3A_815 : i1 to i32
    %sign3A_817 = arith.subi %sign3A_813, %sign3A_816 : i32
    %ne3A_818 = vector.broadcast %sign3A_817 : i32 to vector<16xi32>
    %ne3A_819 = arith.cmpi ne, %sign3A_810, %ne3A_818 : vector<16xi32>
    %rem3A_820 = vector.broadcast %jit3A_799 : i32 to vector<16xi32>
    %rem3A_821 = arith.remsi %iota3A, %rem3A_820 : vector<16xi32>
    %ne3A_822 = arith.constant 0 : i32
    %ne3A_823 = vector.broadcast %ne3A_822 : i32 to vector<16xi32>
    %ne3A_824 = arith.cmpi ne, %rem3A_821, %ne3A_823 : vector<16xi32>
    %and3A_825 = arith.andi %ne3A_819, %ne3A_824 : vector<16xi1>
    %sub3A_826 = arith.constant 1 : i32
    %sub3A_827 = vector.broadcast %sub3A_826 : i32 to vector<16xi32>
    %sub3A_828 = arith.subi %div3A_801, %sub3A_827 : vector<16xi32>
    %select_n3A_829 = arith.select %and3A_825, %sub3A_828, %div3A_801 : vector<16xi1>, vector<16xi32>
    %jit3A_830 = arith.constant 8 : i32
    %eq3A_831 = arith.constant 0 : i32
    %eq3A_832 = arith.cmpi eq, %jit3A_830, %eq3A_831 : i32
    %jit3A_833 = arith.constant 1 : i32
    %select_n3A_834 = arith.select %eq3A_832, %jit3A_833, %jit3A_830 : i32
    %rem3A_835 = vector.broadcast %select_n3A_834 : i32 to vector<16xi32>
    %rem3A_836 = arith.remsi %iota3A, %rem3A_835 : vector<16xi32>
    %ne3A_837 = arith.constant 0 : i32
    %ne3A_838 = vector.broadcast %ne3A_837 : i32 to vector<16xi32>
    %ne3A_839 = arith.cmpi ne, %rem3A_836, %ne3A_838 : vector<16xi32>
    %lt3A_840 = arith.constant 0 : i32
    %lt3A_841 = vector.broadcast %lt3A_840 : i32 to vector<16xi32>
    %lt3A_842 = arith.cmpi slt, %rem3A_836, %lt3A_841 : vector<16xi32>
    %lt3A_843 = arith.constant 0 : i32
    %lt3A_844 = arith.cmpi slt, %select_n3A_834, %lt3A_843 : i32
    %ne3A_845 = vector.broadcast %lt3A_844 : i1 to vector<16xi1>
    %ne3A_846 = vector.broadcast %ne3A_845 : vector<16xi1> to vector<16xi1>
    %ne3A_847 = arith.xori %lt3A_842, %ne3A_846 : vector<16xi1>
    %and3A_848 = arith.andi %ne3A_847, %ne3A_839 : vector<16xi1>
    %add3A_849 = vector.broadcast %select_n3A_834 : i32 to vector<16xi32>
    %add3A_850 = arith.addi %rem3A_836, %add3A_849 : vector<16xi32>
    %select_n3A_851 = arith.select %and3A_848, %add3A_850, %rem3A_836 : vector<16xi1>, vector<16xi32>
    %add3A_852 = arith.constant 2 : i32
    %add3A_853 = vector.broadcast %add3A_852 : i32 to vector<16xi32>
    %add3A_854 = arith.addi %select_n3A_829, %add3A_853 : vector<16xi32>
    %scan3A_855 = arith.constant 0 : i32
    %scan3A_856 = arith.constant 128 : i32
    %scan3A_857 = arith.addi %scan3A_855, %scan3A_856 : i32
    %scan3A_858 = arith.constant 1 : i32
    scf.for %scan3A_1141 = %scan3A_855 to %scan3A_857 step %scan3A_858  : i32 {
      %mul3A_1142 = arith.constant 1 : i32
      %mul3A_1143 = arith.muli %scan3A_1141, %mul3A_1142 : i32
      %add3A_1144 = arith.constant 0 : i32
      %add3A_1145 = arith.addi %add3A_1144, %mul3A_1143 : i32
      %jit3A_1146 = arith.constant 16 : i32
      %div3A_1147 = arith.divsi %add3A_1145, %jit3A_1146 : i32
      %sign3A_1148 = arith.constant 0 : i32
      %sign3A_1149 = arith.cmpi sgt, %add3A_1145, %sign3A_1148 : i32
      %sign3A_1150 = arith.extui %sign3A_1149 : i1 to i32
      %sign3A_1151 = arith.constant 0 : i32
      %sign3A_1152 = arith.cmpi slt, %add3A_1145, %sign3A_1151 : i32
      %sign3A_1153 = arith.extui %sign3A_1152 : i1 to i32
      %sign3A_1154 = arith.subi %sign3A_1150, %sign3A_1153 : i32
      %sign3A_1155 = arith.constant 0 : i32
      %sign3A_1156 = arith.cmpi sgt, %jit3A_1146, %sign3A_1155 : i32
      %sign3A_1157 = arith.extui %sign3A_1156 : i1 to i32
      %sign3A_1158 = arith.constant 0 : i32
      %sign3A_1159 = arith.cmpi slt, %jit3A_1146, %sign3A_1158 : i32
      %sign3A_1160 = arith.extui %sign3A_1159 : i1 to i32
      %sign3A_1161 = arith.subi %sign3A_1157, %sign3A_1160 : i32
      %ne3A_1162 = arith.cmpi ne, %sign3A_1154, %sign3A_1161 : i32
      %rem3A_1163 = arith.remsi %add3A_1145, %jit3A_1146 : i32
      %ne3A_1164 = arith.constant 0 : i32
      %ne3A_1165 = arith.cmpi ne, %rem3A_1163, %ne3A_1164 : i32
      %and3A_1166 = arith.andi %ne3A_1162, %ne3A_1165 : i1
      %sub3A_1167 = arith.constant 1 : i32
      %sub3A_1168 = arith.subi %div3A_1147, %sub3A_1167 : i32
      %select_n3A_1169 = arith.select %and3A_1166, %sub3A_1168, %div3A_1147 : i32
      %jit3A_1170 = arith.constant 16 : i32
      %eq3A_1171 = arith.constant 0 : i32
      %eq3A_1172 = arith.cmpi eq, %jit3A_1170, %eq3A_1171 : i32
      %jit3A_1173 = arith.constant 1 : i32
      %select_n3A_1174 = arith.select %eq3A_1172, %jit3A_1173, %jit3A_1170 : i32
      %rem3A_1175 = arith.remsi %add3A_1145, %select_n3A_1174 : i32
      %ne3A_1176 = arith.constant 0 : i32
      %ne3A_1177 = arith.cmpi ne, %rem3A_1175, %ne3A_1176 : i32
      %lt3A_1178 = arith.constant 0 : i32
      %lt3A_1179 = arith.cmpi slt, %rem3A_1175, %lt3A_1178 : i32
      %lt3A_1180 = arith.constant 0 : i32
      %lt3A_1181 = arith.cmpi slt, %select_n3A_1174, %lt3A_1180 : i32
      %ne3A_1182 = arith.xori %lt3A_1179, %lt3A_1181 : i1
      %and3A_1183 = arith.andi %ne3A_1182, %ne3A_1177 : i1
      %add3A_1184 = arith.addi %rem3A_1175, %select_n3A_1174 : i32
      %select_n3A_1185 = arith.select %and3A_1183, %add3A_1184, %rem3A_1175 : i32
      %mul3A_1186 = arith.constant 8 : i32
      %mul3A_1187 = arith.muli %select_n3A_1185, %mul3A_1186 : i32
      %add3A_1188 = vector.broadcast %select_n3A_1169 : i32 to vector<16xi32>
      %add3A_1189 = arith.addi %broadcast_in_dim3A_798, %add3A_1188 : vector<16xi32>
      %add3A_1190 = arith.constant 0 : i32
      %add3A_1191 = arith.addi %mul3A_1187, %add3A_1190 : i32
      %get3A = arith.constant 1 : i32
      %get3A_1192 = arith.index_cast %get3A : i32 to index
      %get3A_1193 = arith.index_cast %select_n3A_1169 : i32 to index
      %get3A_1194 = arith.index_cast %add3A_1191 : i32 to index
      %get3A_1195 = arith.constant 0 : index
      %get3A_1196 = tpu.vector_load %arg6[%get3A_1192, %get3A_1193, %get3A_1194, %get3A_1195] {strides = array<i32>} : memref<2x8x128x32xf32, #tpu.memory_space<vmem>>, vector<16xf32>,
      %add3A_1197 = arith.constant 0 : i32
      %add3A_1198 = arith.addi %mul3A_1187, %add3A_1197 : i32
      %get3A_1199 = arith.constant 1 : i32
      %get3A_1200 = arith.index_cast %get3A_1199 : i32 to index
      %get3A_1201 = arith.index_cast %select_n3A_1169 : i32 to index
      %get3A_1202 = arith.index_cast %add3A_1198 : i32 to index
      %get3A_1203 = arith.constant 16 : index
      %get3A_1204 = tpu.vector_load %arg6[%get3A_1200, %get3A_1201, %get3A_1202, %get3A_1203] {strides = array<i32>} : memref<2x8x128x32xf32, #tpu.memory_space<vmem>>, vector<16xf32>,
      %add3A_1205 = arith.constant 1 : i32
      %add3A_1206 = arith.addi %mul3A_1187, %add3A_1205 : i32
      %get3A_1207 = arith.constant 1 : i32
      %get3A_1208 = arith.index_cast %get3A_1207 : i32 to index
      %get3A_1209 = arith.index_cast %select_n3A_1169 : i32 to index
      %get3A_1210 = arith.index_cast %add3A_1206 : i32 to index
      %get3A_1211 = arith.constant 0 : index
      %get3A_1212 = tpu.vector_load %arg6[%get3A_1208, %get3A_1209, %get3A_1210, %get3A_1211] {strides = array<i32>} : memref<2x8x128x32xf32, #tpu.memory_space<vmem>>, vector<16xf32>,
      %add3A_1213 = arith.constant 1 : i32
      %add3A_1214 = arith.addi %mul3A_1187, %add3A_1213 : i32
      %get3A_1215 = arith.constant 1 : i32
      %get3A_1216 = arith.index_cast %get3A_1215 : i32 to index
      %get3A_1217 = arith.index_cast %select_n3A_1169 : i32 to index
      %get3A_1218 = arith.index_cast %add3A_1214 : i32 to index
      %get3A_1219 = arith.constant 16 : index
      %get3A_1220 = tpu.vector_load %arg6[%get3A_1216, %get3A_1217, %get3A_1218, %get3A_1219] {strides = array<i32>} : memref<2x8x128x32xf32, #tpu.memory_space<vmem>>, vector<16xf32>,
      %add3A_1221 = arith.constant 2 : i32
      %add3A_1222 = arith.addi %mul3A_1187, %add3A_1221 : i32
      %get3A_1223 = arith.constant 1 : i32
      %get3A_1224 = arith.index_cast %get3A_1223 : i32 to index
      %get3A_1225 = arith.index_cast %select_n3A_1169 : i32 to index
      %get3A_1226 = arith.index_cast %add3A_1222 : i32 to index
      %get3A_1227 = arith.constant 0 : index
      %get3A_1228 = tpu.vector_load %arg6[%get3A_1224, %get3A_1225, %get3A_1226, %get3A_1227] {strides = array<i32>} : memref<2x8x128x32xf32, #tpu.memory_space<vmem>>, vector<16xf32>,
      %add3A_1229 = arith.constant 2 : i32
      %add3A_1230 = arith.addi %mul3A_1187, %add3A_1229 : i32
      %get3A_1231 = arith.constant 1 : i32
      %get3A_1232 = arith.index_cast %get3A_1231 : i32 to index
      %get3A_1233 = arith.index_cast %select_n3A_1169 : i32 to index
      %get3A_1234 = arith.index_cast %add3A_1230 : i32 to index
      %get3A_1235 = arith.constant 16 : index
      %get3A_1236 = tpu.vector_load %arg6[%get3A_1232, %get3A_1233, %get3A_1234, %get3A_1235] {strides = array<i32>} : memref<2x8x128x32xf32, #tpu.memory_space<vmem>>, vector<16xf32>,
      %add3A_1237 = arith.constant 3 : i32
      %add3A_1238 = arith.addi %mul3A_1187, %add3A_1237 : i32
      %get3A_1239 = arith.constant 1 : i32
      %get3A_1240 = arith.index_cast %get3A_1239 : i32 to index
      %get3A_1241 = arith.index_cast %select_n3A_1169 : i32 to index
      %get3A_1242 = arith.index_cast %add3A_1238 : i32 to index
      %get3A_1243 = arith.constant 0 : index
      %get3A_1244 = tpu.vector_load %arg6[%get3A_1240, %get3A_1241, %get3A_1242, %get3A_1243] {strides = array<i32>} : memref<2x8x128x32xf32, #tpu.memory_space<vmem>>, vector<16xf32>,
      %add3A_1245 = arith.constant 3 : i32
      %add3A_1246 = arith.addi %mul3A_1187, %add3A_1245 : i32
      %get3A_1247 = arith.constant 1 : i32
      %get3A_1248 = arith.index_cast %get3A_1247 : i32 to index
      %get3A_1249 = arith.index_cast %select_n3A_1169 : i32 to index
      %get3A_1250 = arith.index_cast %add3A_1246 : i32 to index
      %get3A_1251 = arith.constant 16 : index
      %get3A_1252 = tpu.vector_load %arg6[%get3A_1248, %get3A_1249, %get3A_1250, %get3A_1251] {strides = array<i32>} : memref<2x8x128x32xf32, #tpu.memory_space<vmem>>, vector<16xf32>,
      %add3A_1253 = arith.constant 4 : i32
      %add3A_1254 = arith.addi %mul3A_1187, %add3A_1253 : i32
      %get3A_1255 = arith.constant 1 : i32
      %get3A_1256 = arith.index_cast %get3A_1255 : i32 to index
      %get3A_1257 = arith.index_cast %select_n3A_1169 : i32 to index
      %get3A_1258 = arith.index_cast %add3A_1254 : i32 to index
      %get3A_1259 = arith.constant 0 : index
      %get3A_1260 = tpu.vector_load %arg6[%get3A_1256, %get3A_1257, %get3A_1258, %get3A_1259] {strides = array<i32>} : memref<2x8x128x32xf32, #tpu.memory_space<vmem>>, vector<16xf32>,
      %add3A_1261 = arith.constant 4 : i32
      %add3A_1262 = arith.addi %mul3A_1187, %add3A_1261 : i32
      %get3A_1263 = arith.constant 1 : i32
      %get3A_1264 = arith.index_cast %get3A_1263 : i32 to index
      %get3A_1265 = arith.index_cast %select_n3A_1169 : i32 to index
      %get3A_1266 = arith.index_cast %add3A_1262 : i32 to index
      %get3A_1267 = arith.constant 16 : index
      %get3A_1268 = tpu.vector_load %arg6[%get3A_1264, %get3A_1265, %get3A_1266, %get3A_1267] {strides = array<i32>} : memref<2x8x128x32xf32, #tpu.memory_space<vmem>>, vector<16xf32>,
      %add3A_1269 = arith.constant 5 : i32
      %add3A_1270 = arith.addi %mul3A_1187, %add3A_1269 : i32
      %get3A_1271 = arith.constant 1 : i32
      %get3A_1272 = arith.index_cast %get3A_1271 : i32 to index
      %get3A_1273 = arith.index_cast %select_n3A_1169 : i32 to index
      %get3A_1274 = arith.index_cast %add3A_1270 : i32 to index
      %get3A_1275 = arith.constant 0 : index
      %get3A_1276 = tpu.vector_load %arg6[%get3A_1272, %get3A_1273, %get3A_1274, %get3A_1275] {strides = array<i32>} : memref<2x8x128x32xf32, #tpu.memory_space<vmem>>, vector<16xf32>,
      %add3A_1277 = arith.constant 5 : i32
      %add3A_1278 = arith.addi %mul3A_1187, %add3A_1277 : i32
      %get3A_1279 = arith.constant 1 : i32
      %get3A_1280 = arith.index_cast %get3A_1279 : i32 to index
      %get3A_1281 = arith.index_cast %select_n3A_1169 : i32 to index
      %get3A_1282 = arith.index_cast %add3A_1278 : i32 to index
      %get3A_1283 = arith.constant 16 : index
      %get3A_1284 = tpu.vector_load %arg6[%get3A_1280, %get3A_1281, %get3A_1282, %get3A_1283] {strides = array<i32>} : memref<2x8x128x32xf32, #tpu.memory_space<vmem>>, vector<16xf32>,
      %add3A_1285 = arith.constant 6 : i32
      %add3A_1286 = arith.addi %mul3A_1187, %add3A_1285 : i32
      %get3A_1287 = arith.constant 1 : i32
      %get3A_1288 = arith.index_cast %get3A_1287 : i32 to index
      %get3A_1289 = arith.index_cast %select_n3A_1169 : i32 to index
      %get3A_1290 = arith.index_cast %add3A_1286 : i32 to index
      %get3A_1291 = arith.constant 0 : index
      %get3A_1292 = tpu.vector_load %arg6[%get3A_1288, %get3A_1289, %get3A_1290, %get3A_1291] {strides = array<i32>} : memref<2x8x128x32xf32, #tpu.memory_space<vmem>>, vector<16xf32>,
      %add3A_1293 = arith.constant 6 : i32
      %add3A_1294 = arith.addi %mul3A_1187, %add3A_1293 : i32
      %get3A_1295 = arith.constant 1 : i32
      %get3A_1296 = arith.index_cast %get3A_1295 : i32 to index
      %get3A_1297 = arith.index_cast %select_n3A_1169 : i32 to index
      %get3A_1298 = arith.index_cast %add3A_1294 : i32 to index
      %get3A_1299 = arith.constant 16 : index
      %get3A_1300 = tpu.vector_load %arg6[%get3A_1296, %get3A_1297, %get3A_1298, %get3A_1299] {strides = array<i32>} : memref<2x8x128x32xf32, #tpu.memory_space<vmem>>, vector<16xf32>,
      %add3A_1301 = arith.constant 7 : i32
      %add3A_1302 = arith.addi %mul3A_1187, %add3A_1301 : i32
      %get3A_1303 = arith.constant 1 : i32
      %get3A_1304 = arith.index_cast %get3A_1303 : i32 to index
      %get3A_1305 = arith.index_cast %select_n3A_1169 : i32 to index
      %get3A_1306 = arith.index_cast %add3A_1302 : i32 to index
      %get3A_1307 = arith.constant 0 : index
      %get3A_1308 = tpu.vector_load %arg6[%get3A_1304, %get3A_1305, %get3A_1306, %get3A_1307] {strides = array<i32>} : memref<2x8x128x32xf32, #tpu.memory_space<vmem>>, vector<16xf32>,
      %add3A_1309 = arith.constant 7 : i32
      %add3A_1310 = arith.addi %mul3A_1187, %add3A_1309 : i32
      %get3A_1311 = arith.constant 1 : i32
      %get3A_1312 = arith.index_cast %get3A_1311 : i32 to index
      %get3A_1313 = arith.index_cast %select_n3A_1169 : i32 to index
      %get3A_1314 = arith.index_cast %add3A_1310 : i32 to index
      %get3A_1315 = arith.constant 16 : index
      %get3A_1316 = tpu.vector_load %arg6[%get3A_1312, %get3A_1313, %get3A_1314, %get3A_1315] {strides = array<i32>} : memref<2x8x128x32xf32, #tpu.memory_space<vmem>>, vector<16xf32>,
      %add3A_1317 = arith.constant 0 : i32
      %add3A_1318 = arith.addi %mul3A_1187, %add3A_1317 : i32
      %add3A_1319 = vector.broadcast %add3A_1318 : i32 to vector<16xi32>
      %add3A_1320 = arith.addi %broadcast_in_dim3A_798, %add3A_1319 : vector<16xi32>
      tpu.vector_store_idx %arg7[%add3A_1189, %select_n3A_829, %select_n3A_851, %add3A_1320], %get3A_1196 : memref<8x4x8x129xf32, #tpu.memory_space<vmem>>[vector<16xi32>, vector<16xi32>, vector<16xi32>, vector<16xi32>], vector<16xf32>,
      tpu.vector_store_idx %arg7[%add3A_1189, %add3A_854, %select_n3A_851, %add3A_1320], %get3A_1204 : memref<8x4x8x129xf32, #tpu.memory_space<vmem>>[vector<16xi32>, vector<16xi32>, vector<16xi32>, vector<16xi32>], vector<16xf32>,
      %add3A_1321 = arith.constant 1 : i32
      %add3A_1322 = arith.addi %mul3A_1187, %add3A_1321 : i32
      %add3A_1323 = vector.broadcast %add3A_1322 : i32 to vector<16xi32>
      %add3A_1324 = arith.addi %broadcast_in_dim3A_798, %add3A_1323 : vector<16xi32>
      tpu.vector_store_idx %arg7[%add3A_1189, %select_n3A_829, %select_n3A_851, %add3A_1324], %get3A_1212 : memref<8x4x8x129xf32, #tpu.memory_space<vmem>>[vector<16xi32>, vector<16xi32>, vector<16xi32>, vector<16xi32>], vector<16xf32>,
      tpu.vector_store_idx %arg7[%add3A_1189, %add3A_854, %select_n3A_851, %add3A_1324], %get3A_1220 : memref<8x4x8x129xf32, #tpu.memory_space<vmem>>[vector<16xi32>, vector<16xi32>, vector<16xi32>, vector<16xi32>], vector<16xf32>,
      %add3A_1325 = arith.constant 2 : i32
      %add3A_1326 = arith.addi %mul3A_1187, %add3A_1325 : i32
      %add3A_1327 = vector.broadcast %add3A_1326 : i32 to vector<16xi32>
      %add3A_1328 = arith.addi %broadcast_in_dim3A_798, %add3A_1327 : vector<16xi32>
      tpu.vector_store_idx %arg7[%add3A_1189, %select_n3A_829, %select_n3A_851, %add3A_1328], %get3A_1228 : memref<8x4x8x129xf32, #tpu.memory_space<vmem>>[vector<16xi32>, vector<16xi32>, vector<16xi32>, vector<16xi32>], vector<16xf32>,
      tpu.vector_store_idx %arg7[%add3A_1189, %add3A_854, %select_n3A_851, %add3A_1328], %get3A_1236 : memref<8x4x8x129xf32, #tpu.memory_space<vmem>>[vector<16xi32>, vector<16xi32>, vector<16xi32>, vector<16xi32>], vector<16xf32>,
      %add3A_1329 = arith.constant 3 : i32
      %add3A_1330 = arith.addi %mul3A_1187, %add3A_1329 : i32
      %add3A_1331 = vector.broadcast %add3A_1330 : i32 to vector<16xi32>
      %add3A_1332 = arith.addi %broadcast_in_dim3A_798, %add3A_1331 : vector<16xi32>
      tpu.vector_store_idx %arg7[%add3A_1189, %select_n3A_829, %select_n3A_851, %add3A_1332], %get3A_1244 : memref<8x4x8x129xf32, #tpu.memory_space<vmem>>[vector<16xi32>, vector<16xi32>, vector<16xi32>, vector<16xi32>], vector<16xf32>,
      tpu.vector_store_idx %arg7[%add3A_1189, %add3A_854, %select_n3A_851, %add3A_1332], %get3A_1252 : memref<8x4x8x129xf32, #tpu.memory_space<vmem>>[vector<16xi32>, vector<16xi32>, vector<16xi32>, vector<16xi32>], vector<16xf32>,
      %add3A_1333 = arith.constant 4 : i32
      %add3A_1334 = arith.addi %mul3A_1187, %add3A_1333 : i32
      %add3A_1335 = vector.broadcast %add3A_1334 : i32 to vector<16xi32>
      %add3A_1336 = arith.addi %broadcast_in_dim3A_798, %add3A_1335 : vector<16xi32>
      tpu.vector_store_idx %arg7[%add3A_1189, %select_n3A_829, %select_n3A_851, %add3A_1336], %get3A_1260 : memref<8x4x8x129xf32, #tpu.memory_space<vmem>>[vector<16xi32>, vector<16xi32>, vector<16xi32>, vector<16xi32>], vector<16xf32>,
      tpu.vector_store_idx %arg7[%add3A_1189, %add3A_854, %select_n3A_851, %add3A_1336], %get3A_1268 : memref<8x4x8x129xf32, #tpu.memory_space<vmem>>[vector<16xi32>, vector<16xi32>, vector<16xi32>, vector<16xi32>], vector<16xf32>,
      %add3A_1337 = arith.constant 5 : i32
      %add3A_1338 = arith.addi %mul3A_1187, %add3A_1337 : i32
      %add3A_1339 = vector.broadcast %add3A_1338 : i32 to vector<16xi32>
      %add3A_1340 = arith.addi %broadcast_in_dim3A_798, %add3A_1339 : vector<16xi32>
      tpu.vector_store_idx %arg7[%add3A_1189, %select_n3A_829, %select_n3A_851, %add3A_1340], %get3A_1276 : memref<8x4x8x129xf32, #tpu.memory_space<vmem>>[vector<16xi32>, vector<16xi32>, vector<16xi32>, vector<16xi32>], vector<16xf32>,
      tpu.vector_store_idx %arg7[%add3A_1189, %add3A_854, %select_n3A_851, %add3A_1340], %get3A_1284 : memref<8x4x8x129xf32, #tpu.memory_space<vmem>>[vector<16xi32>, vector<16xi32>, vector<16xi32>, vector<16xi32>], vector<16xf32>,
      %add3A_1341 = arith.constant 6 : i32
      %add3A_1342 = arith.addi %mul3A_1187, %add3A_1341 : i32
      %add3A_1343 = vector.broadcast %add3A_1342 : i32 to vector<16xi32>
      %add3A_1344 = arith.addi %broadcast_in_dim3A_798, %add3A_1343 : vector<16xi32>
      tpu.vector_store_idx %arg7[%add3A_1189, %select_n3A_829, %select_n3A_851, %add3A_1344], %get3A_1292 : memref<8x4x8x129xf32, #tpu.memory_space<vmem>>[vector<16xi32>, vector<16xi32>, vector<16xi32>, vector<16xi32>], vector<16xf32>,
      tpu.vector_store_idx %arg7[%add3A_1189, %add3A_854, %select_n3A_851, %add3A_1344], %get3A_1300 : memref<8x4x8x129xf32, #tpu.memory_space<vmem>>[vector<16xi32>, vector<16xi32>, vector<16xi32>, vector<16xi32>], vector<16xf32>,
      %add3A_1345 = arith.constant 7 : i32
      %add3A_1346 = arith.addi %mul3A_1187, %add3A_1345 : i32
      %add3A_1347 = vector.broadcast %add3A_1346 : i32 to vector<16xi32>
      %add3A_1348 = arith.addi %broadcast_in_dim3A_798, %add3A_1347 : vector<16xi32>
      tpu.vector_store_idx %arg7[%add3A_1189, %select_n3A_829, %select_n3A_851, %add3A_1348], %get3A_1308 : memref<8x4x8x129xf32, #tpu.memory_space<vmem>>[vector<16xi32>, vector<16xi32>, vector<16xi32>, vector<16xi32>], vector<16xf32>,
      tpu.vector_store_idx %arg7[%add3A_1189, %add3A_854, %select_n3A_851, %add3A_1348], %get3A_1316 : memref<8x4x8x129xf32, #tpu.memory_space<vmem>>[vector<16xi32>, vector<16xi32>, vector<16xi32>, vector<16xi32>], vector<16xf32>,
    }
    %scan3A_859 = arith.constant 128 : i32
    %dma_start3A_860 = arith.constant 0 : i32
    %dma_start3A_861 = arith.constant 0 : i32
    %dma_start3A_862 = arith.constant 0 : i32
    %dma_start3A_863 = arith.constant 0 : i32
    %dma_start3A_864 = tpu.memref_slice %arg7[%dma_start3A_860, %dma_start3A_861, %dma_start3A_862, %dma_start3A_863] : memref<8x4x8x129xf32, #tpu.memory_space<vmem>> -> memref<8x4x8x128xf32, #tpu.memory_space<vmem>>
    %dma_start3A_865 = arith.constant 184 : i32
    %dma_start3A_866 = arith.constant 0 : i32
    %dma_start3A_867 = arith.constant 0 : i32
    %dma_start3A_868 = arith.constant 0 : i32
    %dma_start3A_869 = tpu.memref_slice %arg4[%dma_start3A_865, %dma_start3A_866, %add3A, %dma_start3A_867, %dma_start3A_868] : memref<200x4x32x8x128xf32, #tpu.memory_space<hbm>> -> memref<8x4x1x8x128xf32, #tpu.memory_space<hbm>>
    %dma_start3A_870 = tpu.memref_squeeze %dma_start3A_869 : memref<8x4x1x8x128xf32, #tpu.memory_space<hbm>> -> memref<8x4x8x128xf32, #tpu.memory_space<hbm>>
    %dma_start3A_871 = arith.constant 184 : i32
    %dma_start3A_872 = arith.constant 0 : i32
    %dma_start3A_873 = arith.constant 0 : i32
    %dma_start3A_874 = arith.constant 0 : i32
    %dma_start3A_875 = tpu.memref_slice %arg4[%dma_start3A_871, %dma_start3A_872, %add3A, %dma_start3A_873, %dma_start3A_874] : memref<200x4x32x8x128xf32, #tpu.memory_space<hbm>> -> memref<8x4x1x8x128xf32, #tpu.memory_space<hbm>>
    %dma_start3A_876 = tpu.memref_squeeze %dma_start3A_875 : memref<8x4x1x8x128xf32, #tpu.memory_space<hbm>> -> memref<8x4x8x128xf32, #tpu.memory_space<hbm>>
    %dma_start3A_877 = arith.constant 0 : i32
    %dma_start3A_878 = arith.constant 0 : i32
    %dma_start3A_879 = arith.constant 0 : i32
    %dma_start3A_880 = arith.constant 0 : i32
    %dma_start3A_881 = tpu.memref_slice %arg7[%dma_start3A_877, %dma_start3A_878, %dma_start3A_879, %dma_start3A_880] : memref<8x4x8x129xf32, #tpu.memory_space<vmem>> -> memref<8x4x8x128xf32, #tpu.memory_space<vmem>>
    tpu.enqueue_dma source(%dma_start3A_881 : memref<8x4x8x128xf32, #tpu.memory_space<vmem>>) target(%dma_start3A_876 : memref<8x4x8x128xf32, #tpu.memory_space<hbm>>) target_semaphore(%arg12 : memref<!tpu.dma_semaphore, #tpu.memory_space<semaphore_mem>>)
    %dma_wait3A_882 = arith.constant 0 : i32
    %dma_wait3A_883 = arith.constant 0 : i32
    %dma_wait3A_884 = arith.constant 0 : i32
    %dma_wait3A_885 = arith.constant 0 : i32
    %dma_wait3A_886 = arith.constant 0 : i32
    %dma_wait3A_887 = arith.constant 0 : i32
    %dma_wait3A_888 = tpu.memref_slice %arg6[%dma_wait3A_884, %dma_wait3A_885, %dma_wait3A_886, %dma_wait3A_887] : memref<2x8x128x32xf32, #tpu.memory_space<vmem>> -> memref<1x1x128x32xf32, #tpu.memory_space<vmem>>
    %dma_wait3A_889 = tpu.memref_squeeze %dma_wait3A_888 : memref<1x1x128x32xf32, #tpu.memory_space<vmem>> -> memref<128x32xf32, #tpu.memory_space<vmem>>
    %dma_wait3A_890 = arith.constant 0 : i32
    %dma_wait3A_891 = tpu.memref_slice %arg5[%dma_wait3A_882, %dma_wait3A_883, %dma_wait3A_890] : memref<2x8x128xi32, #tpu.memory_space<vmem>> -> memref<1x1x128xi32, #tpu.memory_space<vmem>>
    %dma_wait3A_892 = tpu.memref_squeeze %dma_wait3A_891 : memref<1x1x128xi32, #tpu.memory_space<vmem>> -> memref<128xi32, #tpu.memory_space<vmem>>
    %dma_wait3A_893 = arith.constant 0 : i32
    %dma_wait3A_894 = arith.constant 0 : i32
    %dma_wait3A_895 = tpu.memref_slice %arg3[%dma_wait3A_893, %dma_wait3A_894] : memref<100001x32xf32, #tpu.memory_space<hbm>> -> memref<100001x32xf32, #tpu.memory_space<hbm>>
    tpu.wait_indirect_dma semaphore(%arg10 : memref<!tpu.dma_semaphore, #tpu.memory_space<semaphore_mem>>) src(%dma_wait3A_895 : memref<100001x32xf32, #tpu.memory_space<hbm>>) dst(%dma_wait3A_889 : memref<128x32xf32, #tpu.memory_space<vmem>>)
    %dma_wait3A_896 = arith.constant 0 : i32
    %dma_wait3A_897 = arith.constant 1 : i32
    %dma_wait3A_898 = arith.constant 0 : i32
    %dma_wait3A_899 = arith.constant 1 : i32
    %dma_wait3A_900 = arith.constant 0 : i32
    %dma_wait3A_901 = arith.constant 0 : i32
    %dma_wait3A_902 = tpu.memref_slice %arg6[%dma_wait3A_898, %dma_wait3A_899, %dma_wait3A_900, %dma_wait3A_901] : memref<2x8x128x32xf32, #tpu.memory_space<vmem>> -> memref<1x1x128x32xf32, #tpu.memory_space<vmem>>
    %dma_wait3A_903 = tpu.memref_squeeze %dma_wait3A_902 : memref<1x1x128x32xf32, #tpu.memory_space<vmem>> -> memref<128x32xf32, #tpu.memory_space<vmem>>
    %dma_wait3A_904 = arith.constant 0 : i32
    %dma_wait3A_905 = tpu.memref_slice %arg5[%dma_wait3A_896, %dma_wait3A_897, %dma_wait3A_904] : memref<2x8x128xi32, #tpu.memory_space<vmem>> -> memref<1x1x128xi32, #tpu.memory_space<vmem>>
    %dma_wait3A_906 = tpu.memref_squeeze %dma_wait3A_905 : memref<1x1x128xi32, #tpu.memory_space<vmem>> -> memref<128xi32, #tpu.memory_space<vmem>>
    %dma_wait3A_907 = arith.constant 0 : i32
    %dma_wait3A_908 = arith.constant 0 : i32
    %dma_wait3A_909 = tpu.memref_slice %arg3[%dma_wait3A_907, %dma_wait3A_908] : memref<100001x32xf32, #tpu.memory_space<hbm>> -> memref<100001x32xf32, #tpu.memory_space<hbm>>
    tpu.wait_indirect_dma semaphore(%arg10 : memref<!tpu.dma_semaphore, #tpu.memory_space<semaphore_mem>>) src(%dma_wait3A_909 : memref<100001x32xf32, #tpu.memory_space<hbm>>) dst(%dma_wait3A_903 : memref<128x32xf32, #tpu.memory_space<vmem>>)
    %dma_wait3A_910 = arith.constant 0 : i32
    %dma_wait3A_911 = arith.constant 2 : i32
    %dma_wait3A_912 = arith.constant 0 : i32
    %dma_wait3A_913 = arith.constant 2 : i32
    %dma_wait3A_914 = arith.constant 0 : i32
    %dma_wait3A_915 = arith.constant 0 : i32
    %dma_wait3A_916 = tpu.memref_slice %arg6[%dma_wait3A_912, %dma_wait3A_913, %dma_wait3A_914, %dma_wait3A_915] : memref<2x8x128x32xf32, #tpu.memory_space<vmem>> -> memref<1x1x128x32xf32, #tpu.memory_space<vmem>>
    %dma_wait3A_917 = tpu.memref_squeeze %dma_wait3A_916 : memref<1x1x128x32xf32, #tpu.memory_space<vmem>> -> memref<128x32xf32, #tpu.memory_space<vmem>>
    %dma_wait3A_918 = arith.constant 0 : i32
    %dma_wait3A_919 = tpu.memref_slice %arg5[%dma_wait3A_910, %dma_wait3A_911, %dma_wait3A_918] : memref<2x8x128xi32, #tpu.memory_space<vmem>> -> memref<1x1x128xi32, #tpu.memory_space<vmem>>
    %dma_wait3A_920 = tpu.memref_squeeze %dma_wait3A_919 : memref<1x1x128xi32, #tpu.memory_space<vmem>> -> memref<128xi32, #tpu.memory_space<vmem>>
    %dma_wait3A_921 = arith.constant 0 : i32
    %dma_wait3A_922 = arith.constant 0 : i32
    %dma_wait3A_923 = tpu.memref_slice %arg3[%dma_wait3A_921, %dma_wait3A_922] : memref<100001x32xf32, #tpu.memory_space<hbm>> -> memref<100001x32xf32, #tpu.memory_space<hbm>>
    tpu.wait_indirect_dma semaphore(%arg10 : memref<!tpu.dma_semaphore, #tpu.memory_space<semaphore_mem>>) src(%dma_wait3A_923 : memref<100001x32xf32, #tpu.memory_space<hbm>>) dst(%dma_wait3A_917 : memref<128x32xf32, #tpu.memory_space<vmem>>)
    %dma_wait3A_924 = arith.constant 0 : i32
    %dma_wait3A_925 = arith.constant 3 : i32
    %dma_wait3A_926 = arith.constant 0 : i32
    %dma_wait3A_927 = arith.constant 3 : i32
    %dma_wait3A_928 = arith.constant 0 : i32
    %dma_wait3A_929 = arith.constant 0 : i32
    %dma_wait3A_930 = tpu.memref_slice %arg6[%dma_wait3A_926, %dma_wait3A_927, %dma_wait3A_928, %dma_wait3A_929] : memref<2x8x128x32xf32, #tpu.memory_space<vmem>> -> memref<1x1x128x32xf32, #tpu.memory_space<vmem>>
    %dma_wait3A_931 = tpu.memref_squeeze %dma_wait3A_930 : memref<1x1x128x32xf32, #tpu.memory_space<vmem>> -> memref<128x32xf32, #tpu.memory_space<vmem>>
    %dma_wait3A_932 = arith.constant 0 : i32
    %dma_wait3A_933 = tpu.memref_slice %arg5[%dma_wait3A_924, %dma_wait3A_925, %dma_wait3A_932] : memref<2x8x128xi32, #tpu.memory_space<vmem>> -> memref<1x1x128xi32, #tpu.memory_space<vmem>>
    %dma_wait3A_934 = tpu.memref_squeeze %dma_wait3A_933 : memref<1x1x128xi32, #tpu.memory_space<vmem>> -> memref<128xi32, #tpu.memory_space<vmem>>
    %dma_wait3A_935 = arith.constant 0 : i32
    %dma_wait3A_936 = arith.constant 0 : i32
    %dma_wait3A_937 = tpu.memref_slice %arg3[%dma_wait3A_935, %dma_wait3A_936] : memref<100001x32xf32, #tpu.memory_space<hbm>> -> memref<100001x32xf32, #tpu.memory_space<hbm>>
    tpu.wait_indirect_dma semaphore(%arg10 : memref<!tpu.dma_semaphore, #tpu.memory_space<semaphore_mem>>) src(%dma_wait3A_937 : memref<100001x32xf32, #tpu.memory_space<hbm>>) dst(%dma_wait3A_931 : memref<128x32xf32, #tpu.memory_space<vmem>>)
    %dma_wait3A_938 = arith.constant 0 : i32
    %dma_wait3A_939 = arith.constant 4 : i32
    %dma_wait3A_940 = arith.constant 0 : i32
    %dma_wait3A_941 = arith.constant 4 : i32
    %dma_wait3A_942 = arith.constant 0 : i32
    %dma_wait3A_943 = arith.constant 0 : i32
    %dma_wait3A_944 = tpu.memref_slice %arg6[%dma_wait3A_940, %dma_wait3A_941, %dma_wait3A_942, %dma_wait3A_943] : memref<2x8x128x32xf32, #tpu.memory_space<vmem>> -> memref<1x1x128x32xf32, #tpu.memory_space<vmem>>
    %dma_wait3A_945 = tpu.memref_squeeze %dma_wait3A_944 : memref<1x1x128x32xf32, #tpu.memory_space<vmem>> -> memref<128x32xf32, #tpu.memory_space<vmem>>
    %dma_wait3A_946 = arith.constant 0 : i32
    %dma_wait3A_947 = tpu.memref_slice %arg5[%dma_wait3A_938, %dma_wait3A_939, %dma_wait3A_946] : memref<2x8x128xi32, #tpu.memory_space<vmem>> -> memref<1x1x128xi32, #tpu.memory_space<vmem>>
    %dma_wait3A_948 = tpu.memref_squeeze %dma_wait3A_947 : memref<1x1x128xi32, #tpu.memory_space<vmem>> -> memref<128xi32, #tpu.memory_space<vmem>>
    %dma_wait3A_949 = arith.constant 0 : i32
    %dma_wait3A_950 = arith.constant 0 : i32
    %dma_wait3A_951 = tpu.memref_slice %arg3[%dma_wait3A_949, %dma_wait3A_950] : memref<100001x32xf32, #tpu.memory_space<hbm>> -> memref<100001x32xf32, #tpu.memory_space<hbm>>
    tpu.wait_indirect_dma semaphore(%arg10 : memref<!tpu.dma_semaphore, #tpu.memory_space<semaphore_mem>>) src(%dma_wait3A_951 : memref<100001x32xf32, #tpu.memory_space<hbm>>) dst(%dma_wait3A_945 : memref<128x32xf32, #tpu.memory_space<vmem>>)
    %dma_wait3A_952 = arith.constant 0 : i32
    %dma_wait3A_953 = arith.constant 5 : i32
    %dma_wait3A_954 = arith.constant 0 : i32
    %dma_wait3A_955 = arith.constant 5 : i32
    %dma_wait3A_956 = arith.constant 0 : i32
    %dma_wait3A_957 = arith.constant 0 : i32
    %dma_wait3A_958 = tpu.memref_slice %arg6[%dma_wait3A_954, %dma_wait3A_955, %dma_wait3A_956, %dma_wait3A_957] : memref<2x8x128x32xf32, #tpu.memory_space<vmem>> -> memref<1x1x128x32xf32, #tpu.memory_space<vmem>>
    %dma_wait3A_959 = tpu.memref_squeeze %dma_wait3A_958 : memref<1x1x128x32xf32, #tpu.memory_space<vmem>> -> memref<128x32xf32, #tpu.memory_space<vmem>>
    %dma_wait3A_960 = arith.constant 0 : i32
    %dma_wait3A_961 = tpu.memref_slice %arg5[%dma_wait3A_952, %dma_wait3A_953, %dma_wait3A_960] : memref<2x8x128xi32, #tpu.memory_space<vmem>> -> memref<1x1x128xi32, #tpu.memory_space<vmem>>
    %dma_wait3A_962 = tpu.memref_squeeze %dma_wait3A_961 : memref<1x1x128xi32, #tpu.memory_space<vmem>> -> memref<128xi32, #tpu.memory_space<vmem>>
    %dma_wait3A_963 = arith.constant 0 : i32
    %dma_wait3A_964 = arith.constant 0 : i32
    %dma_wait3A_965 = tpu.memref_slice %arg3[%dma_wait3A_963, %dma_wait3A_964] : memref<100001x32xf32, #tpu.memory_space<hbm>> -> memref<100001x32xf32, #tpu.memory_space<hbm>>
    tpu.wait_indirect_dma semaphore(%arg10 : memref<!tpu.dma_semaphore, #tpu.memory_space<semaphore_mem>>) src(%dma_wait3A_965 : memref<100001x32xf32, #tpu.memory_space<hbm>>) dst(%dma_wait3A_959 : memref<128x32xf32, #tpu.memory_space<vmem>>)
    %dma_wait3A_966 = arith.constant 0 : i32
    %dma_wait3A_967 = arith.constant 6 : i32
    %dma_wait3A_968 = arith.constant 0 : i32
    %dma_wait3A_969 = arith.constant 6 : i32
    %dma_wait3A_970 = arith.constant 0 : i32
    %dma_wait3A_971 = arith.constant 0 : i32
    %dma_wait3A_972 = tpu.memref_slice %arg6[%dma_wait3A_968, %dma_wait3A_969, %dma_wait3A_970, %dma_wait3A_971] : memref<2x8x128x32xf32, #tpu.memory_space<vmem>> -> memref<1x1x128x32xf32, #tpu.memory_space<vmem>>
    %dma_wait3A_973 = tpu.memref_squeeze %dma_wait3A_972 : memref<1x1x128x32xf32, #tpu.memory_space<vmem>> -> memref<128x32xf32, #tpu.memory_space<vmem>>
    %dma_wait3A_974 = arith.constant 0 : i32
    %dma_wait3A_975 = tpu.memref_slice %arg5[%dma_wait3A_966, %dma_wait3A_967, %dma_wait3A_974] : memref<2x8x128xi32, #tpu.memory_space<vmem>> -> memref<1x1x128xi32, #tpu.memory_space<vmem>>
    %dma_wait3A_976 = tpu.memref_squeeze %dma_wait3A_975 : memref<1x1x128xi32, #tpu.memory_space<vmem>> -> memref<128xi32, #tpu.memory_space<vmem>>
    %dma_wait3A_977 = arith.constant 0 : i32
    %dma_wait3A_978 = arith.constant 0 : i32
    %dma_wait3A_979 = tpu.memref_slice %arg3[%dma_wait3A_977, %dma_wait3A_978] : memref<100001x32xf32, #tpu.memory_space<hbm>> -> memref<100001x32xf32, #tpu.memory_space<hbm>>
    tpu.wait_indirect_dma semaphore(%arg10 : memref<!tpu.dma_semaphore, #tpu.memory_space<semaphore_mem>>) src(%dma_wait3A_979 : memref<100001x32xf32, #tpu.memory_space<hbm>>) dst(%dma_wait3A_973 : memref<128x32xf32, #tpu.memory_space<vmem>>)
    %dma_wait3A_980 = arith.constant 0 : i32
    %dma_wait3A_981 = arith.constant 7 : i32
    %dma_wait3A_982 = arith.constant 0 : i32
    %dma_wait3A_983 = arith.constant 7 : i32
    %dma_wait3A_984 = arith.constant 0 : i32
    %dma_wait3A_985 = arith.constant 0 : i32
    %dma_wait3A_986 = tpu.memref_slice %arg6[%dma_wait3A_982, %dma_wait3A_983, %dma_wait3A_984, %dma_wait3A_985] : memref<2x8x128x32xf32, #tpu.memory_space<vmem>> -> memref<1x1x128x32xf32, #tpu.memory_space<vmem>>
    %dma_wait3A_987 = tpu.memref_squeeze %dma_wait3A_986 : memref<1x1x128x32xf32, #tpu.memory_space<vmem>> -> memref<128x32xf32, #tpu.memory_space<vmem>>
    %dma_wait3A_988 = arith.constant 0 : i32
    %dma_wait3A_989 = tpu.memref_slice %arg5[%dma_wait3A_980, %dma_wait3A_981, %dma_wait3A_988] : memref<2x8x128xi32, #tpu.memory_space<vmem>> -> memref<1x1x128xi32, #tpu.memory_space<vmem>>
    %dma_wait3A_990 = tpu.memref_squeeze %dma_wait3A_989 : memref<1x1x128xi32, #tpu.memory_space<vmem>> -> memref<128xi32, #tpu.memory_space<vmem>>
    %dma_wait3A_991 = arith.constant 0 : i32
    %dma_wait3A_992 = arith.constant 0 : i32
    %dma_wait3A_993 = tpu.memref_slice %arg3[%dma_wait3A_991, %dma_wait3A_992] : memref<100001x32xf32, #tpu.memory_space<hbm>> -> memref<100001x32xf32, #tpu.memory_space<hbm>>
    tpu.wait_indirect_dma semaphore(%arg10 : memref<!tpu.dma_semaphore, #tpu.memory_space<semaphore_mem>>) src(%dma_wait3A_993 : memref<100001x32xf32, #tpu.memory_space<hbm>>) dst(%dma_wait3A_987 : memref<128x32xf32, #tpu.memory_space<vmem>>)
    %dma_wait3A_994 = arith.constant 0 : i32
    %dma_wait3A_995 = arith.constant 1 : i32
    %dma_wait3A_996 = arith.constant 0 : i32
    %dma_wait3A_997 = arith.constant 0 : i32
    %dma_wait3A_998 = tpu.memref_slice %arg5[%dma_wait3A_995, %dma_wait3A_996, %dma_wait3A_997] : memref<2x8x128xi32, #tpu.memory_space<vmem>> -> memref<1x8x128xi32, #tpu.memory_space<vmem>>
    %dma_wait3A_999 = tpu.memref_squeeze %dma_wait3A_998 : memref<1x8x128xi32, #tpu.memory_space<vmem>> -> memref<8x128xi32, #tpu.memory_space<vmem>>
    %dma_wait3A_1000 = arith.constant 0 : i32
    %dma_wait3A_1001 = arith.constant 0 : i32
    %dma_wait3A_1002 = tpu.memref_slice %arg2[%dma_wait3A_994, %add3A, %dma_wait3A_1000, %dma_wait3A_1001] : memref<25x32x8x128xi32, #tpu.memory_space<hbm>> -> memref<1x1x8x128xi32, #tpu.memory_space<hbm>>
    %dma_wait3A_1003 = tpu.memref_squeeze %dma_wait3A_1002 : memref<1x1x8x128xi32, #tpu.memory_space<hbm>> -> memref<8x128xi32, #tpu.memory_space<hbm>>
    %dma_wait3A_1004 = arith.constant 0 : i32
    %dma_wait3A_1005 = arith.constant 0 : i32
    %dma_wait3A_1006 = tpu.memref_slice %arg5[%dma_wait3A_995, %dma_wait3A_1004, %dma_wait3A_1005] : memref<2x8x128xi32, #tpu.memory_space<vmem>> -> memref<1x8x128xi32, #tpu.memory_space<vmem>>
    %dma_wait3A_1007 = tpu.memref_squeeze %dma_wait3A_1006 : memref<1x8x128xi32, #tpu.memory_space<vmem>> -> memref<8x128xi32, #tpu.memory_space<vmem>>
    %dma_wait3A_1008 = arith.constant 0 : i32
    %dma_wait3A_1009 = arith.constant 0 : i32
    %dma_wait3A_1010 = tpu.memref_slice %arg2[%dma_wait3A_994, %add3A, %dma_wait3A_1008, %dma_wait3A_1009] : memref<25x32x8x128xi32, #tpu.memory_space<hbm>> -> memref<1x1x8x128xi32, #tpu.memory_space<hbm>>
    %dma_wait3A_1011 = tpu.memref_squeeze %dma_wait3A_1010 : memref<1x1x8x128xi32, #tpu.memory_space<hbm>> -> memref<8x128xi32, #tpu.memory_space<hbm>>
    tpu.wait_dma2 semaphore(%arg9 : memref<!tpu.dma_semaphore, #tpu.memory_space<semaphore_mem>>) src(%dma_wait3A_1011 : memref<8x128xi32, #tpu.memory_space<hbm>>) dst(%dma_wait3A_1007 : memref<8x128xi32, #tpu.memory_space<vmem>>)
    %dma_wait3A_1012 = arith.constant 0 : i32
    %dma_wait3A_1013 = arith.constant 0 : i32
    %dma_wait3A_1014 = arith.constant 0 : i32
    %dma_wait3A_1015 = arith.constant 0 : i32
    %dma_wait3A_1016 = tpu.memref_slice %arg7[%dma_wait3A_1012, %dma_wait3A_1013, %dma_wait3A_1014, %dma_wait3A_1015] : memref<8x4x8x129xf32, #tpu.memory_space<vmem>> -> memref<8x4x8x128xf32, #tpu.memory_space<vmem>>
    %dma_wait3A_1017 = arith.constant 0 : i32
    %dma_wait3A_1018 = arith.constant 0 : i32
    %dma_wait3A_1019 = arith.constant 0 : i32
    %dma_wait3A_1020 = arith.constant 0 : i32
    %dma_wait3A_1021 = tpu.memref_slice %arg4[%dma_wait3A_1017, %dma_wait3A_1018, %add3A, %dma_wait3A_1019, %dma_wait3A_1020] : memref<200x4x32x8x128xf32, #tpu.memory_space<hbm>> -> memref<8x4x1x8x128xf32, #tpu.memory_space<hbm>>
    %dma_wait3A_1022 = tpu.memref_squeeze %dma_wait3A_1021 : memref<8x4x1x8x128xf32, #tpu.memory_space<hbm>> -> memref<8x4x8x128xf32, #tpu.memory_space<hbm>>
    %dma_wait3A_1023 = arith.constant 0 : i32
    %dma_wait3A_1024 = arith.constant 0 : i32
    %dma_wait3A_1025 = arith.constant 0 : i32
    %dma_wait3A_1026 = arith.constant 0 : i32
    %dma_wait3A_1027 = tpu.memref_slice %arg4[%dma_wait3A_1023, %dma_wait3A_1024, %add3A, %dma_wait3A_1025, %dma_wait3A_1026] : memref<200x4x32x8x128xf32, #tpu.memory_space<hbm>> -> memref<8x4x1x8x128xf32, #tpu.memory_space<hbm>>
    %dma_wait3A_1028 = tpu.memref_squeeze %dma_wait3A_1027 : memref<8x4x1x8x128xf32, #tpu.memory_space<hbm>> -> memref<8x4x8x128xf32, #tpu.memory_space<hbm>>
    %dma_wait3A_1029 = arith.constant 0 : i32
    %dma_wait3A_1030 = arith.constant 0 : i32
    %dma_wait3A_1031 = arith.constant 0 : i32
    %dma_wait3A_1032 = arith.constant 0 : i32
    %dma_wait3A_1033 = tpu.memref_slice %arg7[%dma_wait3A_1029, %dma_wait3A_1030, %dma_wait3A_1031, %dma_wait3A_1032] : memref<8x4x8x129xf32, #tpu.memory_space<vmem>> -> memref<8x4x8x128xf32, #tpu.memory_space<vmem>>
    tpu.wait_dma2 semaphore(%arg12 : memref<!tpu.dma_semaphore, #tpu.memory_space<semaphore_mem>>) src(%dma_wait3A_1033 : memref<8x4x8x128xf32, #tpu.memory_space<vmem>>) dst(%dma_wait3A_1028 : memref<8x4x8x128xf32, #tpu.memory_space<hbm>>)
    %broadcast_in_dim3A_1034 = arith.constant 0 : i32
    %broadcast_in_dim3A_1035 = vector.broadcast %broadcast_in_dim3A_1034 : i32 to vector<16xi32>
    %jit3A_1036 = arith.constant 8 : i32
    %div3A_1037 = vector.broadcast %jit3A_1036 : i32 to vector<16xi32>
    %div3A_1038 = arith.divsi %iota3A, %div3A_1037 : vector<16xi32>
    %sign3A_1039 = arith.constant 0 : i32
    %sign3A_1040 = vector.broadcast %sign3A_1039 : i32 to vector<16xi32>
    %sign3A_1041 = arith.cmpi sgt, %iota3A, %sign3A_1040 : vector<16xi32>
    %sign3A_1042 = arith.extui %sign3A_1041 : vector<16xi1> to vector<16xi32>
    %sign3A_1043 = arith.constant 0 : i32
    %sign3A_1044 = vector.broadcast %sign3A_1043 : i32 to vector<16xi32>
    %sign3A_1045 = arith.cmpi slt, %iota3A, %sign3A_1044 : vector<16xi32>
    %sign3A_1046 = arith.extui %sign3A_1045 : vector<16xi1> to vector<16xi32>
    %sign3A_1047 = arith.subi %sign3A_1042, %sign3A_1046 : vector<16xi32>
    %sign3A_1048 = arith.constant 0 : i32
    %sign3A_1049 = arith.cmpi sgt, %jit3A_1036, %sign3A_1048 : i32
    %sign3A_1050 = arith.extui %sign3A_1049 : i1 to i32
    %sign3A_1051 = arith.constant 0 : i32
    %sign3A_1052 = arith.cmpi slt, %jit3A_1036, %sign3A_1051 : i32
    %sign3A_1053 = arith.extui %sign3A_1052 : i1 to i32
    %sign3A_1054 = arith.subi %sign3A_1050, %sign3A_1053 : i32
    %ne3A_1055 = vector.broadcast %sign3A_1054 : i32 to vector<16xi32>
    %ne3A_1056 = arith.cmpi ne, %sign3A_1047, %ne3A_1055 : vector<16xi32>
    %rem3A_1057 = vector.broadcast %jit3A_1036 : i32 to vector<16xi32>
    %rem3A_1058 = arith.remsi %iota3A, %rem3A_1057 : vector<16xi32>
    %ne3A_1059 = arith.constant 0 : i32
    %ne3A_1060 = vector.broadcast %ne3A_1059 : i32 to vector<16xi32>
    %ne3A_1061 = arith.cmpi ne, %rem3A_1058, %ne3A_1060 : vector<16xi32>
    %and3A_1062 = arith.andi %ne3A_1056, %ne3A_1061 : vector<16xi1>
    %sub3A_1063 = arith.constant 1 : i32
    %sub3A_1064 = vector.broadcast %sub3A_1063 : i32 to vector<16xi32>
    %sub3A_1065 = arith.subi %div3A_1038, %sub3A_1064 : vector<16xi32>
    %select_n3A_1066 = arith.select %and3A_1062, %sub3A_1065, %div3A_1038 : vector<16xi1>, vector<16xi32>
    %jit3A_1067 = arith.constant 8 : i32
    %eq3A_1068 = arith.constant 0 : i32
    %eq3A_1069 = arith.cmpi eq, %jit3A_1067, %eq3A_1068 : i32
    %jit3A_1070 = arith.constant 1 : i32
    %select_n3A_1071 = arith.select %eq3A_1069, %jit3A_1070, %jit3A_1067 : i32
    %rem3A_1072 = vector.broadcast %select_n3A_1071 : i32 to vector<16xi32>
    %rem3A_1073 = arith.remsi %iota3A, %rem3A_1072 : vector<16xi32>
    %ne3A_1074 = arith.constant 0 : i32
    %ne3A_1075 = vector.broadcast %ne3A_1074 : i32 to vector<16xi32>
    %ne3A_1076 = arith.cmpi ne, %rem3A_1073, %ne3A_1075 : vector<16xi32>
    %lt3A_1077 = arith.constant 0 : i32
    %lt3A_1078 = vector.broadcast %lt3A_1077 : i32 to vector<16xi32>
    %lt3A_1079 = arith.cmpi slt, %rem3A_1073, %lt3A_1078 : vector<16xi32>
    %lt3A_1080 = arith.constant 0 : i32
    %lt3A_1081 = arith.cmpi slt, %select_n3A_1071, %lt3A_1080 : i32
    %ne3A_1082 = vector.broadcast %lt3A_1081 : i1 to vector<16xi1>
    %ne3A_1083 = vector.broadcast %ne3A_1082 : vector<16xi1> to vector<16xi1>
    %ne3A_1084 = arith.xori %lt3A_1079, %ne3A_1083 : vector<16xi1>
    %and3A_1085 = arith.andi %ne3A_1084, %ne3A_1076 : vector<16xi1>
    %add3A_1086 = vector.broadcast %select_n3A_1071 : i32 to vector<16xi32>
    %add3A_1087 = arith.addi %rem3A_1073, %add3A_1086 : vector<16xi32>
    %select_n3A_1088 = arith.select %and3A_1085, %add3A_1087, %rem3A_1073 : vector<16xi1>, vector<16xi32>
    %add3A_1089 = arith.constant 2 : i32
    %add3A_1090 = vector.broadcast %add3A_1089 : i32 to vector<16xi32>
    %add3A_1091 = arith.addi %select_n3A_1066, %add3A_1090 : vector<16xi32>
    %scan3A_1092 = arith.constant 0 : i32
    %scan3A_1093 = arith.constant 128 : i32
    %scan3A_1094 = arith.addi %scan3A_1092, %scan3A_1093 : i32
    %scan3A_1095 = arith.constant 1 : i32
    scf.for %scan3A_1141 = %scan3A_1092 to %scan3A_1094 step %scan3A_1095  : i32 {
      %mul3A_1142 = arith.constant 1 : i32
      %mul3A_1143 = arith.muli %scan3A_1141, %mul3A_1142 : i32
      %add3A_1144 = arith.constant 0 : i32
      %add3A_1145 = arith.addi %add3A_1144, %mul3A_1143 : i32
      %jit3A_1146 = arith.constant 16 : i32
      %div3A_1147 = arith.divsi %add3A_1145, %jit3A_1146 : i32
      %sign3A_1148 = arith.constant 0 : i32
      %sign3A_1149 = arith.cmpi sgt, %add3A_1145, %sign3A_1148 : i32
      %sign3A_1150 = arith.extui %sign3A_1149 : i1 to i32
      %sign3A_1151 = arith.constant 0 : i32
      %sign3A_1152 = arith.cmpi slt, %add3A_1145, %sign3A_1151 : i32
      %sign3A_1153 = arith.extui %sign3A_1152 : i1 to i32
      %sign3A_1154 = arith.subi %sign3A_1150, %sign3A_1153 : i32
      %sign3A_1155 = arith.constant 0 : i32
      %sign3A_1156 = arith.cmpi sgt, %jit3A_1146, %sign3A_1155 : i32
      %sign3A_1157 = arith.extui %sign3A_1156 : i1 to i32
      %sign3A_1158 = arith.constant 0 : i32
      %sign3A_1159 = arith.cmpi slt, %jit3A_1146, %sign3A_1158 : i32
      %sign3A_1160 = arith.extui %sign3A_1159 : i1 to i32
      %sign3A_1161 = arith.subi %sign3A_1157, %sign3A_1160 : i32
      %ne3A_1162 = arith.cmpi ne, %sign3A_1154, %sign3A_1161 : i32
      %rem3A_1163 = arith.remsi %add3A_1145, %jit3A_1146 : i32
      %ne3A_1164 = arith.constant 0 : i32
      %ne3A_1165 = arith.cmpi ne, %rem3A_1163, %ne3A_1164 : i32
      %and3A_1166 = arith.andi %ne3A_1162, %ne3A_1165 : i1
      %sub3A_1167 = arith.constant 1 : i32
      %sub3A_1168 = arith.subi %div3A_1147, %sub3A_1167 : i32
      %select_n3A_1169 = arith.select %and3A_1166, %sub3A_1168, %div3A_1147 : i32
      %jit3A_1170 = arith.constant 16 : i32
      %eq3A_1171 = arith.constant 0 : i32
      %eq3A_1172 = arith.cmpi eq, %jit3A_1170, %eq3A_1171 : i32
      %jit3A_1173 = arith.constant 1 : i32
      %select_n3A_1174 = arith.select %eq3A_1172, %jit3A_1173, %jit3A_1170 : i32
      %rem3A_1175 = arith.remsi %add3A_1145, %select_n3A_1174 : i32
      %ne3A_1176 = arith.constant 0 : i32
      %ne3A_1177 = arith.cmpi ne, %rem3A_1175, %ne3A_1176 : i32
      %lt3A_1178 = arith.constant 0 : i32
      %lt3A_1179 = arith.cmpi slt, %rem3A_1175, %lt3A_1178 : i32
      %lt3A_1180 = arith.constant 0 : i32
      %lt3A_1181 = arith.cmpi slt, %select_n3A_1174, %lt3A_1180 : i32
      %ne3A_1182 = arith.xori %lt3A_1179, %lt3A_1181 : i1
      %and3A_1183 = arith.andi %ne3A_1182, %ne3A_1177 : i1
      %add3A_1184 = arith.addi %rem3A_1175, %select_n3A_1174 : i32
      %select_n3A_1185 = arith.select %and3A_1183, %add3A_1184, %rem3A_1175 : i32
      %mul3A_1186 = arith.constant 8 : i32
      %mul3A_1187 = arith.muli %select_n3A_1185, %mul3A_1186 : i32
      %add3A_1188 = vector.broadcast %select_n3A_1169 : i32 to vector<16xi32>
      %add3A_1189 = arith.addi %broadcast_in_dim3A_1035, %add3A_1188 : vector<16xi32>
      %add3A_1190 = arith.constant 0 : i32
      %add3A_1191 = arith.addi %mul3A_1187, %add3A_1190 : i32
      %get3A = arith.constant 0 : i32
      %get3A_1192 = arith.index_cast %get3A : i32 to index
      %get3A_1193 = arith.index_cast %select_n3A_1169 : i32 to index
      %get3A_1194 = arith.index_cast %add3A_1191 : i32 to index
      %get3A_1195 = arith.constant 0 : index
      %get3A_1196 = tpu.vector_load %arg6[%get3A_1192, %get3A_1193, %get3A_1194, %get3A_1195] {strides = array<i32>} : memref<2x8x128x32xf32, #tpu.memory_space<vmem>>, vector<16xf32>,
      %add3A_1197 = arith.constant 0 : i32
      %add3A_1198 = arith.addi %mul3A_1187, %add3A_1197 : i32
      %get3A_1199 = arith.constant 0 : i32
      %get3A_1200 = arith.index_cast %get3A_1199 : i32 to index
      %get3A_1201 = arith.index_cast %select_n3A_1169 : i32 to index
      %get3A_1202 = arith.index_cast %add3A_1198 : i32 to index
      %get3A_1203 = arith.constant 16 : index
      %get3A_1204 = tpu.vector_load %arg6[%get3A_1200, %get3A_1201, %get3A_1202, %get3A_1203] {strides = array<i32>} : memref<2x8x128x32xf32, #tpu.memory_space<vmem>>, vector<16xf32>,
      %add3A_1205 = arith.constant 1 : i32
      %add3A_1206 = arith.addi %mul3A_1187, %add3A_1205 : i32
      %get3A_1207 = arith.constant 0 : i32
      %get3A_1208 = arith.index_cast %get3A_1207 : i32 to index
      %get3A_1209 = arith.index_cast %select_n3A_1169 : i32 to index
      %get3A_1210 = arith.index_cast %add3A_1206 : i32 to index
      %get3A_1211 = arith.constant 0 : index
      %get3A_1212 = tpu.vector_load %arg6[%get3A_1208, %get3A_1209, %get3A_1210, %get3A_1211] {strides = array<i32>} : memref<2x8x128x32xf32, #tpu.memory_space<vmem>>, vector<16xf32>,
      %add3A_1213 = arith.constant 1 : i32
      %add3A_1214 = arith.addi %mul3A_1187, %add3A_1213 : i32
      %get3A_1215 = arith.constant 0 : i32
      %get3A_1216 = arith.index_cast %get3A_1215 : i32 to index
      %get3A_1217 = arith.index_cast %select_n3A_1169 : i32 to index
      %get3A_1218 = arith.index_cast %add3A_1214 : i32 to index
      %get3A_1219 = arith.constant 16 : index
      %get3A_1220 = tpu.vector_load %arg6[%get3A_1216, %get3A_1217, %get3A_1218, %get3A_1219] {strides = array<i32>} : memref<2x8x128x32xf32, #tpu.memory_space<vmem>>, vector<16xf32>,
      %add3A_1221 = arith.constant 2 : i32
      %add3A_1222 = arith.addi %mul3A_1187, %add3A_1221 : i32
      %get3A_1223 = arith.constant 0 : i32
      %get3A_1224 = arith.index_cast %get3A_1223 : i32 to index
      %get3A_1225 = arith.index_cast %select_n3A_1169 : i32 to index
      %get3A_1226 = arith.index_cast %add3A_1222 : i32 to index
      %get3A_1227 = arith.constant 0 : index
      %get3A_1228 = tpu.vector_load %arg6[%get3A_1224, %get3A_1225, %get3A_1226, %get3A_1227] {strides = array<i32>} : memref<2x8x128x32xf32, #tpu.memory_space<vmem>>, vector<16xf32>,
      %add3A_1229 = arith.constant 2 : i32
      %add3A_1230 = arith.addi %mul3A_1187, %add3A_1229 : i32
      %get3A_1231 = arith.constant 0 : i32
      %get3A_1232 = arith.index_cast %get3A_1231 : i32 to index
      %get3A_1233 = arith.index_cast %select_n3A_1169 : i32 to index
      %get3A_1234 = arith.index_cast %add3A_1230 : i32 to index
      %get3A_1235 = arith.constant 16 : index
      %get3A_1236 = tpu.vector_load %arg6[%get3A_1232, %get3A_1233, %get3A_1234, %get3A_1235] {strides = array<i32>} : memref<2x8x128x32xf32, #tpu.memory_space<vmem>>, vector<16xf32>,
      %add3A_1237 = arith.constant 3 : i32
      %add3A_1238 = arith.addi %mul3A_1187, %add3A_1237 : i32
      %get3A_1239 = arith.constant 0 : i32
      %get3A_1240 = arith.index_cast %get3A_1239 : i32 to index
      %get3A_1241 = arith.index_cast %select_n3A_1169 : i32 to index
      %get3A_1242 = arith.index_cast %add3A_1238 : i32 to index
      %get3A_1243 = arith.constant 0 : index
      %get3A_1244 = tpu.vector_load %arg6[%get3A_1240, %get3A_1241, %get3A_1242, %get3A_1243] {strides = array<i32>} : memref<2x8x128x32xf32, #tpu.memory_space<vmem>>, vector<16xf32>,
      %add3A_1245 = arith.constant 3 : i32
      %add3A_1246 = arith.addi %mul3A_1187, %add3A_1245 : i32
      %get3A_1247 = arith.constant 0 : i32
      %get3A_1248 = arith.index_cast %get3A_1247 : i32 to index
      %get3A_1249 = arith.index_cast %select_n3A_1169 : i32 to index
      %get3A_1250 = arith.index_cast %add3A_1246 : i32 to index
      %get3A_1251 = arith.constant 16 : index
      %get3A_1252 = tpu.vector_load %arg6[%get3A_1248, %get3A_1249, %get3A_1250, %get3A_1251] {strides = array<i32>} : memref<2x8x128x32xf32, #tpu.memory_space<vmem>>, vector<16xf32>,
      %add3A_1253 = arith.constant 4 : i32
      %add3A_1254 = arith.addi %mul3A_1187, %add3A_1253 : i32
      %get3A_1255 = arith.constant 0 : i32
      %get3A_1256 = arith.index_cast %get3A_1255 : i32 to index
      %get3A_1257 = arith.index_cast %select_n3A_1169 : i32 to index
      %get3A_1258 = arith.index_cast %add3A_1254 : i32 to index
      %get3A_1259 = arith.constant 0 : index
      %get3A_1260 = tpu.vector_load %arg6[%get3A_1256, %get3A_1257, %get3A_1258, %get3A_1259] {strides = array<i32>} : memref<2x8x128x32xf32, #tpu.memory_space<vmem>>, vector<16xf32>,
      %add3A_1261 = arith.constant 4 : i32
      %add3A_1262 = arith.addi %mul3A_1187, %add3A_1261 : i32
      %get3A_1263 = arith.constant 0 : i32
      %get3A_1264 = arith.index_cast %get3A_1263 : i32 to index
      %get3A_1265 = arith.index_cast %select_n3A_1169 : i32 to index
      %get3A_1266 = arith.index_cast %add3A_1262 : i32 to index
      %get3A_1267 = arith.constant 16 : index
      %get3A_1268 = tpu.vector_load %arg6[%get3A_1264, %get3A_1265, %get3A_1266, %get3A_1267] {strides = array<i32>} : memref<2x8x128x32xf32, #tpu.memory_space<vmem>>, vector<16xf32>,
      %add3A_1269 = arith.constant 5 : i32
      %add3A_1270 = arith.addi %mul3A_1187, %add3A_1269 : i32
      %get3A_1271 = arith.constant 0 : i32
      %get3A_1272 = arith.index_cast %get3A_1271 : i32 to index
      %get3A_1273 = arith.index_cast %select_n3A_1169 : i32 to index
      %get3A_1274 = arith.index_cast %add3A_1270 : i32 to index
      %get3A_1275 = arith.constant 0 : index
      %get3A_1276 = tpu.vector_load %arg6[%get3A_1272, %get3A_1273, %get3A_1274, %get3A_1275] {strides = array<i32>} : memref<2x8x128x32xf32, #tpu.memory_space<vmem>>, vector<16xf32>,
      %add3A_1277 = arith.constant 5 : i32
      %add3A_1278 = arith.addi %mul3A_1187, %add3A_1277 : i32
      %get3A_1279 = arith.constant 0 : i32
      %get3A_1280 = arith.index_cast %get3A_1279 : i32 to index
      %get3A_1281 = arith.index_cast %select_n3A_1169 : i32 to index
      %get3A_1282 = arith.index_cast %add3A_1278 : i32 to index
      %get3A_1283 = arith.constant 16 : index
      %get3A_1284 = tpu.vector_load %arg6[%get3A_1280, %get3A_1281, %get3A_1282, %get3A_1283] {strides = array<i32>} : memref<2x8x128x32xf32, #tpu.memory_space<vmem>>, vector<16xf32>,
      %add3A_1285 = arith.constant 6 : i32
      %add3A_1286 = arith.addi %mul3A_1187, %add3A_1285 : i32
      %get3A_1287 = arith.constant 0 : i32
      %get3A_1288 = arith.index_cast %get3A_1287 : i32 to index
      %get3A_1289 = arith.index_cast %select_n3A_1169 : i32 to index
      %get3A_1290 = arith.index_cast %add3A_1286 : i32 to index
      %get3A_1291 = arith.constant 0 : index
      %get3A_1292 = tpu.vector_load %arg6[%get3A_1288, %get3A_1289, %get3A_1290, %get3A_1291] {strides = array<i32>} : memref<2x8x128x32xf32, #tpu.memory_space<vmem>>, vector<16xf32>,
      %add3A_1293 = arith.constant 6 : i32
      %add3A_1294 = arith.addi %mul3A_1187, %add3A_1293 : i32
      %get3A_1295 = arith.constant 0 : i32
      %get3A_1296 = arith.index_cast %get3A_1295 : i32 to index
      %get3A_1297 = arith.index_cast %select_n3A_1169 : i32 to index
      %get3A_1298 = arith.index_cast %add3A_1294 : i32 to index
      %get3A_1299 = arith.constant 16 : index
      %get3A_1300 = tpu.vector_load %arg6[%get3A_1296, %get3A_1297, %get3A_1298, %get3A_1299] {strides = array<i32>} : memref<2x8x128x32xf32, #tpu.memory_space<vmem>>, vector<16xf32>,
      %add3A_1301 = arith.constant 7 : i32
      %add3A_1302 = arith.addi %mul3A_1187, %add3A_1301 : i32
      %get3A_1303 = arith.constant 0 : i32
      %get3A_1304 = arith.index_cast %get3A_1303 : i32 to index
      %get3A_1305 = arith.index_cast %select_n3A_1169 : i32 to index
      %get3A_1306 = arith.index_cast %add3A_1302 : i32 to index
      %get3A_1307 = arith.constant 0 : index
      %get3A_1308 = tpu.vector_load %arg6[%get3A_1304, %get3A_1305, %get3A_1306, %get3A_1307] {strides = array<i32>} : memref<2x8x128x32xf32, #tpu.memory_space<vmem>>, vector<16xf32>,
      %add3A_1309 = arith.constant 7 : i32
      %add3A_1310 = arith.addi %mul3A_1187, %add3A_1309 : i32
      %get3A_1311 = arith.constant 0 : i32
      %get3A_1312 = arith.index_cast %get3A_1311 : i32 to index
      %get3A_1313 = arith.index_cast %select_n3A_1169 : i32 to index
      %get3A_1314 = arith.index_cast %add3A_1310 : i32 to index
      %get3A_1315 = arith.constant 16 : index
      %get3A_1316 = tpu.vector_load %arg6[%get3A_1312, %get3A_1313, %get3A_1314, %get3A_1315] {strides = array<i32>} : memref<2x8x128x32xf32, #tpu.memory_space<vmem>>, vector<16xf32>,
      %add3A_1317 = arith.constant 0 : i32
      %add3A_1318 = arith.addi %mul3A_1187, %add3A_1317 : i32
      %add3A_1319 = vector.broadcast %add3A_1318 : i32 to vector<16xi32>
      %add3A_1320 = arith.addi %broadcast_in_dim3A_1035, %add3A_1319 : vector<16xi32>
      tpu.vector_store_idx %arg7[%add3A_1189, %select_n3A_1066, %select_n3A_1088, %add3A_1320], %get3A_1196 : memref<8x4x8x129xf32, #tpu.memory_space<vmem>>[vector<16xi32>, vector<16xi32>, vector<16xi32>, vector<16xi32>], vector<16xf32>,
      tpu.vector_store_idx %arg7[%add3A_1189, %add3A_1091, %select_n3A_1088, %add3A_1320], %get3A_1204 : memref<8x4x8x129xf32, #tpu.memory_space<vmem>>[vector<16xi32>, vector<16xi32>, vector<16xi32>, vector<16xi32>], vector<16xf32>,
      %add3A_1321 = arith.constant 1 : i32
      %add3A_1322 = arith.addi %mul3A_1187, %add3A_1321 : i32
      %add3A_1323 = vector.broadcast %add3A_1322 : i32 to vector<16xi32>
      %add3A_1324 = arith.addi %broadcast_in_dim3A_1035, %add3A_1323 : vector<16xi32>
      tpu.vector_store_idx %arg7[%add3A_1189, %select_n3A_1066, %select_n3A_1088, %add3A_1324], %get3A_1212 : memref<8x4x8x129xf32, #tpu.memory_space<vmem>>[vector<16xi32>, vector<16xi32>, vector<16xi32>, vector<16xi32>], vector<16xf32>,
      tpu.vector_store_idx %arg7[%add3A_1189, %add3A_1091, %select_n3A_1088, %add3A_1324], %get3A_1220 : memref<8x4x8x129xf32, #tpu.memory_space<vmem>>[vector<16xi32>, vector<16xi32>, vector<16xi32>, vector<16xi32>], vector<16xf32>,
      %add3A_1325 = arith.constant 2 : i32
      %add3A_1326 = arith.addi %mul3A_1187, %add3A_1325 : i32
      %add3A_1327 = vector.broadcast %add3A_1326 : i32 to vector<16xi32>
      %add3A_1328 = arith.addi %broadcast_in_dim3A_1035, %add3A_1327 : vector<16xi32>
      tpu.vector_store_idx %arg7[%add3A_1189, %select_n3A_1066, %select_n3A_1088, %add3A_1328], %get3A_1228 : memref<8x4x8x129xf32, #tpu.memory_space<vmem>>[vector<16xi32>, vector<16xi32>, vector<16xi32>, vector<16xi32>], vector<16xf32>,
      tpu.vector_store_idx %arg7[%add3A_1189, %add3A_1091, %select_n3A_1088, %add3A_1328], %get3A_1236 : memref<8x4x8x129xf32, #tpu.memory_space<vmem>>[vector<16xi32>, vector<16xi32>, vector<16xi32>, vector<16xi32>], vector<16xf32>,
      %add3A_1329 = arith.constant 3 : i32
      %add3A_1330 = arith.addi %mul3A_1187, %add3A_1329 : i32
      %add3A_1331 = vector.broadcast %add3A_1330 : i32 to vector<16xi32>
      %add3A_1332 = arith.addi %broadcast_in_dim3A_1035, %add3A_1331 : vector<16xi32>
      tpu.vector_store_idx %arg7[%add3A_1189, %select_n3A_1066, %select_n3A_1088, %add3A_1332], %get3A_1244 : memref<8x4x8x129xf32, #tpu.memory_space<vmem>>[vector<16xi32>, vector<16xi32>, vector<16xi32>, vector<16xi32>], vector<16xf32>,
      tpu.vector_store_idx %arg7[%add3A_1189, %add3A_1091, %select_n3A_1088, %add3A_1332], %get3A_1252 : memref<8x4x8x129xf32, #tpu.memory_space<vmem>>[vector<16xi32>, vector<16xi32>, vector<16xi32>, vector<16xi32>], vector<16xf32>,
      %add3A_1333 = arith.constant 4 : i32
      %add3A_1334 = arith.addi %mul3A_1187, %add3A_1333 : i32
      %add3A_1335 = vector.broadcast %add3A_1334 : i32 to vector<16xi32>
      %add3A_1336 = arith.addi %broadcast_in_dim3A_1035, %add3A_1335 : vector<16xi32>
      tpu.vector_store_idx %arg7[%add3A_1189, %select_n3A_1066, %select_n3A_1088, %add3A_1336], %get3A_1260 : memref<8x4x8x129xf32, #tpu.memory_space<vmem>>[vector<16xi32>, vector<16xi32>, vector<16xi32>, vector<16xi32>], vector<16xf32>,
      tpu.vector_store_idx %arg7[%add3A_1189, %add3A_1091, %select_n3A_1088, %add3A_1336], %get3A_1268 : memref<8x4x8x129xf32, #tpu.memory_space<vmem>>[vector<16xi32>, vector<16xi32>, vector<16xi32>, vector<16xi32>], vector<16xf32>,
      %add3A_1337 = arith.constant 5 : i32
      %add3A_1338 = arith.addi %mul3A_1187, %add3A_1337 : i32
      %add3A_1339 = vector.broadcast %add3A_1338 : i32 to vector<16xi32>
      %add3A_1340 = arith.addi %broadcast_in_dim3A_1035, %add3A_1339 : vector<16xi32>
      tpu.vector_store_idx %arg7[%add3A_1189, %select_n3A_1066, %select_n3A_1088, %add3A_1340], %get3A_1276 : memref<8x4x8x129xf32, #tpu.memory_space<vmem>>[vector<16xi32>, vector<16xi32>, vector<16xi32>, vector<16xi32>], vector<16xf32>,
      tpu.vector_store_idx %arg7[%add3A_1189, %add3A_1091, %select_n3A_1088, %add3A_1340], %get3A_1284 : memref<8x4x8x129xf32, #tpu.memory_space<vmem>>[vector<16xi32>, vector<16xi32>, vector<16xi32>, vector<16xi32>], vector<16xf32>,
      %add3A_1341 = arith.constant 6 : i32
      %add3A_1342 = arith.addi %mul3A_1187, %add3A_1341 : i32
      %add3A_1343 = vector.broadcast %add3A_1342 : i32 to vector<16xi32>
      %add3A_1344 = arith.addi %broadcast_in_dim3A_1035, %add3A_1343 : vector<16xi32>
      tpu.vector_store_idx %arg7[%add3A_1189, %select_n3A_1066, %select_n3A_1088, %add3A_1344], %get3A_1292 : memref<8x4x8x129xf32, #tpu.memory_space<vmem>>[vector<16xi32>, vector<16xi32>, vector<16xi32>, vector<16xi32>], vector<16xf32>,
      tpu.vector_store_idx %arg7[%add3A_1189, %add3A_1091, %select_n3A_1088, %add3A_1344], %get3A_1300 : memref<8x4x8x129xf32, #tpu.memory_space<vmem>>[vector<16xi32>, vector<16xi32>, vector<16xi32>, vector<16xi32>], vector<16xf32>,
      %add3A_1345 = arith.constant 7 : i32
      %add3A_1346 = arith.addi %mul3A_1187, %add3A_1345 : i32
      %add3A_1347 = vector.broadcast %add3A_1346 : i32 to vector<16xi32>
      %add3A_1348 = arith.addi %broadcast_in_dim3A_1035, %add3A_1347 : vector<16xi32>
      tpu.vector_store_idx %arg7[%add3A_1189, %select_n3A_1066, %select_n3A_1088, %add3A_1348], %get3A_1308 : memref<8x4x8x129xf32, #tpu.memory_space<vmem>>[vector<16xi32>, vector<16xi32>, vector<16xi32>, vector<16xi32>], vector<16xf32>,
      tpu.vector_store_idx %arg7[%add3A_1189, %add3A_1091, %select_n3A_1088, %add3A_1348], %get3A_1316 : memref<8x4x8x129xf32, #tpu.memory_space<vmem>>[vector<16xi32>, vector<16xi32>, vector<16xi32>, vector<16xi32>], vector<16xf32>,
    }
    %scan3A_1096 = arith.constant 128 : i32
    %dma_start3A_1097 = arith.constant 0 : i32
    %dma_start3A_1098 = arith.constant 0 : i32
    %dma_start3A_1099 = arith.constant 0 : i32
    %dma_start3A_1100 = arith.constant 0 : i32
    %dma_start3A_1101 = tpu.memref_slice %arg7[%dma_start3A_1097, %dma_start3A_1098, %dma_start3A_1099, %dma_start3A_1100] : memref<8x4x8x129xf32, #tpu.memory_space<vmem>> -> memref<8x4x8x128xf32, #tpu.memory_space<vmem>>
    %dma_start3A_1102 = arith.constant 192 : i32
    %dma_start3A_1103 = arith.constant 0 : i32
    %dma_start3A_1104 = arith.constant 0 : i32
    %dma_start3A_1105 = arith.constant 0 : i32
    %dma_start3A_1106 = tpu.memref_slice %arg4[%dma_start3A_1102, %dma_start3A_1103, %add3A, %dma_start3A_1104, %dma_start3A_1105] : memref<200x4x32x8x128xf32, #tpu.memory_space<hbm>> -> memref<8x4x1x8x128xf32, #tpu.memory_space<hbm>>
    %dma_start3A_1107 = tpu.memref_squeeze %dma_start3A_1106 : memref<8x4x1x8x128xf32, #tpu.memory_space<hbm>> -> memref<8x4x8x128xf32, #tpu.memory_space<hbm>>
    %dma_start3A_1108 = arith.constant 192 : i32
    %dma_start3A_1109 = arith.constant 0 : i32
    %dma_start3A_1110 = arith.constant 0 : i32
    %dma_start3A_1111 = arith.constant 0 : i32
    %dma_start3A_1112 = tpu.memref_slice %arg4[%dma_start3A_1108, %dma_start3A_1109, %add3A, %dma_start3A_1110, %dma_start3A_1111] : memref<200x4x32x8x128xf32, #tpu.memory_space<hbm>> -> memref<8x4x1x8x128xf32, #tpu.memory_space<hbm>>
    %dma_start3A_1113 = tpu.memref_squeeze %dma_start3A_1112 : memref<8x4x1x8x128xf32, #tpu.memory_space<hbm>> -> memref<8x4x8x128xf32, #tpu.memory_space<hbm>>
    %dma_start3A_1114 = arith.constant 0 : i32
    %dma_start3A_1115 = arith.constant 0 : i32
    %dma_start3A_1116 = arith.constant 0 : i32
    %dma_start3A_1117 = arith.constant 0 : i32
    %dma_start3A_1118 = tpu.memref_slice %arg7[%dma_start3A_1114, %dma_start3A_1115, %dma_start3A_1116, %dma_start3A_1117] : memref<8x4x8x129xf32, #tpu.memory_space<vmem>> -> memref<8x4x8x128xf32, #tpu.memory_space<vmem>>
    tpu.enqueue_dma source(%dma_start3A_1118 : memref<8x4x8x128xf32, #tpu.memory_space<vmem>>) target(%dma_start3A_1113 : memref<8x4x8x128xf32, #tpu.memory_space<hbm>>) target_semaphore(%arg12 : memref<!tpu.dma_semaphore, #tpu.memory_space<semaphore_mem>>)
    %dma_wait3A_1119 = arith.constant 0 : i32
    %dma_wait3A_1120 = arith.constant 0 : i32
    %dma_wait3A_1121 = arith.constant 0 : i32
    %dma_wait3A_1122 = arith.constant 0 : i32
    %dma_wait3A_1123 = tpu.memref_slice %arg7[%dma_wait3A_1119, %dma_wait3A_1120, %dma_wait3A_1121, %dma_wait3A_1122] : memref<8x4x8x129xf32, #tpu.memory_space<vmem>> -> memref<8x4x8x128xf32, #tpu.memory_space<vmem>>
    %dma_wait3A_1124 = arith.constant 0 : i32
    %dma_wait3A_1125 = arith.constant 0 : i32
    %dma_wait3A_1126 = arith.constant 0 : i32
    %dma_wait3A_1127 = arith.constant 0 : i32
    %dma_wait3A_1128 = tpu.memref_slice %arg4[%dma_wait3A_1124, %dma_wait3A_1125, %add3A, %dma_wait3A_1126, %dma_wait3A_1127] : memref<200x4x32x8x128xf32, #tpu.memory_space<hbm>> -> memref<8x4x1x8x128xf32, #tpu.memory_space<hbm>>
    %dma_wait3A_1129 = tpu.memref_squeeze %dma_wait3A_1128 : memref<8x4x1x8x128xf32, #tpu.memory_space<hbm>> -> memref<8x4x8x128xf32, #tpu.memory_space<hbm>>
    %dma_wait3A_1130 = arith.constant 0 : i32
    %dma_wait3A_1131 = arith.constant 0 : i32
    %dma_wait3A_1132 = arith.constant 0 : i32
    %dma_wait3A_1133 = arith.constant 0 : i32
    %dma_wait3A_1134 = tpu.memref_slice %arg4[%dma_wait3A_1130, %dma_wait3A_1131, %add3A, %dma_wait3A_1132, %dma_wait3A_1133] : memref<200x4x32x8x128xf32, #tpu.memory_space<hbm>> -> memref<8x4x1x8x128xf32, #tpu.memory_space<hbm>>
    %dma_wait3A_1135 = tpu.memref_squeeze %dma_wait3A_1134 : memref<8x4x1x8x128xf32, #tpu.memory_space<hbm>> -> memref<8x4x8x128xf32, #tpu.memory_space<hbm>>
    %dma_wait3A_1136 = arith.constant 0 : i32
    %dma_wait3A_1137 = arith.constant 0 : i32
    %dma_wait3A_1138 = arith.constant 0 : i32
    %dma_wait3A_1139 = arith.constant 0 : i32
    %dma_wait3A_1140 = tpu.memref_slice %arg7[%dma_wait3A_1136, %dma_wait3A_1137, %dma_wait3A_1138, %dma_wait3A_1139] : memref<8x4x8x129xf32, #tpu.memory_space<vmem>> -> memref<8x4x8x128xf32, #tpu.memory_space<vmem>>
    tpu.wait_dma2 semaphore(%arg12 : memref<!tpu.dma_semaphore, #tpu.memory_space<semaphore_mem>>) src(%dma_wait3A_1140 : memref<8x4x8x128xf32, #tpu.memory_space<vmem>>) dst(%dma_wait3A_1135 : memref<8x4x8x128xf32, #tpu.memory_space<hbm>>)
    return
  }
}

</mosaic_0001>

<sc_bundles>
// kernel: kernel.3.cloned.1.call-start
scs
__scs_entry_jumppad:
0x0: {  	(pc) =	sbr.rel $0x88, $3  }
0x1: {  	(tag) =	ssettag $0x0;
	lr =	simm.s32 $0x1  }
0x2: {  	[smem:$0x3F9F] =	sst lr;
	_ =	strace $0xD0000000  }
0x3: {  	_ = 	snop  }
0x4: {  	_ = 	snop  }
0x5: {  	_ = 	snop  }
0x6: {  	_ = 	snop  }
0x7: {  	_ = 	snop  }
__scs_overlays_trampoline_lowered:
0x8: {  	[smem:$0x3FAE] =	sst s0  }
0x9: {  	[smem:$0x3FAF] =	sst s1  }
0xa: {  	[smem:$0x3FB0] =	sst s2  }
0xb: {  	[smem:$0x3FB1] =	sst s3  }
0xc: {  	[smem:$0x3FB2] =	sst s4  }
0xd: {  	[smem:$0x3FB3] =	sst s5  }
0xe: {  	[smem:$0x3FB4] =	sst s6  }
0xf: {  	[smem:$0x3FB5] =	sst s7  }
0x10: {  	[smem:$0x3FB6] =	sst s8  }
0x11: {  	[smem:$0x3FB7] =	sst s9;
	s0 =	simm.s32 @!p0 $0x0  }
0x12: {  	s1 =	sld [smem:$0x3F9D];
	s0 =	simm.s32 @p0 $0x1  }
0x13: {  	[smem:$0x3FB8] =	sst s0;
	s0 =	simm.s32 @!p1 $0x0  }
0x14: {  	s2 =	sld [smem:$0x3F9C];
	s0 =	simm.s32 @p1 $0x1  }
0x15: {  	[smem:$0x3FB9] =	sst s0;
	s0 =	simm.s32 @!p2 $0x0  }
0x16: {  	s3 =	sld [smem:$0x3FDB];
	s0 =	simm.s32 @p2 $0x1  }
0x17: {  	s4 =	simm.s32 $0x1BF5;
	[smem:$0x3FBB] =	sst s0  }
0x18: {  	s0 =	sld [smem:$0x3F9E];
	_ =	swait.ge [sflag:s4], $0x0  }
0x19: {  	s7 =	sld [smem:$0x3F9F]  }
0x1a: {  	s8 =	sadd.s32 $0xFFFFE003, lr  }
0x1b: {  	s9 =	sadd.s32 $0xFFFFFEF7, lr;
	s5 =	simm.s32 $0xFFFFFFFF;
	p2 =	slt.u32 s8, $0xFFFFF086  }
0x1c: {  	p1 =	slt.u32 s9, $0xF7A;
	s5 =	simm.s32 @!p2 $0x0  }
0x1d: {  	s5 =	simm.s32 @p1 $0x1;
	p0 =	seq.s32 s7, s2  }
0x1e: {  	s7 =	smul.u32 @!p0 $0xF7A, s2;
	p2 =	seq.s32 @!p0 s5, $0x0  }
0x1f: {  	s9 =	smul.u32 $0xF7A, s1;
	s8 =	simm.s32 @!p0 $0x1BF5;
	p2 =	por !p2, p0  }
0x20: {  	[sflag:s8] =	ssyncset.s32 @!p0 $0xFFFFF086;
	s6 =	sadd.s32 @!p0 s3, s7;
	s7 =	simm.s32 @!p0 $0x108  }
0x21: {  	s3 =	sadd.s32 s3, s9;
	s6 =	sadd.s32 @!p0 $0x88, s6;
	s7 =	simm.s32 @p2 $0x1082  }
0x22: {  	[simem:s7], [sflag:s8] =	dma.local @!p0 [hbm:s6], $0xF7A  }
0x23: {  	s9 =	sor.u32 $0xD0000000, s2;
	s6 =	simm.s32 $0x108;
	_ =	swait.ge @!p0 [sflag:s8], $0x0  }
0x24: {  	s3 =	sadd.s32 $0x88, s3;
	s6 =	simm.s32 @!p1 $0x1082;
	[sflag:s4] =	ssyncset.s32 $0xFFFFF086  }
0x25: {  	[simem:s6], [sflag:s4] =	dma.local [hbm:s3], $0xF7A  }
0x26: {  	[smem:$0x3F9F] =	sst s1;
	(tag) =	ssettag s2;
	_ =	strace s9  }
0x27: {  	s1 =	sld [smem:$0x3FAF]  }
0x28: {  	s2 =	sld [smem:$0x3FB0]  }
0x29: {  	s4 =	sld [smem:$0x3FB2]  }
0x2a: {  	p0 =	seq.s32 s5, $0x0;
	s5 =	sld [smem:$0x3FB3]  }
0x2b: {  	s6 =	sld [smem:$0x3FB4]  }
0x2c: {  	s7 =	sld [smem:$0x3FB5]  }
0x2d: {  	s3 =	simm.s32 $0x108;
	s8 =	sld [smem:$0x3FB6]  }
0x2e: {  	s3 =	simm.s32 @!p0 $0x1082;
	s9 =	sld [smem:$0x3FB7]  }
0x2f: {  	lr =	sadd.s32 s0, s3;
	s0 =	sld [smem:$0x3FAE]  }
0x30: {  	s3 =	sld [smem:$0x3FB1]  }
0x31: {  	[smem:$0x3FBA] =	sst s10  }
0x32: {  	s10 =	sld [smem:$0x3FB8];
	_ =	sdelay $0x3  }
0x33: {  	p0 =	seq.s32 s10, $0x1;
	s10 =	sld [smem:$0x3FBA];
	_ =	sdelay $0x3  }
0x34: {  	[smem:$0x3FBA] =	sst s10  }
0x35: {  	s10 =	sld [smem:$0x3FB9];
	_ =	sdelay $0x3  }
0x36: {  	p1 =	seq.s32 s10, $0x1;
	s10 =	sld [smem:$0x3FBA];
	_ =	sdelay $0x3  }
0x37: {  	[smem:$0x3FBA] =	sst s10  }
0x38: {  	s10 =	sld [smem:$0x3FBB]  }
0x39: {  	_ = 	snop;
	(pc) =	sbr.ind lr, $3  }
0x3a: {  	_ = 	snop  }
0x3b: {  	_ = 	snop  }
0x3c: {  	p2 =	seq.s32 s10, $0x1;
	s10 =	sld [smem:$0x3FBA]  }
0x3d: {  	_ =	shalt  }
0x3e: {  	_ =	shalt  }
0x3f: {  	_ =	shalt  }
0x40: {  	_ =	shalt  }
0x41: {  	_ =	shalt  }
0x42: {  	_ =	shalt  }
0x43: {  	_ =	shalt  }
0x44: {  	_ =	shalt  }
0x45: {  	_ =	shalt  }
0x46: {  	_ =	shalt  }
0x47: {  	_ =	shalt  }
0x48: {  	_ =	shalt  }
0x49: {  	_ =	shalt  }
0x4a: {  	_ =	shalt  }
0x4b: {  	_ =	shalt  }
0x4c: {  	_ =	shalt  }
0x4d: {  	_ =	shalt  }
0x4e: {  	_ =	shalt  }
0x4f: {  	_ =	shalt  }
0x50: {  	_ =	shalt  }
0x51: {  	_ =	shalt  }
0x52: {  	_ =	shalt  }
0x53: {  	_ =	shalt  }
0x54: {  	_ =	shalt  }
0x55: {  	_ =	shalt  }
0x56: {  	_ =	shalt  }
0x57: {  	_ =	shalt  }
0x58: {  	_ =	shalt  }
0x59: {  	_ =	shalt  }
0x5a: {  	_ =	shalt  }
0x5b: {  	_ =	shalt  }
0x5c: {  	_ =	shalt  }
0x5d: {  	_ =	shalt  }
0x5e: {  	_ =	shalt  }
0x5f: {  	_ =	shalt  }
0x60: {  	_ =	shalt  }
0x61: {  	_ =	shalt  }
0x62: {  	_ =	shalt  }
0x63: {  	_ =	shalt  }
0x64: {  	_ =	shalt  }
0x65: {  	_ =	shalt  }
0x66: {  	_ =	shalt  }
0x67: {  	_ =	shalt  }
0x68: {  	_ =	shalt  }
0x69: {  	_ =	shalt  }
0x6a: {  	_ =	shalt  }
0x6b: {  	_ =	shalt  }
0x6c: {  	_ =	shalt  }
0x6d: {  	_ =	shalt  }
0x6e: {  	_ =	shalt  }
0x6f: {  	_ =	shalt  }
0x70: {  	_ =	shalt  }
0x71: {  	_ =	shalt  }
0x72: {  	_ =	shalt  }
0x73: {  	_ =	shalt  }
0x74: {  	_ =	shalt  }
0x75: {  	_ =	shalt  }
0x76: {  	_ =	shalt  }
0x77: {  	_ =	shalt  }
0x78: {  	_ =	shalt  }
0x79: {  	_ =	shalt  }
0x7a: {  	_ =	shalt  }
0x7b: {  	_ =	shalt  }
0x7c: {  	_ =	shalt  }
0x7d: {  	_ =	shalt  }
0x7e: {  	_ =	shalt  }
0x7f: {  	_ =	shalt  }
0x80: {  	_ =	shalt  }
0x81: {  	_ =	shalt  }
0x82: {  	_ =	shalt  }
0x83: {  	_ =	shalt  }
0x84: {  	_ =	shalt  }
0x85: {  	_ =	shalt  }
0x86: {  	_ =	shalt  }
0x87: {  	_ =	shalt  }
.Lfunc_end0:
.L_simem_size_0:
called_computation_lowered:
.L_overlay_start_0:
0x88: {  	s2 =	sld [smem:$0x3FD9]  }
0x89: {  	s3 =	sld [smem:$0x3FFE];
	_ =	sdelay $0x1  }
0x8a: {  	s1 =	srdreg.scid  }
0x8b: {  	s0 =	sand.u32 $0x1, s1  }
0x8c: {  	s17 =	sshll.u32 s0, $0xA;
	s2 =	sadd.s32 s3, s2  }
0x8d: {  	s2 =	sadd.s32 s2, s17  }
0x8e: {  	[smem:$0x3FC6] =	sst s2  }
0x8f: {  	_ = 	snop  }
0x90: {  	s2 =	sld [smem:$0x3FC9]  }
0x91: {  	s18 =	sld [smem:$0x3FD0];
	(tm) =	ssettm $0x1  }
0x92: {  	s4 =	sld [smem:$0x3FFB];
	_ =	sdelay $0x3  }
0x93: {  	_ =	strace s4  }
0x94: {  	s4 =	sld [smem:$0x3FFC];
	_ =	sdelay $0x3  }
0x95: {  	_ =	strace s4  }
0x96: {  	s4 =	sld [smem:$0x3FFD];
	_ =	sdelay $0x3  }
0x97: {  	_ =	strace s4  }
0x98: {  	_ =	strace $0x8FFFFFFF  }
0x99: {  	s19 =	sld [smem:$0x3FDB];
	_ =	sdelay $0x1  }
0x9a: {  	s5 =	simm.s32 $_scs_section_size  }
0x9b: {  	s6 =	simm.s32 $_size__tile_overlayer_lowered;
	s7 =	simm.s32 $_tile_overlayer_lowered  }
0x9c: {  	s22 =	simm.s32 $0x1BFF;
	s21 =	sshll.u32 s7, $0x1;
	s4 =	sadd.s32 s5, s19  }
0x9d: {  	s8 =	simm.s32 $0x0;
	s20 =	sshll.u32 s6, $0x1;
	s6 =	sadd.s32 s21, s4  }
0x9e: {  	[timem:s8], [sflag:s22] =	dma.local [hbm:s6], s20  }
0x9f: {  	_ =	swait.ge [sflag:s22], s20  }
0xa0: {  	s5 =	ssub.s32 $0x0, s20;
	[sflag:s22] =	ssyncset.done $0x0  }
0xa1: {  	[sflag:s22] =	ssyncadd.s32 s5;
	_ =	sdelay $0x1  }
0xa2: {  	s23 =	simm.s32 $0x1B8B  }
0xa3: {  	_ =	swait.ge [sflag:s23], $0x1  }
0xa4: {  	[sflag:s23] =	ssyncset.done $0x0  }
0xa5: {  	s25 =	simm.s32 $0x1B8E;
	s24 =	sld [smem:$0x3FFE];
	[sflag:s23] =	ssyncadd.s32 $0xFFFFFFFF  }
0xa6: {  	s26 =	simm.s32 $execute0_lowered;
	[smem:$0x3FD2] =	sst s25  }
0xa7: {  	s6 =	sshll.u32 s26, $0x1;
	_ =	strace $0x80000046;
	[dreg:$0x1] =	wrdreg $0xFFFFFFFF  }
0xa8: {  	s28 =	simm.s32 $_size_execute0_lowered;
	s4 =	sadd.s32 s4, s6;
	[dreg:$0x0] =	wrdreg $0x0  }
0xa9: {  	s6 =	sshll.u32 s28, $0x1;
	[dreg:$0x2] =	wrdreg s4  }
0xaa: {  	[dreg:$0x3] =	wrdreg s6  }
0xab: {  	[dreg:$0x4] =	wrdreg $0xC0  }
0xac: {  	_ =	task [dreg:s8], $0x5FFFF  }
0xad: {  	[dreg:$0x1] =	wrdreg $0xFFFFFFFF  }
0xae: {  	[dreg:$0x0] =	wrdreg $0x60  }
0xaf: {  	[dreg:$0x2] =	wrdreg s2  }
0xb0: {  	[dreg:$0x3] =	wrdreg s24  }
0xb1: {  	[dreg:$0x4] =	wrdreg s18  }
0xb2: {  	[dreg:$0x5] =	wrdreg $0x9  }
0xb3: {  	_ =	task.clear_ibuf [dreg:s8], $0x6FFFF;
	_ =	strace $0x90000046  }
0xb4: {  	s29 =	simm.s32 $0x9;
	_ =	strace $0x80000048  }
0xb5: {  	_ =	swait.ge [sflag:s29], $0x1  }
0xb6: {  	[sflag:s29] =	ssyncadd.s32 $0xFFFFFFFF  }
0xb7: {  	_ =	strace $0x90000048  }
0xb8: {  	_ =	sfence  }
0xb9: {  	s30 =	sld [smem:$0x0];
	_ =	sdelay $0x2  }
0xba: {  	s31 =	sshll.u32 s1, $0xD;
	s1 =	sshrl.u32 s1, $0x2  }
0xbb: {  	s3 =	sand.u32 $0x4000, s31;
	s1 =	sadd.s32 s1, s30  }
0xbc: {  	s0 =	sor.u32 s3, s0;
	s1 =	sshll.u32 s1, $0x11  }
0xbd: {  	s0 =	sor.u32 s1, s0  }
0xbe: {  	s0 =	sadd.s32 $0x8F2B, s0  }
0xbf: {  	[sflag:s0] =	ssyncadd.remote.s32 $0x1  }
0xc0: {  	_ =	sfence.sel $0xFFFF  }
0xc1: {  	[dreg:$0x0] =	wrdreg $0xFFFFFFFF;
	(pc) =	sbr.abs _section_cstart, $3  }
0xc2: {  	[dreg:$0x1] =	wrdreg $0xFFFFFFFF  }
0xc3: {  	_ =	task.clear_ibuf [dreg:s8], $0x2FFFF;
	_ =	strace $0x9FFFFFFF  }
0xc4: {  	(tm) =	ssettm $0x7FFFFFFF  }
0xc5: {  	_ =	shalt  }
tec
execute0_lowered:
.L_overlay_start_1:
0x0: {  	(tag) =	ssettag $0x1  }
0x1: {  	s1 =	rddreg [dreg:$0x0]  }
0x2: {  	s0 =	rddreg [dreg:$0x1]  }
0x3: {  	s8 =	rddreg [dreg:$0x2]  }
0x4: {  	s2 =	srdreg.scid;
	s3 =	stileid.u32  }
0x5: {  	s4 =	simm.s32 $0x0;
	s18 =	simm.s32 $0x1;
	s19 =	simm.s32 $0x80  }
0x6: {  	s9 =	simm.s32 $0x400;
	s17 =	simm.s32 $0x3;
	s2 =	sand.u32 $0x1, s2  }
0x7: {  	s15 =	simm.s32 $0x4;
	s3 =	sshll.u32 s3, $0xB;
	s5 =	sshll.u32 s2, $0xA  }
0x8: {  	s16 =	simm.s32 $0x5;
	s2 =	ssub.s32 $0x2, s2;
	s5 =	sor.u32 s5, s3  }
0x9: {  	[smem:$0x7FF] =	sst s4;
	s24 =	sshrl.u32 s2, $0x1;
	s7 =	sshrl.u32 s5, $0x3  }
0xa: {  	s6 =	sadd.s32 $0x400, s0;
	s25 =	ssub.s32 s2, s24;
	s29 =	sadd.s32 s8, s7  }
0xb: {  	_ =	strace $0x80000047;
	s0 =	smax.u32 s25, $0x1;
	[dreg:$0x7] =	wrdreg s29  }
0xc: {  	s14 =	sadd.s32 $0x20000, s8;
	s30 =	sadd.s32 s1, s7;
	[dreg:$0xa] =	wrdreg s0  }
0xd: {  	s3 =	simm.s32 $0x10800;
	s26 =	sadd.s32 $0x1000, s30;
	[dreg:$0x4] =	wrdreg s30  }
0xe: {  	v0 =	vlaneseq.u32;
	s11 =	sor.u32 $0x18000, s5;
	s28 =	sadd.s32 $0x2000, s30;
	[dreg:$0x5] =	wrdreg s26  }
0xf: {  	v0 =	vmul.u32 $0x88, v0;
	s12 =	sor.u32 $0x20000, s5;
	s31 =	sadd.s32 $0x2E0000, s29;
	[dreg:$0x6] =	wrdreg s28  }
0x10: {  	v1 =	vimm.s32 $0x0;
	vm0 =	vcmask $0x300;
	s13 =	sor.u32 $0x200000, s5;
	s2 =	sadd.s32 $0x300000, s29;
	[dreg:$0x8] =	wrdreg s31  }
0x11: {  	v1 =	vsel vm0, $0x3, v1;
	v2 =	vadd.s32 $0x880, v0;
	s7 =	simm.s32 $0x2;
	[dreg:$0x9] =	wrdreg s2;
	s2 =	simm.s32 $0x0  }
.LBB2_1:
0x12: {  	[dreg:$0xb] =	wrdreg s2  }
0x13: {  	[tilespmem:s4], [sflag:$0x1] =	stream.linear.gather [hbm4b:s30+s4], $0x400, $0x38;
	[tilespmem:$0x19000] =	vst v63  }
0x14: {  	_ =	swait.ge [sflag:s18], $0x400  }
0x15: {  	[sflag:s18] =	ssyncset.done $0x0  }
0x16: {  	s0 =	simm.s32 $0x800;
	[sflag:s18] =	ssyncadd.s32 $0xFFFFFC00  }
0x17: {  	[tilespmem:s0], [sflag:$0x3] =	stream.indirect.gather [hbm4b:s6+s19], $0x20, s4, s19, $0xb8;
	[tilespmem:$0x19000] =	vst v63  }
0x18: {  	s22 =	simm.s32 $0x1800  }
0x19: {  	[tilespmem:s22], [sflag:$0x3] =	stream.indirect.gather [hbm4b:s6+s19], $0x20, s19, s19, $0xb8;
	[tilespmem:$0x19000] =	vst v63  }
0x1a: {  	s23 =	simm.s32 $0x100;
	s24 =	simm.s32 $0x2800  }
0x1b: {  	[tilespmem:s24], [sflag:$0x3] =	stream.indirect.gather [hbm4b:s6+s19], $0x20, s23, s19, $0xb8;
	[tilespmem:$0x19000] =	vst v63  }
0x1c: {  	s25 =	simm.s32 $0x180;
	s26 =	simm.s32 $0x3800  }
0x1d: {  	[tilespmem:s26], [sflag:$0x3] =	stream.indirect.gather [hbm4b:s6+s19], $0x20, s25, s19, $0xb8;
	[tilespmem:$0x19000] =	vst v63  }
0x1e: {  	s28 =	simm.s32 $0x200;
	s29 =	simm.s32 $0x4800  }
0x1f: {  	[tilespmem:s29], [sflag:$0x3] =	stream.indirect.gather [hbm4b:s6+s19], $0x20, s28, s19, $0xb8;
	[tilespmem:$0x19000] =	vst v63  }
0x20: {  	s30 =	simm.s32 $0x280;
	s31 =	simm.s32 $0x5800  }
0x21: {  	[tilespmem:s31], [sflag:$0x3] =	stream.indirect.gather [hbm4b:s6+s19], $0x20, s30, s19, $0xb8;
	[tilespmem:$0x19000] =	vst v63  }
0x22: {  	s8 =	simm.s32 $0x300;
	s10 =	simm.s32 $0x6800  }
0x23: {  	[tilespmem:s10], [sflag:$0x3] =	stream.indirect.gather [hbm4b:s6+s19], $0x20, s8, s19, $0xb8;
	[tilespmem:$0x19000] =	vst v63  }
0x24: {  	s20 =	simm.s32 $0x380;
	s21 =	simm.s32 $0x7800  }
0x25: {  	[tilespmem:s21], [sflag:$0x3] =	stream.indirect.gather [hbm4b:s6+s19], $0x20, s20, s19, $0xb8;
	[tilespmem:$0x19000] =	vst v63  }
0x26: {  	s22 =	rddreg [dreg:$0x5]  }
0x27: {  	[tilespmem:s9], [sflag:$0x2] =	stream.linear.gather [hbm4b:s22+s4], $0x400, $0x38;
	[tilespmem:$0x19000] =	vst v63  }
0x28: {  	_ =	swait.ge [sflag:s17], $0x1000  }
0x29: {  	[sflag:s17] =	ssyncset.done $0x0  }
0x2a: {  	[sflag:s17] =	ssyncadd.s32 $0xFFFFF000  }
0x2b: {  	_ =	swait.ge [sflag:s17], $0x1000  }
0x2c: {  	[sflag:s17] =	ssyncset.done $0x0  }
0x2d: {  	[sflag:s17] =	ssyncadd.s32 $0xFFFFF000  }
0x2e: {  	_ =	swait.ge [sflag:s17], $0x1000  }
0x2f: {  	[sflag:s17] =	ssyncset.done $0x0  }
0x30: {  	[sflag:s17] =	ssyncadd.s32 $0xFFFFF000  }
0x31: {  	_ =	swait.ge [sflag:s17], $0x1000  }
0x32: {  	[sflag:s17] =	ssyncset.done $0x0  }
0x33: {  	[sflag:s17] =	ssyncadd.s32 $0xFFFFF000  }
0x34: {  	_ =	swait.ge [sflag:s17], $0x1000  }
0x35: {  	[sflag:s17] =	ssyncset.done $0x0  }
0x36: {  	[sflag:s17] =	ssyncadd.s32 $0xFFFFF000  }
0x37: {  	_ =	swait.ge [sflag:s17], $0x1000  }
0x38: {  	[sflag:s17] =	ssyncset.done $0x0  }
0x39: {  	[sflag:s17] =	ssyncadd.s32 $0xFFFFF000  }
0x3a: {  	_ =	swait.ge [sflag:s17], $0x1000  }
0x3b: {  	[sflag:s17] =	ssyncset.done $0x0  }
0x3c: {  	[sflag:s17] =	ssyncadd.s32 $0xFFFFF000  }
0x3d: {  	_ =	swait.ge [sflag:s17], $0x1000  }
0x3e: {  	[sflag:s17] =	ssyncset.done $0x0  }
0x3f: {  	s23 =	rddreg [dreg:$0x6];
	[sflag:s17] =	ssyncadd.s32 $0xFFFFF000  }
0x40: {  	[tilespmem:s4], [sflag:$0x1] =	stream.linear.gather [hbm4b:s23+s4], $0x400, $0x38;
	[tilespmem:$0x19000] =	vst v63  }
0x41: {  	_ =	swait.ge [sflag:s7], $0x400  }
0x42: {  	[sflag:s7] =	ssyncset.done $0x0  }
0x43: {  	s24 =	simm.s32 $0x8800;
	[sflag:s7] =	ssyncadd.s32 $0xFFFFFC00  }
0x44: {  	[tilespmem:s24], [sflag:$0x4] =	stream.indirect.gather [hbm4b:s6+s19], $0x20, s9, s19, $0xb8;
	[tilespmem:$0x19000] =	vst v63  }
0x45: {  	s25 =	simm.s32 $0x480;
	s26 =	simm.s32 $0x9800  }
0x46: {  	[tilespmem:s26], [sflag:$0x4] =	stream.indirect.gather [hbm4b:s6+s19], $0x20, s25, s19, $0xb8;
	[tilespmem:$0x19000] =	vst v63  }
0x47: {  	s28 =	simm.s32 $0x500;
	s29 =	simm.s32 $0xA800  }
0x48: {  	[tilespmem:s29], [sflag:$0x4] =	stream.indirect.gather [hbm4b:s6+s19], $0x20, s28, s19, $0xb8;
	[tilespmem:$0x19000] =	vst v63  }
0x49: {  	s30 =	simm.s32 $0x580;
	s31 =	simm.s32 $0xB800;
	s8 =	simm.s32 $0x600  }
0x4a: {  	[tilespmem:s31], [sflag:$0x4] =	stream.indirect.gather [hbm4b:s6+s19], $0x20, s30, s19, $0xb8;
	[tilespmem:$0x19000] =	vst v63  }
0x4b: {  	s10 =	simm.s32 $0xC800;
	s20 =	simm.s32 $0x680;
	s21 =	simm.s32 $0xD800  }
0x4c: {  	[tilespmem:s10], [sflag:$0x4] =	stream.indirect.gather [hbm4b:s6+s19], $0x20, s8, s19, $0xb8;
	[tilespmem:$0x19000] =	vst v63  }
0x4d: {  	s22 =	simm.s32 $0x700;
	s23 =	simm.s32 $0xE800;
	s24 =	simm.s32 $0x780  }
0x4e: {  	[tilespmem:s21], [sflag:$0x4] =	stream.indirect.gather [hbm4b:s6+s19], $0x20, s20, s19, $0xb8;
	[tilespmem:$0x19000] =	vst v63  }
0x4f: {  	s25 =	simm.s32 $0xF800;
	s10 =	simm.s32 $0x0;
	s21 =	sand.u32 $0x78, s4  }
0x50: {  	[tilespmem:s23], [sflag:$0x4] =	stream.indirect.gather [hbm4b:s6+s19], $0x20, s22, s19, $0xb8;
	[tilespmem:$0x19000] =	vst v63  }
0x51: {  	s20 =	sor.u32 $0x800, s10;
	s10 =	sor.u32 $0x7, s21;
	s22 =	sor.u32 $0x1, s21  }
0x52: {  	s30 =	sor.u32 $0x5, s21;
	s2 =	sor.u32 $0x4, s21;
	s23 =	sshll.u32 s22, $0x5  }
0x53: {  	v4 =	vmov s21;
	[tilespmem:s25], [sflag:$0x4] =	stream.indirect.gather [hbm4b:s6+s19], $0x20, s24, s19, $0xb8;
	[tilespmem:$0x19000] =	vst v63  }
0x54: {  	s8 =	sor.u32 $0x6, s21;
	s26 =	sshll.u32 s10, $0x5;
	v4 =	vshrl.u32 v4, $0x3;
	s23 =	sadd.s32 s23, s20  }
0x55: {  	s31 =	sor.u32 $0x2, s21;
	v12 =	vmov s30;
	v18 =	vmov s2;
	v20 =	vmov s8;
	s28 =	sadd.s32 s26, s20;
	v17 =	vld [tilespmem:s23+$0x10]  }
0x56: {  	v33 =	vmov s10;
	v8 =	vshll.u32 v4, v1;
	v20 =	vshrl.u32 v20, $0x3;
	s24 =	simm.s32 $0x0;
	s25 =	sor.u32 $0x3, s21;
	s21 =	sshll.u32 s21, $0x5;
	v15 =	vld [tilespmem:s23+$0x0]  }
0x57: {  	v33 =	vshrl.u32 v33, $0x3;
	v10 =	vbroadcast v8, $0x0;
	v3 =	vmov s24;
	v4 =	vld [tilespmem:s28+$0x0];
	s21 =	sadd.s32 s21, s20  }
0x58: {  	v20 =	vshll.u32 v20, v1;
	v7 =	vmov s25;
	v5 =	vmul.u32 $0x1100, v3;
	v23 =	vld [tilespmem:s21+$0x10]  }
0x59: {  	s29 =	sshll.u32 s25, $0x5;
	v20 =	vbroadcast v20, $0x0;
	v3 =	vmov s22;
	v7 =	vshrl.u32 v7, $0x3;
	v24 =	vld [tilespmem:s21+$0x0]  }
0x5a: {  	s26 =	sshll.u32 s8, $0x5;
	s23 =	sadd.s32 s29, s20;
	v6 =	vshrl.u32 v3, $0x3;
	v3 =	vld [tilespmem:s28+$0x10];
	v7 =	vshll.u32 v7, v1;
	v9 =	vbroadcast v5, $0x0  }
0x5b: {  	s29 =	sshll.u32 s31, $0x5;
	v8 =	vld [tilespmem:s23+$0x0];
	s28 =	sadd.s32 s26, s20;
	v5 =	vshll.u32 v6, v1;
	v6 =	vmov s31;
	v26 =	vbroadcast v7, $0x0  }
0x5c: {  	s0 =	sshll.u32 s30, $0x5;
	s30 =	sadd.s32 s29, s20;
	v7 =	vld [tilespmem:s28+$0x10];
	v11 =	vbroadcast v5, $0x0;
	v6 =	vshrl.u32 v6, $0x3;
	v19 =	vadd.s32 v0, v9  }
0x5d: {  	v29 =	vld [tilespmem:s30+$0x0];
	v21 =	vadd.s32 v2, v9;
	v13 =	vshll.u32 v6, v1;
	v14 =	vadd.s32 v19, v10  }
0x5e: {  	v30 =	vld [tilespmem:s30+$0x10];
	v16 =	vadd.s32 v19, v11;
	v22 =	vadd.s32 v21, v10;
	v13 =	vbroadcast v13, $0x0  }
0x5f: {  	s22 =	sadd.s32 s0, s20;
	v5 =	vld [tilespmem:s23+$0x10];
	v11 =	vadd.s32 v21, v11;
	v25 =	vor.u32 $0x1, v16;
	v16 =	vshrl.u32 v18, $0x3  }
0x60: {  	v6 =	vld [tilespmem:s22+$0x10];
	v27 =	vor.u32 $0x1, v11;
	v18 =	vadd.s32 v19, v13;
	v11 =	vshll.u32 v16, v1  }
0x61: {  	s31 =	sshll.u32 s2, $0x5;
	v9 =	vld [tilespmem:s22+$0x0];
	v13 =	vadd.s32 v21, v13;
	v16 =	vadd.s32 v19, v26;
	v28 =	vor.u32 $0x2, v18  }
0x62: {  	s20 =	sadd.s32 s31, s20;
	v10 =	vld [tilespmem:s28+$0x0];
	v18 =	vbroadcast v11, $0x0;
	v31 =	vor.u32 $0x2, v13;
	v13 =	vadd.s32 v21, v26  }
0x63: {  	v11 =	vor.u32 $0x3, v16;
	v16 =	vshrl.u32 v12, $0x3;
	v12 =	vor.u32 $0x3, v13;
	v13 =	vld [tilespmem:s20+$0x0]  }
0x64: {  	v61 =	vshll.u32 v33, v1;
	v32 =	vshll.u32 v16, v1;
	v16 =	vld [tilespmem:s20+$0x10];
	[tilespmem:v14+s3+$0x0] =	vst.idx.msk $0xffff, v24  }
0x65: {  	v63 =	vadd.s32 v19, v20;
	v60 =	vadd.s32 v19, v18;
	v32 =	vbroadcast v32, $0x0;
	[tilespmem:v22+s3+$0x0] =	vst.idx.msk $0xffff, v23  }
0x66: {  	v18 =	vadd.s32 v21, v18;
	v14 =	vor.u32 $0x4, v60;
	v23 =	vbroadcast v61, $0x0;
	[tilespmem:v25+s3+$0x0] =	vst.idx.msk $0xffff, v15  }
0x67: {  	v22 =	vadd.s32 v19, v32;
	v15 =	vor.u32 $0x4, v18;
	v62 =	vadd.s32 v21, v32;
	[tilespmem:v27+s3+$0x0] =	vst.idx.msk $0xffff, v17  }
0x68: {  	v18 =	vadd.s32 v21, v20;
	v17 =	vor.u32 $0x6, v63;
	v20 =	vadd.s32 v19, v23;
	[tilespmem:v28+s3+$0x0] =	vst.idx.msk $0xffff, v29  }
0x69: {  	s10 =	simm.s32 $0x1;
	s20 =	simm.s32 $0x0;
	v19 =	vadd.s32 v21, v23;
	v21 =	vor.u32 $0x5, v22;
	v22 =	vor.u32 $0x5, v62;
	[tilespmem:v31+s3+$0x0] =	vst.idx.msk $0xffff, v30  }
.LBB2_2:
0x6a: {  	p0 =	sne.s32 s10, $0x7F  }
0x6b: {  	[tilespmem:v11+s3+$0x0] =	vst.idx.msk $0xffff, v8;
	s20 =	sadd.s32 $0x8, s20;
	s21 =	smov.u32 s10;
	s10 =	sadd.s32 $0x1, s10  }
0x6c: {  	[tilespmem:v12+s3+$0x0] =	vst.idx.msk $0xffff, v5;
	v5 =	vor.u32 $0x6, v18  }
0x6d: {  	v8 =	vor.u32 $0x7, v20;
	[tilespmem:v14+s3+$0x0] =	vst.idx.msk $0xffff, v13  }
0x6e: {  	v11 =	vor.u32 $0x7, v19;
	[tilespmem:v15+s3+$0x0] =	vst.idx.msk $0xffff, v16  }
0x6f: {  	[tilespmem:v21+s3+$0x0] =	vst.idx.msk $0xffff, v9  }
0x70: {  	s21 =	sshrl.u32 s21, $0x4;
	s23 =	sand.u32 $0x78, s20;
	[tilespmem:v22+s3+$0x0] =	vst.idx.msk $0xffff, v6  }
0x71: {  	s22 =	sshll.u32 s21, $0xE;
	s24 =	sor.u32 $0x1, s23;
	v9 =	vmov s23;
	v6 =	vmov s21;
	s21 =	sor.u32 $0x7, s23;
	[tilespmem:v17+s3+$0x0] =	vst.idx.msk $0xffff, v10  }
0x72: {  	s26 =	sor.u32 $0x3, s23;
	s25 =	sshra.s32 s22, $0x2;
	s22 =	sor.u32 $0x5, s23;
	v9 =	vshrl.u32 v9, $0x3;
	v6 =	vmul.u32 $0x1100, v6;
	v10 =	vmov s24;
	[tilespmem:v5+s3+$0x0] =	vst.idx.msk $0xffff, v7  }
0x73: {  	s28 =	sor.u32 $0x2, s23;
	s25 =	sor.u32 $0x800, s25;
	s24 =	sshll.u32 s24, $0x5;
	v5 =	vshll.u32 v9, v1;
	v7 =	vshrl.u32 v10, $0x3;
	v9 =	vmov s26;
	[tilespmem:v8+s3+$0x0] =	vst.idx.msk $0xffff, v4  }
0x74: {  	s30 =	sor.u32 $0x4, s23;
	s29 =	sadd.s32 s24, s25;
	s24 =	sor.u32 $0x6, s23;
	v4 =	vbroadcast v6, $0x0;
	v6 =	vshll.u32 v7, v1;
	v7 =	vmov s28;
	[tilespmem:v11+s3+$0x0] =	vst.idx.msk $0xffff, v3  }
0x75: {  	s0 =	sshll.u32 s21, $0x5;
	s23 =	sshll.u32 s23, $0x5;
	s31 =	sshll.u32 s24, $0x5;
	v5 =	vbroadcast v5, $0x0;
	v6 =	vbroadcast v6, $0x0;
	v3 =	vshrl.u32 v7, $0x3;
	v21 =	vld [tilespmem:s29+$0x10]  }
0x76: {  	s0 =	sadd.s32 s0, s25;
	s2 =	sadd.s32 s23, s25;
	s23 =	sadd.s32 s31, s25;
	v20 =	vadd.s32 v0, v4;
	v22 =	vadd.s32 v2, v4;
	v7 =	vshll.u32 v3, v1;
	v19 =	vld [tilespmem:s29+$0x0]  }
0x77: {  	s26 =	sshll.u32 s26, $0x5;
	v10 =	vmov s30;
	s28 =	sshll.u32 s28, $0x5;
	s29 =	sshll.u32 s30, $0x5;
	v17 =	vadd.s32 v20, v5;
	v8 =	vadd.s32 v20, v6;
	v3 =	vld [tilespmem:s0+$0x10]  }
0x78: {  	s26 =	sadd.s32 s26, s25;
	s28 =	sadd.s32 s28, s25;
	v23 =	vadd.s32 v22, v5;
	v6 =	vadd.s32 v22, v6;
	v7 =	vbroadcast v7, $0x0;
	s29 =	sadd.s32 s29, s25;
	v4 =	vld [tilespmem:s0+$0x0]  }
0x79: {  	v9 =	vshrl.u32 v9, $0x3;
	v10 =	vshrl.u32 v10, $0x3;
	v24 =	vor.u32 $0x1, v8;
	s0 =	sshll.u32 s22, $0x5;
	v5 =	vld [tilespmem:s26+$0x10]  }
0x7a: {  	v9 =	vshll.u32 v9, v1;
	v25 =	vor.u32 $0x1, v6;
	v11 =	vadd.s32 v20, v7;
	s0 =	sadd.s32 s0, s25;
	v8 =	vld [tilespmem:s26+$0x0]  }
0x7b: {  	v12 =	vbroadcast v9, $0x0;
	v26 =	vor.u32 $0x2, v11;
	v11 =	vadd.s32 v22, v7;
	v6 =	vld [tilespmem:s0+$0x10]  }
0x7c: {  	v13 =	vmov s22;
	v10 =	vshll.u32 v10, v1;
	v27 =	vor.u32 $0x2, v11;
	v7 =	vld [tilespmem:s23+$0x10]  }
0x7d: {  	v10 =	vbroadcast v10, $0x0;
	v11 =	vadd.s32 v20, v12;
	v12 =	vadd.s32 v22, v12;
	v9 =	vld [tilespmem:s0+$0x0]  }
0x7e: {  	v13 =	vshrl.u32 v13, $0x3;
	v16 =	vmov s24;
	v11 =	vor.u32 $0x3, v11;
	v28 =	vld [tilespmem:s2+$0x10]  }
0x7f: {  	v14 =	vadd.s32 v20, v10;
	v10 =	vadd.s32 v22, v10;
	v12 =	vor.u32 $0x3, v12;
	v29 =	vld [tilespmem:s28+$0x0]  }
0x80: {  	v14 =	vor.u32 $0x4, v14;
	v15 =	vor.u32 $0x4, v10;
	v10 =	vshll.u32 v13, v1;
	v18 =	vld [tilespmem:s2+$0x0]  }
0x81: {  	v31 =	vmov s21;
	v16 =	vshrl.u32 v16, $0x3;
	v30 =	vbroadcast v10, $0x0;
	v13 =	vld [tilespmem:s29+$0x0]  }
0x82: {  	v31 =	vshrl.u32 v31, $0x3;
	v16 =	vshll.u32 v16, v1;
	v10 =	vld [tilespmem:s23+$0x0]  }
0x83: {  	v34 =	vbroadcast v16, $0x0;
	v33 =	vadd.s32 v20, v30;
	v30 =	vadd.s32 v22, v30;
	v32 =	vld [tilespmem:s28+$0x10]  }
0x84: {  	v31 =	vshll.u32 v31, v1;
	v16 =	vld [tilespmem:s29+$0x10]  }
0x85: {  	v31 =	vbroadcast v31, $0x0;
	[tilespmem:v17+s3+$0x0] =	vst.idx.msk $0xffff, v18;
	v17 =	vadd.s32 v20, v34;
	v18 =	vadd.s32 v22, v34  }
.Ltmp0:
0x86: {  	[tilespmem:v23+s3+$0x0] =	vst.idx.msk $0xffff, v28;
	v17 =	vor.u32 $0x6, v17;
	(pc) =	sbr.rel @p0 .LBB2_2-.Ltmp0, $4  }
0x87: {  	v20 =	vadd.s32 v20, v31;
	[tilespmem:v24+s3+$0x0] =	vst.idx.msk $0xffff, v19;
	v19 =	vadd.s32 v22, v31  }
0x88: {  	[tilespmem:v25+s3+$0x0] =	vst.idx.msk $0xffff, v21  }
0x89: {  	v21 =	vor.u32 $0x5, v33;
	[tilespmem:v26+s3+$0x0] =	vst.idx.msk $0xffff, v29  }
0x8a: {  	v22 =	vor.u32 $0x5, v30;
	[tilespmem:v27+s3+$0x0] =	vst.idx.msk $0xffff, v32  }
0x8b: {  	_ =	sdelay $0x3  }
0x8c: {  	[tilespmem:v11+s3+$0x0] =	vst.idx.msk $0xffff, v8  }
0x8d: {  	[tilespmem:v12+s3+$0x0] =	vst.idx.msk $0xffff, v5  }
0x8e: {  	v61 =	vor.u32 $0x6, v18;
	[tilespmem:v14+s3+$0x0] =	vst.idx.msk $0xffff, v13  }
0x8f: {  	v62 =	vor.u32 $0x7, v20;
	[tilespmem:v15+s3+$0x0] =	vst.idx.msk $0xffff, v16  }
0x90: {  	v63 =	vor.u32 $0x7, v19;
	[tilespmem:v21+s3+$0x0] =	vst.idx.msk $0xffff, v9  }
0x91: {  	[tilespmem:v22+s3+$0x0] =	vst.idx.msk $0xffff, v6  }
0x92: {  	[tilespmem:v17+s3+$0x0] =	vst.idx.msk $0xffff, v10  }
0x93: {  	[tilespmem:v61+s3+$0x0] =	vst.idx.msk $0xffff, v7  }
0x94: {  	[tilespmem:v62+s3+$0x0] =	vst.idx.msk $0xffff, v4  }
0x95: {  	s10 =	simm.s32 $0x0;
	s0 =	simm.s32 $0x10800;
	s8 =	rddreg [dreg:$0x7];
	[tilespmem:v63+s3+$0x0] =	vst.idx.msk $0xffff, v3  }
0x96: {  	[hbm4b:s8+s10] =	stream.linear.scatter [tilespmem:s0], [sflag:$0x5], $0x80, $0x38;
	[tilespmem:$0x19000] =	vst v63  }
0x97: {  	s20 =	simm.s32 $0x10888;
	s2 =	sadd.s32 $0x10, s8  }
0x98: {  	[hbm4b:s2+s10] =	stream.linear.scatter [tilespmem:s20], [sflag:$0x5], $0x80, $0x38;
	[tilespmem:$0x19000] =	vst v63  }
0x99: {  	s21 =	simm.s32 $0x10910;
	s23 =	simm.s32 $0x10998;
	s22 =	sadd.s32 $0x20, s8  }
0x9a: {  	[hbm4b:s22+s10] =	stream.linear.scatter [tilespmem:s21], [sflag:$0x5], $0x80, $0x38;
	[tilespmem:$0x19000] =	vst v63  }
0x9b: {  	s25 =	simm.s32 $0x10A20;
	s28 =	simm.s32 $0x10AA8;
	s24 =	sadd.s32 $0x30, s8  }
0x9c: {  	[hbm4b:s24+s10] =	stream.linear.scatter [tilespmem:s23], [sflag:$0x5], $0x80, $0x38;
	[tilespmem:$0x19000] =	vst v63  }
0x9d: {  	s30 =	simm.s32 $0x10B30;
	s26 =	sadd.s32 $0x40, s8;
	s29 =	sadd.s32 $0x50, s8  }
0x9e: {  	[hbm4b:s26+s10] =	stream.linear.scatter [tilespmem:s25], [sflag:$0x5], $0x80, $0x38;
	[tilespmem:$0x19000] =	vst v63  }
0x9f: {  	s31 =	sadd.s32 $0x60, s8;
	s20 =	simm.s32 $0x440;
	s22 =	simm.s32 $0x2200  }
0xa0: {  	[hbm4b:s29+s10] =	stream.linear.scatter [tilespmem:s28], [sflag:$0x5], $0x80, $0x38;
	[tilespmem:$0x19000] =	vst v63  }
0xa1: {  	s21 =	sadd.s32 $0x1000, s8;
	s23 =	simm.s32 $0x10BB8;
	s24 =	sadd.s32 $0x70, s8  }
0xa2: {  	[hbm4b:s31+s10] =	stream.linear.scatter [tilespmem:s30], [sflag:$0x5], $0x80, $0x38;
	[tilespmem:$0x19000] =	vst v63  }
.LBB2_4:
0xa3: {  	[hbm4b:s24+s10] =	stream.linear.scatter [tilespmem:s23], [sflag:$0x5], $0x80, $0x38;
	[tilespmem:$0x19000] =	vst v63  }
0xa4: {  	s0 =	smov.u32 s20;
	s2 =	smov.u32 s22  }
0xa5: {  	s20 =	sshra.s32 s2, $0x2;
	s2 =	sadd.s32 $0x1100, s22;
	s23 =	sadd.s32 $0x10800, s0  }
0xa6: {  	[hbm4b:s21+s10] =	stream.linear.scatter [tilespmem:s23], [sflag:$0x5], $0x80, $0x38;
	[tilespmem:$0x19000] =	vst v63  }
0xa7: {  	p0 =	sne.s32 s22, $0x20F00;
	s22 =	sadd.s32 $0x10888, s0;
	s23 =	sadd.s32 $0x10, s21  }
0xa8: {  	[hbm4b:s23+s10] =	stream.linear.scatter [tilespmem:s22], [sflag:$0x5], $0x80, $0x38;
	[tilespmem:$0x19000] =	vst v63  }
0xa9: {  	s22 =	sadd.s32 $0x10910, s0;
	s23 =	sadd.s32 $0x20, s21  }
0xaa: {  	[hbm4b:s23+s10] =	stream.linear.scatter [tilespmem:s22], [sflag:$0x5], $0x80, $0x38;
	[tilespmem:$0x19000] =	vst v63  }
0xab: {  	s22 =	sadd.s32 $0x10998, s0;
	s23 =	sadd.s32 $0x30, s21  }
0xac: {  	[hbm4b:s23+s10] =	stream.linear.scatter [tilespmem:s22], [sflag:$0x5], $0x80, $0x38;
	[tilespmem:$0x19000] =	vst v63  }
0xad: {  	s22 =	sadd.s32 $0x10A20, s0;
	s23 =	sadd.s32 $0x40, s21  }
0xae: {  	[hbm4b:s23+s10] =	stream.linear.scatter [tilespmem:s22], [sflag:$0x5], $0x80, $0x38;
	[tilespmem:$0x19000] =	vst v63  }
.Ltmp1:
0xaf: {  	s22 =	sadd.s32 $0x10AA8, s0;
	s23 =	sadd.s32 $0x50, s21;
	(pc) =	sbr.rel @p0 .LBB2_4-.Ltmp1, $4  }
0xb0: {  	[hbm4b:s23+s10] =	stream.linear.scatter [tilespmem:s22], [sflag:$0x5], $0x80, $0x38;
	[tilespmem:$0x19000] =	vst v63  }
0xb1: {  	s24 =	sadd.s32 $0x70, s21;
	s22 =	sadd.s32 $0x10B30, s0;
	s23 =	sadd.s32 $0x60, s21  }
0xb2: {  	[hbm4b:s23+s10] =	stream.linear.scatter [tilespmem:s22], [sflag:$0x5], $0x80, $0x38;
	[tilespmem:$0x19000] =	vst v63  }
0xb3: {  	s21 =	sadd.s32 $0x1000, s21;
	s23 =	sadd.s32 $0x10BB8, s0;
	s22 =	smov.u32 s2  }
0xb4: {  	[hbm4b:s24+s10] =	stream.linear.scatter [tilespmem:s23], [sflag:$0x5], $0x80, $0x38;
	[tilespmem:$0x19000] =	vst v63  }
0xb5: {  	s0 =	sadd.s32 $0x10800, s20  }
0xb6: {  	[hbm4b:s21+s10] =	stream.linear.scatter [tilespmem:s0], [sflag:$0x5], $0x80, $0x38;
	[tilespmem:$0x19000] =	vst v63  }
0xb7: {  	s29 =	sadd.s32 $0x10888, s20;
	s2 =	sadd.s32 $0x10, s21  }
0xb8: {  	[hbm4b:s2+s10] =	stream.linear.scatter [tilespmem:s29], [sflag:$0x5], $0x80, $0x38;
	[tilespmem:$0x19000] =	vst v63  }
0xb9: {  	s30 =	sadd.s32 $0x10910, s20;
	s31 =	sadd.s32 $0x20, s21  }
0xba: {  	[hbm4b:s31+s10] =	stream.linear.scatter [tilespmem:s30], [sflag:$0x5], $0x80, $0x38;
	[tilespmem:$0x19000] =	vst v63  }
0xbb: {  	s8 =	sadd.s32 $0x10998, s20;
	s22 =	sadd.s32 $0x30, s21  }
0xbc: {  	[hbm4b:s22+s10] =	stream.linear.scatter [tilespmem:s8], [sflag:$0x5], $0x80, $0x38;
	[tilespmem:$0x19000] =	vst v63  }
0xbd: {  	s23 =	sadd.s32 $0x10A20, s20;
	s24 =	sadd.s32 $0x40, s21  }
0xbe: {  	[hbm4b:s24+s10] =	stream.linear.scatter [tilespmem:s23], [sflag:$0x5], $0x80, $0x38;
	[tilespmem:$0x19000] =	vst v63  }
0xbf: {  	s25 =	sadd.s32 $0x10AA8, s20;
	s26 =	sadd.s32 $0x50, s21  }
0xc0: {  	[hbm4b:s26+s10] =	stream.linear.scatter [tilespmem:s25], [sflag:$0x5], $0x80, $0x38;
	[tilespmem:$0x19000] =	vst v63  }
0xc1: {  	s28 =	sadd.s32 $0x10B30, s20;
	s29 =	sadd.s32 $0x60, s21  }
0xc2: {  	[hbm4b:s29+s10] =	stream.linear.scatter [tilespmem:s28], [sflag:$0x5], $0x80, $0x38;
	[tilespmem:$0x19000] =	vst v63  }
0xc3: {  	s30 =	sadd.s32 $0x10BB8, s20;
	s31 =	sadd.s32 $0x70, s21  }
0xc4: {  	[hbm4b:s31+s10] =	stream.linear.scatter [tilespmem:s30], [sflag:$0x5], $0x80, $0x38;
	[tilespmem:$0x19000] =	vst v63  }
.LBB2_6:
0xc5: {  	_ =	swait.ge [sflag:s18], $0x400  }
0xc6: {  	[sflag:s18] =	ssyncset.done $0x0  }
0xc7: {  	s20 =	simm.s32 $0x0;
	s0 =	simm.s32 $0x800;
	[sflag:s18] =	ssyncadd.s32 $0xFFFFFC00  }
0xc8: {  	[tilespmem:s0], [sflag:$0x3] =	stream.indirect.gather [hbm4b:s6+s19], $0x20, s20, s19, $0xb8;
	[tilespmem:$0x19000] =	vst v63  }
0xc9: {  	s2 =	simm.s32 $0x1800  }
0xca: {  	[tilespmem:s2], [sflag:$0x3] =	stream.indirect.gather [hbm4b:s6+s19], $0x20, s19, s19, $0xb8;
	[tilespmem:$0x19000] =	vst v63  }
0xcb: {  	s8 =	simm.s32 $0x100;
	s2 =	simm.s32 $0x2800  }
0xcc: {  	[tilespmem:s2], [sflag:$0x3] =	stream.indirect.gather [hbm4b:s6+s19], $0x20, s8, s19, $0xb8;
	[tilespmem:$0x19000] =	vst v63  }
0xcd: {  	s21 =	simm.s32 $0x180;
	s22 =	simm.s32 $0x3800  }
0xce: {  	[tilespmem:s22], [sflag:$0x3] =	stream.indirect.gather [hbm4b:s6+s19], $0x20, s21, s19, $0xb8;
	[tilespmem:$0x19000] =	vst v63  }
0xcf: {  	s23 =	simm.s32 $0x200;
	s24 =	simm.s32 $0x4800  }
0xd0: {  	[tilespmem:s24], [sflag:$0x3] =	stream.indirect.gather [hbm4b:s6+s19], $0x20, s23, s19, $0xb8;
	[tilespmem:$0x19000] =	vst v63  }
0xd1: {  	s25 =	simm.s32 $0x280;
	s26 =	simm.s32 $0x5800  }
0xd2: {  	[tilespmem:s26], [sflag:$0x3] =	stream.indirect.gather [hbm4b:s6+s19], $0x20, s25, s19, $0xb8;
	[tilespmem:$0x19000] =	vst v63  }
0xd3: {  	s28 =	simm.s32 $0x300;
	s29 =	simm.s32 $0x6800  }
0xd4: {  	[tilespmem:s29], [sflag:$0x3] =	stream.indirect.gather [hbm4b:s6+s19], $0x20, s28, s19, $0xb8;
	[tilespmem:$0x19000] =	vst v63  }
0xd5: {  	s30 =	simm.s32 $0x380;
	s31 =	simm.s32 $0x7800  }
0xd6: {  	[tilespmem:s31], [sflag:$0x3] =	stream.indirect.gather [hbm4b:s6+s19], $0x20, s30, s19, $0xb8;
	[tilespmem:$0x19000] =	vst v63  }
0xd7: {  	_ =	swait.ge [sflag:s15], $0x1000  }
0xd8: {  	[sflag:s15] =	ssyncset.done $0x0  }
0xd9: {  	[sflag:s15] =	ssyncadd.s32 $0xFFFFF000  }
0xda: {  	_ =	swait.ge [sflag:s15], $0x1000  }
0xdb: {  	[sflag:s15] =	ssyncset.done $0x0  }
0xdc: {  	[sflag:s15] =	ssyncadd.s32 $0xFFFFF000  }
0xdd: {  	_ =	swait.ge [sflag:s15], $0x1000  }
0xde: {  	[sflag:s15] =	ssyncset.done $0x0  }
0xdf: {  	[sflag:s15] =	ssyncadd.s32 $0xFFFFF000  }
0xe0: {  	_ =	swait.ge [sflag:s15], $0x1000  }
0xe1: {  	[sflag:s15] =	ssyncset.done $0x0  }
0xe2: {  	[sflag:s15] =	ssyncadd.s32 $0xFFFFF000  }
0xe3: {  	_ =	swait.ge [sflag:s15], $0x1000  }
0xe4: {  	[sflag:s15] =	ssyncset.done $0x0  }
0xe5: {  	[sflag:s15] =	ssyncadd.s32 $0xFFFFF000  }
0xe6: {  	_ =	swait.ge [sflag:s15], $0x1000  }
0xe7: {  	[sflag:s15] =	ssyncset.done $0x0  }
0xe8: {  	[sflag:s15] =	ssyncadd.s32 $0xFFFFF000  }
0xe9: {  	_ =	swait.ge [sflag:s15], $0x1000  }
0xea: {  	[sflag:s15] =	ssyncset.done $0x0  }
0xeb: {  	s21 =	sshll.u32 s10, $0x10;
	[sflag:s15] =	ssyncadd.s32 $0xFFFFF000  }
0xec: {  	s2 =	sadd.s32 s11, s21;
	_ =	swait.ge [sflag:s15], $0x1000  }
0xed: {  	s0 =	sshrl.u32 s2, $0x3;
	[sflag:s15] =	ssyncset.done $0x0  }
0xee: {  	s23 =	simm.s32 $0x0;
	s0 =	sadd.s32 s1, s0;
	[sflag:s15] =	ssyncadd.s32 $0xFFFFF000  }
0xef: {  	v3 =	vmov s23;
	[tilespmem:s9], [sflag:$0x2] =	stream.linear.gather [hbm4b:s0+s20], $0x400, $0x38;
	[tilespmem:$0x19000] =	vst v63  }
0xf0: {  	v5 =	vmul.u32 $0x1100, v3;
	s0 =	sand.u32 $0x78, s20  }
0xf1: {  	_ =	swait.ge [sflag:s16], $0x8000;
	s8 =	sor.u32 $0x1, s0  }
0xf2: {  	v9 =	vbroadcast v5, $0x0;
	[sflag:s16] =	ssyncset.done $0x0;
	s22 =	sshll.u32 s8, $0x5  }
0xf3: {  	s24 =	sor.u32 $0x7, s0;
	[sflag:s16] =	ssyncadd.s32 $0xFFFF8000;
	s22 =	sadd.s32 $0x8800, s22  }
0xf4: {  	v19 =	vadd.s32 v0, v9;
	v21 =	vadd.s32 v2, v9;
	v4 =	vmov s0;
	s25 =	sor.u32 $0x3, s0;
	s26 =	sshll.u32 s24, $0x5;
	v17 =	vld [tilespmem:s22+$0x10]  }
0xf5: {  	s30 =	sor.u32 $0x5, s0;
	v3 =	vmov s8;
	v4 =	vshrl.u32 v4, $0x3;
	v7 =	vmov s25;
	s28 =	sadd.s32 $0x8800, s26;
	v15 =	vld [tilespmem:s22+$0x0]  }
0xf6: {  	s8 =	sshll.u32 s30, $0x5;
	v12 =	vmov s30;
	v14 =	vmov s24;
	s24 =	sor.u32 $0x6, s0;
	v6 =	vshrl.u32 v3, $0x3;
	v3 =	vld [tilespmem:s28+$0x10]  }
0xf7: {  	s29 =	sshll.u32 s25, $0x5;
	v8 =	vshll.u32 v4, v1;
	s2 =	sadd.s32 $0x8800, s8;
	v20 =	vmov s24;
	v7 =	vshrl.u32 v7, $0x3;
	v4 =	vld [tilespmem:s28+$0x0]  }
0xf8: {  	s31 =	sor.u32 $0x2, s0;
	v32 =	vshrl.u32 v12, $0x3;
	v14 =	vshrl.u32 v14, $0x3;
	v5 =	vshll.u32 v6, v1;
	s22 =	sadd.s32 $0x8800, s29;
	v9 =	vld [tilespmem:s2+$0x0]  }
0xf9: {  	s26 =	sshll.u32 s0, $0x5;
	s0 =	sor.u32 $0x4, s0;
	v6 =	vmov s31;
	v10 =	vbroadcast v8, $0x0;
	v11 =	vbroadcast v5, $0x0;
	v5 =	vld [tilespmem:s22+$0x10]  }
0xfa: {  	s28 =	sadd.s32 $0x8800, s26;
	v22 =	vmov s0;
	v32 =	vshll.u32 v32, v1;
	v20 =	vshrl.u32 v20, $0x3;
	v8 =	vld [tilespmem:s22+$0x0]  }
0xfb: {  	s30 =	sshll.u32 s31, $0x5;
	v6 =	vshrl.u32 v6, $0x3;
	v24 =	vld [tilespmem:s28+$0x10];
	v32 =	vbroadcast v32, $0x0;
	v20 =	vshll.u32 v20, v1  }
0xfc: {  	s31 =	sadd.s32 $0x8800, s30;
	v25 =	vld [tilespmem:s28+$0x0];
	v13 =	vshll.u32 v6, v1;
	v18 =	vadd.s32 v19, v10;
	v23 =	vadd.s32 v21, v10  }
0xfd: {  	v29 =	vld [tilespmem:s31+$0x0];
	v16 =	vadd.s32 v19, v11;
	v10 =	vadd.s32 v21, v11;
	v11 =	vbroadcast v13, $0x0  }
0xfe: {  	s22 =	sshll.u32 s24, $0x5;
	v30 =	vld [tilespmem:s31+$0x10];
	v20 =	vbroadcast v20, $0x0;
	v26 =	vor.u32 $0x1, v16;
	v16 =	vshll.u32 v7, v1  }
0xff: {  	v6 =	vld [tilespmem:s2+$0x10];
	s29 =	sadd.s32 $0x8800, s22;
	v13 =	vshrl.u32 v22, $0x3;
	v27 =	vadd.s32 v19, v11;
	v16 =	vbroadcast v16, $0x0  }
0x100: {  	s0 =	sshll.u32 s0, $0x5;
	v22 =	vor.u32 $0x1, v10;
	v7 =	vld [tilespmem:s29+$0x10];
	v11 =	vadd.s32 v21, v11;
	v27 =	vor.u32 $0x2, v27  }
0x101: {  	s0 =	sadd.s32 $0x8800, s0;
	v10 =	vld [tilespmem:s29+$0x0];
	v28 =	vor.u32 $0x2, v11;
	v11 =	vshll.u32 v13, v1;
	v13 =	vadd.s32 v19, v16  }
0x102: {  	v16 =	vadd.s32 v21, v16;
	v31 =	vbroadcast v11, $0x0;
	v11 =	vor.u32 $0x3, v13;
	v13 =	vld [tilespmem:s0+$0x0]  }
0x103: {  	v60 =	vshll.u32 v14, v1;
	v12 =	vor.u32 $0x3, v16;
	v16 =	vld [tilespmem:s0+$0x10];
	[tilespmem:v18+s3+$0x0] =	vst.idx.msk $0xffff, v25  }
0x104: {  	v62 =	vadd.s32 v21, v32;
	v63 =	vadd.s32 v19, v20;
	[tilespmem:v23+s3+$0x0] =	vst.idx.msk $0xffff, v24  }
0x105: {  	v61 =	vbroadcast v60, $0x0;
	v33 =	vadd.s32 v19, v31;
	v18 =	vadd.s32 v21, v31;
	[tilespmem:v26+s3+$0x0] =	vst.idx.msk $0xffff, v15  }
0x106: {  	v23 =	vadd.s32 v19, v32;
	v15 =	vor.u32 $0x4, v18;
	v18 =	vadd.s32 v21, v20;
	[tilespmem:v22+s3+$0x0] =	vst.idx.msk $0xffff, v17  }
0x107: {  	v14 =	vor.u32 $0x4, v33;
	v20 =	vadd.s32 v19, v61;
	v19 =	vadd.s32 v21, v61;
	[tilespmem:v27+s3+$0x0] =	vst.idx.msk $0xffff, v29  }
0x108: {  	s22 =	simm.s32 $0x1;
	v21 =	vor.u32 $0x5, v23;
	v17 =	vor.u32 $0x6, v63;
	v22 =	vor.u32 $0x5, v62;
	[tilespmem:v28+s3+$0x0] =	vst.idx.msk $0xffff, v30  }
.LBB2_7:
0x109: {  	p0 =	sne.s32 s22, $0x7F  }
0x10a: {  	[tilespmem:v11+s3+$0x0] =	vst.idx.msk $0xffff, v8;
	s20 =	sadd.s32 $0x8, s20;
	s0 =	smov.u32 s22;
	s22 =	sadd.s32 $0x1, s22  }
0x10b: {  	[tilespmem:v12+s3+$0x0] =	vst.idx.msk $0xffff, v5;
	v5 =	vor.u32 $0x6, v18  }
0x10c: {  	v8 =	vor.u32 $0x7, v20;
	[tilespmem:v14+s3+$0x0] =	vst.idx.msk $0xffff, v13  }
0x10d: {  	v11 =	vor.u32 $0x7, v19;
	[tilespmem:v15+s3+$0x0] =	vst.idx.msk $0xffff, v16  }
0x10e: {  	[tilespmem:v21+s3+$0x0] =	vst.idx.msk $0xffff, v9  }
0x10f: {  	s0 =	sshrl.u32 s0, $0x4;
	s2 =	sand.u32 $0x78, s20;
	[tilespmem:v22+s3+$0x0] =	vst.idx.msk $0xffff, v6  }
0x110: {  	s25 =	sor.u32 $0x1, s2;
	s23 =	sor.u32 $0x7, s2;
	v9 =	vmov s2;
	v6 =	vmov s0;
	s0 =	sshll.u32 s0, $0xE;
	[tilespmem:v17+s3+$0x0] =	vst.idx.msk $0xffff, v10  }
0x111: {  	s28 =	sor.u32 $0x3, s2;
	s24 =	sor.u32 $0x5, s2;
	v9 =	vshrl.u32 v9, $0x3;
	s0 =	sshra.s32 s0, $0x2;
	v6 =	vmul.u32 $0x1100, v6;
	v10 =	vmov s25;
	[tilespmem:v5+s3+$0x0] =	vst.idx.msk $0xffff, v7  }
0x112: {  	s29 =	sor.u32 $0x2, s2;
	s25 =	sshll.u32 s25, $0x5;
	s0 =	sadd.s32 $0x8800, s0;
	v5 =	vshll.u32 v9, v1;
	v7 =	vshrl.u32 v10, $0x3;
	v9 =	vmov s28;
	[tilespmem:v8+s3+$0x0] =	vst.idx.msk $0xffff, v4  }
0x113: {  	s30 =	sor.u32 $0x4, s2;
	s26 =	sor.u32 $0x6, s2;
	s25 =	sadd.s32 s25, s0;
	v4 =	vbroadcast v6, $0x0;
	v6 =	vshll.u32 v7, v1;
	v7 =	vmov s29;
	[tilespmem:v11+s3+$0x0] =	vst.idx.msk $0xffff, v3  }
0x114: {  	s31 =	sshll.u32 s26, $0x5;
	s8 =	sshll.u32 s23, $0x5;
	s2 =	sshll.u32 s2, $0x5;
	v5 =	vbroadcast v5, $0x0;
	v6 =	vbroadcast v6, $0x0;
	v3 =	vshrl.u32 v7, $0x3;
	v21 =	vld [tilespmem:s25+$0x10]  }
0x115: {  	s2 =	sadd.s32 s2, s0;
	s8 =	sadd.s32 s8, s0;
	v20 =	vadd.s32 v0, v4;
	v22 =	vadd.s32 v2, v4;
	v7 =	vshll.u32 v3, v1;
	v19 =	vld [tilespmem:s25+$0x0];
	s25 =	sadd.s32 s31, s0  }
0x116: {  	s28 =	sshll.u32 s28, $0x5;
	v10 =	vmov s30;
	s29 =	sshll.u32 s29, $0x5;
	s31 =	sshll.u32 s30, $0x5;
	v17 =	vadd.s32 v20, v5;
	v8 =	vadd.s32 v20, v6;
	v3 =	vld [tilespmem:s8+$0x10]  }
0x117: {  	s28 =	sadd.s32 s28, s0;
	s29 =	sadd.s32 s29, s0;
	v23 =	vadd.s32 v22, v5;
	v6 =	vadd.s32 v22, v6;
	v7 =	vbroadcast v7, $0x0;
	s30 =	sadd.s32 s31, s0;
	v4 =	vld [tilespmem:s8+$0x0]  }
0x118: {  	v9 =	vshrl.u32 v9, $0x3;
	v10 =	vshrl.u32 v10, $0x3;
	v24 =	vor.u32 $0x1, v8;
	s8 =	sshll.u32 s24, $0x5;
	v5 =	vld [tilespmem:s28+$0x10]  }
0x119: {  	v9 =	vshll.u32 v9, v1;
	v25 =	vor.u32 $0x1, v6;
	v11 =	vadd.s32 v20, v7;
	s0 =	sadd.s32 s8, s0;
	v8 =	vld [tilespmem:s28+$0x0]  }
0x11a: {  	v12 =	vbroadcast v9, $0x0;
	v26 =	vor.u32 $0x2, v11;
	v11 =	vadd.s32 v22, v7;
	v6 =	vld [tilespmem:s0+$0x10]  }
0x11b: {  	v13 =	vmov s24;
	v10 =	vshll.u32 v10, v1;
	v27 =	vor.u32 $0x2, v11;
	v7 =	vld [tilespmem:s25+$0x10]  }
0x11c: {  	v10 =	vbroadcast v10, $0x0;
	v11 =	vadd.s32 v20, v12;
	v12 =	vadd.s32 v22, v12;
	v9 =	vld [tilespmem:s0+$0x0]  }
0x11d: {  	v16 =	vmov s26;
	v13 =	vshrl.u32 v13, $0x3;
	v11 =	vor.u32 $0x3, v11;
	v28 =	vld [tilespmem:s2+$0x10]  }
0x11e: {  	v14 =	vadd.s32 v20, v10;
	v10 =	vadd.s32 v22, v10;
	v12 =	vor.u32 $0x3, v12;
	v29 =	vld [tilespmem:s29+$0x0]  }
0x11f: {  	v14 =	vor.u32 $0x4, v14;
	v15 =	vor.u32 $0x4, v10;
	v10 =	vshll.u32 v13, v1;
	v18 =	vld [tilespmem:s2+$0x0]  }
0x120: {  	v31 =	vmov s23;
	v16 =	vshrl.u32 v16, $0x3;
	v30 =	vbroadcast v10, $0x0;
	v13 =	vld [tilespmem:s30+$0x0]  }
0x121: {  	v31 =	vshrl.u32 v31, $0x3;
	v16 =	vshll.u32 v16, v1;
	v10 =	vld [tilespmem:s25+$0x0]  }
0x122: {  	v34 =	vbroadcast v16, $0x0;
	v33 =	vadd.s32 v20, v30;
	v30 =	vadd.s32 v22, v30;
	v32 =	vld [tilespmem:s29+$0x10]  }
0x123: {  	v31 =	vshll.u32 v31, v1;
	v16 =	vld [tilespmem:s30+$0x10]  }
0x124: {  	v31 =	vbroadcast v31, $0x0;
	[tilespmem:v17+s3+$0x0] =	vst.idx.msk $0xffff, v18;
	v17 =	vadd.s32 v20, v34;
	v18 =	vadd.s32 v22, v34  }
.Ltmp2:
0x125: {  	[tilespmem:v23+s3+$0x0] =	vst.idx.msk $0xffff, v28;
	v17 =	vor.u32 $0x6, v17;
	(pc) =	sbr.rel @p0 .LBB2_7-.Ltmp2, $4  }
0x126: {  	v20 =	vadd.s32 v20, v31;
	[tilespmem:v24+s3+$0x0] =	vst.idx.msk $0xffff, v19;
	v19 =	vadd.s32 v22, v31  }
0x127: {  	[tilespmem:v25+s3+$0x0] =	vst.idx.msk $0xffff, v21  }
0x128: {  	v21 =	vor.u32 $0x5, v33;
	[tilespmem:v26+s3+$0x0] =	vst.idx.msk $0xffff, v29  }
0x129: {  	v22 =	vor.u32 $0x5, v30;
	[tilespmem:v27+s3+$0x0] =	vst.idx.msk $0xffff, v32  }
0x12a: {  	_ =	sdelay $0x3  }
0x12b: {  	[tilespmem:v11+s3+$0x0] =	vst.idx.msk $0xffff, v8  }
0x12c: {  	[tilespmem:v12+s3+$0x0] =	vst.idx.msk $0xffff, v5  }
0x12d: {  	v61 =	vor.u32 $0x6, v18;
	[tilespmem:v14+s3+$0x0] =	vst.idx.msk $0xffff, v13  }
0x12e: {  	v62 =	vor.u32 $0x7, v20;
	[tilespmem:v15+s3+$0x0] =	vst.idx.msk $0xffff, v16  }
0x12f: {  	v63 =	vor.u32 $0x7, v19;
	[tilespmem:v21+s3+$0x0] =	vst.idx.msk $0xffff, v9  }
0x130: {  	[tilespmem:v22+s3+$0x0] =	vst.idx.msk $0xffff, v6  }
0x131: {  	s20 =	sshll.u32 s10, $0x15;
	[tilespmem:v17+s3+$0x0] =	vst.idx.msk $0xffff, v10  }
0x132: {  	s0 =	sor.u32 s5, s20;
	[tilespmem:v61+s3+$0x0] =	vst.idx.msk $0xffff, v7  }
0x133: {  	s0 =	sshrl.u32 s0, $0x3;
	[tilespmem:v62+s3+$0x0] =	vst.idx.msk $0xffff, v4  }
0x134: {  	s2 =	simm.s32 $0x10800;
	s0 =	sadd.s32 s0, s14;
	[tilespmem:v63+s3+$0x0] =	vst.idx.msk $0xffff, v3  }
0x135: {  	[hbm4b:s0+s4] =	stream.linear.scatter [tilespmem:s2], [sflag:$0x5], $0x80, $0x38;
	[tilespmem:$0x19000] =	vst v63  }
0x136: {  	s31 =	simm.s32 $0x10888;
	s8 =	sadd.s32 $0x10, s0  }
0x137: {  	[hbm4b:s8+s4] =	stream.linear.scatter [tilespmem:s31], [sflag:$0x5], $0x80, $0x38;
	[tilespmem:$0x19000] =	vst v63  }
0x138: {  	s23 =	simm.s32 $0x10998;
	s22 =	sadd.s32 $0x20, s0;
	s8 =	simm.s32 $0x10910  }
0x139: {  	[hbm4b:s22+s4] =	stream.linear.scatter [tilespmem:s8], [sflag:$0x5], $0x80, $0x38;
	[tilespmem:$0x19000] =	vst v63  }
0x13a: {  	s25 =	simm.s32 $0x10A20;
	s28 =	simm.s32 $0x10AA8;
	s24 =	sadd.s32 $0x30, s0  }
0x13b: {  	[hbm4b:s24+s4] =	stream.linear.scatter [tilespmem:s23], [sflag:$0x5], $0x80, $0x38;
	[tilespmem:$0x19000] =	vst v63  }
0x13c: {  	s30 =	simm.s32 $0x10B30;
	s26 =	sadd.s32 $0x40, s0;
	s29 =	sadd.s32 $0x50, s0  }
0x13d: {  	[hbm4b:s26+s4] =	stream.linear.scatter [tilespmem:s25], [sflag:$0x5], $0x80, $0x38;
	[tilespmem:$0x19000] =	vst v63  }
0x13e: {  	s31 =	sadd.s32 $0x60, s0;
	s22 =	simm.s32 $0x440;
	s24 =	simm.s32 $0x2200  }
0x13f: {  	[hbm4b:s29+s4] =	stream.linear.scatter [tilespmem:s28], [sflag:$0x5], $0x80, $0x38;
	[tilespmem:$0x19000] =	vst v63  }
0x140: {  	s23 =	sadd.s32 $0x1000, s0;
	s25 =	simm.s32 $0x10BB8;
	s26 =	sadd.s32 $0x70, s0  }
0x141: {  	[hbm4b:s31+s4] =	stream.linear.scatter [tilespmem:s30], [sflag:$0x5], $0x80, $0x38;
	[tilespmem:$0x19000] =	vst v63  }
.LBB2_9:
0x142: {  	[hbm4b:s26+s4] =	stream.linear.scatter [tilespmem:s25], [sflag:$0x5], $0x80, $0x38;
	[tilespmem:$0x19000] =	vst v63  }
0x143: {  	s0 =	smov.u32 s22;
	s2 =	smov.u32 s24  }
0x144: {  	s22 =	sshra.s32 s2, $0x2;
	s2 =	sadd.s32 $0x1100, s24;
	s8 =	sadd.s32 $0x10800, s0  }
0x145: {  	[hbm4b:s23+s4] =	stream.linear.scatter [tilespmem:s8], [sflag:$0x5], $0x80, $0x38;
	[tilespmem:$0x19000] =	vst v63  }
0x146: {  	p0 =	sne.s32 s24, $0x20F00;
	s24 =	sadd.s32 $0x10, s23;
	s8 =	sadd.s32 $0x10888, s0  }
0x147: {  	[hbm4b:s24+s4] =	stream.linear.scatter [tilespmem:s8], [sflag:$0x5], $0x80, $0x38;
	[tilespmem:$0x19000] =	vst v63  }
0x148: {  	s8 =	sadd.s32 $0x10910, s0;
	s24 =	sadd.s32 $0x20, s23  }
0x149: {  	[hbm4b:s24+s4] =	stream.linear.scatter [tilespmem:s8], [sflag:$0x5], $0x80, $0x38;
	[tilespmem:$0x19000] =	vst v63  }
0x14a: {  	s8 =	sadd.s32 $0x10998, s0;
	s24 =	sadd.s32 $0x30, s23  }
0x14b: {  	[hbm4b:s24+s4] =	stream.linear.scatter [tilespmem:s8], [sflag:$0x5], $0x80, $0x38;
	[tilespmem:$0x19000] =	vst v63  }
0x14c: {  	s8 =	sadd.s32 $0x10A20, s0;
	s24 =	sadd.s32 $0x40, s23  }
0x14d: {  	[hbm4b:s24+s4] =	stream.linear.scatter [tilespmem:s8], [sflag:$0x5], $0x80, $0x38;
	[tilespmem:$0x19000] =	vst v63  }
.Ltmp3:
0x14e: {  	s8 =	sadd.s32 $0x10AA8, s0;
	s24 =	sadd.s32 $0x50, s23;
	(pc) =	sbr.rel @p0 .LBB2_9-.Ltmp3, $4  }
0x14f: {  	[hbm4b:s24+s4] =	stream.linear.scatter [tilespmem:s8], [sflag:$0x5], $0x80, $0x38;
	[tilespmem:$0x19000] =	vst v63  }
0x150: {  	s26 =	sadd.s32 $0x70, s23;
	s8 =	sadd.s32 $0x10B30, s0;
	s24 =	sadd.s32 $0x60, s23  }
0x151: {  	[hbm4b:s24+s4] =	stream.linear.scatter [tilespmem:s8], [sflag:$0x5], $0x80, $0x38;
	[tilespmem:$0x19000] =	vst v63  }
0x152: {  	s25 =	sadd.s32 $0x10BB8, s0;
	s23 =	sadd.s32 $0x1000, s23;
	s24 =	smov.u32 s2  }
0x153: {  	[hbm4b:s26+s4] =	stream.linear.scatter [tilespmem:s25], [sflag:$0x5], $0x80, $0x38;
	[tilespmem:$0x19000] =	vst v63  }
0x154: {  	s0 =	sadd.s32 $0x10800, s22  }
0x155: {  	[hbm4b:s23+s4] =	stream.linear.scatter [tilespmem:s0], [sflag:$0x5], $0x80, $0x38;
	[tilespmem:$0x19000] =	vst v63  }
0x156: {  	s26 =	sadd.s32 $0x10888, s22;
	s2 =	sadd.s32 $0x10, s23  }
0x157: {  	[hbm4b:s2+s4] =	stream.linear.scatter [tilespmem:s26], [sflag:$0x5], $0x80, $0x38;
	[tilespmem:$0x19000] =	vst v63  }
0x158: {  	s28 =	sadd.s32 $0x10910, s22;
	s29 =	sadd.s32 $0x20, s23  }
0x159: {  	[hbm4b:s29+s4] =	stream.linear.scatter [tilespmem:s28], [sflag:$0x5], $0x80, $0x38;
	[tilespmem:$0x19000] =	vst v63  }
0x15a: {  	s30 =	sadd.s32 $0x10998, s22;
	s31 =	sadd.s32 $0x30, s23  }
0x15b: {  	[hbm4b:s31+s4] =	stream.linear.scatter [tilespmem:s30], [sflag:$0x5], $0x80, $0x38;
	[tilespmem:$0x19000] =	vst v63  }
0x15c: {  	s8 =	sadd.s32 $0x10A20, s22;
	s24 =	sadd.s32 $0x40, s23  }
0x15d: {  	[hbm4b:s24+s4] =	stream.linear.scatter [tilespmem:s8], [sflag:$0x5], $0x80, $0x38;
	[tilespmem:$0x19000] =	vst v63  }
0x15e: {  	s25 =	sadd.s32 $0x10AA8, s22;
	s26 =	sadd.s32 $0x50, s23  }
0x15f: {  	[hbm4b:s26+s4] =	stream.linear.scatter [tilespmem:s25], [sflag:$0x5], $0x80, $0x38;
	[tilespmem:$0x19000] =	vst v63  }
0x160: {  	s28 =	sadd.s32 $0x10B30, s22;
	s29 =	sadd.s32 $0x60, s23  }
0x161: {  	[hbm4b:s29+s4] =	stream.linear.scatter [tilespmem:s28], [sflag:$0x5], $0x80, $0x38;
	[tilespmem:$0x19000] =	vst v63  }
0x162: {  	s30 =	sadd.s32 $0x10BB8, s22;
	s31 =	sadd.s32 $0x70, s23  }
0x163: {  	[hbm4b:s31+s4] =	stream.linear.scatter [tilespmem:s30], [sflag:$0x5], $0x80, $0x38;
	[tilespmem:$0x19000] =	vst v63  }
0x164: {  	_ =	swait.ge [sflag:s7], $0x400  }
0x165: {  	[sflag:s7] =	ssyncset.done $0x0  }
0x166: {  	s2 =	simm.s32 $0x8800;
	[sflag:s7] =	ssyncadd.s32 $0xFFFFFC00  }
0x167: {  	[tilespmem:s2], [sflag:$0x4] =	stream.indirect.gather [hbm4b:s6+s19], $0x20, s9, s19, $0xb8;
	[tilespmem:$0x19000] =	vst v63  }
0x168: {  	s22 =	simm.s32 $0x9800;
	s8 =	simm.s32 $0x480  }
0x169: {  	[tilespmem:s22], [sflag:$0x4] =	stream.indirect.gather [hbm4b:s6+s19], $0x20, s8, s19, $0xb8;
	[tilespmem:$0x19000] =	vst v63  }
0x16a: {  	s23 =	simm.s32 $0x500;
	s24 =	simm.s32 $0xA800  }
0x16b: {  	[tilespmem:s24], [sflag:$0x4] =	stream.indirect.gather [hbm4b:s6+s19], $0x20, s23, s19, $0xb8;
	[tilespmem:$0x19000] =	vst v63  }
0x16c: {  	s25 =	simm.s32 $0x580;
	s26 =	simm.s32 $0xB800  }
0x16d: {  	[tilespmem:s26], [sflag:$0x4] =	stream.indirect.gather [hbm4b:s6+s19], $0x20, s25, s19, $0xb8;
	[tilespmem:$0x19000] =	vst v63  }
0x16e: {  	s28 =	simm.s32 $0x600;
	s29 =	simm.s32 $0xC800  }
0x16f: {  	[tilespmem:s29], [sflag:$0x4] =	stream.indirect.gather [hbm4b:s6+s19], $0x20, s28, s19, $0xb8;
	[tilespmem:$0x19000] =	vst v63  }
0x170: {  	s30 =	simm.s32 $0x680;
	s31 =	simm.s32 $0xD800  }
0x171: {  	[tilespmem:s31], [sflag:$0x4] =	stream.indirect.gather [hbm4b:s6+s19], $0x20, s30, s19, $0xb8;
	[tilespmem:$0x19000] =	vst v63  }
0x172: {  	s8 =	simm.s32 $0x700;
	s22 =	simm.s32 $0xE800  }
0x173: {  	[tilespmem:s22], [sflag:$0x4] =	stream.indirect.gather [hbm4b:s6+s19], $0x20, s8, s19, $0xb8;
	[tilespmem:$0x19000] =	vst v63  }
0x174: {  	s23 =	simm.s32 $0x780;
	s24 =	simm.s32 $0xF800  }
0x175: {  	[tilespmem:s24], [sflag:$0x4] =	stream.indirect.gather [hbm4b:s6+s19], $0x20, s23, s19, $0xb8;
	[tilespmem:$0x19000] =	vst v63  }
0x176: {  	_ =	swait.ge [sflag:s17], $0x1000  }
0x177: {  	[sflag:s17] =	ssyncset.done $0x0  }
0x178: {  	[sflag:s17] =	ssyncadd.s32 $0xFFFFF000  }
0x179: {  	_ =	swait.ge [sflag:s17], $0x1000  }
0x17a: {  	[sflag:s17] =	ssyncset.done $0x0  }
0x17b: {  	[sflag:s17] =	ssyncadd.s32 $0xFFFFF000  }
0x17c: {  	_ =	swait.ge [sflag:s17], $0x1000  }
0x17d: {  	[sflag:s17] =	ssyncset.done $0x0  }
0x17e: {  	[sflag:s17] =	ssyncadd.s32 $0xFFFFF000  }
0x17f: {  	_ =	swait.ge [sflag:s17], $0x1000  }
0x180: {  	[sflag:s17] =	ssyncset.done $0x0  }
0x181: {  	[sflag:s17] =	ssyncadd.s32 $0xFFFFF000  }
0x182: {  	_ =	swait.ge [sflag:s17], $0x1000  }
0x183: {  	[sflag:s17] =	ssyncset.done $0x0  }
0x184: {  	[sflag:s17] =	ssyncadd.s32 $0xFFFFF000  }
0x185: {  	_ =	swait.ge [sflag:s17], $0x1000  }
0x186: {  	[sflag:s17] =	ssyncset.done $0x0  }
0x187: {  	[sflag:s17] =	ssyncadd.s32 $0xFFFFF000  }
0x188: {  	_ =	swait.ge [sflag:s17], $0x1000  }
0x189: {  	[sflag:s17] =	ssyncset.done $0x0  }
0x18a: {  	[sflag:s17] =	ssyncadd.s32 $0xFFFFF000  }
0x18b: {  	s25 =	sadd.s32 s12, s21;
	_ =	swait.ge [sflag:s17], $0x1000  }
0x18c: {  	s21 =	simm.s32 $0x0;
	s0 =	sshrl.u32 s25, $0x3;
	[sflag:s17] =	ssyncset.done $0x0  }
0x18d: {  	s0 =	sadd.s32 s1, s0;
	s29 =	simm.s32 $0x0;
	[sflag:s17] =	ssyncadd.s32 $0xFFFFF000  }
0x18e: {  	v3 =	vmov s29;
	[tilespmem:s21], [sflag:$0x1] =	stream.linear.gather [hbm4b:s0+s21], $0x400, $0x38;
	[tilespmem:$0x19000] =	vst v63  }
0x18f: {  	v5 =	vmul.u32 $0x1100, v3;
	s0 =	sand.u32 $0x78, s21  }
0x190: {  	s8 =	simm.s32 $0x0;
	_ =	swait.ge [sflag:s16], $0x8000;
	s26 =	sor.u32 $0x1, s0  }
0x191: {  	v9 =	vbroadcast v5, $0x0;
	s22 =	sor.u32 $0x800, s8;
	[sflag:s16] =	ssyncset.done $0x0;
	s28 =	sshll.u32 s26, $0x5  }
0x192: {  	s24 =	sor.u32 $0x7, s0;
	[sflag:s16] =	ssyncadd.s32 $0xFFFF8000;
	s8 =	sadd.s32 s28, s22  }
0x193: {  	v19 =	vadd.s32 v0, v9;
	v21 =	vadd.s32 v2, v9;
	v4 =	vmov s0;
	s31 =	sor.u32 $0x3, s0;
	s30 =	sshll.u32 s24, $0x5;
	v17 =	vld [tilespmem:s8+$0x10]  }
0x194: {  	s29 =	sor.u32 $0x5, s0;
	v3 =	vmov s26;
	v4 =	vshrl.u32 v4, $0x3;
	v7 =	vmov s31;
	s26 =	sadd.s32 s30, s22;
	v15 =	vld [tilespmem:s8+$0x0]  }
0x195: {  	v12 =	vmov s29;
	v14 =	vmov s24;
	s24 =	sor.u32 $0x6, s0;
	v6 =	vshrl.u32 v3, $0x3;
	s28 =	sshll.u32 s31, $0x5;
	v3 =	vld [tilespmem:s26+$0x10]  }
0x196: {  	v8 =	vshll.u32 v4, v1;
	v20 =	vmov s24;
	v5 =	vshll.u32 v6, v1;
	s8 =	sadd.s32 s28, s22;
	v4 =	vld [tilespmem:s26+$0x0]  }
0x197: {  	s30 =	sor.u32 $0x2, s0;
	s31 =	sshll.u32 s29, $0x5;
	v7 =	vshrl.u32 v7, $0x3;
	v32 =	vshrl.u32 v12, $0x3;
	v11 =	vbroadcast v5, $0x0;
	v5 =	vld [tilespmem:s8+$0x10]  }
0x198: {  	v14 =	vshrl.u32 v14, $0x3;
	v6 =	vmov s30;
	v10 =	vbroadcast v8, $0x0;
	s2 =	sadd.s32 s31, s22;
	v8 =	vld [tilespmem:s8+$0x0]  }
0x199: {  	s26 =	sshll.u32 s0, $0x5;
	s0 =	sor.u32 $0x4, s0;
	v32 =	vshll.u32 v32, v1;
	v20 =	vshrl.u32 v20, $0x3;
	v6 =	vshrl.u32 v6, $0x3;
	v9 =	vld [tilespmem:s2+$0x0]  }
0x19a: {  	s28 =	sadd.s32 s26, s22;
	v22 =	vmov s0;
	v32 =	vbroadcast v32, $0x0;
	v13 =	vshll.u32 v6, v1;
	v6 =	vld [tilespmem:s2+$0x10]  }
0x19b: {  	s30 =	sshll.u32 s30, $0x5;
	v20 =	vshll.u32 v20, v1;
	v18 =	vadd.s32 v19, v10;
	v23 =	vadd.s32 v21, v10;
	v24 =	vld [tilespmem:s28+$0x10]  }
0x19c: {  	s31 =	sadd.s32 s30, s22;
	v25 =	vld [tilespmem:s28+$0x0];
	v16 =	vadd.s32 v19, v11;
	v10 =	vadd.s32 v21, v11;
	v11 =	vbroadcast v13, $0x0  }
0x19d: {  	s8 =	sshll.u32 s24, $0x5;
	v29 =	vld [tilespmem:s31+$0x0];
	v20 =	vbroadcast v20, $0x0;
	v26 =	vor.u32 $0x1, v16;
	v16 =	vshll.u32 v7, v1  }
0x19e: {  	s29 =	sadd.s32 s8, s22;
	v30 =	vld [tilespmem:s31+$0x10];
	v13 =	vshrl.u32 v22, $0x3;
	v27 =	vadd.s32 v19, v11;
	v16 =	vbroadcast v16, $0x0  }
0x19f: {  	s0 =	sshll.u32 s0, $0x5;
	v22 =	vor.u32 $0x1, v10;
	v7 =	vld [tilespmem:s29+$0x10];
	v11 =	vadd.s32 v21, v11;
	v27 =	vor.u32 $0x2, v27  }
0x1a0: {  	s0 =	sadd.s32 s0, s22;
	v10 =	vld [tilespmem:s29+$0x0];
	v28 =	vor.u32 $0x2, v11;
	v11 =	vshll.u32 v13, v1;
	v13 =	vadd.s32 v19, v16  }
0x1a1: {  	v16 =	vadd.s32 v21, v16;
	v31 =	vbroadcast v11, $0x0;
	v11 =	vor.u32 $0x3, v13;
	v13 =	vld [tilespmem:s0+$0x0]  }
0x1a2: {  	v60 =	vshll.u32 v14, v1;
	v12 =	vor.u32 $0x3, v16;
	v16 =	vld [tilespmem:s0+$0x10];
	[tilespmem:v18+s3+$0x0] =	vst.idx.msk $0xffff, v25  }
0x1a3: {  	v62 =	vadd.s32 v21, v32;
	v63 =	vadd.s32 v19, v20;
	[tilespmem:v23+s3+$0x0] =	vst.idx.msk $0xffff, v24  }
0x1a4: {  	v61 =	vbroadcast v60, $0x0;
	v33 =	vadd.s32 v19, v31;
	v18 =	vadd.s32 v21, v31;
	[tilespmem:v26+s3+$0x0] =	vst.idx.msk $0xffff, v15  }
0x1a5: {  	v23 =	vadd.s32 v19, v32;
	v15 =	vor.u32 $0x4, v18;
	v18 =	vadd.s32 v21, v20;
	[tilespmem:v22+s3+$0x0] =	vst.idx.msk $0xffff, v17  }
0x1a6: {  	v14 =	vor.u32 $0x4, v33;
	v20 =	vadd.s32 v19, v61;
	v19 =	vadd.s32 v21, v61;
	[tilespmem:v27+s3+$0x0] =	vst.idx.msk $0xffff, v29  }
0x1a7: {  	s22 =	simm.s32 $0x1;
	v21 =	vor.u32 $0x5, v23;
	v17 =	vor.u32 $0x6, v63;
	v22 =	vor.u32 $0x5, v62;
	[tilespmem:v28+s3+$0x0] =	vst.idx.msk $0xffff, v30  }
.LBB2_11:
0x1a8: {  	p0 =	sne.s32 s22, $0x7F  }
0x1a9: {  	[tilespmem:v11+s3+$0x0] =	vst.idx.msk $0xffff, v8;
	s21 =	sadd.s32 $0x8, s21;
	s0 =	smov.u32 s22;
	s22 =	sadd.s32 $0x1, s22  }
0x1aa: {  	[tilespmem:v12+s3+$0x0] =	vst.idx.msk $0xffff, v5;
	v5 =	vor.u32 $0x6, v18  }
0x1ab: {  	v8 =	vor.u32 $0x7, v20;
	[tilespmem:v14+s3+$0x0] =	vst.idx.msk $0xffff, v13  }
0x1ac: {  	v11 =	vor.u32 $0x7, v19;
	[tilespmem:v15+s3+$0x0] =	vst.idx.msk $0xffff, v16  }
0x1ad: {  	[tilespmem:v21+s3+$0x0] =	vst.idx.msk $0xffff, v9  }
0x1ae: {  	s0 =	sshrl.u32 s0, $0x4;
	s2 =	sand.u32 $0x78, s21;
	[tilespmem:v22+s3+$0x0] =	vst.idx.msk $0xffff, v6  }
0x1af: {  	s8 =	sor.u32 $0x1, s2;
	s23 =	sor.u32 $0x7, s2;
	v9 =	vmov s2;
	v6 =	vmov s0;
	s0 =	sshll.u32 s0, $0xE;
	[tilespmem:v17+s3+$0x0] =	vst.idx.msk $0xffff, v10  }
0x1b0: {  	s28 =	sor.u32 $0x3, s2;
	s24 =	sor.u32 $0x5, s2;
	v9 =	vshrl.u32 v9, $0x3;
	s0 =	sshra.s32 s0, $0x2;
	v6 =	vmul.u32 $0x1100, v6;
	v10 =	vmov s8;
	[tilespmem:v5+s3+$0x0] =	vst.idx.msk $0xffff, v7  }
0x1b1: {  	s29 =	sor.u32 $0x2, s2;
	s8 =	sshll.u32 s8, $0x5;
	s0 =	sor.u32 $0x800, s0;
	v5 =	vshll.u32 v9, v1;
	v7 =	vshrl.u32 v10, $0x3;
	v9 =	vmov s28;
	[tilespmem:v8+s3+$0x0] =	vst.idx.msk $0xffff, v4  }
0x1b2: {  	s30 =	sor.u32 $0x4, s2;
	s26 =	sor.u32 $0x6, s2;
	s8 =	sadd.s32 s8, s0;
	v4 =	vbroadcast v6, $0x0;
	v6 =	vshll.u32 v7, v1;
	v7 =	vmov s29;
	[tilespmem:v11+s3+$0x0] =	vst.idx.msk $0xffff, v3  }
0x1b3: {  	s25 =	sshll.u32 s26, $0x5;
	s31 =	sshll.u32 s23, $0x5;
	s2 =	sshll.u32 s2, $0x5;
	v5 =	vbroadcast v5, $0x0;
	v6 =	vbroadcast v6, $0x0;
	v3 =	vshrl.u32 v7, $0x3;
	v21 =	vld [tilespmem:s8+$0x10]  }
0x1b4: {  	s2 =	sadd.s32 s2, s0;
	s25 =	sadd.s32 s25, s0;
	v20 =	vadd.s32 v0, v4;
	v22 =	vadd.s32 v2, v4;
	v7 =	vshll.u32 v3, v1;
	v19 =	vld [tilespmem:s8+$0x0];
	s8 =	sadd.s32 s31, s0  }
0x1b5: {  	s28 =	sshll.u32 s28, $0x5;
	v10 =	vmov s30;
	s29 =	sshll.u32 s29, $0x5;
	s31 =	sshll.u32 s30, $0x5;
	v17 =	vadd.s32 v20, v5;
	v8 =	vadd.s32 v20, v6;
	v3 =	vld [tilespmem:s8+$0x10]  }
0x1b6: {  	s28 =	sadd.s32 s28, s0;
	s29 =	sadd.s32 s29, s0;
	v23 =	vadd.s32 v22, v5;
	v6 =	vadd.s32 v22, v6;
	v7 =	vbroadcast v7, $0x0;
	s30 =	sadd.s32 s31, s0;
	v4 =	vld [tilespmem:s8+$0x0]  }
0x1b7: {  	v9 =	vshrl.u32 v9, $0x3;
	v10 =	vshrl.u32 v10, $0x3;
	v24 =	vor.u32 $0x1, v8;
	s8 =	sshll.u32 s24, $0x5;
	v5 =	vld [tilespmem:s28+$0x10]  }
0x1b8: {  	v9 =	vshll.u32 v9, v1;
	v25 =	vor.u32 $0x1, v6;
	v11 =	vadd.s32 v20, v7;
	s0 =	sadd.s32 s8, s0;
	v8 =	vld [tilespmem:s28+$0x0]  }
0x1b9: {  	v12 =	vbroadcast v9, $0x0;
	v26 =	vor.u32 $0x2, v11;
	v11 =	vadd.s32 v22, v7;
	v6 =	vld [tilespmem:s0+$0x10]  }
0x1ba: {  	v13 =	vmov s24;
	v10 =	vshll.u32 v10, v1;
	v27 =	vor.u32 $0x2, v11;
	v7 =	vld [tilespmem:s25+$0x10]  }
0x1bb: {  	v10 =	vbroadcast v10, $0x0;
	v11 =	vadd.s32 v20, v12;
	v12 =	vadd.s32 v22, v12;
	v9 =	vld [tilespmem:s0+$0x0]  }
0x1bc: {  	v16 =	vmov s26;
	v13 =	vshrl.u32 v13, $0x3;
	v11 =	vor.u32 $0x3, v11;
	v28 =	vld [tilespmem:s2+$0x10]  }
0x1bd: {  	v14 =	vadd.s32 v20, v10;
	v10 =	vadd.s32 v22, v10;
	v12 =	vor.u32 $0x3, v12;
	v29 =	vld [tilespmem:s29+$0x0]  }
0x1be: {  	v14 =	vor.u32 $0x4, v14;
	v15 =	vor.u32 $0x4, v10;
	v10 =	vshll.u32 v13, v1;
	v18 =	vld [tilespmem:s2+$0x0]  }
0x1bf: {  	v31 =	vmov s23;
	v16 =	vshrl.u32 v16, $0x3;
	v30 =	vbroadcast v10, $0x0;
	v13 =	vld [tilespmem:s30+$0x0]  }
0x1c0: {  	v31 =	vshrl.u32 v31, $0x3;
	v16 =	vshll.u32 v16, v1;
	v10 =	vld [tilespmem:s25+$0x0]  }
0x1c1: {  	v34 =	vbroadcast v16, $0x0;
	v33 =	vadd.s32 v20, v30;
	v30 =	vadd.s32 v22, v30;
	v32 =	vld [tilespmem:s29+$0x10]  }
0x1c2: {  	v31 =	vshll.u32 v31, v1;
	v16 =	vld [tilespmem:s30+$0x10]  }
0x1c3: {  	v31 =	vbroadcast v31, $0x0;
	[tilespmem:v17+s3+$0x0] =	vst.idx.msk $0xffff, v18;
	v17 =	vadd.s32 v20, v34;
	v18 =	vadd.s32 v22, v34  }
.Ltmp4:
0x1c4: {  	[tilespmem:v23+s3+$0x0] =	vst.idx.msk $0xffff, v28;
	v17 =	vor.u32 $0x6, v17;
	(pc) =	sbr.rel @p0 .LBB2_11-.Ltmp4, $4  }
0x1c5: {  	v20 =	vadd.s32 v20, v31;
	[tilespmem:v24+s3+$0x0] =	vst.idx.msk $0xffff, v19;
	v19 =	vadd.s32 v22, v31  }
0x1c6: {  	[tilespmem:v25+s3+$0x0] =	vst.idx.msk $0xffff, v21  }
0x1c7: {  	v21 =	vor.u32 $0x5, v33;
	[tilespmem:v26+s3+$0x0] =	vst.idx.msk $0xffff, v29  }
0x1c8: {  	v22 =	vor.u32 $0x5, v30;
	[tilespmem:v27+s3+$0x0] =	vst.idx.msk $0xffff, v32  }
0x1c9: {  	_ =	sdelay $0x3  }
0x1ca: {  	[tilespmem:v11+s3+$0x0] =	vst.idx.msk $0xffff, v8  }
0x1cb: {  	[tilespmem:v12+s3+$0x0] =	vst.idx.msk $0xffff, v5  }
0x1cc: {  	v61 =	vor.u32 $0x6, v18;
	[tilespmem:v14+s3+$0x0] =	vst.idx.msk $0xffff, v13  }
0x1cd: {  	v62 =	vor.u32 $0x7, v20;
	[tilespmem:v15+s3+$0x0] =	vst.idx.msk $0xffff, v16  }
0x1ce: {  	v63 =	vor.u32 $0x7, v19;
	[tilespmem:v21+s3+$0x0] =	vst.idx.msk $0xffff, v9  }
0x1cf: {  	[tilespmem:v22+s3+$0x0] =	vst.idx.msk $0xffff, v6  }
0x1d0: {  	[tilespmem:v17+s3+$0x0] =	vst.idx.msk $0xffff, v10  }
0x1d1: {  	s0 =	sadd.s32 s13, s20;
	[tilespmem:v61+s3+$0x0] =	vst.idx.msk $0xffff, v7  }
0x1d2: {  	s2 =	rddreg [dreg:$0x2];
	s0 =	sshrl.u32 s0, $0x3;
	[tilespmem:v62+s3+$0x0] =	vst.idx.msk $0xffff, v4  }
0x1d3: {  	s8 =	simm.s32 $0x10800;
	s0 =	sadd.s32 s2, s0;
	[tilespmem:v63+s3+$0x0] =	vst.idx.msk $0xffff, v3  }
0x1d4: {  	[hbm4b:s0+s4] =	stream.linear.scatter [tilespmem:s8], [sflag:$0x5], $0x80, $0x38;
	[tilespmem:$0x19000] =	vst v63  }
0x1d5: {  	s20 =	simm.s32 $0x10888;
	s8 =	sadd.s32 $0x10, s0  }
0x1d6: {  	[hbm4b:s8+s4] =	stream.linear.scatter [tilespmem:s20], [sflag:$0x5], $0x80, $0x38;
	[tilespmem:$0x19000] =	vst v63  }
0x1d7: {  	s21 =	simm.s32 $0x10910;
	s23 =	simm.s32 $0x10998;
	s22 =	sadd.s32 $0x20, s0  }
0x1d8: {  	[hbm4b:s22+s4] =	stream.linear.scatter [tilespmem:s21], [sflag:$0x5], $0x80, $0x38;
	[tilespmem:$0x19000] =	vst v63  }
0x1d9: {  	s25 =	simm.s32 $0x10A20;
	s28 =	simm.s32 $0x10AA8;
	s24 =	sadd.s32 $0x30, s0  }
0x1da: {  	[hbm4b:s24+s4] =	stream.linear.scatter [tilespmem:s23], [sflag:$0x5], $0x80, $0x38;
	[tilespmem:$0x19000] =	vst v63  }
0x1db: {  	s30 =	simm.s32 $0x10B30;
	s26 =	sadd.s32 $0x40, s0;
	s29 =	sadd.s32 $0x50, s0  }
0x1dc: {  	[hbm4b:s26+s4] =	stream.linear.scatter [tilespmem:s25], [sflag:$0x5], $0x80, $0x38;
	[tilespmem:$0x19000] =	vst v63  }
0x1dd: {  	s31 =	sadd.s32 $0x60, s0;
	s20 =	simm.s32 $0x440;
	s22 =	simm.s32 $0x2200  }
0x1de: {  	[hbm4b:s29+s4] =	stream.linear.scatter [tilespmem:s28], [sflag:$0x5], $0x80, $0x38;
	[tilespmem:$0x19000] =	vst v63  }
0x1df: {  	s21 =	sadd.s32 $0x1000, s0;
	s23 =	simm.s32 $0x10BB8;
	s24 =	sadd.s32 $0x70, s0  }
0x1e0: {  	[hbm4b:s31+s4] =	stream.linear.scatter [tilespmem:s30], [sflag:$0x5], $0x80, $0x38;
	[tilespmem:$0x19000] =	vst v63  }
.LBB2_13:
0x1e1: {  	[hbm4b:s24+s4] =	stream.linear.scatter [tilespmem:s23], [sflag:$0x5], $0x80, $0x38;
	[tilespmem:$0x19000] =	vst v63  }
0x1e2: {  	s0 =	smov.u32 s20;
	s2 =	smov.u32 s22  }
0x1e3: {  	s20 =	sshra.s32 s2, $0x2;
	s2 =	sadd.s32 $0x1100, s22;
	s8 =	sadd.s32 $0x10800, s0  }
0x1e4: {  	[hbm4b:s21+s4] =	stream.linear.scatter [tilespmem:s8], [sflag:$0x5], $0x80, $0x38;
	[tilespmem:$0x19000] =	vst v63  }
0x1e5: {  	p0 =	sne.s32 s22, $0x20F00;
	s22 =	sadd.s32 $0x10, s21;
	s8 =	sadd.s32 $0x10888, s0  }
0x1e6: {  	[hbm4b:s22+s4] =	stream.linear.scatter [tilespmem:s8], [sflag:$0x5], $0x80, $0x38;
	[tilespmem:$0x19000] =	vst v63  }
0x1e7: {  	s8 =	sadd.s32 $0x10910, s0;
	s22 =	sadd.s32 $0x20, s21  }
0x1e8: {  	[hbm4b:s22+s4] =	stream.linear.scatter [tilespmem:s8], [sflag:$0x5], $0x80, $0x38;
	[tilespmem:$0x19000] =	vst v63  }
0x1e9: {  	s8 =	sadd.s32 $0x10998, s0;
	s22 =	sadd.s32 $0x30, s21  }
0x1ea: {  	[hbm4b:s22+s4] =	stream.linear.scatter [tilespmem:s8], [sflag:$0x5], $0x80, $0x38;
	[tilespmem:$0x19000] =	vst v63  }
0x1eb: {  	s8 =	sadd.s32 $0x10A20, s0;
	s22 =	sadd.s32 $0x40, s21  }
0x1ec: {  	[hbm4b:s22+s4] =	stream.linear.scatter [tilespmem:s8], [sflag:$0x5], $0x80, $0x38;
	[tilespmem:$0x19000] =	vst v63  }
.Ltmp5:
0x1ed: {  	s8 =	sadd.s32 $0x10AA8, s0;
	s22 =	sadd.s32 $0x50, s21;
	(pc) =	sbr.rel @p0 .LBB2_13-.Ltmp5, $4  }
0x1ee: {  	[hbm4b:s22+s4] =	stream.linear.scatter [tilespmem:s8], [sflag:$0x5], $0x80, $0x38;
	[tilespmem:$0x19000] =	vst v63  }
0x1ef: {  	s24 =	sadd.s32 $0x70, s21;
	s8 =	sadd.s32 $0x10B30, s0;
	s22 =	sadd.s32 $0x60, s21  }
0x1f0: {  	[hbm4b:s22+s4] =	stream.linear.scatter [tilespmem:s8], [sflag:$0x5], $0x80, $0x38;
	[tilespmem:$0x19000] =	vst v63  }
0x1f1: {  	s23 =	sadd.s32 $0x10BB8, s0;
	s21 =	sadd.s32 $0x1000, s21;
	s22 =	smov.u32 s2  }
0x1f2: {  	[hbm4b:s24+s4] =	stream.linear.scatter [tilespmem:s23], [sflag:$0x5], $0x80, $0x38;
	[tilespmem:$0x19000] =	vst v63  }
0x1f3: {  	s0 =	sadd.s32 $0x10800, s20  }
0x1f4: {  	[hbm4b:s21+s4] =	stream.linear.scatter [tilespmem:s0], [sflag:$0x5], $0x80, $0x38;
	[tilespmem:$0x19000] =	vst v63  }
0x1f5: {  	s29 =	sadd.s32 $0x10888, s20;
	s2 =	sadd.s32 $0x10, s21  }
0x1f6: {  	[hbm4b:s2+s4] =	stream.linear.scatter [tilespmem:s29], [sflag:$0x5], $0x80, $0x38;
	[tilespmem:$0x19000] =	vst v63  }
0x1f7: {  	s30 =	sadd.s32 $0x10910, s20;
	s31 =	sadd.s32 $0x20, s21  }
0x1f8: {  	[hbm4b:s31+s4] =	stream.linear.scatter [tilespmem:s30], [sflag:$0x5], $0x80, $0x38;
	[tilespmem:$0x19000] =	vst v63  }
0x1f9: {  	s8 =	sadd.s32 $0x10998, s20;
	s22 =	sadd.s32 $0x30, s21  }
0x1fa: {  	[hbm4b:s22+s4] =	stream.linear.scatter [tilespmem:s8], [sflag:$0x5], $0x80, $0x38;
	[tilespmem:$0x19000] =	vst v63  }
0x1fb: {  	s23 =	sadd.s32 $0x10A20, s20;
	s24 =	sadd.s32 $0x40, s21;
	s10 =	sadd.s32 $0x1, s10  }
0x1fc: {  	[hbm4b:s24+s4] =	stream.linear.scatter [tilespmem:s23], [sflag:$0x5], $0x80, $0x38;
	[tilespmem:$0x19000] =	vst v63  }
0x1fd: {  	s25 =	sadd.s32 $0x10AA8, s20;
	s26 =	sadd.s32 $0x50, s21;
	p0 =	sne.s32 s10, $0xB  }
0x1fe: {  	[hbm4b:s26+s4] =	stream.linear.scatter [tilespmem:s25], [sflag:$0x5], $0x80, $0x38;
	[tilespmem:$0x19000] =	vst v63  }
.Ltmp6:
0x1ff: {  	_ = 	snop;
	(pc) =	sbr.rel @p0 .LBB2_6-.Ltmp6, $4  }
0x200: {  	s28 =	sadd.s32 $0x10B30, s20;
	s29 =	sadd.s32 $0x60, s21  }
0x201: {  	[hbm4b:s29+s4] =	stream.linear.scatter [tilespmem:s28], [sflag:$0x5], $0x80, $0x38;
	[tilespmem:$0x19000] =	vst v63  }
0x202: {  	s30 =	sadd.s32 $0x10BB8, s20;
	s31 =	sadd.s32 $0x70, s21  }
0x203: {  	[hbm4b:s31+s4] =	stream.linear.scatter [tilespmem:s30], [sflag:$0x5], $0x80, $0x38;
	[tilespmem:$0x19000] =	vst v63  }
0x204: {  	_ =	swait.ge [sflag:s18], $0x400  }
0x205: {  	[sflag:s18] =	ssyncset.done $0x0  }
0x206: {  	s10 =	simm.s32 $0x0;
	s0 =	simm.s32 $0x800;
	[sflag:s18] =	ssyncadd.s32 $0xFFFFFC00  }
0x207: {  	[tilespmem:s0], [sflag:$0x3] =	stream.indirect.gather [hbm4b:s6+s19], $0x20, s10, s19, $0xb8;
	[tilespmem:$0x19000] =	vst v63  }
0x208: {  	s24 =	simm.s32 $0x1800  }
0x209: {  	[tilespmem:s24], [sflag:$0x3] =	stream.indirect.gather [hbm4b:s6+s19], $0x20, s19, s19, $0xb8;
	[tilespmem:$0x19000] =	vst v63  }
0x20a: {  	s25 =	simm.s32 $0x100;
	s2 =	simm.s32 $0x2800  }
0x20b: {  	[tilespmem:s2], [sflag:$0x3] =	stream.indirect.gather [hbm4b:s6+s19], $0x20, s25, s19, $0xb8;
	[tilespmem:$0x19000] =	vst v63  }
0x20c: {  	s26 =	simm.s32 $0x180;
	s28 =	simm.s32 $0x3800  }
0x20d: {  	[tilespmem:s28], [sflag:$0x3] =	stream.indirect.gather [hbm4b:s6+s19], $0x20, s26, s19, $0xb8;
	[tilespmem:$0x19000] =	vst v63  }
0x20e: {  	s29 =	simm.s32 $0x200;
	s31 =	simm.s32 $0x4800  }
0x20f: {  	[tilespmem:s31], [sflag:$0x3] =	stream.indirect.gather [hbm4b:s6+s19], $0x20, s29, s19, $0xb8;
	[tilespmem:$0x19000] =	vst v63  }
0x210: {  	s8 =	simm.s32 $0x5800;
	s2 =	simm.s32 $0x280  }
0x211: {  	[tilespmem:s8], [sflag:$0x3] =	stream.indirect.gather [hbm4b:s6+s19], $0x20, s2, s19, $0xb8;
	[tilespmem:$0x19000] =	vst v63  }
0x212: {  	s20 =	simm.s32 $0x300;
	s21 =	simm.s32 $0x6800  }
0x213: {  	[tilespmem:s21], [sflag:$0x3] =	stream.indirect.gather [hbm4b:s6+s19], $0x20, s20, s19, $0xb8;
	[tilespmem:$0x19000] =	vst v63  }
0x214: {  	s22 =	simm.s32 $0x380;
	s23 =	simm.s32 $0x7800  }
0x215: {  	[tilespmem:s23], [sflag:$0x3] =	stream.indirect.gather [hbm4b:s6+s19], $0x20, s22, s19, $0xb8;
	[tilespmem:$0x19000] =	vst v63  }
0x216: {  	_ =	swait.ge [sflag:s15], $0x1000  }
0x217: {  	[sflag:s15] =	ssyncset.done $0x0  }
0x218: {  	[sflag:s15] =	ssyncadd.s32 $0xFFFFF000  }
0x219: {  	_ =	swait.ge [sflag:s15], $0x1000  }
0x21a: {  	[sflag:s15] =	ssyncset.done $0x0  }
0x21b: {  	[sflag:s15] =	ssyncadd.s32 $0xFFFFF000  }
0x21c: {  	_ =	swait.ge [sflag:s15], $0x1000  }
0x21d: {  	[sflag:s15] =	ssyncset.done $0x0  }
0x21e: {  	[sflag:s15] =	ssyncadd.s32 $0xFFFFF000  }
0x21f: {  	_ =	swait.ge [sflag:s15], $0x1000  }
0x220: {  	[sflag:s15] =	ssyncset.done $0x0  }
0x221: {  	[sflag:s15] =	ssyncadd.s32 $0xFFFFF000  }
0x222: {  	_ =	swait.ge [sflag:s15], $0x1000  }
0x223: {  	[sflag:s15] =	ssyncset.done $0x0  }
0x224: {  	[sflag:s15] =	ssyncadd.s32 $0xFFFFF000  }
0x225: {  	_ =	swait.ge [sflag:s15], $0x1000  }
0x226: {  	[sflag:s15] =	ssyncset.done $0x0  }
0x227: {  	[sflag:s15] =	ssyncadd.s32 $0xFFFFF000  }
0x228: {  	_ =	swait.ge [sflag:s15], $0x1000  }
0x229: {  	[sflag:s15] =	ssyncset.done $0x0  }
0x22a: {  	[sflag:s15] =	ssyncadd.s32 $0xFFFFF000  }
0x22b: {  	s0 =	sand.u32 $0x78, s10;
	_ =	swait.ge [sflag:s15], $0x1000  }
0x22c: {  	s24 =	sor.u32 $0x1, s0;
	[sflag:s15] =	ssyncset.done $0x0  }
0x22d: {  	v4 =	vmov s0;
	s20 =	simm.s32 $0x0;
	s30 =	rddreg [dreg:$0x4];
	[sflag:s15] =	ssyncadd.s32 $0xFFFFF000  }
0x22e: {  	v4 =	vshrl.u32 v4, $0x3;
	v3 =	vmov s20;
	[tilespmem:s9], [sflag:$0x2] =	stream.linear.gather [hbm4b:s30+s10], $0x400, $0x38;
	[tilespmem:$0x19000] =	vst v63  }
0x22f: {  	v8 =	vshll.u32 v4, v1;
	s29 =	sor.u32 $0x5, s0;
	s31 =	sor.u32 $0x2, s0;
	v5 =	vmul.u32 $0x1100, v3;
	_ =	swait.ge [sflag:s16], $0x8000  }
0x230: {  	v10 =	vbroadcast v8, $0x0;
	v12 =	vmov s29;
	s8 =	sshll.u32 s24, $0x5;
	s22 =	sor.u32 $0x3, s0;
	v3 =	vmov s24;
	[sflag:s16] =	ssyncset.done $0x0  }
0x231: {  	s8 =	sadd.s32 $0x8800, s8;
	s21 =	sor.u32 $0x7, s0;
	v6 =	vshrl.u32 v3, $0x3;
	v7 =	vmov s22;
	v9 =	vbroadcast v5, $0x0;
	[sflag:s16] =	ssyncadd.s32 $0xFFFF8000  }
0x232: {  	s25 =	sshll.u32 s21, $0x5;
	v5 =	vshll.u32 v6, v1;
	v6 =	vmov s31;
	v7 =	vshrl.u32 v7, $0x3;
	v17 =	vld [tilespmem:s8+$0x10]  }
0x233: {  	s26 =	sadd.s32 $0x8800, s25;
	v11 =	vbroadcast v5, $0x0;
	v6 =	vshrl.u32 v6, $0x3;
	v19 =	vadd.s32 v0, v9;
	v15 =	vld [tilespmem:s8+$0x0]  }
0x234: {  	s23 =	sshll.u32 s29, $0x5;
	v21 =	vadd.s32 v2, v9;
	v13 =	vshll.u32 v6, v1;
	v18 =	vadd.s32 v19, v10;
	v3 =	vld [tilespmem:s26+$0x10]  }
0x235: {  	s24 =	sor.u32 $0x6, s0;
	s2 =	sadd.s32 $0x8800, s23;
	v16 =	vadd.s32 v19, v11;
	v23 =	vadd.s32 v21, v10;
	v10 =	vadd.s32 v21, v11;
	v4 =	vld [tilespmem:s26+$0x0]  }
0x236: {  	s25 =	sshll.u32 s0, $0x5;
	s0 =	sor.u32 $0x4, s0;
	s29 =	sshll.u32 s31, $0x5;
	v11 =	vbroadcast v13, $0x0;
	v26 =	vor.u32 $0x1, v16;
	v16 =	vshll.u32 v7, v1;
	v6 =	vld [tilespmem:s2+$0x10]  }
0x237: {  	v22 =	vmov s0;
	s31 =	sadd.s32 $0x8800, s29;
	v16 =	vbroadcast v16, $0x0;
	v9 =	vld [tilespmem:s2+$0x0]  }
0x238: {  	s0 =	sshll.u32 s0, $0x5;
	v13 =	vshrl.u32 v22, $0x3;
	v27 =	vadd.s32 v19, v11;
	v11 =	vadd.s32 v21, v11;
	v29 =	vld [tilespmem:s31+$0x0]  }
0x239: {  	s28 =	sshll.u32 s22, $0x5;
	s0 =	sadd.s32 $0x8800, s0;
	v28 =	vor.u32 $0x2, v11;
	v11 =	vshll.u32 v13, v1;
	v13 =	vadd.s32 v19, v16;
	v30 =	vld [tilespmem:s31+$0x10]  }
0x23a: {  	v31 =	vbroadcast v11, $0x0;
	v11 =	vor.u32 $0x3, v13;
	s8 =	sadd.s32 $0x8800, s28;
	v13 =	vld [tilespmem:s0+$0x0]  }
0x23b: {  	v32 =	vshrl.u32 v12, $0x3;
	s26 =	sadd.s32 $0x8800, s25;
	v5 =	vld [tilespmem:s8+$0x10]  }
0x23c: {  	v32 =	vshll.u32 v32, v1;
	v25 =	vld [tilespmem:s26+$0x0]  }
0x23d: {  	v32 =	vbroadcast v32, $0x0;
	v20 =	vmov s24;
	v24 =	vld [tilespmem:s26+$0x10]  }
0x23e: {  	v14 =	vmov s21;
	v20 =	vshrl.u32 v20, $0x3;
	v16 =	vadd.s32 v21, v16;
	v8 =	vld [tilespmem:s8+$0x0];
	s8 =	sshll.u32 s24, $0x5  }
0x23f: {  	v20 =	vshll.u32 v20, v1;
	v22 =	vor.u32 $0x1, v10;
	v12 =	vor.u32 $0x3, v16;
	v16 =	vld [tilespmem:s0+$0x10];
	s28 =	sadd.s32 $0x8800, s8  }
0x240: {  	v14 =	vshrl.u32 v14, $0x3;
	v20 =	vbroadcast v20, $0x0;
	v27 =	vor.u32 $0x2, v27;
	v7 =	vld [tilespmem:s28+$0x10]  }
0x241: {  	v60 =	vshll.u32 v14, v1;
	v10 =	vld [tilespmem:s28+$0x0];
	[tilespmem:v18+s3+$0x0] =	vst.idx.msk $0xffff, v25  }
0x242: {  	v62 =	vadd.s32 v21, v32;
	v63 =	vadd.s32 v19, v20;
	[tilespmem:v23+s3+$0x0] =	vst.idx.msk $0xffff, v24  }
0x243: {  	v61 =	vbroadcast v60, $0x0;
	v33 =	vadd.s32 v19, v31;
	v18 =	vadd.s32 v21, v31;
	[tilespmem:v26+s3+$0x0] =	vst.idx.msk $0xffff, v15  }
0x244: {  	v23 =	vadd.s32 v19, v32;
	v15 =	vor.u32 $0x4, v18;
	v18 =	vadd.s32 v21, v20;
	[tilespmem:v22+s3+$0x0] =	vst.idx.msk $0xffff, v17  }
0x245: {  	v14 =	vor.u32 $0x4, v33;
	v20 =	vadd.s32 v19, v61;
	v19 =	vadd.s32 v21, v61;
	[tilespmem:v27+s3+$0x0] =	vst.idx.msk $0xffff, v29  }
0x246: {  	s20 =	simm.s32 $0x1;
	v21 =	vor.u32 $0x5, v23;
	v17 =	vor.u32 $0x6, v63;
	v22 =	vor.u32 $0x5, v62;
	[tilespmem:v28+s3+$0x0] =	vst.idx.msk $0xffff, v30  }
.LBB2_16:
0x247: {  	p0 =	sne.s32 s20, $0x7F  }
0x248: {  	[tilespmem:v11+s3+$0x0] =	vst.idx.msk $0xffff, v8;
	s10 =	sadd.s32 $0x8, s10;
	s0 =	smov.u32 s20;
	s20 =	sadd.s32 $0x1, s20  }
0x249: {  	[tilespmem:v12+s3+$0x0] =	vst.idx.msk $0xffff, v5;
	v5 =	vor.u32 $0x6, v18  }
0x24a: {  	v8 =	vor.u32 $0x7, v20;
	[tilespmem:v14+s3+$0x0] =	vst.idx.msk $0xffff, v13  }
0x24b: {  	v11 =	vor.u32 $0x7, v19;
	[tilespmem:v15+s3+$0x0] =	vst.idx.msk $0xffff, v16  }
0x24c: {  	[tilespmem:v21+s3+$0x0] =	vst.idx.msk $0xffff, v9  }
0x24d: {  	s0 =	sshrl.u32 s0, $0x4;
	s2 =	sand.u32 $0x78, s10;
	[tilespmem:v22+s3+$0x0] =	vst.idx.msk $0xffff, v6  }
0x24e: {  	s8 =	sor.u32 $0x1, s2;
	s21 =	sor.u32 $0x7, s2;
	v9 =	vmov s2;
	v6 =	vmov s0;
	s0 =	sshll.u32 s0, $0xE;
	[tilespmem:v17+s3+$0x0] =	vst.idx.msk $0xffff, v10  }
0x24f: {  	s25 =	sor.u32 $0x3, s2;
	s22 =	sor.u32 $0x5, s2;
	v9 =	vshrl.u32 v9, $0x3;
	s0 =	sshra.s32 s0, $0x2;
	v6 =	vmul.u32 $0x1100, v6;
	v10 =	vmov s8;
	[tilespmem:v5+s3+$0x0] =	vst.idx.msk $0xffff, v7  }
0x250: {  	s26 =	sor.u32 $0x2, s2;
	s8 =	sshll.u32 s8, $0x5;
	s0 =	sadd.s32 $0x8800, s0;
	v5 =	vshll.u32 v9, v1;
	v7 =	vshrl.u32 v10, $0x3;
	v9 =	vmov s25;
	[tilespmem:v8+s3+$0x0] =	vst.idx.msk $0xffff, v4  }
0x251: {  	s28 =	sor.u32 $0x4, s2;
	s24 =	sor.u32 $0x6, s2;
	s8 =	sadd.s32 s8, s0;
	v4 =	vbroadcast v6, $0x0;
	v6 =	vshll.u32 v7, v1;
	v7 =	vmov s26;
	[tilespmem:v11+s3+$0x0] =	vst.idx.msk $0xffff, v3  }
0x252: {  	s23 =	sshll.u32 s24, $0x5;
	s29 =	sshll.u32 s21, $0x5;
	s2 =	sshll.u32 s2, $0x5;
	v5 =	vbroadcast v5, $0x0;
	v6 =	vbroadcast v6, $0x0;
	v3 =	vshrl.u32 v7, $0x3;
	v21 =	vld [tilespmem:s8+$0x10]  }
0x253: {  	s2 =	sadd.s32 s2, s0;
	s23 =	sadd.s32 s23, s0;
	v20 =	vadd.s32 v0, v4;
	v22 =	vadd.s32 v2, v4;
	v7 =	vshll.u32 v3, v1;
	v19 =	vld [tilespmem:s8+$0x0];
	s8 =	sadd.s32 s29, s0  }
0x254: {  	s25 =	sshll.u32 s25, $0x5;
	v10 =	vmov s28;
	s26 =	sshll.u32 s26, $0x5;
	s29 =	sshll.u32 s28, $0x5;
	v17 =	vadd.s32 v20, v5;
	v8 =	vadd.s32 v20, v6;
	v3 =	vld [tilespmem:s8+$0x10]  }
0x255: {  	s25 =	sadd.s32 s25, s0;
	s26 =	sadd.s32 s26, s0;
	v23 =	vadd.s32 v22, v5;
	v6 =	vadd.s32 v22, v6;
	v7 =	vbroadcast v7, $0x0;
	s28 =	sadd.s32 s29, s0;
	v4 =	vld [tilespmem:s8+$0x0]  }
0x256: {  	v9 =	vshrl.u32 v9, $0x3;
	v10 =	vshrl.u32 v10, $0x3;
	v24 =	vor.u32 $0x1, v8;
	s8 =	sshll.u32 s22, $0x5;
	v5 =	vld [tilespmem:s25+$0x10]  }
0x257: {  	v9 =	vshll.u32 v9, v1;
	v25 =	vor.u32 $0x1, v6;
	v11 =	vadd.s32 v20, v7;
	s0 =	sadd.s32 s8, s0;
	v8 =	vld [tilespmem:s25+$0x0]  }
0x258: {  	v12 =	vbroadcast v9, $0x0;
	v26 =	vor.u32 $0x2, v11;
	v11 =	vadd.s32 v22, v7;
	v6 =	vld [tilespmem:s0+$0x10]  }
0x259: {  	v13 =	vmov s22;
	v10 =	vshll.u32 v10, v1;
	v27 =	vor.u32 $0x2, v11;
	v7 =	vld [tilespmem:s23+$0x10]  }
0x25a: {  	v10 =	vbroadcast v10, $0x0;
	v11 =	vadd.s32 v20, v12;
	v12 =	vadd.s32 v22, v12;
	v9 =	vld [tilespmem:s0+$0x0]  }
0x25b: {  	v16 =	vmov s24;
	v13 =	vshrl.u32 v13, $0x3;
	v11 =	vor.u32 $0x3, v11;
	v28 =	vld [tilespmem:s2+$0x10]  }
0x25c: {  	v14 =	vadd.s32 v20, v10;
	v10 =	vadd.s32 v22, v10;
	v12 =	vor.u32 $0x3, v12;
	v29 =	vld [tilespmem:s26+$0x0]  }
0x25d: {  	v14 =	vor.u32 $0x4, v14;
	v15 =	vor.u32 $0x4, v10;
	v10 =	vshll.u32 v13, v1;
	v18 =	vld [tilespmem:s2+$0x0]  }
0x25e: {  	v31 =	vmov s21;
	v16 =	vshrl.u32 v16, $0x3;
	v30 =	vbroadcast v10, $0x0;
	v13 =	vld [tilespmem:s28+$0x0]  }
0x25f: {  	v31 =	vshrl.u32 v31, $0x3;
	v16 =	vshll.u32 v16, v1;
	v10 =	vld [tilespmem:s23+$0x0]  }
0x260: {  	v34 =	vbroadcast v16, $0x0;
	v33 =	vadd.s32 v20, v30;
	v30 =	vadd.s32 v22, v30;
	v32 =	vld [tilespmem:s26+$0x10]  }
0x261: {  	v31 =	vshll.u32 v31, v1;
	v16 =	vld [tilespmem:s28+$0x10]  }
0x262: {  	v31 =	vbroadcast v31, $0x0;
	[tilespmem:v17+s3+$0x0] =	vst.idx.msk $0xffff, v18;
	v17 =	vadd.s32 v20, v34;
	v18 =	vadd.s32 v22, v34  }
.Ltmp7:
0x263: {  	[tilespmem:v23+s3+$0x0] =	vst.idx.msk $0xffff, v28;
	v17 =	vor.u32 $0x6, v17;
	(pc) =	sbr.rel @p0 .LBB2_16-.Ltmp7, $4  }
0x264: {  	v20 =	vadd.s32 v20, v31;
	[tilespmem:v24+s3+$0x0] =	vst.idx.msk $0xffff, v19;
	v19 =	vadd.s32 v22, v31  }
0x265: {  	[tilespmem:v25+s3+$0x0] =	vst.idx.msk $0xffff, v21  }
0x266: {  	v21 =	vor.u32 $0x5, v33;
	[tilespmem:v26+s3+$0x0] =	vst.idx.msk $0xffff, v29  }
0x267: {  	v22 =	vor.u32 $0x5, v30;
	[tilespmem:v27+s3+$0x0] =	vst.idx.msk $0xffff, v32  }
0x268: {  	_ =	sdelay $0x3  }
0x269: {  	[tilespmem:v11+s3+$0x0] =	vst.idx.msk $0xffff, v8  }
0x26a: {  	[tilespmem:v12+s3+$0x0] =	vst.idx.msk $0xffff, v5  }
0x26b: {  	v61 =	vor.u32 $0x6, v18;
	[tilespmem:v14+s3+$0x0] =	vst.idx.msk $0xffff, v13  }
0x26c: {  	v62 =	vor.u32 $0x7, v20;
	[tilespmem:v15+s3+$0x0] =	vst.idx.msk $0xffff, v16  }
0x26d: {  	v63 =	vor.u32 $0x7, v19;
	[tilespmem:v21+s3+$0x0] =	vst.idx.msk $0xffff, v9  }
0x26e: {  	[tilespmem:v22+s3+$0x0] =	vst.idx.msk $0xffff, v6  }
0x26f: {  	[tilespmem:v17+s3+$0x0] =	vst.idx.msk $0xffff, v10  }
0x270: {  	[tilespmem:v61+s3+$0x0] =	vst.idx.msk $0xffff, v7  }
0x271: {  	[tilespmem:v62+s3+$0x0] =	vst.idx.msk $0xffff, v4  }
0x272: {  	s0 =	simm.s32 $0x10800;
	s8 =	rddreg [dreg:$0x8];
	[tilespmem:v63+s3+$0x0] =	vst.idx.msk $0xffff, v3  }
0x273: {  	[hbm4b:s8+s4] =	stream.linear.scatter [tilespmem:s0], [sflag:$0x5], $0x80, $0x38;
	[tilespmem:$0x19000] =	vst v63  }
0x274: {  	s10 =	simm.s32 $0x10888;
	s2 =	sadd.s32 $0x10, s8  }
0x275: {  	[hbm4b:s2+s4] =	stream.linear.scatter [tilespmem:s10], [sflag:$0x5], $0x80, $0x38;
	[tilespmem:$0x19000] =	vst v63  }
0x276: {  	s20 =	simm.s32 $0x10910;
	s22 =	simm.s32 $0x10998;
	s21 =	sadd.s32 $0x20, s8  }
0x277: {  	[hbm4b:s21+s4] =	stream.linear.scatter [tilespmem:s20], [sflag:$0x5], $0x80, $0x38;
	[tilespmem:$0x19000] =	vst v63  }
0x278: {  	s24 =	simm.s32 $0x10A20;
	s26 =	simm.s32 $0x10AA8;
	s23 =	sadd.s32 $0x30, s8  }
0x279: {  	[hbm4b:s23+s4] =	stream.linear.scatter [tilespmem:s22], [sflag:$0x5], $0x80, $0x38;
	[tilespmem:$0x19000] =	vst v63  }
0x27a: {  	s29 =	simm.s32 $0x10B30;
	s25 =	sadd.s32 $0x40, s8;
	s28 =	sadd.s32 $0x50, s8  }
0x27b: {  	[hbm4b:s25+s4] =	stream.linear.scatter [tilespmem:s24], [sflag:$0x5], $0x80, $0x38;
	[tilespmem:$0x19000] =	vst v63  }
0x27c: {  	s31 =	sadd.s32 $0x60, s8;
	s10 =	simm.s32 $0x440;
	s21 =	simm.s32 $0x2200  }
0x27d: {  	[hbm4b:s28+s4] =	stream.linear.scatter [tilespmem:s26], [sflag:$0x5], $0x80, $0x38;
	[tilespmem:$0x19000] =	vst v63  }
0x27e: {  	s20 =	sadd.s32 $0x1000, s8;
	s22 =	simm.s32 $0x10BB8;
	s23 =	sadd.s32 $0x70, s8  }
0x27f: {  	[hbm4b:s31+s4] =	stream.linear.scatter [tilespmem:s29], [sflag:$0x5], $0x80, $0x38;
	[tilespmem:$0x19000] =	vst v63  }
.LBB2_18:
0x280: {  	[hbm4b:s23+s4] =	stream.linear.scatter [tilespmem:s22], [sflag:$0x5], $0x80, $0x38;
	[tilespmem:$0x19000] =	vst v63  }
0x281: {  	s0 =	smov.u32 s10;
	s2 =	smov.u32 s21  }
0x282: {  	s10 =	sshra.s32 s2, $0x2;
	s2 =	sadd.s32 $0x1100, s21;
	s8 =	sadd.s32 $0x10800, s0  }
0x283: {  	[hbm4b:s20+s4] =	stream.linear.scatter [tilespmem:s8], [sflag:$0x5], $0x80, $0x38;
	[tilespmem:$0x19000] =	vst v63  }
0x284: {  	p0 =	sne.s32 s21, $0x20F00;
	s21 =	sadd.s32 $0x10, s20;
	s8 =	sadd.s32 $0x10888, s0  }
0x285: {  	[hbm4b:s21+s4] =	stream.linear.scatter [tilespmem:s8], [sflag:$0x5], $0x80, $0x38;
	[tilespmem:$0x19000] =	vst v63  }
0x286: {  	s8 =	sadd.s32 $0x10910, s0;
	s21 =	sadd.s32 $0x20, s20  }
0x287: {  	[hbm4b:s21+s4] =	stream.linear.scatter [tilespmem:s8], [sflag:$0x5], $0x80, $0x38;
	[tilespmem:$0x19000] =	vst v63  }
0x288: {  	s8 =	sadd.s32 $0x10998, s0;
	s21 =	sadd.s32 $0x30, s20  }
0x289: {  	[hbm4b:s21+s4] =	stream.linear.scatter [tilespmem:s8], [sflag:$0x5], $0x80, $0x38;
	[tilespmem:$0x19000] =	vst v63  }
0x28a: {  	s8 =	sadd.s32 $0x10A20, s0;
	s21 =	sadd.s32 $0x40, s20  }
0x28b: {  	[hbm4b:s21+s4] =	stream.linear.scatter [tilespmem:s8], [sflag:$0x5], $0x80, $0x38;
	[tilespmem:$0x19000] =	vst v63  }
.Ltmp8:
0x28c: {  	s8 =	sadd.s32 $0x10AA8, s0;
	s21 =	sadd.s32 $0x50, s20;
	(pc) =	sbr.rel @p0 .LBB2_18-.Ltmp8, $4  }
0x28d: {  	[hbm4b:s21+s4] =	stream.linear.scatter [tilespmem:s8], [sflag:$0x5], $0x80, $0x38;
	[tilespmem:$0x19000] =	vst v63  }
0x28e: {  	s23 =	sadd.s32 $0x70, s20;
	s8 =	sadd.s32 $0x10B30, s0;
	s21 =	sadd.s32 $0x60, s20  }
0x28f: {  	[hbm4b:s21+s4] =	stream.linear.scatter [tilespmem:s8], [sflag:$0x5], $0x80, $0x38;
	[tilespmem:$0x19000] =	vst v63  }
0x290: {  	s22 =	sadd.s32 $0x10BB8, s0;
	s20 =	sadd.s32 $0x1000, s20;
	s21 =	smov.u32 s2  }
0x291: {  	[hbm4b:s23+s4] =	stream.linear.scatter [tilespmem:s22], [sflag:$0x5], $0x80, $0x38;
	[tilespmem:$0x19000] =	vst v63  }
0x292: {  	s0 =	sadd.s32 $0x10800, s10  }
0x293: {  	[hbm4b:s20+s4] =	stream.linear.scatter [tilespmem:s0], [sflag:$0x5], $0x80, $0x38;
	[tilespmem:$0x19000] =	vst v63  }
0x294: {  	s21 =	sadd.s32 $0x10888, s10;
	s2 =	sadd.s32 $0x10, s20  }
0x295: {  	[hbm4b:s2+s4] =	stream.linear.scatter [tilespmem:s21], [sflag:$0x5], $0x80, $0x38;
	[tilespmem:$0x19000] =	vst v63  }
0x296: {  	s22 =	sadd.s32 $0x10910, s10;
	s23 =	sadd.s32 $0x20, s20  }
0x297: {  	[hbm4b:s23+s4] =	stream.linear.scatter [tilespmem:s22], [sflag:$0x5], $0x80, $0x38;
	[tilespmem:$0x19000] =	vst v63  }
0x298: {  	s24 =	sadd.s32 $0x10998, s10;
	s25 =	sadd.s32 $0x30, s20  }
0x299: {  	[hbm4b:s25+s4] =	stream.linear.scatter [tilespmem:s24], [sflag:$0x5], $0x80, $0x38;
	[tilespmem:$0x19000] =	vst v63  }
0x29a: {  	s26 =	sadd.s32 $0x10A20, s10;
	s28 =	sadd.s32 $0x40, s20  }
0x29b: {  	[hbm4b:s28+s4] =	stream.linear.scatter [tilespmem:s26], [sflag:$0x5], $0x80, $0x38;
	[tilespmem:$0x19000] =	vst v63  }
0x29c: {  	s29 =	sadd.s32 $0x10AA8, s10;
	s31 =	sadd.s32 $0x50, s20  }
0x29d: {  	[hbm4b:s31+s4] =	stream.linear.scatter [tilespmem:s29], [sflag:$0x5], $0x80, $0x38;
	[tilespmem:$0x19000] =	vst v63  }
0x29e: {  	s8 =	sadd.s32 $0x10B30, s10;
	s21 =	sadd.s32 $0x60, s20  }
0x29f: {  	[hbm4b:s21+s4] =	stream.linear.scatter [tilespmem:s8], [sflag:$0x5], $0x80, $0x38;
	[tilespmem:$0x19000] =	vst v63  }
0x2a0: {  	s22 =	sadd.s32 $0x10BB8, s10;
	s23 =	sadd.s32 $0x70, s20  }
0x2a1: {  	[hbm4b:s23+s4] =	stream.linear.scatter [tilespmem:s22], [sflag:$0x5], $0x80, $0x38;
	[tilespmem:$0x19000] =	vst v63  }
0x2a2: {  	_ =	swait.ge [sflag:s17], $0x1000  }
0x2a3: {  	[sflag:s17] =	ssyncset.done $0x0  }
0x2a4: {  	[sflag:s17] =	ssyncadd.s32 $0xFFFFF000  }
0x2a5: {  	_ =	swait.ge [sflag:s17], $0x1000  }
0x2a6: {  	[sflag:s17] =	ssyncset.done $0x0  }
0x2a7: {  	[sflag:s17] =	ssyncadd.s32 $0xFFFFF000  }
0x2a8: {  	_ =	swait.ge [sflag:s17], $0x1000  }
0x2a9: {  	[sflag:s17] =	ssyncset.done $0x0  }
0x2aa: {  	[sflag:s17] =	ssyncadd.s32 $0xFFFFF000  }
0x2ab: {  	_ =	swait.ge [sflag:s17], $0x1000  }
0x2ac: {  	[sflag:s17] =	ssyncset.done $0x0  }
0x2ad: {  	[sflag:s17] =	ssyncadd.s32 $0xFFFFF000  }
0x2ae: {  	_ =	swait.ge [sflag:s17], $0x1000  }
0x2af: {  	[sflag:s17] =	ssyncset.done $0x0  }
0x2b0: {  	[sflag:s17] =	ssyncadd.s32 $0xFFFFF000  }
0x2b1: {  	_ =	swait.ge [sflag:s17], $0x1000  }
0x2b2: {  	[sflag:s17] =	ssyncset.done $0x0  }
0x2b3: {  	[sflag:s17] =	ssyncadd.s32 $0xFFFFF000  }
0x2b4: {  	_ =	swait.ge [sflag:s17], $0x1000  }
0x2b5: {  	[sflag:s17] =	ssyncset.done $0x0  }
0x2b6: {  	[sflag:s17] =	ssyncadd.s32 $0xFFFFF000  }
0x2b7: {  	_ =	swait.ge [sflag:s17], $0x1000  }
0x2b8: {  	[sflag:s17] =	ssyncset.done $0x0  }
0x2b9: {  	[sflag:s17] =	ssyncadd.s32 $0xFFFFF000  }
0x2ba: {  	s10 =	simm.s32 $0x0;
	_ =	swait.ge [sflag:s7], $0x400  }
0x2bb: {  	s0 =	sand.u32 $0x78, s10;
	[sflag:s7] =	ssyncset.done $0x0  }
0x2bc: {  	s24 =	sor.u32 $0x1, s0;
	[sflag:s7] =	ssyncadd.s32 $0xFFFFFC00  }
0x2bd: {  	v4 =	vmov s0;
	s26 =	simm.s32 $0x0;
	s8 =	simm.s32 $0x0;
	_ =	swait.ge [sflag:s16], $0x8000  }
0x2be: {  	s25 =	sshll.u32 s24, $0x5;
	v4 =	vshrl.u32 v4, $0x3;
	v3 =	vmov s26;
	s21 =	sor.u32 $0x800, s8;
	[sflag:s16] =	ssyncset.done $0x0  }
0x2bf: {  	s20 =	sor.u32 $0x7, s0;
	v6 =	vshll.u32 v4, v1;
	v5 =	vmul.u32 $0x1100, v3;
	v3 =	vmov s24;
	s8 =	sadd.s32 s25, s21;
	[sflag:s16] =	ssyncadd.s32 $0xFFFF8000  }
0x2c0: {  	s28 =	sshll.u32 s20, $0x5;
	v10 =	vbroadcast v6, $0x0;
	s24 =	sor.u32 $0x2, s0;
	v4 =	vshrl.u32 v3, $0x3;
	v17 =	vld [tilespmem:s8+$0x10]  }
0x2c1: {  	s29 =	sor.u32 $0x3, s0;
	v8 =	vmov s24;
	v5 =	vbroadcast v5, $0x0;
	v7 =	vshll.u32 v4, v1;
	s31 =	sadd.s32 s28, s21;
	s22 =	sor.u32 $0x5, s0;
	v15 =	vld [tilespmem:s8+$0x0]  }
0x2c2: {  	v9 =	vmov s29;
	v11 =	vbroadcast v7, $0x0;
	v7 =	vshrl.u32 v8, $0x3;
	s26 =	sshll.u32 s22, $0x5;
	v3 =	vld [tilespmem:s31+$0x10]  }
0x2c3: {  	s2 =	sor.u32 $0x6, s0;
	v19 =	vadd.s32 v0, v5;
	v21 =	vadd.s32 v2, v5;
	v12 =	vshll.u32 v7, v1;
	s28 =	sadd.s32 s26, s21;
	v4 =	vld [tilespmem:s31+$0x0]  }
0x2c4: {  	s25 =	sshll.u32 s29, $0x5;
	s29 =	sor.u32 $0x4, s0;
	s0 =	sshll.u32 s0, $0x5;
	v14 =	vadd.s32 v19, v10;
	v13 =	vadd.s32 v19, v11;
	v18 =	vadd.s32 v21, v10;
	v7 =	vld [tilespmem:s28+$0x10]  }
0x2c5: {  	v10 =	vadd.s32 v21, v11;
	s0 =	sadd.s32 s0, s21;
	v11 =	vbroadcast v12, $0x0;
	v12 =	vshrl.u32 v9, $0x3;
	v9 =	vld [tilespmem:s28+$0x0]  }
0x2c6: {  	v23 =	vld [tilespmem:s0+$0x10]  }
0x2c7: {  	v30 =	vmov s2;
	v33 =	vmov s20;
	s8 =	sadd.s32 s25, s21;
	v27 =	vld [tilespmem:s0+$0x0]  }
0x2c8: {  	v30 =	vshrl.u32 v30, $0x3;
	v33 =	vshrl.u32 v33, $0x3;
	s24 =	sshll.u32 s24, $0x5;
	v16 =	vmov s29;
	v6 =	vld [tilespmem:s8+$0x10]  }
0x2c9: {  	v20 =	vor.u32 $0x1, v13;
	v22 =	vor.u32 $0x1, v10;
	v10 =	vshll.u32 v12, v1;
	s31 =	sadd.s32 s24, s21;
	v8 =	vld [tilespmem:s8+$0x0]  }
0x2ca: {  	v12 =	vadd.s32 v19, v11;
	v11 =	vadd.s32 v21, v11;
	v10 =	vbroadcast v10, $0x0;
	s25 =	sshll.u32 s2, $0x5;
	v24 =	vld [tilespmem:s31+$0x0]  }
0x2cb: {  	s23 =	sshll.u32 s29, $0x5;
	v13 =	vshrl.u32 v16, $0x3;
	v25 =	vor.u32 $0x2, v12;
	v26 =	vor.u32 $0x2, v11;
	s25 =	sadd.s32 s25, s21;
	v31 =	vld [tilespmem:s31+$0x10]  }
0x2cc: {  	v11 =	vshll.u32 v13, v1;
	v13 =	vmov s22;
	v16 =	vadd.s32 v19, v10;
	s21 =	sadd.s32 s23, s21;
	v5 =	vld [tilespmem:s25+$0x10]  }
0x2cd: {  	v28 =	vbroadcast v11, $0x0;
	v11 =	vor.u32 $0x3, v16;
	v16 =	vshrl.u32 v13, $0x3;
	v12 =	vld [tilespmem:s21+$0x0]  }
0x2ce: {  	v30 =	vshll.u32 v30, v1;
	v29 =	vadd.s32 v21, v10;
	v32 =	vshll.u32 v16, v1;
	v10 =	vld [tilespmem:s25+$0x0]  }
0x2cf: {  	v61 =	vshll.u32 v33, v1;
	v60 =	vbroadcast v30, $0x0;
	v32 =	vbroadcast v32, $0x0;
	v16 =	vld [tilespmem:s21+$0x10];
	[tilespmem:v14+s3+$0x0] =	vst.idx.msk $0xffff, v27  }
0x2d0: {  	v62 =	vbroadcast v61, $0x0;
	v58 =	vadd.s32 v19, v28;
	v59 =	vadd.s32 v21, v28;
	[tilespmem:v18+s3+$0x0] =	vst.idx.msk $0xffff, v23  }
0x2d1: {  	v13 =	vor.u32 $0x3, v29;
	v63 =	vadd.s32 v21, v32;
	v23 =	vadd.s32 v19, v32;
	[tilespmem:v20+s3+$0x0] =	vst.idx.msk $0xffff, v15  }
0x2d2: {  	v14 =	vor.u32 $0x4, v58;
	v18 =	vadd.s32 v21, v60;
	v20 =	vadd.s32 v19, v60;
	[tilespmem:v22+s3+$0x0] =	vst.idx.msk $0xffff, v17  }
0x2d3: {  	v15 =	vor.u32 $0x4, v59;
	v17 =	vor.u32 $0x6, v20;
	v20 =	vadd.s32 v19, v62;
	[tilespmem:v25+s3+$0x0] =	vst.idx.msk $0xffff, v24  }
0x2d4: {  	s20 =	simm.s32 $0x1;
	v19 =	vadd.s32 v21, v62;
	v21 =	vor.u32 $0x5, v23;
	v22 =	vor.u32 $0x5, v63;
	[tilespmem:v26+s3+$0x0] =	vst.idx.msk $0xffff, v31  }
.LBB2_20:
0x2d5: {  	p0 =	sne.s32 s20, $0x7F  }
0x2d6: {  	[tilespmem:v11+s3+$0x0] =	vst.idx.msk $0xffff, v8;
	s10 =	sadd.s32 $0x8, s10;
	s0 =	smov.u32 s20;
	s20 =	sadd.s32 $0x1, s20  }
0x2d7: {  	[tilespmem:v13+s3+$0x0] =	vst.idx.msk $0xffff, v6;
	v6 =	vor.u32 $0x6, v18  }
0x2d8: {  	v8 =	vor.u32 $0x7, v20;
	[tilespmem:v14+s3+$0x0] =	vst.idx.msk $0xffff, v12  }
0x2d9: {  	v11 =	vor.u32 $0x7, v19;
	[tilespmem:v15+s3+$0x0] =	vst.idx.msk $0xffff, v16  }
0x2da: {  	[tilespmem:v21+s3+$0x0] =	vst.idx.msk $0xffff, v9  }
0x2db: {  	s0 =	sshrl.u32 s0, $0x4;
	s2 =	sand.u32 $0x78, s10;
	[tilespmem:v22+s3+$0x0] =	vst.idx.msk $0xffff, v7  }
0x2dc: {  	s8 =	sor.u32 $0x1, s2;
	s21 =	sor.u32 $0x7, s2;
	v9 =	vmov s2;
	v7 =	vmov s0;
	s0 =	sshll.u32 s0, $0xE;
	[tilespmem:v17+s3+$0x0] =	vst.idx.msk $0xffff, v10  }
0x2dd: {  	s25 =	sor.u32 $0x3, s2;
	s22 =	sor.u32 $0x5, s2;
	v9 =	vshrl.u32 v9, $0x3;
	s0 =	sshra.s32 s0, $0x2;
	v7 =	vmul.u32 $0x1100, v7;
	v10 =	vmov s8;
	[tilespmem:v6+s3+$0x0] =	vst.idx.msk $0xffff, v5  }
0x2de: {  	s26 =	sor.u32 $0x2, s2;
	s8 =	sshll.u32 s8, $0x5;
	s0 =	sor.u32 $0x800, s0;
	v5 =	vshll.u32 v9, v1;
	v6 =	vshrl.u32 v10, $0x3;
	v9 =	vmov s25;
	[tilespmem:v8+s3+$0x0] =	vst.idx.msk $0xffff, v4  }
0x2df: {  	s28 =	sor.u32 $0x4, s2;
	s24 =	sor.u32 $0x6, s2;
	s8 =	sadd.s32 s8, s0;
	v4 =	vbroadcast v7, $0x0;
	v6 =	vshll.u32 v6, v1;
	v7 =	vmov s26;
	[tilespmem:v11+s3+$0x0] =	vst.idx.msk $0xffff, v3  }
0x2e0: {  	s23 =	sshll.u32 s24, $0x5;
	s29 =	sshll.u32 s21, $0x5;
	s2 =	sshll.u32 s2, $0x5;
	v5 =	vbroadcast v5, $0x0;
	v6 =	vbroadcast v6, $0x0;
	v3 =	vshrl.u32 v7, $0x3;
	v21 =	vld [tilespmem:s8+$0x10]  }
0x2e1: {  	s2 =	sadd.s32 s2, s0;
	s23 =	sadd.s32 s23, s0;
	v20 =	vadd.s32 v0, v4;
	v22 =	vadd.s32 v2, v4;
	v7 =	vshll.u32 v3, v1;
	v19 =	vld [tilespmem:s8+$0x0];
	s8 =	sadd.s32 s29, s0  }
0x2e2: {  	s25 =	sshll.u32 s25, $0x5;
	v10 =	vmov s28;
	s26 =	sshll.u32 s26, $0x5;
	s29 =	sshll.u32 s28, $0x5;
	v17 =	vadd.s32 v20, v5;
	v8 =	vadd.s32 v20, v6;
	v3 =	vld [tilespmem:s8+$0x10]  }
0x2e3: {  	s25 =	sadd.s32 s25, s0;
	s26 =	sadd.s32 s26, s0;
	v23 =	vadd.s32 v22, v5;
	v5 =	vadd.s32 v22, v6;
	v11 =	vbroadcast v7, $0x0;
	s28 =	sadd.s32 s29, s0;
	v4 =	vld [tilespmem:s8+$0x0]  }
0x2e4: {  	v7 =	vshrl.u32 v9, $0x3;
	v9 =	vshrl.u32 v10, $0x3;
	v24 =	vor.u32 $0x1, v8;
	s8 =	sshll.u32 s22, $0x5;
	v6 =	vld [tilespmem:s25+$0x10]  }
0x2e5: {  	v25 =	vor.u32 $0x1, v5;
	v10 =	vshll.u32 v7, v1;
	v5 =	vadd.s32 v20, v11;
	s0 =	sadd.s32 s8, s0;
	v8 =	vld [tilespmem:s25+$0x0]  }
0x2e6: {  	v11 =	vadd.s32 v22, v11;
	v10 =	vbroadcast v10, $0x0;
	v26 =	vor.u32 $0x2, v5;
	v7 =	vld [tilespmem:s0+$0x10]  }
0x2e7: {  	v12 =	vmov s22;
	v27 =	vor.u32 $0x2, v11;
	v11 =	vshll.u32 v9, v1;
	v5 =	vld [tilespmem:s23+$0x10]  }
0x2e8: {  	v13 =	vadd.s32 v20, v10;
	v10 =	vadd.s32 v22, v10;
	v14 =	vbroadcast v11, $0x0;
	v9 =	vld [tilespmem:s0+$0x0]  }
0x2e9: {  	v16 =	vmov s24;
	v12 =	vshrl.u32 v12, $0x3;
	v11 =	vor.u32 $0x3, v13;
	v28 =	vld [tilespmem:s2+$0x10]  }
0x2ea: {  	v13 =	vor.u32 $0x3, v10;
	v10 =	vadd.s32 v20, v14;
	v15 =	vadd.s32 v22, v14;
	v29 =	vld [tilespmem:s26+$0x0]  }
0x2eb: {  	v14 =	vor.u32 $0x4, v10;
	v15 =	vor.u32 $0x4, v15;
	v10 =	vshll.u32 v12, v1;
	v18 =	vld [tilespmem:s2+$0x0]  }
0x2ec: {  	v31 =	vmov s21;
	v16 =	vshrl.u32 v16, $0x3;
	v30 =	vbroadcast v10, $0x0;
	v12 =	vld [tilespmem:s28+$0x0]  }
0x2ed: {  	v31 =	vshrl.u32 v31, $0x3;
	v16 =	vshll.u32 v16, v1;
	v10 =	vld [tilespmem:s23+$0x0]  }
0x2ee: {  	v34 =	vbroadcast v16, $0x0;
	v33 =	vadd.s32 v20, v30;
	v30 =	vadd.s32 v22, v30;
	v32 =	vld [tilespmem:s26+$0x10]  }
0x2ef: {  	v31 =	vshll.u32 v31, v1;
	v16 =	vld [tilespmem:s28+$0x10]  }
0x2f0: {  	v31 =	vbroadcast v31, $0x0;
	[tilespmem:v17+s3+$0x0] =	vst.idx.msk $0xffff, v18;
	v17 =	vadd.s32 v20, v34;
	v18 =	vadd.s32 v22, v34  }
.Ltmp9:
0x2f1: {  	[tilespmem:v23+s3+$0x0] =	vst.idx.msk $0xffff, v28;
	v17 =	vor.u32 $0x6, v17;
	(pc) =	sbr.rel @p0 .LBB2_20-.Ltmp9, $4  }
0x2f2: {  	v20 =	vadd.s32 v20, v31;
	[tilespmem:v24+s3+$0x0] =	vst.idx.msk $0xffff, v19;
	v19 =	vadd.s32 v22, v31  }
0x2f3: {  	[tilespmem:v25+s3+$0x0] =	vst.idx.msk $0xffff, v21  }
0x2f4: {  	v21 =	vor.u32 $0x5, v33;
	[tilespmem:v26+s3+$0x0] =	vst.idx.msk $0xffff, v29  }
0x2f5: {  	v22 =	vor.u32 $0x5, v30;
	[tilespmem:v27+s3+$0x0] =	vst.idx.msk $0xffff, v32  }
0x2f6: {  	_ =	sdelay $0x3  }
0x2f7: {  	[tilespmem:v11+s3+$0x0] =	vst.idx.msk $0xffff, v8  }
0x2f8: {  	[tilespmem:v13+s3+$0x0] =	vst.idx.msk $0xffff, v6  }
0x2f9: {  	v61 =	vor.u32 $0x6, v18;
	[tilespmem:v14+s3+$0x0] =	vst.idx.msk $0xffff, v12  }
0x2fa: {  	v62 =	vor.u32 $0x7, v20;
	[tilespmem:v15+s3+$0x0] =	vst.idx.msk $0xffff, v16  }
0x2fb: {  	v63 =	vor.u32 $0x7, v19;
	[tilespmem:v21+s3+$0x0] =	vst.idx.msk $0xffff, v9  }
0x2fc: {  	[tilespmem:v22+s3+$0x0] =	vst.idx.msk $0xffff, v7  }
0x2fd: {  	[tilespmem:v17+s3+$0x0] =	vst.idx.msk $0xffff, v10  }
0x2fe: {  	[tilespmem:v61+s3+$0x0] =	vst.idx.msk $0xffff, v5  }
0x2ff: {  	[tilespmem:v62+s3+$0x0] =	vst.idx.msk $0xffff, v4  }
0x300: {  	s0 =	simm.s32 $0x10800;
	s8 =	rddreg [dreg:$0x9];
	[tilespmem:v63+s3+$0x0] =	vst.idx.msk $0xffff, v3  }
0x301: {  	[hbm4b:s8+s4] =	stream.linear.scatter [tilespmem:s0], [sflag:$0x5], $0x80, $0x38;
	[tilespmem:$0x19000] =	vst v63  }
0x302: {  	s10 =	simm.s32 $0x10888;
	s2 =	sadd.s32 $0x10, s8  }
0x303: {  	[hbm4b:s2+s4] =	stream.linear.scatter [tilespmem:s10], [sflag:$0x5], $0x80, $0x38;
	[tilespmem:$0x19000] =	vst v63  }
0x304: {  	s20 =	simm.s32 $0x10910;
	s22 =	simm.s32 $0x10998;
	s21 =	sadd.s32 $0x20, s8  }
0x305: {  	[hbm4b:s21+s4] =	stream.linear.scatter [tilespmem:s20], [sflag:$0x5], $0x80, $0x38;
	[tilespmem:$0x19000] =	vst v63  }
0x306: {  	s24 =	simm.s32 $0x10A20;
	s26 =	simm.s32 $0x10AA8;
	s23 =	sadd.s32 $0x30, s8  }
0x307: {  	[hbm4b:s23+s4] =	stream.linear.scatter [tilespmem:s22], [sflag:$0x5], $0x80, $0x38;
	[tilespmem:$0x19000] =	vst v63  }
0x308: {  	s29 =	simm.s32 $0x10B30;
	s25 =	sadd.s32 $0x40, s8;
	s28 =	sadd.s32 $0x50, s8  }
0x309: {  	[hbm4b:s25+s4] =	stream.linear.scatter [tilespmem:s24], [sflag:$0x5], $0x80, $0x38;
	[tilespmem:$0x19000] =	vst v63  }
0x30a: {  	s31 =	sadd.s32 $0x60, s8;
	s10 =	simm.s32 $0x440;
	s21 =	simm.s32 $0x2200  }
0x30b: {  	[hbm4b:s28+s4] =	stream.linear.scatter [tilespmem:s26], [sflag:$0x5], $0x80, $0x38;
	[tilespmem:$0x19000] =	vst v63  }
0x30c: {  	s20 =	sadd.s32 $0x1000, s8;
	s22 =	simm.s32 $0x10BB8;
	s23 =	sadd.s32 $0x70, s8  }
0x30d: {  	[hbm4b:s31+s4] =	stream.linear.scatter [tilespmem:s29], [sflag:$0x5], $0x80, $0x38;
	[tilespmem:$0x19000] =	vst v63  }
.LBB2_22:
0x30e: {  	[hbm4b:s23+s4] =	stream.linear.scatter [tilespmem:s22], [sflag:$0x5], $0x80, $0x38;
	[tilespmem:$0x19000] =	vst v63  }
0x30f: {  	s0 =	smov.u32 s10;
	s2 =	smov.u32 s21  }
0x310: {  	s10 =	sshra.s32 s2, $0x2;
	s2 =	sadd.s32 $0x1100, s21;
	s8 =	sadd.s32 $0x10800, s0  }
0x311: {  	[hbm4b:s20+s4] =	stream.linear.scatter [tilespmem:s8], [sflag:$0x5], $0x80, $0x38;
	[tilespmem:$0x19000] =	vst v63  }
0x312: {  	p0 =	sne.s32 s21, $0x20F00;
	s21 =	sadd.s32 $0x10, s20;
	s8 =	sadd.s32 $0x10888, s0  }
0x313: {  	[hbm4b:s21+s4] =	stream.linear.scatter [tilespmem:s8], [sflag:$0x5], $0x80, $0x38;
	[tilespmem:$0x19000] =	vst v63  }
0x314: {  	s8 =	sadd.s32 $0x10910, s0;
	s21 =	sadd.s32 $0x20, s20  }
0x315: {  	[hbm4b:s21+s4] =	stream.linear.scatter [tilespmem:s8], [sflag:$0x5], $0x80, $0x38;
	[tilespmem:$0x19000] =	vst v63  }
0x316: {  	s8 =	sadd.s32 $0x10998, s0;
	s21 =	sadd.s32 $0x30, s20  }
0x317: {  	[hbm4b:s21+s4] =	stream.linear.scatter [tilespmem:s8], [sflag:$0x5], $0x80, $0x38;
	[tilespmem:$0x19000] =	vst v63  }
0x318: {  	s8 =	sadd.s32 $0x10A20, s0;
	s21 =	sadd.s32 $0x40, s20  }
0x319: {  	[hbm4b:s21+s4] =	stream.linear.scatter [tilespmem:s8], [sflag:$0x5], $0x80, $0x38;
	[tilespmem:$0x19000] =	vst v63  }
.Ltmp10:
0x31a: {  	s8 =	sadd.s32 $0x10AA8, s0;
	s21 =	sadd.s32 $0x50, s20;
	(pc) =	sbr.rel @p0 .LBB2_22-.Ltmp10, $4  }
0x31b: {  	[hbm4b:s21+s4] =	stream.linear.scatter [tilespmem:s8], [sflag:$0x5], $0x80, $0x38;
	[tilespmem:$0x19000] =	vst v63  }
0x31c: {  	s23 =	sadd.s32 $0x70, s20;
	s8 =	sadd.s32 $0x10B30, s0;
	s21 =	sadd.s32 $0x60, s20  }
0x31d: {  	[hbm4b:s21+s4] =	stream.linear.scatter [tilespmem:s8], [sflag:$0x5], $0x80, $0x38;
	[tilespmem:$0x19000] =	vst v63  }
0x31e: {  	s22 =	sadd.s32 $0x10BB8, s0;
	s20 =	sadd.s32 $0x1000, s20;
	s21 =	smov.u32 s2  }
0x31f: {  	[hbm4b:s23+s4] =	stream.linear.scatter [tilespmem:s22], [sflag:$0x5], $0x80, $0x38;
	[tilespmem:$0x19000] =	vst v63  }
0x320: {  	s0 =	sadd.s32 $0x10800, s10  }
0x321: {  	[hbm4b:s20+s4] =	stream.linear.scatter [tilespmem:s0], [sflag:$0x5], $0x80, $0x38;
	[tilespmem:$0x19000] =	vst v63  }
0x322: {  	s25 =	sadd.s32 $0x10888, s10;
	s2 =	sadd.s32 $0x10, s20  }
0x323: {  	[hbm4b:s2+s4] =	stream.linear.scatter [tilespmem:s25], [sflag:$0x5], $0x80, $0x38;
	[tilespmem:$0x19000] =	vst v63  }
0x324: {  	s26 =	sadd.s32 $0x10910, s10;
	s28 =	sadd.s32 $0x20, s20  }
0x325: {  	[hbm4b:s28+s4] =	stream.linear.scatter [tilespmem:s26], [sflag:$0x5], $0x80, $0x38;
	[tilespmem:$0x19000] =	vst v63  }
0x326: {  	s29 =	sadd.s32 $0x10998, s10;
	s31 =	sadd.s32 $0x30, s20  }
0x327: {  	[hbm4b:s31+s4] =	stream.linear.scatter [tilespmem:s29], [sflag:$0x5], $0x80, $0x38;
	[tilespmem:$0x19000] =	vst v63  }
0x328: {  	s8 =	sadd.s32 $0x10A20, s10;
	s21 =	sadd.s32 $0x40, s20  }
0x329: {  	[hbm4b:s21+s4] =	stream.linear.scatter [tilespmem:s8], [sflag:$0x5], $0x80, $0x38;
	[tilespmem:$0x19000] =	vst v63  }
0x32a: {  	s22 =	sadd.s32 $0x10AA8, s10;
	s23 =	sadd.s32 $0x50, s20  }
0x32b: {  	[hbm4b:s23+s4] =	stream.linear.scatter [tilespmem:s22], [sflag:$0x5], $0x80, $0x38;
	[tilespmem:$0x19000] =	vst v63  }
0x32c: {  	s24 =	sadd.s32 $0x10B30, s10;
	s25 =	sadd.s32 $0x60, s20  }
0x32d: {  	[hbm4b:s25+s4] =	stream.linear.scatter [tilespmem:s24], [sflag:$0x5], $0x80, $0x38;
	[tilespmem:$0x19000] =	vst v63  }
0x32e: {  	s26 =	sadd.s32 $0x10BB8, s10;
	s28 =	sadd.s32 $0x70, s20  }
0x32f: {  	[hbm4b:s28+s4] =	stream.linear.scatter [tilespmem:s26], [sflag:$0x5], $0x80, $0x38;
	[tilespmem:$0x19000] =	vst v63  }
0x330: {  	_ =	swait.ge [sflag:s16], $0x8000  }
0x331: {  	s29 =	rddreg [dreg:$0xb]  }
0x332: {  	s31 =	rddreg [dreg:$0xa];
	s2 =	sadd.s32 $0x1, s29  }
0x333: {  	p0 =	sne.s32 s2, s31  }
.Ltmp11:
0x334: {  	_ = 	snop;
	(pc) =	sbr.rel @p0 .LBB2_1-.Ltmp11, $3  }
0x335: {  	_ =	sdelay $0x1  }
0x336: {  	[sflag:s16] =	ssyncset.done $0x0  }
0x337: {  	[sflag:s16] =	ssyncadd.s32 $0xFFFF8000  }
0x338: {  	_ =	sfence.sel $0x180000  }
0x339: {  	[bflag:$0x0] =	sbarrier.arrive $0xFFFF  }
0x33a: {  	_ =	strace $0x90000047  }
0x33b: {  	s0 =	stileid.u32;
	[bflag:$0x2] =	sbarrier.arrive $0xFFFF  }
0x33c: {  	p0 =	sne.s32 s0, $0x0;
	s0 =	rddreg [dreg:$0x3]  }
0x33d: {  	s0 =	sadd.s32 @!p0 $0x100000, s0  }
0x33e: {  	[sflag:s0] =	ssyncadd.tile.s32 @!p0 $0x1;
	_ =	shalt  }
.Lfunc_end2:
_tile_overlayer_lowered:
.L_overlay_start_2:
0x33f: {  	(tag) =	ssettag $0x2  }
0x340: {  	s0 =	rddreg [dreg:$0x0];
	s2 =	stileid.u32  }
0x341: {  	s1 =	rddreg [dreg:$0x1];
	p0 =	sne.s32 s2, $0x0  }
0x342: {  	s3 =	rddreg [dreg:$0x2];
	[bflag:$0x3] =	sbarrier.arrive $0xFFFF;
	s2 =	simm.s32 @!p0 $0x1C06  }
0x343: {  	[timem:s3], [sflag:s2] =	dma.local @!p0 [hbm:s0], s1  }
0x344: {  	s0 =	simm.s32 @!p0 $0x6  }
0x345: {  	_ =	swait.ge @!p0 [sflag:s0], s1  }
0x346: {  	s1 =	ssub.s32 @!p0 $0x0, s1;
	[sflag:s0] =	ssyncset.done @!p0 $0x0  }
0x347: {  	[sflag:s0] =	ssyncadd.s32 @!p0 s1  }
0x348: {  	[bflag:$0x3] =	sbarrier.arrive $0xFFFF  }
0x349: {  	_ =	shalt  }

</sc_bundles>
